<compile_context>
chip_gen: v7x
topology: tpu7x:2x2x1
jax: 0.10.2.dev20260603
libtpu: 0.0.44.dev20260713+nightly
codegen_flags: <defaults>
</compile_context>

<pallas_src>
import functools

import jax
import jax.numpy as jnp
from jax import lax
from jax.experimental import pallas as pl
from jax.experimental.pallas import tpu as pltpu
from jax.experimental.pallas import tpu_sc as plsc

N = 10000
E = 320000
D = 128

NC = 2
NS = 16
NW = NC * NS
EPW = E // NW
K = 40
CHUNKS = EPW // K
N_PAD = 10240
RPT = N_PAD // NS

NX = 3
NE = 6
NIr = 6
G = 6
DG = 2
DI = 4
DH = D // 2

_sc_mesh = plsc.VectorSubcoreMesh(core_axis_name="c", subcore_axis_name="s")

_scratch = []
_scratch += [pltpu.VMEM((K,), jnp.int32)] * NIr
_scratch += [pltpu.VMEM((K,), jnp.int32)] * NIr
_scratch += [pltpu.VMEM((K, D), jnp.float32)] * NX
_scratch += [pltpu.VMEM((K, D), jnp.float32)] * NE
_scratch += [pltpu.SemaphoreType.DMA] * (2 * NIr)
_scratch += [pltpu.SemaphoreType.DMA] * NX
_scratch += [pltpu.SemaphoreType.DMA] * (2 * NE)
_scratch += [pltpu.VMEM_SHARED((N_PAD, D), jnp.float32)]


@functools.partial(
    pl.kernel,
    mesh=_sc_mesh,
    out_type=jax.ShapeDtypeStruct((NC, N_PAD, D), jnp.float32),
    scratch_types=_scratch,
)
def _sc_aggregate(x_hbm, ei_hbm, ea_hbm, out_hbm, *refs):
    o = 0
    sidx = list(refs[o:o + NIr]); o += NIr
    didx = list(refs[o:o + NIr]); o += NIr
    xr = list(refs[o:o + NX]); o += NX
    er = list(refs[o:o + NE]); o += NE
    isems = list(refs[o:o + NIr]); o += NIr
    isemd = list(refs[o:o + NIr]); o += NIr
    gsem = list(refs[o:o + NX]); o += NX
    esem = list(refs[o:o + NE]); o += NE
    ssem = list(refs[o:o + NE]); o += NE
    acc = refs[o]

    c = lax.axis_index("c")
    s = lax.axis_index("s")
    wid = c * NS + s
    base = wid * EPW

    def idx_start(bi6, off):
        pltpu.async_copy(ei_hbm.at[pl.ds(off, K)], sidx[bi6], isems[bi6])
        pltpu.async_copy(ei_hbm.at[pl.ds(E + off, K)], didx[bi6], isemd[bi6])

    def gather_start(b4, b6, bi6, off):
        pltpu.make_async_copy(ei_hbm.at[pl.ds(0, K)], sidx[bi6],
                              isems[bi6]).wait()
        pltpu.make_async_copy(ei_hbm.at[pl.ds(0, K)], didx[bi6],
                              isemd[bi6]).wait()
        pltpu.async_copy(x_hbm.at[sidx[bi6]], xr[b4], gsem[b4])
        pltpu.async_copy(ea_hbm.at[pl.ds(off, K), :], er[b6], esem[b6])

    def wait_scatter(b6, bi6):
        pltpu.make_async_copy(er[b6], acc.at[didx[bi6]], ssem[b6]).wait()

    def process(b4, b6, bi6):
        pltpu.make_async_copy(x_hbm.at[sidx[bi6]], xr[b4], gsem[b4]).wait()
        pltpu.make_async_copy(ea_hbm.at[pl.ds(0, K), :], er[b6],
                              esem[b6]).wait()

        def row(i, rcarry):
            for cc in range(D // 16):
                sl = pl.ds(cc * 16, 16)
                er[b6][i, sl] = jnp.maximum(xr[b4][i, sl] + er[b6][i, sl],
                                            0.0)
            return rcarry

        lax.fori_loop(0, K, row, 0)
        pltpu.async_copy(er[b6], acc.at[didx[bi6]], ssem[b6], add=True)

    def step(j_off, jpy):
        process(jpy % NX, jpy % NE, jpy % NIr)
        if jpy >= DG:
            wait_scatter((jpy - DG) % NE, (jpy - DG) % NIr)
        if jpy + DG < CHUNKS:
            gather_start((jpy + DG) % NX, (jpy + DG) % NE, (jpy + DG) % NIr,
                         base + (j_off + DG) * K)
        if jpy + DI < CHUNKS:
            idx_start((jpy + DI) % NIr, base + (j_off + DI) * K)

    for j in range(DI):
        idx_start(j % NIr, base + j * K)
    for j in range(DG):
        gather_start(j % NX, j % NE, j % NIr, base + j * K)

    zbuf = er[NE - 1]

    def zrow(i, rcarry):
        zv = jnp.zeros((16,), jnp.float32)
        for cc in range(D // 16):
            zbuf[i, pl.ds(cc * 16, 16)] = zv
        return rcarry

    lax.fori_loop(0, K, zrow, 0)
    for t in range(RPT // K):
        pltpu.sync_copy(zbuf, acc.at[pl.ds(s * RPT + t * K, K)])
    plsc.subcore_barrier()

    for j in range(G):
        step(j, j)

    steady0 = G
    nsteady = ((CHUNKS - DI - steady0) // G) * G
    ngroups = nsteady // G

    def group(t, carry):
        for bi in range(G):
            step(steady0 + t * G + bi, steady0 + bi)
        return carry

    lax.fori_loop(0, ngroups, group, 0)

    for j in range(steady0 + nsteady, CHUNKS):
        step(j, j)

    for j in range(CHUNKS - DG, CHUNKS):
        wait_scatter(j % NE, j % NIr)

    plsc.subcore_barrier()
    pltpu.sync_copy(acc.at[pl.ds(s * RPT, RPT)],
                    out_hbm.at[c, pl.ds(s * RPT, RPT)])


def _dense_body(x_ref, p_ref, w1_ref, b1_ref, w2_ref, b2_ref, o_ref):
    x = x_ref[...]
    h = x + p_ref[0, :N] + p_ref[1, :N]
    h1 = jnp.maximum(
        jnp.dot(h, w1_ref[...], preferred_element_type=jnp.float32)
        + b1_ref[...], 0.0)
    h2 = (jnp.dot(h1, w2_ref[...], preferred_element_type=jnp.float32)
          + b2_ref[...])
    y = x + h2
    mean = jnp.mean(y, axis=0, keepdims=True)
    var = jnp.mean((y - mean) ** 2, axis=0, keepdims=True)
    o_ref[...] = (y - mean) * lax.rsqrt(var + 1e-5)


def kernel(x, edge_index, edge_attr, W1, b1, W2, b2):
    partials = _sc_aggregate(x, edge_index.reshape(2 * E), edge_attr)
    out = pl.pallas_call(
        _dense_body,
        out_shape=jax.ShapeDtypeStruct((N, D), jnp.float32),
    )(x, partials, W1, b1.reshape(1, D), W2, b2.reshape(1, D))
    return out

# --- scband reference (transcript-rebuilt; emitter-appended) ---
"""Pipeline reference for scband-local-module-7275674600087 (READ-ONLY COPY).

The authoritative reference and input builder live on the scoring server;
editing this copy changes nothing except your own understanding.
"""

import jax, jax.numpy as jnp
import numpy as np

N = 10000
E = 320000
D = 128


def setup_inputs(seed: int = 0) -> dict:
    key = jax.random.key(seed)
    k1, k2, k3, k4, k5 = jax.random.split(key, 5)
    x = jax.random.normal(k1, (N, D), dtype=jnp.float32)
    edge_index = jax.random.randint(k2, (2, E), 0, N, dtype=jnp.int32)
    edge_attr = jax.random.normal(k3, (E, D), dtype=jnp.float32)
    scale = 1.0 / np.sqrt(D)
    W1 = jax.random.normal(k4, (D, D), dtype=jnp.float32) * scale
    b1 = jnp.zeros((D,), dtype=jnp.float32)
    W2 = jax.random.normal(k5, (D, D), dtype=jnp.float32) * scale
    b2 = jnp.zeros((D,), dtype=jnp.float32)
    return {"x": x, "edge_index": edge_index, "edge_attr": edge_attr,
            "W1": W1, "b1": b1, "W2": W2, "b2": b2}


def reference(x, edge_index, edge_attr, W1, b1, W2, b2):
    # GINEConv: out_i = nn((1+eps)*x_i + sum_{j->i} ReLU(x_j + e_ji)), eps=0
    src = edge_index[0]
    dst = edge_index[1]
    msg = jax.nn.relu(x[src] + edge_attr)                      # gather + add
    aggr = jax.ops.segment_sum(msg, dst, num_segments=x.shape[0])  # scatter-add
    h = x + aggr  # (1 + eps) * x_i with eps = 0
    # gin_nn: Linear -> ReLU -> Linear
    h = jnp.dot(jax.nn.relu(jnp.dot(h, W1) + b1), W2) + b2
    # dropout(p=0.0) is identity; residual connection
    h = x + h
    # BatchNorm1d (training-mode batch statistics, gamma=1, beta=0, eps=1e-5)
    mean = jnp.mean(h, axis=0, keepdims=True)
    var = jnp.var(h, axis=0, keepdims=True)
    h = (h - mean) / jnp.sqrt(var + 1e-5)
    return h

if __name__ == "__main__":
    import jax
    _d = setup_inputs()
    print(jax.jit(kernel)(*tuple(_d.values())))

</pallas_src>

<mosaic_0001>
#map = affine_map<(d0, d1) -> (0, 0)>
#map1 = affine_map<(d0, d1) -> (0)>
#map2 = affine_map<(d0, d1) -> (0, 0, 0)>
module attributes {stable_mosaic.version = 14 : i64} {
  func.func @_sc_aggregate(%arg0: i32, %arg1: i32, %arg2: memref<10000x128xf32, #tpu.memory_space<hbm>>, %arg3: memref<640000xi32, #tpu.memory_space<hbm>>, %arg4: memref<320000x128xf32, #tpu.memory_space<hbm>>, %arg5: memref<2x10240x128xf32, #tpu.memory_space<hbm>>, %arg6: memref<40xi32, #tpu.memory_space<vmem>>, %arg7: memref<40xi32, #tpu.memory_space<vmem>>, %arg8: memref<40xi32, #tpu.memory_space<vmem>>, %arg9: memref<40xi32, #tpu.memory_space<vmem>>, %arg10: memref<40xi32, #tpu.memory_space<vmem>>, %arg11: memref<40xi32, #tpu.memory_space<vmem>>, %arg12: memref<40xi32, #tpu.memory_space<vmem>>, %arg13: memref<40xi32, #tpu.memory_space<vmem>>, %arg14: memref<40xi32, #tpu.memory_space<vmem>>, %arg15: memref<40xi32, #tpu.memory_space<vmem>>, %arg16: memref<40xi32, #tpu.memory_space<vmem>>, %arg17: memref<40xi32, #tpu.memory_space<vmem>>, %arg18: memref<40x128xf32, #tpu.memory_space<vmem>>, %arg19: memref<40x128xf32, #tpu.memory_space<vmem>>, %arg20: memref<40x128xf32, #tpu.memory_space<vmem>>, %arg21: memref<40x128xf32, #tpu.memory_space<vmem>>, %arg22: memref<40x128xf32, #tpu.memory_space<vmem>>, %arg23: memref<40x128xf32, #tpu.memory_space<vmem>>, %arg24: memref<40x128xf32, #tpu.memory_space<vmem>>, %arg25: memref<40x128xf32, #tpu.memory_space<vmem>>, %arg26: memref<40x128xf32, #tpu.memory_space<vmem>>, %arg27: memref<!tpu.dma_semaphore, #tpu.memory_space<semaphore_mem>>, %arg28: memref<!tpu.dma_semaphore, #tpu.memory_space<semaphore_mem>>, %arg29: memref<!tpu.dma_semaphore, #tpu.memory_space<semaphore_mem>>, %arg30: memref<!tpu.dma_semaphore, #tpu.memory_space<semaphore_mem>>, %arg31: memref<!tpu.dma_semaphore, #tpu.memory_space<semaphore_mem>>, %arg32: memref<!tpu.dma_semaphore, #tpu.memory_space<semaphore_mem>>, %arg33: memref<!tpu.dma_semaphore, #tpu.memory_space<semaphore_mem>>, %arg34: memref<!tpu.dma_semaphore, #tpu.memory_space<semaphore_mem>>, %arg35: memref<!tpu.dma_semaphore, #tpu.memory_space<semaphore_mem>>, %arg36: memref<!tpu.dma_semaphore, #tpu.memory_space<semaphore_mem>>, %arg37: memref<!tpu.dma_semaphore, #tpu.memory_space<semaphore_mem>>, %arg38: memref<!tpu.dma_semaphore, #tpu.memory_space<semaphore_mem>>, %arg39: memref<!tpu.dma_semaphore, #tpu.memory_space<semaphore_mem>>, %arg40: memref<!tpu.dma_semaphore, #tpu.memory_space<semaphore_mem>>, %arg41: memref<!tpu.dma_semaphore, #tpu.memory_space<semaphore_mem>>, %arg42: memref<!tpu.dma_semaphore, #tpu.memory_space<semaphore_mem>>, %arg43: memref<!tpu.dma_semaphore, #tpu.memory_space<semaphore_mem>>, %arg44: memref<!tpu.dma_semaphore, #tpu.memory_space<semaphore_mem>>, %arg45: memref<!tpu.dma_semaphore, #tpu.memory_space<semaphore_mem>>, %arg46: memref<!tpu.dma_semaphore, #tpu.memory_space<semaphore_mem>>, %arg47: memref<!tpu.dma_semaphore, #tpu.memory_space<semaphore_mem>>, %arg48: memref<!tpu.dma_semaphore, #tpu.memory_space<semaphore_mem>>, %arg49: memref<!tpu.dma_semaphore, #tpu.memory_space<semaphore_mem>>, %arg50: memref<!tpu.dma_semaphore, #tpu.memory_space<semaphore_mem>>, %arg51: memref<!tpu.dma_semaphore, #tpu.memory_space<semaphore_mem>>, %arg52: memref<!tpu.dma_semaphore, #tpu.memory_space<semaphore_mem>>, %arg53: memref<!tpu.dma_semaphore, #tpu.memory_space<semaphore_mem>>, %arg54: memref<10240x128xf32, #tpu.memory_space<vmem_shared>>) attributes {dimension_semantics = [#tpu.dimension_semantics<core_parallel>, #tpu.dimension_semantics<subcore_parallel>], iteration_bounds = array<i64: 2, 16>, scalar_prefetch = 0 : i64, scratch_operands = 49 : i64, tpu.core_type = #tpu.core_type<sc_vector_subcore>, window_params = [{transform_indices = #map}, {transform_indices = #map1}, {transform_indices = #map}, {transform_indices = #map2}]} {
    %mul3A = arith.constant 16 : i32
    %mul3A_0 = arith.muli %arg0, %mul3A : i32
    %add3A = arith.addi %mul3A_0, %arg1 : i32
    %mul3A_1 = arith.constant 10000 : i32
    %mul3A_2 = arith.muli %add3A, %mul3A_1 : i32
    %add3A_3 = arith.constant 0 : i32
    %add3A_4 = arith.addi %mul3A_2, %add3A_3 : i32
    %dma_start3A = tpu.memref_slice %arg3[%add3A_4] : memref<640000xi32, #tpu.memory_space<hbm>> -> memref<40xi32, #tpu.memory_space<hbm>>
    %dma_start3A_5 = tpu.memref_slice %arg3[%add3A_4] : memref<640000xi32, #tpu.memory_space<hbm>> -> memref<40xi32, #tpu.memory_space<hbm>>
    tpu.enqueue_dma source(%dma_start3A_5 : memref<40xi32, #tpu.memory_space<hbm>>) target(%arg6 : memref<40xi32, #tpu.memory_space<vmem>>) target_semaphore(%arg27 : memref<!tpu.dma_semaphore, #tpu.memory_space<semaphore_mem>>)
    %add3A_6 = arith.constant 320000 : i32
    %add3A_7 = arith.addi %add3A_6, %add3A_4 : i32
    %dma_start3A_8 = tpu.memref_slice %arg3[%add3A_7] : memref<640000xi32, #tpu.memory_space<hbm>> -> memref<40xi32, #tpu.memory_space<hbm>>
    %dma_start3A_9 = tpu.memref_slice %arg3[%add3A_7] : memref<640000xi32, #tpu.memory_space<hbm>> -> memref<40xi32, #tpu.memory_space<hbm>>
    tpu.enqueue_dma source(%dma_start3A_9 : memref<40xi32, #tpu.memory_space<hbm>>) target(%arg12 : memref<40xi32, #tpu.memory_space<vmem>>) target_semaphore(%arg33 : memref<!tpu.dma_semaphore, #tpu.memory_space<semaphore_mem>>)
    %add3A_10 = arith.constant 40 : i32
    %add3A_11 = arith.addi %mul3A_2, %add3A_10 : i32
    %dma_start3A_12 = tpu.memref_slice %arg3[%add3A_11] : memref<640000xi32, #tpu.memory_space<hbm>> -> memref<40xi32, #tpu.memory_space<hbm>>
    %dma_start3A_13 = tpu.memref_slice %arg3[%add3A_11] : memref<640000xi32, #tpu.memory_space<hbm>> -> memref<40xi32, #tpu.memory_space<hbm>>
    tpu.enqueue_dma source(%dma_start3A_13 : memref<40xi32, #tpu.memory_space<hbm>>) target(%arg7 : memref<40xi32, #tpu.memory_space<vmem>>) target_semaphore(%arg28 : memref<!tpu.dma_semaphore, #tpu.memory_space<semaphore_mem>>)
    %add3A_14 = arith.constant 320000 : i32
    %add3A_15 = arith.addi %add3A_14, %add3A_11 : i32
    %dma_start3A_16 = tpu.memref_slice %arg3[%add3A_15] : memref<640000xi32, #tpu.memory_space<hbm>> -> memref<40xi32, #tpu.memory_space<hbm>>
    %dma_start3A_17 = tpu.memref_slice %arg3[%add3A_15] : memref<640000xi32, #tpu.memory_space<hbm>> -> memref<40xi32, #tpu.memory_space<hbm>>
    tpu.enqueue_dma source(%dma_start3A_17 : memref<40xi32, #tpu.memory_space<hbm>>) target(%arg13 : memref<40xi32, #tpu.memory_space<vmem>>) target_semaphore(%arg34 : memref<!tpu.dma_semaphore, #tpu.memory_space<semaphore_mem>>)
    %add3A_18 = arith.constant 80 : i32
    %add3A_19 = arith.addi %mul3A_2, %add3A_18 : i32
    %dma_start3A_20 = tpu.memref_slice %arg3[%add3A_19] : memref<640000xi32, #tpu.memory_space<hbm>> -> memref<40xi32, #tpu.memory_space<hbm>>
    %dma_start3A_21 = tpu.memref_slice %arg3[%add3A_19] : memref<640000xi32, #tpu.memory_space<hbm>> -> memref<40xi32, #tpu.memory_space<hbm>>
    tpu.enqueue_dma source(%dma_start3A_21 : memref<40xi32, #tpu.memory_space<hbm>>) target(%arg8 : memref<40xi32, #tpu.memory_space<vmem>>) target_semaphore(%arg29 : memref<!tpu.dma_semaphore, #tpu.memory_space<semaphore_mem>>)
    %add3A_22 = arith.constant 320000 : i32
    %add3A_23 = arith.addi %add3A_22, %add3A_19 : i32
    %dma_start3A_24 = tpu.memref_slice %arg3[%add3A_23] : memref<640000xi32, #tpu.memory_space<hbm>> -> memref<40xi32, #tpu.memory_space<hbm>>
    %dma_start3A_25 = tpu.memref_slice %arg3[%add3A_23] : memref<640000xi32, #tpu.memory_space<hbm>> -> memref<40xi32, #tpu.memory_space<hbm>>
    tpu.enqueue_dma source(%dma_start3A_25 : memref<40xi32, #tpu.memory_space<hbm>>) target(%arg14 : memref<40xi32, #tpu.memory_space<vmem>>) target_semaphore(%arg35 : memref<!tpu.dma_semaphore, #tpu.memory_space<semaphore_mem>>)
    %add3A_26 = arith.constant 120 : i32
    %add3A_27 = arith.addi %mul3A_2, %add3A_26 : i32
    %dma_start3A_28 = tpu.memref_slice %arg3[%add3A_27] : memref<640000xi32, #tpu.memory_space<hbm>> -> memref<40xi32, #tpu.memory_space<hbm>>
    %dma_start3A_29 = tpu.memref_slice %arg3[%add3A_27] : memref<640000xi32, #tpu.memory_space<hbm>> -> memref<40xi32, #tpu.memory_space<hbm>>
    tpu.enqueue_dma source(%dma_start3A_29 : memref<40xi32, #tpu.memory_space<hbm>>) target(%arg9 : memref<40xi32, #tpu.memory_space<vmem>>) target_semaphore(%arg30 : memref<!tpu.dma_semaphore, #tpu.memory_space<semaphore_mem>>)
    %add3A_30 = arith.constant 320000 : i32
    %add3A_31 = arith.addi %add3A_30, %add3A_27 : i32
    %dma_start3A_32 = tpu.memref_slice %arg3[%add3A_31] : memref<640000xi32, #tpu.memory_space<hbm>> -> memref<40xi32, #tpu.memory_space<hbm>>
    %dma_start3A_33 = tpu.memref_slice %arg3[%add3A_31] : memref<640000xi32, #tpu.memory_space<hbm>> -> memref<40xi32, #tpu.memory_space<hbm>>
    tpu.enqueue_dma source(%dma_start3A_33 : memref<40xi32, #tpu.memory_space<hbm>>) target(%arg15 : memref<40xi32, #tpu.memory_space<vmem>>) target_semaphore(%arg36 : memref<!tpu.dma_semaphore, #tpu.memory_space<semaphore_mem>>)
    %add3A_34 = arith.constant 0 : i32
    %add3A_35 = arith.addi %mul3A_2, %add3A_34 : i32
    %dma_wait3A = arith.constant 0 : i32
    %dma_wait3A_36 = tpu.memref_slice %arg3[%dma_wait3A] : memref<640000xi32, #tpu.memory_space<hbm>> -> memref<40xi32, #tpu.memory_space<hbm>>
    %dma_wait3A_37 = arith.constant 0 : i32
    %dma_wait3A_38 = tpu.memref_slice %arg3[%dma_wait3A_37] : memref<640000xi32, #tpu.memory_space<hbm>> -> memref<40xi32, #tpu.memory_space<hbm>>
    tpu.wait_dma2 semaphore(%arg27 : memref<!tpu.dma_semaphore, #tpu.memory_space<semaphore_mem>>) src(%dma_wait3A_38 : memref<40xi32, #tpu.memory_space<hbm>>) dst(%arg6 : memref<40xi32, #tpu.memory_space<vmem>>)
    %dma_wait3A_39 = arith.constant 0 : i32
    %dma_wait3A_40 = tpu.memref_slice %arg3[%dma_wait3A_39] : memref<640000xi32, #tpu.memory_space<hbm>> -> memref<40xi32, #tpu.memory_space<hbm>>
    %dma_wait3A_41 = arith.constant 0 : i32
    %dma_wait3A_42 = tpu.memref_slice %arg3[%dma_wait3A_41] : memref<640000xi32, #tpu.memory_space<hbm>> -> memref<40xi32, #tpu.memory_space<hbm>>
    tpu.wait_dma2 semaphore(%arg33 : memref<!tpu.dma_semaphore, #tpu.memory_space<semaphore_mem>>) src(%dma_wait3A_42 : memref<40xi32, #tpu.memory_space<hbm>>) dst(%arg12 : memref<40xi32, #tpu.memory_space<vmem>>)
    %dma_start3A_43 = arith.constant 0 : i32
    %dma_start3A_44 = arith.constant 0 : i32
    %dma_start3A_45 = tpu.memref_slice %arg2[%dma_start3A_43, %dma_start3A_44] : memref<10000x128xf32, #tpu.memory_space<hbm>> -> memref<10000x128xf32, #tpu.memory_space<hbm>>
    tpu.enqueue_indirect_dma source(%dma_start3A_45 : memref<10000x128xf32, #tpu.memory_space<hbm>>) target(%arg18 : memref<40x128xf32, #tpu.memory_space<vmem>>) offsets(%arg6 : memref<40xi32, #tpu.memory_space<vmem>>) semaphore(%arg39 : memref<!tpu.dma_semaphore, #tpu.memory_space<semaphore_mem>>)
    %dma_start3A_46 = arith.constant 0 : i32
    %dma_start3A_47 = tpu.memref_slice %arg4[%add3A_35, %dma_start3A_46] : memref<320000x128xf32, #tpu.memory_space<hbm>> -> memref<40x128xf32, #tpu.memory_space<hbm>>
    %dma_start3A_48 = arith.constant 0 : i32
    %dma_start3A_49 = tpu.memref_slice %arg4[%add3A_35, %dma_start3A_48] : memref<320000x128xf32, #tpu.memory_space<hbm>> -> memref<40x128xf32, #tpu.memory_space<hbm>>
    tpu.enqueue_dma source(%dma_start3A_49 : memref<40x128xf32, #tpu.memory_space<hbm>>) target(%arg21 : memref<40x128xf32, #tpu.memory_space<vmem>>) target_semaphore(%arg42 : memref<!tpu.dma_semaphore, #tpu.memory_space<semaphore_mem>>)
    %add3A_50 = arith.constant 40 : i32
    %add3A_51 = arith.addi %mul3A_2, %add3A_50 : i32
    %dma_wait3A_52 = arith.constant 0 : i32
    %dma_wait3A_53 = tpu.memref_slice %arg3[%dma_wait3A_52] : memref<640000xi32, #tpu.memory_space<hbm>> -> memref<40xi32, #tpu.memory_space<hbm>>
    %dma_wait3A_54 = arith.constant 0 : i32
    %dma_wait3A_55 = tpu.memref_slice %arg3[%dma_wait3A_54] : memref<640000xi32, #tpu.memory_space<hbm>> -> memref<40xi32, #tpu.memory_space<hbm>>
    tpu.wait_dma2 semaphore(%arg28 : memref<!tpu.dma_semaphore, #tpu.memory_space<semaphore_mem>>) src(%dma_wait3A_55 : memref<40xi32, #tpu.memory_space<hbm>>) dst(%arg7 : memref<40xi32, #tpu.memory_space<vmem>>)
    %dma_wait3A_56 = arith.constant 0 : i32
    %dma_wait3A_57 = tpu.memref_slice %arg3[%dma_wait3A_56] : memref<640000xi32, #tpu.memory_space<hbm>> -> memref<40xi32, #tpu.memory_space<hbm>>
    %dma_wait3A_58 = arith.constant 0 : i32
    %dma_wait3A_59 = tpu.memref_slice %arg3[%dma_wait3A_58] : memref<640000xi32, #tpu.memory_space<hbm>> -> memref<40xi32, #tpu.memory_space<hbm>>
    tpu.wait_dma2 semaphore(%arg34 : memref<!tpu.dma_semaphore, #tpu.memory_space<semaphore_mem>>) src(%dma_wait3A_59 : memref<40xi32, #tpu.memory_space<hbm>>) dst(%arg13 : memref<40xi32, #tpu.memory_space<vmem>>)
    %dma_start3A_60 = arith.constant 0 : i32
    %dma_start3A_61 = arith.constant 0 : i32
    %dma_start3A_62 = tpu.memref_slice %arg2[%dma_start3A_60, %dma_start3A_61] : memref<10000x128xf32, #tpu.memory_space<hbm>> -> memref<10000x128xf32, #tpu.memory_space<hbm>>
    tpu.enqueue_indirect_dma source(%dma_start3A_62 : memref<10000x128xf32, #tpu.memory_space<hbm>>) target(%arg19 : memref<40x128xf32, #tpu.memory_space<vmem>>) offsets(%arg7 : memref<40xi32, #tpu.memory_space<vmem>>) semaphore(%arg40 : memref<!tpu.dma_semaphore, #tpu.memory_space<semaphore_mem>>)
    %dma_start3A_63 = arith.constant 0 : i32
    %dma_start3A_64 = tpu.memref_slice %arg4[%add3A_51, %dma_start3A_63] : memref<320000x128xf32, #tpu.memory_space<hbm>> -> memref<40x128xf32, #tpu.memory_space<hbm>>
    %dma_start3A_65 = arith.constant 0 : i32
    %dma_start3A_66 = tpu.memref_slice %arg4[%add3A_51, %dma_start3A_65] : memref<320000x128xf32, #tpu.memory_space<hbm>> -> memref<40x128xf32, #tpu.memory_space<hbm>>
    tpu.enqueue_dma source(%dma_start3A_66 : memref<40x128xf32, #tpu.memory_space<hbm>>) target(%arg22 : memref<40x128xf32, #tpu.memory_space<vmem>>) target_semaphore(%arg43 : memref<!tpu.dma_semaphore, #tpu.memory_space<semaphore_mem>>)
    %scan3A = arith.constant 0 : i32
    %scan3A_67 = arith.constant 0 : i32
    %scan3A_68 = arith.constant 40 : i32
    %scan3A_69 = arith.addi %scan3A_67, %scan3A_68 : i32
    %scan3A_70 = arith.constant 1 : i32
    scf.for %scan3A_541 = %scan3A_67 to %scan3A_69 step %scan3A_70  : i32 {
      %broadcast_in_dim3A = arith.constant 0.000000e+00 : f32
      %broadcast_in_dim3A_542 = vector.broadcast %broadcast_in_dim3A : f32 to vector<16xf32>
      %swap3A = arith.index_cast %scan3A_541 : i32 to index
      %swap3A_543 = arith.constant 0 : index
      %swap3A_544 = tpu.vector_load %arg26[%swap3A, %swap3A_543] {strides = array<i32>} : memref<40x128xf32, #tpu.memory_space<vmem>>, vector<1x16xf32>,
      %swap3A_545 = vector.shape_cast %swap3A_544 : vector<1x16xf32> to vector<16xf32>
      %swap3A_546 = vector.shape_cast %broadcast_in_dim3A_542 : vector<16xf32> to vector<1x16xf32>
      tpu.vector_store %arg26[%swap3A, %swap3A_543], %swap3A_546 {strides = array<i32>} : memref<40x128xf32, #tpu.memory_space<vmem>>, vector<1x16xf32>,
      %swap3A_547 = arith.index_cast %scan3A_541 : i32 to index
      %swap3A_548 = arith.constant 16 : index
      %swap3A_549 = tpu.vector_load %arg26[%swap3A_547, %swap3A_548] {strides = array<i32>} : memref<40x128xf32, #tpu.memory_space<vmem>>, vector<1x16xf32>,
      %swap3A_550 = vector.shape_cast %swap3A_549 : vector<1x16xf32> to vector<16xf32>
      %swap3A_551 = vector.shape_cast %broadcast_in_dim3A_542 : vector<16xf32> to vector<1x16xf32>
      tpu.vector_store %arg26[%swap3A_547, %swap3A_548], %swap3A_551 {strides = array<i32>} : memref<40x128xf32, #tpu.memory_space<vmem>>, vector<1x16xf32>,
      %swap3A_552 = arith.index_cast %scan3A_541 : i32 to index
      %swap3A_553 = arith.constant 32 : index
      %swap3A_554 = tpu.vector_load %arg26[%swap3A_552, %swap3A_553] {strides = array<i32>} : memref<40x128xf32, #tpu.memory_space<vmem>>, vector<1x16xf32>,
      %swap3A_555 = vector.shape_cast %swap3A_554 : vector<1x16xf32> to vector<16xf32>
      %swap3A_556 = vector.shape_cast %broadcast_in_dim3A_542 : vector<16xf32> to vector<1x16xf32>
      tpu.vector_store %arg26[%swap3A_552, %swap3A_553], %swap3A_556 {strides = array<i32>} : memref<40x128xf32, #tpu.memory_space<vmem>>, vector<1x16xf32>,
      %swap3A_557 = arith.index_cast %scan3A_541 : i32 to index
      %swap3A_558 = arith.constant 48 : index
      %swap3A_559 = tpu.vector_load %arg26[%swap3A_557, %swap3A_558] {strides = array<i32>} : memref<40x128xf32, #tpu.memory_space<vmem>>, vector<1x16xf32>,
      %swap3A_560 = vector.shape_cast %swap3A_559 : vector<1x16xf32> to vector<16xf32>
      %swap3A_561 = vector.shape_cast %broadcast_in_dim3A_542 : vector<16xf32> to vector<1x16xf32>
      tpu.vector_store %arg26[%swap3A_557, %swap3A_558], %swap3A_561 {strides = array<i32>} : memref<40x128xf32, #tpu.memory_space<vmem>>, vector<1x16xf32>,
      %swap3A_562 = arith.index_cast %scan3A_541 : i32 to index
      %swap3A_563 = arith.constant 64 : index
      %swap3A_564 = tpu.vector_load %arg26[%swap3A_562, %swap3A_563] {strides = array<i32>} : memref<40x128xf32, #tpu.memory_space<vmem>>, vector<1x16xf32>,
      %swap3A_565 = vector.shape_cast %swap3A_564 : vector<1x16xf32> to vector<16xf32>
      %swap3A_566 = vector.shape_cast %broadcast_in_dim3A_542 : vector<16xf32> to vector<1x16xf32>
      tpu.vector_store %arg26[%swap3A_562, %swap3A_563], %swap3A_566 {strides = array<i32>} : memref<40x128xf32, #tpu.memory_space<vmem>>, vector<1x16xf32>,
      %swap3A_567 = arith.index_cast %scan3A_541 : i32 to index
      %swap3A_568 = arith.constant 80 : index
      %swap3A_569 = tpu.vector_load %arg26[%swap3A_567, %swap3A_568] {strides = array<i32>} : memref<40x128xf32, #tpu.memory_space<vmem>>, vector<1x16xf32>,
      %swap3A_570 = vector.shape_cast %swap3A_569 : vector<1x16xf32> to vector<16xf32>
      %swap3A_571 = vector.shape_cast %broadcast_in_dim3A_542 : vector<16xf32> to vector<1x16xf32>
      tpu.vector_store %arg26[%swap3A_567, %swap3A_568], %swap3A_571 {strides = array<i32>} : memref<40x128xf32, #tpu.memory_space<vmem>>, vector<1x16xf32>,
      %swap3A_572 = arith.index_cast %scan3A_541 : i32 to index
      %swap3A_573 = arith.constant 96 : index
      %swap3A_574 = tpu.vector_load %arg26[%swap3A_572, %swap3A_573] {strides = array<i32>} : memref<40x128xf32, #tpu.memory_space<vmem>>, vector<1x16xf32>,
      %swap3A_575 = vector.shape_cast %swap3A_574 : vector<1x16xf32> to vector<16xf32>
      %swap3A_576 = vector.shape_cast %broadcast_in_dim3A_542 : vector<16xf32> to vector<1x16xf32>
      tpu.vector_store %arg26[%swap3A_572, %swap3A_573], %swap3A_576 {strides = array<i32>} : memref<40x128xf32, #tpu.memory_space<vmem>>, vector<1x16xf32>,
      %swap3A_577 = arith.index_cast %scan3A_541 : i32 to index
      %swap3A_578 = arith.constant 112 : index
      %swap3A_579 = tpu.vector_load %arg26[%swap3A_577, %swap3A_578] {strides = array<i32>} : memref<40x128xf32, #tpu.memory_space<vmem>>, vector<1x16xf32>,
      %swap3A_580 = vector.shape_cast %swap3A_579 : vector<1x16xf32> to vector<16xf32>
      %swap3A_581 = vector.shape_cast %broadcast_in_dim3A_542 : vector<16xf32> to vector<1x16xf32>
      tpu.vector_store %arg26[%swap3A_577, %swap3A_578], %swap3A_581 {strides = array<i32>} : memref<40x128xf32, #tpu.memory_space<vmem>>, vector<1x16xf32>,
    }
    %scan3A_71 = arith.constant 40 : i32
    %mul3A_72 = arith.constant 640 : i32
    %mul3A_73 = arith.muli %arg1, %mul3A_72 : i32
    %add3A_74 = arith.constant 0 : i32
    %add3A_75 = arith.addi %mul3A_73, %add3A_74 : i32
    "tpu.region"() ({
      %run_scoped3A = tpu.sem_alloc : memref<!tpu.dma_semaphore, #tpu.memory_space<semaphore_mem>>
      %dma_start3A_541 = arith.constant 0 : i32
      %dma_start3A_542 = tpu.memref_slice %arg54[%add3A_75, %dma_start3A_541] : memref<10240x128xf32, #tpu.memory_space<vmem_shared>> -> memref<40x128xf32, #tpu.memory_space<vmem_shared>>
      %dma_start3A_543 = arith.constant 0 : i32
      %dma_start3A_544 = tpu.memref_slice %arg54[%add3A_75, %dma_start3A_543] : memref<10240x128xf32, #tpu.memory_space<vmem_shared>> -> memref<40x128xf32, #tpu.memory_space<vmem_shared>>
      tpu.enqueue_dma source(%arg26 : memref<40x128xf32, #tpu.memory_space<vmem>>) target(%dma_start3A_544 : memref<40x128xf32, #tpu.memory_space<vmem_shared>>) target_semaphore(%run_scoped3A : memref<!tpu.dma_semaphore, #tpu.memory_space<semaphore_mem>>)
      %dma_wait3A_545 = arith.constant 0 : i32
      %dma_wait3A_546 = tpu.memref_slice %arg54[%add3A_75, %dma_wait3A_545] : memref<10240x128xf32, #tpu.memory_space<vmem_shared>> -> memref<40x128xf32, #tpu.memory_space<vmem_shared>>
      %dma_wait3A_547 = arith.constant 0 : i32
      %dma_wait3A_548 = tpu.memref_slice %arg54[%add3A_75, %dma_wait3A_547] : memref<10240x128xf32, #tpu.memory_space<vmem_shared>> -> memref<40x128xf32, #tpu.memory_space<vmem_shared>>
      tpu.wait_dma2 semaphore(%run_scoped3A : memref<!tpu.dma_semaphore, #tpu.memory_space<semaphore_mem>>) src(%arg26 : memref<40x128xf32, #tpu.memory_space<vmem>>) dst(%dma_wait3A_548 : memref<40x128xf32, #tpu.memory_space<vmem_shared>>)
      tpu.yield
    }) : () -> ()
    %mul3A_76 = arith.constant 640 : i32
    %mul3A_77 = arith.muli %arg1, %mul3A_76 : i32
    %add3A_78 = arith.constant 40 : i32
    %add3A_79 = arith.addi %mul3A_77, %add3A_78 : i32
    "tpu.region"() ({
      %run_scoped3A = tpu.sem_alloc : memref<!tpu.dma_semaphore, #tpu.memory_space<semaphore_mem>>
      %dma_start3A_541 = arith.constant 0 : i32
      %dma_start3A_542 = tpu.memref_slice %arg54[%add3A_79, %dma_start3A_541] : memref<10240x128xf32, #tpu.memory_space<vmem_shared>> -> memref<40x128xf32, #tpu.memory_space<vmem_shared>>
      %dma_start3A_543 = arith.constant 0 : i32
      %dma_start3A_544 = tpu.memref_slice %arg54[%add3A_79, %dma_start3A_543] : memref<10240x128xf32, #tpu.memory_space<vmem_shared>> -> memref<40x128xf32, #tpu.memory_space<vmem_shared>>
      tpu.enqueue_dma source(%arg26 : memref<40x128xf32, #tpu.memory_space<vmem>>) target(%dma_start3A_544 : memref<40x128xf32, #tpu.memory_space<vmem_shared>>) target_semaphore(%run_scoped3A : memref<!tpu.dma_semaphore, #tpu.memory_space<semaphore_mem>>)
      %dma_wait3A_545 = arith.constant 0 : i32
      %dma_wait3A_546 = tpu.memref_slice %arg54[%add3A_79, %dma_wait3A_545] : memref<10240x128xf32, #tpu.memory_space<vmem_shared>> -> memref<40x128xf32, #tpu.memory_space<vmem_shared>>
      %dma_wait3A_547 = arith.constant 0 : i32
      %dma_wait3A_548 = tpu.memref_slice %arg54[%add3A_79, %dma_wait3A_547] : memref<10240x128xf32, #tpu.memory_space<vmem_shared>> -> memref<40x128xf32, #tpu.memory_space<vmem_shared>>
      tpu.wait_dma2 semaphore(%run_scoped3A : memref<!tpu.dma_semaphore, #tpu.memory_space<semaphore_mem>>) src(%arg26 : memref<40x128xf32, #tpu.memory_space<vmem>>) dst(%dma_wait3A_548 : memref<40x128xf32, #tpu.memory_space<vmem_shared>>)
      tpu.yield
    }) : () -> ()
    %mul3A_80 = arith.constant 640 : i32
    %mul3A_81 = arith.muli %arg1, %mul3A_80 : i32
    %add3A_82 = arith.constant 80 : i32
    %add3A_83 = arith.addi %mul3A_81, %add3A_82 : i32
    "tpu.region"() ({
      %run_scoped3A = tpu.sem_alloc : memref<!tpu.dma_semaphore, #tpu.memory_space<semaphore_mem>>
      %dma_start3A_541 = arith.constant 0 : i32
      %dma_start3A_542 = tpu.memref_slice %arg54[%add3A_83, %dma_start3A_541] : memref<10240x128xf32, #tpu.memory_space<vmem_shared>> -> memref<40x128xf32, #tpu.memory_space<vmem_shared>>
      %dma_start3A_543 = arith.constant 0 : i32
      %dma_start3A_544 = tpu.memref_slice %arg54[%add3A_83, %dma_start3A_543] : memref<10240x128xf32, #tpu.memory_space<vmem_shared>> -> memref<40x128xf32, #tpu.memory_space<vmem_shared>>
      tpu.enqueue_dma source(%arg26 : memref<40x128xf32, #tpu.memory_space<vmem>>) target(%dma_start3A_544 : memref<40x128xf32, #tpu.memory_space<vmem_shared>>) target_semaphore(%run_scoped3A : memref<!tpu.dma_semaphore, #tpu.memory_space<semaphore_mem>>)
      %dma_wait3A_545 = arith.constant 0 : i32
      %dma_wait3A_546 = tpu.memref_slice %arg54[%add3A_83, %dma_wait3A_545] : memref<10240x128xf32, #tpu.memory_space<vmem_shared>> -> memref<40x128xf32, #tpu.memory_space<vmem_shared>>
      %dma_wait3A_547 = arith.constant 0 : i32
      %dma_wait3A_548 = tpu.memref_slice %arg54[%add3A_83, %dma_wait3A_547] : memref<10240x128xf32, #tpu.memory_space<vmem_shared>> -> memref<40x128xf32, #tpu.memory_space<vmem_shared>>
      tpu.wait_dma2 semaphore(%run_scoped3A : memref<!tpu.dma_semaphore, #tpu.memory_space<semaphore_mem>>) src(%arg26 : memref<40x128xf32, #tpu.memory_space<vmem>>) dst(%dma_wait3A_548 : memref<40x128xf32, #tpu.memory_space<vmem_shared>>)
      tpu.yield
    }) : () -> ()
    %mul3A_84 = arith.constant 640 : i32
    %mul3A_85 = arith.muli %arg1, %mul3A_84 : i32
    %add3A_86 = arith.constant 120 : i32
    %add3A_87 = arith.addi %mul3A_85, %add3A_86 : i32
    "tpu.region"() ({
      %run_scoped3A = tpu.sem_alloc : memref<!tpu.dma_semaphore, #tpu.memory_space<semaphore_mem>>
      %dma_start3A_541 = arith.constant 0 : i32
      %dma_start3A_542 = tpu.memref_slice %arg54[%add3A_87, %dma_start3A_541] : memref<10240x128xf32, #tpu.memory_space<vmem_shared>> -> memref<40x128xf32, #tpu.memory_space<vmem_shared>>
      %dma_start3A_543 = arith.constant 0 : i32
      %dma_start3A_544 = tpu.memref_slice %arg54[%add3A_87, %dma_start3A_543] : memref<10240x128xf32, #tpu.memory_space<vmem_shared>> -> memref<40x128xf32, #tpu.memory_space<vmem_shared>>
      tpu.enqueue_dma source(%arg26 : memref<40x128xf32, #tpu.memory_space<vmem>>) target(%dma_start3A_544 : memref<40x128xf32, #tpu.memory_space<vmem_shared>>) target_semaphore(%run_scoped3A : memref<!tpu.dma_semaphore, #tpu.memory_space<semaphore_mem>>)
      %dma_wait3A_545 = arith.constant 0 : i32
      %dma_wait3A_546 = tpu.memref_slice %arg54[%add3A_87, %dma_wait3A_545] : memref<10240x128xf32, #tpu.memory_space<vmem_shared>> -> memref<40x128xf32, #tpu.memory_space<vmem_shared>>
      %dma_wait3A_547 = arith.constant 0 : i32
      %dma_wait3A_548 = tpu.memref_slice %arg54[%add3A_87, %dma_wait3A_547] : memref<10240x128xf32, #tpu.memory_space<vmem_shared>> -> memref<40x128xf32, #tpu.memory_space<vmem_shared>>
      tpu.wait_dma2 semaphore(%run_scoped3A : memref<!tpu.dma_semaphore, #tpu.memory_space<semaphore_mem>>) src(%arg26 : memref<40x128xf32, #tpu.memory_space<vmem>>) dst(%dma_wait3A_548 : memref<40x128xf32, #tpu.memory_space<vmem_shared>>)
      tpu.yield
    }) : () -> ()
    %mul3A_88 = arith.constant 640 : i32
    %mul3A_89 = arith.muli %arg1, %mul3A_88 : i32
    %add3A_90 = arith.constant 160 : i32
    %add3A_91 = arith.addi %mul3A_89, %add3A_90 : i32
    "tpu.region"() ({
      %run_scoped3A = tpu.sem_alloc : memref<!tpu.dma_semaphore, #tpu.memory_space<semaphore_mem>>
      %dma_start3A_541 = arith.constant 0 : i32
      %dma_start3A_542 = tpu.memref_slice %arg54[%add3A_91, %dma_start3A_541] : memref<10240x128xf32, #tpu.memory_space<vmem_shared>> -> memref<40x128xf32, #tpu.memory_space<vmem_shared>>
      %dma_start3A_543 = arith.constant 0 : i32
      %dma_start3A_544 = tpu.memref_slice %arg54[%add3A_91, %dma_start3A_543] : memref<10240x128xf32, #tpu.memory_space<vmem_shared>> -> memref<40x128xf32, #tpu.memory_space<vmem_shared>>
      tpu.enqueue_dma source(%arg26 : memref<40x128xf32, #tpu.memory_space<vmem>>) target(%dma_start3A_544 : memref<40x128xf32, #tpu.memory_space<vmem_shared>>) target_semaphore(%run_scoped3A : memref<!tpu.dma_semaphore, #tpu.memory_space<semaphore_mem>>)
      %dma_wait3A_545 = arith.constant 0 : i32
      %dma_wait3A_546 = tpu.memref_slice %arg54[%add3A_91, %dma_wait3A_545] : memref<10240x128xf32, #tpu.memory_space<vmem_shared>> -> memref<40x128xf32, #tpu.memory_space<vmem_shared>>
      %dma_wait3A_547 = arith.constant 0 : i32
      %dma_wait3A_548 = tpu.memref_slice %arg54[%add3A_91, %dma_wait3A_547] : memref<10240x128xf32, #tpu.memory_space<vmem_shared>> -> memref<40x128xf32, #tpu.memory_space<vmem_shared>>
      tpu.wait_dma2 semaphore(%run_scoped3A : memref<!tpu.dma_semaphore, #tpu.memory_space<semaphore_mem>>) src(%arg26 : memref<40x128xf32, #tpu.memory_space<vmem>>) dst(%dma_wait3A_548 : memref<40x128xf32, #tpu.memory_space<vmem_shared>>)
      tpu.yield
    }) : () -> ()
    %mul3A_92 = arith.constant 640 : i32
    %mul3A_93 = arith.muli %arg1, %mul3A_92 : i32
    %add3A_94 = arith.constant 200 : i32
    %add3A_95 = arith.addi %mul3A_93, %add3A_94 : i32
    "tpu.region"() ({
      %run_scoped3A = tpu.sem_alloc : memref<!tpu.dma_semaphore, #tpu.memory_space<semaphore_mem>>
      %dma_start3A_541 = arith.constant 0 : i32
      %dma_start3A_542 = tpu.memref_slice %arg54[%add3A_95, %dma_start3A_541] : memref<10240x128xf32, #tpu.memory_space<vmem_shared>> -> memref<40x128xf32, #tpu.memory_space<vmem_shared>>
      %dma_start3A_543 = arith.constant 0 : i32
      %dma_start3A_544 = tpu.memref_slice %arg54[%add3A_95, %dma_start3A_543] : memref<10240x128xf32, #tpu.memory_space<vmem_shared>> -> memref<40x128xf32, #tpu.memory_space<vmem_shared>>
      tpu.enqueue_dma source(%arg26 : memref<40x128xf32, #tpu.memory_space<vmem>>) target(%dma_start3A_544 : memref<40x128xf32, #tpu.memory_space<vmem_shared>>) target_semaphore(%run_scoped3A : memref<!tpu.dma_semaphore, #tpu.memory_space<semaphore_mem>>)
      %dma_wait3A_545 = arith.constant 0 : i32
      %dma_wait3A_546 = tpu.memref_slice %arg54[%add3A_95, %dma_wait3A_545] : memref<10240x128xf32, #tpu.memory_space<vmem_shared>> -> memref<40x128xf32, #tpu.memory_space<vmem_shared>>
      %dma_wait3A_547 = arith.constant 0 : i32
      %dma_wait3A_548 = tpu.memref_slice %arg54[%add3A_95, %dma_wait3A_547] : memref<10240x128xf32, #tpu.memory_space<vmem_shared>> -> memref<40x128xf32, #tpu.memory_space<vmem_shared>>
      tpu.wait_dma2 semaphore(%run_scoped3A : memref<!tpu.dma_semaphore, #tpu.memory_space<semaphore_mem>>) src(%arg26 : memref<40x128xf32, #tpu.memory_space<vmem>>) dst(%dma_wait3A_548 : memref<40x128xf32, #tpu.memory_space<vmem_shared>>)
      tpu.yield
    }) : () -> ()
    %mul3A_96 = arith.constant 640 : i32
    %mul3A_97 = arith.muli %arg1, %mul3A_96 : i32
    %add3A_98 = arith.constant 240 : i32
    %add3A_99 = arith.addi %mul3A_97, %add3A_98 : i32
    "tpu.region"() ({
      %run_scoped3A = tpu.sem_alloc : memref<!tpu.dma_semaphore, #tpu.memory_space<semaphore_mem>>
      %dma_start3A_541 = arith.constant 0 : i32
      %dma_start3A_542 = tpu.memref_slice %arg54[%add3A_99, %dma_start3A_541] : memref<10240x128xf32, #tpu.memory_space<vmem_shared>> -> memref<40x128xf32, #tpu.memory_space<vmem_shared>>
      %dma_start3A_543 = arith.constant 0 : i32
      %dma_start3A_544 = tpu.memref_slice %arg54[%add3A_99, %dma_start3A_543] : memref<10240x128xf32, #tpu.memory_space<vmem_shared>> -> memref<40x128xf32, #tpu.memory_space<vmem_shared>>
      tpu.enqueue_dma source(%arg26 : memref<40x128xf32, #tpu.memory_space<vmem>>) target(%dma_start3A_544 : memref<40x128xf32, #tpu.memory_space<vmem_shared>>) target_semaphore(%run_scoped3A : memref<!tpu.dma_semaphore, #tpu.memory_space<semaphore_mem>>)
      %dma_wait3A_545 = arith.constant 0 : i32
      %dma_wait3A_546 = tpu.memref_slice %arg54[%add3A_99, %dma_wait3A_545] : memref<10240x128xf32, #tpu.memory_space<vmem_shared>> -> memref<40x128xf32, #tpu.memory_space<vmem_shared>>
      %dma_wait3A_547 = arith.constant 0 : i32
      %dma_wait3A_548 = tpu.memref_slice %arg54[%add3A_99, %dma_wait3A_547] : memref<10240x128xf32, #tpu.memory_space<vmem_shared>> -> memref<40x128xf32, #tpu.memory_space<vmem_shared>>
      tpu.wait_dma2 semaphore(%run_scoped3A : memref<!tpu.dma_semaphore, #tpu.memory_space<semaphore_mem>>) src(%arg26 : memref<40x128xf32, #tpu.memory_space<vmem>>) dst(%dma_wait3A_548 : memref<40x128xf32, #tpu.memory_space<vmem_shared>>)
      tpu.yield
    }) : () -> ()
    %mul3A_100 = arith.constant 640 : i32
    %mul3A_101 = arith.muli %arg1, %mul3A_100 : i32
    %add3A_102 = arith.constant 280 : i32
    %add3A_103 = arith.addi %mul3A_101, %add3A_102 : i32
    "tpu.region"() ({
      %run_scoped3A = tpu.sem_alloc : memref<!tpu.dma_semaphore, #tpu.memory_space<semaphore_mem>>
      %dma_start3A_541 = arith.constant 0 : i32
      %dma_start3A_542 = tpu.memref_slice %arg54[%add3A_103, %dma_start3A_541] : memref<10240x128xf32, #tpu.memory_space<vmem_shared>> -> memref<40x128xf32, #tpu.memory_space<vmem_shared>>
      %dma_start3A_543 = arith.constant 0 : i32
      %dma_start3A_544 = tpu.memref_slice %arg54[%add3A_103, %dma_start3A_543] : memref<10240x128xf32, #tpu.memory_space<vmem_shared>> -> memref<40x128xf32, #tpu.memory_space<vmem_shared>>
      tpu.enqueue_dma source(%arg26 : memref<40x128xf32, #tpu.memory_space<vmem>>) target(%dma_start3A_544 : memref<40x128xf32, #tpu.memory_space<vmem_shared>>) target_semaphore(%run_scoped3A : memref<!tpu.dma_semaphore, #tpu.memory_space<semaphore_mem>>)
      %dma_wait3A_545 = arith.constant 0 : i32
      %dma_wait3A_546 = tpu.memref_slice %arg54[%add3A_103, %dma_wait3A_545] : memref<10240x128xf32, #tpu.memory_space<vmem_shared>> -> memref<40x128xf32, #tpu.memory_space<vmem_shared>>
      %dma_wait3A_547 = arith.constant 0 : i32
      %dma_wait3A_548 = tpu.memref_slice %arg54[%add3A_103, %dma_wait3A_547] : memref<10240x128xf32, #tpu.memory_space<vmem_shared>> -> memref<40x128xf32, #tpu.memory_space<vmem_shared>>
      tpu.wait_dma2 semaphore(%run_scoped3A : memref<!tpu.dma_semaphore, #tpu.memory_space<semaphore_mem>>) src(%arg26 : memref<40x128xf32, #tpu.memory_space<vmem>>) dst(%dma_wait3A_548 : memref<40x128xf32, #tpu.memory_space<vmem_shared>>)
      tpu.yield
    }) : () -> ()
    %mul3A_104 = arith.constant 640 : i32
    %mul3A_105 = arith.muli %arg1, %mul3A_104 : i32
    %add3A_106 = arith.constant 320 : i32
    %add3A_107 = arith.addi %mul3A_105, %add3A_106 : i32
    "tpu.region"() ({
      %run_scoped3A = tpu.sem_alloc : memref<!tpu.dma_semaphore, #tpu.memory_space<semaphore_mem>>
      %dma_start3A_541 = arith.constant 0 : i32
      %dma_start3A_542 = tpu.memref_slice %arg54[%add3A_107, %dma_start3A_541] : memref<10240x128xf32, #tpu.memory_space<vmem_shared>> -> memref<40x128xf32, #tpu.memory_space<vmem_shared>>
      %dma_start3A_543 = arith.constant 0 : i32
      %dma_start3A_544 = tpu.memref_slice %arg54[%add3A_107, %dma_start3A_543] : memref<10240x128xf32, #tpu.memory_space<vmem_shared>> -> memref<40x128xf32, #tpu.memory_space<vmem_shared>>
      tpu.enqueue_dma source(%arg26 : memref<40x128xf32, #tpu.memory_space<vmem>>) target(%dma_start3A_544 : memref<40x128xf32, #tpu.memory_space<vmem_shared>>) target_semaphore(%run_scoped3A : memref<!tpu.dma_semaphore, #tpu.memory_space<semaphore_mem>>)
      %dma_wait3A_545 = arith.constant 0 : i32
      %dma_wait3A_546 = tpu.memref_slice %arg54[%add3A_107, %dma_wait3A_545] : memref<10240x128xf32, #tpu.memory_space<vmem_shared>> -> memref<40x128xf32, #tpu.memory_space<vmem_shared>>
      %dma_wait3A_547 = arith.constant 0 : i32
      %dma_wait3A_548 = tpu.memref_slice %arg54[%add3A_107, %dma_wait3A_547] : memref<10240x128xf32, #tpu.memory_space<vmem_shared>> -> memref<40x128xf32, #tpu.memory_space<vmem_shared>>
      tpu.wait_dma2 semaphore(%run_scoped3A : memref<!tpu.dma_semaphore, #tpu.memory_space<semaphore_mem>>) src(%arg26 : memref<40x128xf32, #tpu.memory_space<vmem>>) dst(%dma_wait3A_548 : memref<40x128xf32, #tpu.memory_space<vmem_shared>>)
      tpu.yield
    }) : () -> ()
    %mul3A_108 = arith.constant 640 : i32
    %mul3A_109 = arith.muli %arg1, %mul3A_108 : i32
    %add3A_110 = arith.constant 360 : i32
    %add3A_111 = arith.addi %mul3A_109, %add3A_110 : i32
    "tpu.region"() ({
      %run_scoped3A = tpu.sem_alloc : memref<!tpu.dma_semaphore, #tpu.memory_space<semaphore_mem>>
      %dma_start3A_541 = arith.constant 0 : i32
      %dma_start3A_542 = tpu.memref_slice %arg54[%add3A_111, %dma_start3A_541] : memref<10240x128xf32, #tpu.memory_space<vmem_shared>> -> memref<40x128xf32, #tpu.memory_space<vmem_shared>>
      %dma_start3A_543 = arith.constant 0 : i32
      %dma_start3A_544 = tpu.memref_slice %arg54[%add3A_111, %dma_start3A_543] : memref<10240x128xf32, #tpu.memory_space<vmem_shared>> -> memref<40x128xf32, #tpu.memory_space<vmem_shared>>
      tpu.enqueue_dma source(%arg26 : memref<40x128xf32, #tpu.memory_space<vmem>>) target(%dma_start3A_544 : memref<40x128xf32, #tpu.memory_space<vmem_shared>>) target_semaphore(%run_scoped3A : memref<!tpu.dma_semaphore, #tpu.memory_space<semaphore_mem>>)
      %dma_wait3A_545 = arith.constant 0 : i32
      %dma_wait3A_546 = tpu.memref_slice %arg54[%add3A_111, %dma_wait3A_545] : memref<10240x128xf32, #tpu.memory_space<vmem_shared>> -> memref<40x128xf32, #tpu.memory_space<vmem_shared>>
      %dma_wait3A_547 = arith.constant 0 : i32
      %dma_wait3A_548 = tpu.memref_slice %arg54[%add3A_111, %dma_wait3A_547] : memref<10240x128xf32, #tpu.memory_space<vmem_shared>> -> memref<40x128xf32, #tpu.memory_space<vmem_shared>>
      tpu.wait_dma2 semaphore(%run_scoped3A : memref<!tpu.dma_semaphore, #tpu.memory_space<semaphore_mem>>) src(%arg26 : memref<40x128xf32, #tpu.memory_space<vmem>>) dst(%dma_wait3A_548 : memref<40x128xf32, #tpu.memory_space<vmem_shared>>)
      tpu.yield
    }) : () -> ()
    %mul3A_112 = arith.constant 640 : i32
    %mul3A_113 = arith.muli %arg1, %mul3A_112 : i32
    %add3A_114 = arith.constant 400 : i32
    %add3A_115 = arith.addi %mul3A_113, %add3A_114 : i32
    "tpu.region"() ({
      %run_scoped3A = tpu.sem_alloc : memref<!tpu.dma_semaphore, #tpu.memory_space<semaphore_mem>>
      %dma_start3A_541 = arith.constant 0 : i32
      %dma_start3A_542 = tpu.memref_slice %arg54[%add3A_115, %dma_start3A_541] : memref<10240x128xf32, #tpu.memory_space<vmem_shared>> -> memref<40x128xf32, #tpu.memory_space<vmem_shared>>
      %dma_start3A_543 = arith.constant 0 : i32
      %dma_start3A_544 = tpu.memref_slice %arg54[%add3A_115, %dma_start3A_543] : memref<10240x128xf32, #tpu.memory_space<vmem_shared>> -> memref<40x128xf32, #tpu.memory_space<vmem_shared>>
      tpu.enqueue_dma source(%arg26 : memref<40x128xf32, #tpu.memory_space<vmem>>) target(%dma_start3A_544 : memref<40x128xf32, #tpu.memory_space<vmem_shared>>) target_semaphore(%run_scoped3A : memref<!tpu.dma_semaphore, #tpu.memory_space<semaphore_mem>>)
      %dma_wait3A_545 = arith.constant 0 : i32
      %dma_wait3A_546 = tpu.memref_slice %arg54[%add3A_115, %dma_wait3A_545] : memref<10240x128xf32, #tpu.memory_space<vmem_shared>> -> memref<40x128xf32, #tpu.memory_space<vmem_shared>>
      %dma_wait3A_547 = arith.constant 0 : i32
      %dma_wait3A_548 = tpu.memref_slice %arg54[%add3A_115, %dma_wait3A_547] : memref<10240x128xf32, #tpu.memory_space<vmem_shared>> -> memref<40x128xf32, #tpu.memory_space<vmem_shared>>
      tpu.wait_dma2 semaphore(%run_scoped3A : memref<!tpu.dma_semaphore, #tpu.memory_space<semaphore_mem>>) src(%arg26 : memref<40x128xf32, #tpu.memory_space<vmem>>) dst(%dma_wait3A_548 : memref<40x128xf32, #tpu.memory_space<vmem_shared>>)
      tpu.yield
    }) : () -> ()
    %mul3A_116 = arith.constant 640 : i32
    %mul3A_117 = arith.muli %arg1, %mul3A_116 : i32
    %add3A_118 = arith.constant 440 : i32
    %add3A_119 = arith.addi %mul3A_117, %add3A_118 : i32
    "tpu.region"() ({
      %run_scoped3A = tpu.sem_alloc : memref<!tpu.dma_semaphore, #tpu.memory_space<semaphore_mem>>
      %dma_start3A_541 = arith.constant 0 : i32
      %dma_start3A_542 = tpu.memref_slice %arg54[%add3A_119, %dma_start3A_541] : memref<10240x128xf32, #tpu.memory_space<vmem_shared>> -> memref<40x128xf32, #tpu.memory_space<vmem_shared>>
      %dma_start3A_543 = arith.constant 0 : i32
      %dma_start3A_544 = tpu.memref_slice %arg54[%add3A_119, %dma_start3A_543] : memref<10240x128xf32, #tpu.memory_space<vmem_shared>> -> memref<40x128xf32, #tpu.memory_space<vmem_shared>>
      tpu.enqueue_dma source(%arg26 : memref<40x128xf32, #tpu.memory_space<vmem>>) target(%dma_start3A_544 : memref<40x128xf32, #tpu.memory_space<vmem_shared>>) target_semaphore(%run_scoped3A : memref<!tpu.dma_semaphore, #tpu.memory_space<semaphore_mem>>)
      %dma_wait3A_545 = arith.constant 0 : i32
      %dma_wait3A_546 = tpu.memref_slice %arg54[%add3A_119, %dma_wait3A_545] : memref<10240x128xf32, #tpu.memory_space<vmem_shared>> -> memref<40x128xf32, #tpu.memory_space<vmem_shared>>
      %dma_wait3A_547 = arith.constant 0 : i32
      %dma_wait3A_548 = tpu.memref_slice %arg54[%add3A_119, %dma_wait3A_547] : memref<10240x128xf32, #tpu.memory_space<vmem_shared>> -> memref<40x128xf32, #tpu.memory_space<vmem_shared>>
      tpu.wait_dma2 semaphore(%run_scoped3A : memref<!tpu.dma_semaphore, #tpu.memory_space<semaphore_mem>>) src(%arg26 : memref<40x128xf32, #tpu.memory_space<vmem>>) dst(%dma_wait3A_548 : memref<40x128xf32, #tpu.memory_space<vmem_shared>>)
      tpu.yield
    }) : () -> ()
    %mul3A_120 = arith.constant 640 : i32
    %mul3A_121 = arith.muli %arg1, %mul3A_120 : i32
    %add3A_122 = arith.constant 480 : i32
    %add3A_123 = arith.addi %mul3A_121, %add3A_122 : i32
    "tpu.region"() ({
      %run_scoped3A = tpu.sem_alloc : memref<!tpu.dma_semaphore, #tpu.memory_space<semaphore_mem>>
      %dma_start3A_541 = arith.constant 0 : i32
      %dma_start3A_542 = tpu.memref_slice %arg54[%add3A_123, %dma_start3A_541] : memref<10240x128xf32, #tpu.memory_space<vmem_shared>> -> memref<40x128xf32, #tpu.memory_space<vmem_shared>>
      %dma_start3A_543 = arith.constant 0 : i32
      %dma_start3A_544 = tpu.memref_slice %arg54[%add3A_123, %dma_start3A_543] : memref<10240x128xf32, #tpu.memory_space<vmem_shared>> -> memref<40x128xf32, #tpu.memory_space<vmem_shared>>
      tpu.enqueue_dma source(%arg26 : memref<40x128xf32, #tpu.memory_space<vmem>>) target(%dma_start3A_544 : memref<40x128xf32, #tpu.memory_space<vmem_shared>>) target_semaphore(%run_scoped3A : memref<!tpu.dma_semaphore, #tpu.memory_space<semaphore_mem>>)
      %dma_wait3A_545 = arith.constant 0 : i32
      %dma_wait3A_546 = tpu.memref_slice %arg54[%add3A_123, %dma_wait3A_545] : memref<10240x128xf32, #tpu.memory_space<vmem_shared>> -> memref<40x128xf32, #tpu.memory_space<vmem_shared>>
      %dma_wait3A_547 = arith.constant 0 : i32
      %dma_wait3A_548 = tpu.memref_slice %arg54[%add3A_123, %dma_wait3A_547] : memref<10240x128xf32, #tpu.memory_space<vmem_shared>> -> memref<40x128xf32, #tpu.memory_space<vmem_shared>>
      tpu.wait_dma2 semaphore(%run_scoped3A : memref<!tpu.dma_semaphore, #tpu.memory_space<semaphore_mem>>) src(%arg26 : memref<40x128xf32, #tpu.memory_space<vmem>>) dst(%dma_wait3A_548 : memref<40x128xf32, #tpu.memory_space<vmem_shared>>)
      tpu.yield
    }) : () -> ()
    %mul3A_124 = arith.constant 640 : i32
    %mul3A_125 = arith.muli %arg1, %mul3A_124 : i32
    %add3A_126 = arith.constant 520 : i32
    %add3A_127 = arith.addi %mul3A_125, %add3A_126 : i32
    "tpu.region"() ({
      %run_scoped3A = tpu.sem_alloc : memref<!tpu.dma_semaphore, #tpu.memory_space<semaphore_mem>>
      %dma_start3A_541 = arith.constant 0 : i32
      %dma_start3A_542 = tpu.memref_slice %arg54[%add3A_127, %dma_start3A_541] : memref<10240x128xf32, #tpu.memory_space<vmem_shared>> -> memref<40x128xf32, #tpu.memory_space<vmem_shared>>
      %dma_start3A_543 = arith.constant 0 : i32
      %dma_start3A_544 = tpu.memref_slice %arg54[%add3A_127, %dma_start3A_543] : memref<10240x128xf32, #tpu.memory_space<vmem_shared>> -> memref<40x128xf32, #tpu.memory_space<vmem_shared>>
      tpu.enqueue_dma source(%arg26 : memref<40x128xf32, #tpu.memory_space<vmem>>) target(%dma_start3A_544 : memref<40x128xf32, #tpu.memory_space<vmem_shared>>) target_semaphore(%run_scoped3A : memref<!tpu.dma_semaphore, #tpu.memory_space<semaphore_mem>>)
      %dma_wait3A_545 = arith.constant 0 : i32
      %dma_wait3A_546 = tpu.memref_slice %arg54[%add3A_127, %dma_wait3A_545] : memref<10240x128xf32, #tpu.memory_space<vmem_shared>> -> memref<40x128xf32, #tpu.memory_space<vmem_shared>>
      %dma_wait3A_547 = arith.constant 0 : i32
      %dma_wait3A_548 = tpu.memref_slice %arg54[%add3A_127, %dma_wait3A_547] : memref<10240x128xf32, #tpu.memory_space<vmem_shared>> -> memref<40x128xf32, #tpu.memory_space<vmem_shared>>
      tpu.wait_dma2 semaphore(%run_scoped3A : memref<!tpu.dma_semaphore, #tpu.memory_space<semaphore_mem>>) src(%arg26 : memref<40x128xf32, #tpu.memory_space<vmem>>) dst(%dma_wait3A_548 : memref<40x128xf32, #tpu.memory_space<vmem_shared>>)
      tpu.yield
    }) : () -> ()
    %mul3A_128 = arith.constant 640 : i32
    %mul3A_129 = arith.muli %arg1, %mul3A_128 : i32
    %add3A_130 = arith.constant 560 : i32
    %add3A_131 = arith.addi %mul3A_129, %add3A_130 : i32
    "tpu.region"() ({
      %run_scoped3A = tpu.sem_alloc : memref<!tpu.dma_semaphore, #tpu.memory_space<semaphore_mem>>
      %dma_start3A_541 = arith.constant 0 : i32
      %dma_start3A_542 = tpu.memref_slice %arg54[%add3A_131, %dma_start3A_541] : memref<10240x128xf32, #tpu.memory_space<vmem_shared>> -> memref<40x128xf32, #tpu.memory_space<vmem_shared>>
      %dma_start3A_543 = arith.constant 0 : i32
      %dma_start3A_544 = tpu.memref_slice %arg54[%add3A_131, %dma_start3A_543] : memref<10240x128xf32, #tpu.memory_space<vmem_shared>> -> memref<40x128xf32, #tpu.memory_space<vmem_shared>>
      tpu.enqueue_dma source(%arg26 : memref<40x128xf32, #tpu.memory_space<vmem>>) target(%dma_start3A_544 : memref<40x128xf32, #tpu.memory_space<vmem_shared>>) target_semaphore(%run_scoped3A : memref<!tpu.dma_semaphore, #tpu.memory_space<semaphore_mem>>)
      %dma_wait3A_545 = arith.constant 0 : i32
      %dma_wait3A_546 = tpu.memref_slice %arg54[%add3A_131, %dma_wait3A_545] : memref<10240x128xf32, #tpu.memory_space<vmem_shared>> -> memref<40x128xf32, #tpu.memory_space<vmem_shared>>
      %dma_wait3A_547 = arith.constant 0 : i32
      %dma_wait3A_548 = tpu.memref_slice %arg54[%add3A_131, %dma_wait3A_547] : memref<10240x128xf32, #tpu.memory_space<vmem_shared>> -> memref<40x128xf32, #tpu.memory_space<vmem_shared>>
      tpu.wait_dma2 semaphore(%run_scoped3A : memref<!tpu.dma_semaphore, #tpu.memory_space<semaphore_mem>>) src(%arg26 : memref<40x128xf32, #tpu.memory_space<vmem>>) dst(%dma_wait3A_548 : memref<40x128xf32, #tpu.memory_space<vmem_shared>>)
      tpu.yield
    }) : () -> ()
    %mul3A_132 = arith.constant 640 : i32
    %mul3A_133 = arith.muli %arg1, %mul3A_132 : i32
    %add3A_134 = arith.constant 600 : i32
    %add3A_135 = arith.addi %mul3A_133, %add3A_134 : i32
    "tpu.region"() ({
      %run_scoped3A = tpu.sem_alloc : memref<!tpu.dma_semaphore, #tpu.memory_space<semaphore_mem>>
      %dma_start3A_541 = arith.constant 0 : i32
      %dma_start3A_542 = tpu.memref_slice %arg54[%add3A_135, %dma_start3A_541] : memref<10240x128xf32, #tpu.memory_space<vmem_shared>> -> memref<40x128xf32, #tpu.memory_space<vmem_shared>>
      %dma_start3A_543 = arith.constant 0 : i32
      %dma_start3A_544 = tpu.memref_slice %arg54[%add3A_135, %dma_start3A_543] : memref<10240x128xf32, #tpu.memory_space<vmem_shared>> -> memref<40x128xf32, #tpu.memory_space<vmem_shared>>
      tpu.enqueue_dma source(%arg26 : memref<40x128xf32, #tpu.memory_space<vmem>>) target(%dma_start3A_544 : memref<40x128xf32, #tpu.memory_space<vmem_shared>>) target_semaphore(%run_scoped3A : memref<!tpu.dma_semaphore, #tpu.memory_space<semaphore_mem>>)
      %dma_wait3A_545 = arith.constant 0 : i32
      %dma_wait3A_546 = tpu.memref_slice %arg54[%add3A_135, %dma_wait3A_545] : memref<10240x128xf32, #tpu.memory_space<vmem_shared>> -> memref<40x128xf32, #tpu.memory_space<vmem_shared>>
      %dma_wait3A_547 = arith.constant 0 : i32
      %dma_wait3A_548 = tpu.memref_slice %arg54[%add3A_135, %dma_wait3A_547] : memref<10240x128xf32, #tpu.memory_space<vmem_shared>> -> memref<40x128xf32, #tpu.memory_space<vmem_shared>>
      tpu.wait_dma2 semaphore(%run_scoped3A : memref<!tpu.dma_semaphore, #tpu.memory_space<semaphore_mem>>) src(%arg26 : memref<40x128xf32, #tpu.memory_space<vmem>>) dst(%dma_wait3A_548 : memref<40x128xf32, #tpu.memory_space<vmem_shared>>)
      tpu.yield
    }) : () -> ()
    %barrier3A = arith.constant 0 : index
    tpu.barrier barrier_id(%barrier3A)
    %dma_wait3A_136 = arith.constant 0 : i32
    %dma_wait3A_137 = arith.constant 0 : i32
    %dma_wait3A_138 = tpu.memref_slice %arg2[%dma_wait3A_136, %dma_wait3A_137] : memref<10000x128xf32, #tpu.memory_space<hbm>> -> memref<10000x128xf32, #tpu.memory_space<hbm>>
    tpu.wait_indirect_dma semaphore(%arg39 : memref<!tpu.dma_semaphore, #tpu.memory_space<semaphore_mem>>) src(%dma_wait3A_138 : memref<10000x128xf32, #tpu.memory_space<hbm>>) dst(%arg18 : memref<40x128xf32, #tpu.memory_space<vmem>>)
    %dma_wait3A_139 = arith.constant 0 : i32
    %dma_wait3A_140 = arith.constant 0 : i32
    %dma_wait3A_141 = tpu.memref_slice %arg4[%dma_wait3A_139, %dma_wait3A_140] : memref<320000x128xf32, #tpu.memory_space<hbm>> -> memref<40x128xf32, #tpu.memory_space<hbm>>
    %dma_wait3A_142 = arith.constant 0 : i32
    %dma_wait3A_143 = arith.constant 0 : i32
    %dma_wait3A_144 = tpu.memref_slice %arg4[%dma_wait3A_142, %dma_wait3A_143] : memref<320000x128xf32, #tpu.memory_space<hbm>> -> memref<40x128xf32, #tpu.memory_space<hbm>>
    tpu.wait_dma2 semaphore(%arg42 : memref<!tpu.dma_semaphore, #tpu.memory_space<semaphore_mem>>) src(%dma_wait3A_144 : memref<40x128xf32, #tpu.memory_space<hbm>>) dst(%arg21 : memref<40x128xf32, #tpu.memory_space<vmem>>)
    %scan3A_145 = arith.constant 0 : i32
    %scan3A_146 = arith.constant 0 : i32
    %scan3A_147 = arith.constant 40 : i32
    %scan3A_148 = arith.addi %scan3A_146, %scan3A_147 : i32
    %scan3A_149 = arith.constant 1 : i32
    scf.for %scan3A_541 = %scan3A_146 to %scan3A_148 step %scan3A_149  : i32 {
      %get3A = arith.index_cast %scan3A_541 : i32 to index
      %get3A_542 = arith.constant 0 : index
      %get3A_543 = tpu.vector_load %arg18[%get3A, %get3A_542] {strides = array<i32>} : memref<40x128xf32, #tpu.memory_space<vmem>>, vector<1x16xf32>,
      %get3A_544 = vector.shape_cast %get3A_543 : vector<1x16xf32> to vector<16xf32>
      %get3A_545 = arith.index_cast %scan3A_541 : i32 to index
      %get3A_546 = arith.constant 0 : index
      %get3A_547 = tpu.vector_load %arg21[%get3A_545, %get3A_546] {strides = array<i32>} : memref<40x128xf32, #tpu.memory_space<vmem>>, vector<1x16xf32>,
      %get3A_548 = vector.shape_cast %get3A_547 : vector<1x16xf32> to vector<16xf32>
      %add3A_549 = arith.addf %get3A_544, %get3A_548 : vector<16xf32>
      %max3A = arith.constant 0.000000e+00 : f32
      %max3A_550 = vector.broadcast %max3A : f32 to vector<16xf32>
      %max3A_551 = arith.maximumf %add3A_549, %max3A_550 : vector<16xf32>
      %swap3A = arith.index_cast %scan3A_541 : i32 to index
      %swap3A_552 = arith.constant 0 : index
      %swap3A_553 = tpu.vector_load %arg21[%swap3A, %swap3A_552] {strides = array<i32>} : memref<40x128xf32, #tpu.memory_space<vmem>>, vector<1x16xf32>,
      %swap3A_554 = vector.shape_cast %swap3A_553 : vector<1x16xf32> to vector<16xf32>
      %swap3A_555 = vector.shape_cast %max3A_551 : vector<16xf32> to vector<1x16xf32>
      tpu.vector_store %arg21[%swap3A, %swap3A_552], %swap3A_555 {strides = array<i32>} : memref<40x128xf32, #tpu.memory_space<vmem>>, vector<1x16xf32>,
      %get3A_556 = arith.index_cast %scan3A_541 : i32 to index
      %get3A_557 = arith.constant 16 : index
      %get3A_558 = tpu.vector_load %arg18[%get3A_556, %get3A_557] {strides = array<i32>} : memref<40x128xf32, #tpu.memory_space<vmem>>, vector<1x16xf32>,
      %get3A_559 = vector.shape_cast %get3A_558 : vector<1x16xf32> to vector<16xf32>
      %get3A_560 = arith.index_cast %scan3A_541 : i32 to index
      %get3A_561 = arith.constant 16 : index
      %get3A_562 = tpu.vector_load %arg21[%get3A_560, %get3A_561] {strides = array<i32>} : memref<40x128xf32, #tpu.memory_space<vmem>>, vector<1x16xf32>,
      %get3A_563 = vector.shape_cast %get3A_562 : vector<1x16xf32> to vector<16xf32>
      %add3A_564 = arith.addf %get3A_559, %get3A_563 : vector<16xf32>
      %max3A_565 = arith.constant 0.000000e+00 : f32
      %max3A_566 = vector.broadcast %max3A_565 : f32 to vector<16xf32>
      %max3A_567 = arith.maximumf %add3A_564, %max3A_566 : vector<16xf32>
      %swap3A_568 = arith.index_cast %scan3A_541 : i32 to index
      %swap3A_569 = arith.constant 16 : index
      %swap3A_570 = tpu.vector_load %arg21[%swap3A_568, %swap3A_569] {strides = array<i32>} : memref<40x128xf32, #tpu.memory_space<vmem>>, vector<1x16xf32>,
      %swap3A_571 = vector.shape_cast %swap3A_570 : vector<1x16xf32> to vector<16xf32>
      %swap3A_572 = vector.shape_cast %max3A_567 : vector<16xf32> to vector<1x16xf32>
      tpu.vector_store %arg21[%swap3A_568, %swap3A_569], %swap3A_572 {strides = array<i32>} : memref<40x128xf32, #tpu.memory_space<vmem>>, vector<1x16xf32>,
      %get3A_573 = arith.index_cast %scan3A_541 : i32 to index
      %get3A_574 = arith.constant 32 : index
      %get3A_575 = tpu.vector_load %arg18[%get3A_573, %get3A_574] {strides = array<i32>} : memref<40x128xf32, #tpu.memory_space<vmem>>, vector<1x16xf32>,
      %get3A_576 = vector.shape_cast %get3A_575 : vector<1x16xf32> to vector<16xf32>
      %get3A_577 = arith.index_cast %scan3A_541 : i32 to index
      %get3A_578 = arith.constant 32 : index
      %get3A_579 = tpu.vector_load %arg21[%get3A_577, %get3A_578] {strides = array<i32>} : memref<40x128xf32, #tpu.memory_space<vmem>>, vector<1x16xf32>,
      %get3A_580 = vector.shape_cast %get3A_579 : vector<1x16xf32> to vector<16xf32>
      %add3A_581 = arith.addf %get3A_576, %get3A_580 : vector<16xf32>
      %max3A_582 = arith.constant 0.000000e+00 : f32
      %max3A_583 = vector.broadcast %max3A_582 : f32 to vector<16xf32>
      %max3A_584 = arith.maximumf %add3A_581, %max3A_583 : vector<16xf32>
      %swap3A_585 = arith.index_cast %scan3A_541 : i32 to index
      %swap3A_586 = arith.constant 32 : index
      %swap3A_587 = tpu.vector_load %arg21[%swap3A_585, %swap3A_586] {strides = array<i32>} : memref<40x128xf32, #tpu.memory_space<vmem>>, vector<1x16xf32>,
      %swap3A_588 = vector.shape_cast %swap3A_587 : vector<1x16xf32> to vector<16xf32>
      %swap3A_589 = vector.shape_cast %max3A_584 : vector<16xf32> to vector<1x16xf32>
      tpu.vector_store %arg21[%swap3A_585, %swap3A_586], %swap3A_589 {strides = array<i32>} : memref<40x128xf32, #tpu.memory_space<vmem>>, vector<1x16xf32>,
      %get3A_590 = arith.index_cast %scan3A_541 : i32 to index
      %get3A_591 = arith.constant 48 : index
      %get3A_592 = tpu.vector_load %arg18[%get3A_590, %get3A_591] {strides = array<i32>} : memref<40x128xf32, #tpu.memory_space<vmem>>, vector<1x16xf32>,
      %get3A_593 = vector.shape_cast %get3A_592 : vector<1x16xf32> to vector<16xf32>
      %get3A_594 = arith.index_cast %scan3A_541 : i32 to index
      %get3A_595 = arith.constant 48 : index
      %get3A_596 = tpu.vector_load %arg21[%get3A_594, %get3A_595] {strides = array<i32>} : memref<40x128xf32, #tpu.memory_space<vmem>>, vector<1x16xf32>,
      %get3A_597 = vector.shape_cast %get3A_596 : vector<1x16xf32> to vector<16xf32>
      %add3A_598 = arith.addf %get3A_593, %get3A_597 : vector<16xf32>
      %max3A_599 = arith.constant 0.000000e+00 : f32
      %max3A_600 = vector.broadcast %max3A_599 : f32 to vector<16xf32>
      %max3A_601 = arith.maximumf %add3A_598, %max3A_600 : vector<16xf32>
      %swap3A_602 = arith.index_cast %scan3A_541 : i32 to index
      %swap3A_603 = arith.constant 48 : index
      %swap3A_604 = tpu.vector_load %arg21[%swap3A_602, %swap3A_603] {strides = array<i32>} : memref<40x128xf32, #tpu.memory_space<vmem>>, vector<1x16xf32>,
      %swap3A_605 = vector.shape_cast %swap3A_604 : vector<1x16xf32> to vector<16xf32>
      %swap3A_606 = vector.shape_cast %max3A_601 : vector<16xf32> to vector<1x16xf32>
      tpu.vector_store %arg21[%swap3A_602, %swap3A_603], %swap3A_606 {strides = array<i32>} : memref<40x128xf32, #tpu.memory_space<vmem>>, vector<1x16xf32>,
      %get3A_607 = arith.index_cast %scan3A_541 : i32 to index
      %get3A_608 = arith.constant 64 : index
      %get3A_609 = tpu.vector_load %arg18[%get3A_607, %get3A_608] {strides = array<i32>} : memref<40x128xf32, #tpu.memory_space<vmem>>, vector<1x16xf32>,
      %get3A_610 = vector.shape_cast %get3A_609 : vector<1x16xf32> to vector<16xf32>
      %get3A_611 = arith.index_cast %scan3A_541 : i32 to index
      %get3A_612 = arith.constant 64 : index
      %get3A_613 = tpu.vector_load %arg21[%get3A_611, %get3A_612] {strides = array<i32>} : memref<40x128xf32, #tpu.memory_space<vmem>>, vector<1x16xf32>,
      %get3A_614 = vector.shape_cast %get3A_613 : vector<1x16xf32> to vector<16xf32>
      %add3A_615 = arith.addf %get3A_610, %get3A_614 : vector<16xf32>
      %max3A_616 = arith.constant 0.000000e+00 : f32
      %max3A_617 = vector.broadcast %max3A_616 : f32 to vector<16xf32>
      %max3A_618 = arith.maximumf %add3A_615, %max3A_617 : vector<16xf32>
      %swap3A_619 = arith.index_cast %scan3A_541 : i32 to index
      %swap3A_620 = arith.constant 64 : index
      %swap3A_621 = tpu.vector_load %arg21[%swap3A_619, %swap3A_620] {strides = array<i32>} : memref<40x128xf32, #tpu.memory_space<vmem>>, vector<1x16xf32>,
      %swap3A_622 = vector.shape_cast %swap3A_621 : vector<1x16xf32> to vector<16xf32>
      %swap3A_623 = vector.shape_cast %max3A_618 : vector<16xf32> to vector<1x16xf32>
      tpu.vector_store %arg21[%swap3A_619, %swap3A_620], %swap3A_623 {strides = array<i32>} : memref<40x128xf32, #tpu.memory_space<vmem>>, vector<1x16xf32>,
      %get3A_624 = arith.index_cast %scan3A_541 : i32 to index
      %get3A_625 = arith.constant 80 : index
      %get3A_626 = tpu.vector_load %arg18[%get3A_624, %get3A_625] {strides = array<i32>} : memref<40x128xf32, #tpu.memory_space<vmem>>, vector<1x16xf32>,
      %get3A_627 = vector.shape_cast %get3A_626 : vector<1x16xf32> to vector<16xf32>
      %get3A_628 = arith.index_cast %scan3A_541 : i32 to index
      %get3A_629 = arith.constant 80 : index
      %get3A_630 = tpu.vector_load %arg21[%get3A_628, %get3A_629] {strides = array<i32>} : memref<40x128xf32, #tpu.memory_space<vmem>>, vector<1x16xf32>,
      %get3A_631 = vector.shape_cast %get3A_630 : vector<1x16xf32> to vector<16xf32>
      %add3A_632 = arith.addf %get3A_627, %get3A_631 : vector<16xf32>
      %max3A_633 = arith.constant 0.000000e+00 : f32
      %max3A_634 = vector.broadcast %max3A_633 : f32 to vector<16xf32>
      %max3A_635 = arith.maximumf %add3A_632, %max3A_634 : vector<16xf32>
      %swap3A_636 = arith.index_cast %scan3A_541 : i32 to index
      %swap3A_637 = arith.constant 80 : index
      %swap3A_638 = tpu.vector_load %arg21[%swap3A_636, %swap3A_637] {strides = array<i32>} : memref<40x128xf32, #tpu.memory_space<vmem>>, vector<1x16xf32>,
      %swap3A_639 = vector.shape_cast %swap3A_638 : vector<1x16xf32> to vector<16xf32>
      %swap3A_640 = vector.shape_cast %max3A_635 : vector<16xf32> to vector<1x16xf32>
      tpu.vector_store %arg21[%swap3A_636, %swap3A_637], %swap3A_640 {strides = array<i32>} : memref<40x128xf32, #tpu.memory_space<vmem>>, vector<1x16xf32>,
      %get3A_641 = arith.index_cast %scan3A_541 : i32 to index
      %get3A_642 = arith.constant 96 : index
      %get3A_643 = tpu.vector_load %arg18[%get3A_641, %get3A_642] {strides = array<i32>} : memref<40x128xf32, #tpu.memory_space<vmem>>, vector<1x16xf32>,
      %get3A_644 = vector.shape_cast %get3A_643 : vector<1x16xf32> to vector<16xf32>
      %get3A_645 = arith.index_cast %scan3A_541 : i32 to index
      %get3A_646 = arith.constant 96 : index
      %get3A_647 = tpu.vector_load %arg21[%get3A_645, %get3A_646] {strides = array<i32>} : memref<40x128xf32, #tpu.memory_space<vmem>>, vector<1x16xf32>,
      %get3A_648 = vector.shape_cast %get3A_647 : vector<1x16xf32> to vector<16xf32>
      %add3A_649 = arith.addf %get3A_644, %get3A_648 : vector<16xf32>
      %max3A_650 = arith.constant 0.000000e+00 : f32
      %max3A_651 = vector.broadcast %max3A_650 : f32 to vector<16xf32>
      %max3A_652 = arith.maximumf %add3A_649, %max3A_651 : vector<16xf32>
      %swap3A_653 = arith.index_cast %scan3A_541 : i32 to index
      %swap3A_654 = arith.constant 96 : index
      %swap3A_655 = tpu.vector_load %arg21[%swap3A_653, %swap3A_654] {strides = array<i32>} : memref<40x128xf32, #tpu.memory_space<vmem>>, vector<1x16xf32>,
      %swap3A_656 = vector.shape_cast %swap3A_655 : vector<1x16xf32> to vector<16xf32>
      %swap3A_657 = vector.shape_cast %max3A_652 : vector<16xf32> to vector<1x16xf32>
      tpu.vector_store %arg21[%swap3A_653, %swap3A_654], %swap3A_657 {strides = array<i32>} : memref<40x128xf32, #tpu.memory_space<vmem>>, vector<1x16xf32>,
      %get3A_658 = arith.index_cast %scan3A_541 : i32 to index
      %get3A_659 = arith.constant 112 : index
      %get3A_660 = tpu.vector_load %arg18[%get3A_658, %get3A_659] {strides = array<i32>} : memref<40x128xf32, #tpu.memory_space<vmem>>, vector<1x16xf32>,
      %get3A_661 = vector.shape_cast %get3A_660 : vector<1x16xf32> to vector<16xf32>
      %get3A_662 = arith.index_cast %scan3A_541 : i32 to index
      %get3A_663 = arith.constant 112 : index
      %get3A_664 = tpu.vector_load %arg21[%get3A_662, %get3A_663] {strides = array<i32>} : memref<40x128xf32, #tpu.memory_space<vmem>>, vector<1x16xf32>,
      %get3A_665 = vector.shape_cast %get3A_664 : vector<1x16xf32> to vector<16xf32>
      %add3A_666 = arith.addf %get3A_661, %get3A_665 : vector<16xf32>
      %max3A_667 = arith.constant 0.000000e+00 : f32
      %max3A_668 = vector.broadcast %max3A_667 : f32 to vector<16xf32>
      %max3A_669 = arith.maximumf %add3A_666, %max3A_668 : vector<16xf32>
      %swap3A_670 = arith.index_cast %scan3A_541 : i32 to index
      %swap3A_671 = arith.constant 112 : index
      %swap3A_672 = tpu.vector_load %arg21[%swap3A_670, %swap3A_671] {strides = array<i32>} : memref<40x128xf32, #tpu.memory_space<vmem>>, vector<1x16xf32>,
      %swap3A_673 = vector.shape_cast %swap3A_672 : vector<1x16xf32> to vector<16xf32>
      %swap3A_674 = vector.shape_cast %max3A_669 : vector<16xf32> to vector<1x16xf32>
      tpu.vector_store %arg21[%swap3A_670, %swap3A_671], %swap3A_674 {strides = array<i32>} : memref<40x128xf32, #tpu.memory_space<vmem>>, vector<1x16xf32>,
    }
    %scan3A_150 = arith.constant 40 : i32
    %dma_start3A_151 = arith.constant 0 : i32
    %dma_start3A_152 = arith.constant 0 : i32
    %dma_start3A_153 = tpu.memref_slice %arg54[%dma_start3A_151, %dma_start3A_152] : memref<10240x128xf32, #tpu.memory_space<vmem_shared>> -> memref<10240x128xf32, #tpu.memory_space<vmem_shared>>
    tpu.enqueue_indirect_dma source(%arg21 : memref<40x128xf32, #tpu.memory_space<vmem>>) target(%dma_start3A_153 : memref<10240x128xf32, #tpu.memory_space<vmem_shared>>) offsets(%arg12 : memref<40xi32, #tpu.memory_space<vmem>>) semaphore(%arg48 : memref<!tpu.dma_semaphore, #tpu.memory_space<semaphore_mem>>) {add = true}
    %add3A_154 = arith.constant 80 : i32
    %add3A_155 = arith.addi %mul3A_2, %add3A_154 : i32
    %dma_wait3A_156 = arith.constant 0 : i32
    %dma_wait3A_157 = tpu.memref_slice %arg3[%dma_wait3A_156] : memref<640000xi32, #tpu.memory_space<hbm>> -> memref<40xi32, #tpu.memory_space<hbm>>
    %dma_wait3A_158 = arith.constant 0 : i32
    %dma_wait3A_159 = tpu.memref_slice %arg3[%dma_wait3A_158] : memref<640000xi32, #tpu.memory_space<hbm>> -> memref<40xi32, #tpu.memory_space<hbm>>
    tpu.wait_dma2 semaphore(%arg29 : memref<!tpu.dma_semaphore, #tpu.memory_space<semaphore_mem>>) src(%dma_wait3A_159 : memref<40xi32, #tpu.memory_space<hbm>>) dst(%arg8 : memref<40xi32, #tpu.memory_space<vmem>>)
    %dma_wait3A_160 = arith.constant 0 : i32
    %dma_wait3A_161 = tpu.memref_slice %arg3[%dma_wait3A_160] : memref<640000xi32, #tpu.memory_space<hbm>> -> memref<40xi32, #tpu.memory_space<hbm>>
    %dma_wait3A_162 = arith.constant 0 : i32
    %dma_wait3A_163 = tpu.memref_slice %arg3[%dma_wait3A_162] : memref<640000xi32, #tpu.memory_space<hbm>> -> memref<40xi32, #tpu.memory_space<hbm>>
    tpu.wait_dma2 semaphore(%arg35 : memref<!tpu.dma_semaphore, #tpu.memory_space<semaphore_mem>>) src(%dma_wait3A_163 : memref<40xi32, #tpu.memory_space<hbm>>) dst(%arg14 : memref<40xi32, #tpu.memory_space<vmem>>)
    %dma_start3A_164 = arith.constant 0 : i32
    %dma_start3A_165 = arith.constant 0 : i32
    %dma_start3A_166 = tpu.memref_slice %arg2[%dma_start3A_164, %dma_start3A_165] : memref<10000x128xf32, #tpu.memory_space<hbm>> -> memref<10000x128xf32, #tpu.memory_space<hbm>>
    tpu.enqueue_indirect_dma source(%dma_start3A_166 : memref<10000x128xf32, #tpu.memory_space<hbm>>) target(%arg20 : memref<40x128xf32, #tpu.memory_space<vmem>>) offsets(%arg8 : memref<40xi32, #tpu.memory_space<vmem>>) semaphore(%arg41 : memref<!tpu.dma_semaphore, #tpu.memory_space<semaphore_mem>>)
    %dma_start3A_167 = arith.constant 0 : i32
    %dma_start3A_168 = tpu.memref_slice %arg4[%add3A_155, %dma_start3A_167] : memref<320000x128xf32, #tpu.memory_space<hbm>> -> memref<40x128xf32, #tpu.memory_space<hbm>>
    %dma_start3A_169 = arith.constant 0 : i32
    %dma_start3A_170 = tpu.memref_slice %arg4[%add3A_155, %dma_start3A_169] : memref<320000x128xf32, #tpu.memory_space<hbm>> -> memref<40x128xf32, #tpu.memory_space<hbm>>
    tpu.enqueue_dma source(%dma_start3A_170 : memref<40x128xf32, #tpu.memory_space<hbm>>) target(%arg23 : memref<40x128xf32, #tpu.memory_space<vmem>>) target_semaphore(%arg44 : memref<!tpu.dma_semaphore, #tpu.memory_space<semaphore_mem>>)
    %add3A_171 = arith.constant 160 : i32
    %add3A_172 = arith.addi %mul3A_2, %add3A_171 : i32
    %dma_start3A_173 = tpu.memref_slice %arg3[%add3A_172] : memref<640000xi32, #tpu.memory_space<hbm>> -> memref<40xi32, #tpu.memory_space<hbm>>
    %dma_start3A_174 = tpu.memref_slice %arg3[%add3A_172] : memref<640000xi32, #tpu.memory_space<hbm>> -> memref<40xi32, #tpu.memory_space<hbm>>
    tpu.enqueue_dma source(%dma_start3A_174 : memref<40xi32, #tpu.memory_space<hbm>>) target(%arg10 : memref<40xi32, #tpu.memory_space<vmem>>) target_semaphore(%arg31 : memref<!tpu.dma_semaphore, #tpu.memory_space<semaphore_mem>>)
    %add3A_175 = arith.constant 320000 : i32
    %add3A_176 = arith.addi %add3A_175, %add3A_172 : i32
    %dma_start3A_177 = tpu.memref_slice %arg3[%add3A_176] : memref<640000xi32, #tpu.memory_space<hbm>> -> memref<40xi32, #tpu.memory_space<hbm>>
    %dma_start3A_178 = tpu.memref_slice %arg3[%add3A_176] : memref<640000xi32, #tpu.memory_space<hbm>> -> memref<40xi32, #tpu.memory_space<hbm>>
    tpu.enqueue_dma source(%dma_start3A_178 : memref<40xi32, #tpu.memory_space<hbm>>) target(%arg16 : memref<40xi32, #tpu.memory_space<vmem>>) target_semaphore(%arg37 : memref<!tpu.dma_semaphore, #tpu.memory_space<semaphore_mem>>)
    %dma_wait3A_179 = arith.constant 0 : i32
    %dma_wait3A_180 = arith.constant 0 : i32
    %dma_wait3A_181 = tpu.memref_slice %arg2[%dma_wait3A_179, %dma_wait3A_180] : memref<10000x128xf32, #tpu.memory_space<hbm>> -> memref<10000x128xf32, #tpu.memory_space<hbm>>
    tpu.wait_indirect_dma semaphore(%arg40 : memref<!tpu.dma_semaphore, #tpu.memory_space<semaphore_mem>>) src(%dma_wait3A_181 : memref<10000x128xf32, #tpu.memory_space<hbm>>) dst(%arg19 : memref<40x128xf32, #tpu.memory_space<vmem>>)
    %dma_wait3A_182 = arith.constant 0 : i32
    %dma_wait3A_183 = arith.constant 0 : i32
    %dma_wait3A_184 = tpu.memref_slice %arg4[%dma_wait3A_182, %dma_wait3A_183] : memref<320000x128xf32, #tpu.memory_space<hbm>> -> memref<40x128xf32, #tpu.memory_space<hbm>>
    %dma_wait3A_185 = arith.constant 0 : i32
    %dma_wait3A_186 = arith.constant 0 : i32
    %dma_wait3A_187 = tpu.memref_slice %arg4[%dma_wait3A_185, %dma_wait3A_186] : memref<320000x128xf32, #tpu.memory_space<hbm>> -> memref<40x128xf32, #tpu.memory_space<hbm>>
    tpu.wait_dma2 semaphore(%arg43 : memref<!tpu.dma_semaphore, #tpu.memory_space<semaphore_mem>>) src(%dma_wait3A_187 : memref<40x128xf32, #tpu.memory_space<hbm>>) dst(%arg22 : memref<40x128xf32, #tpu.memory_space<vmem>>)
    %scan3A_188 = arith.constant 0 : i32
    %scan3A_189 = arith.constant 0 : i32
    %scan3A_190 = arith.constant 40 : i32
    %scan3A_191 = arith.addi %scan3A_189, %scan3A_190 : i32
    %scan3A_192 = arith.constant 1 : i32
    scf.for %scan3A_541 = %scan3A_189 to %scan3A_191 step %scan3A_192  : i32 {
      %get3A = arith.index_cast %scan3A_541 : i32 to index
      %get3A_542 = arith.constant 0 : index
      %get3A_543 = tpu.vector_load %arg19[%get3A, %get3A_542] {strides = array<i32>} : memref<40x128xf32, #tpu.memory_space<vmem>>, vector<1x16xf32>,
      %get3A_544 = vector.shape_cast %get3A_543 : vector<1x16xf32> to vector<16xf32>
      %get3A_545 = arith.index_cast %scan3A_541 : i32 to index
      %get3A_546 = arith.constant 0 : index
      %get3A_547 = tpu.vector_load %arg22[%get3A_545, %get3A_546] {strides = array<i32>} : memref<40x128xf32, #tpu.memory_space<vmem>>, vector<1x16xf32>,
      %get3A_548 = vector.shape_cast %get3A_547 : vector<1x16xf32> to vector<16xf32>
      %add3A_549 = arith.addf %get3A_544, %get3A_548 : vector<16xf32>
      %max3A = arith.constant 0.000000e+00 : f32
      %max3A_550 = vector.broadcast %max3A : f32 to vector<16xf32>
      %max3A_551 = arith.maximumf %add3A_549, %max3A_550 : vector<16xf32>
      %swap3A = arith.index_cast %scan3A_541 : i32 to index
      %swap3A_552 = arith.constant 0 : index
      %swap3A_553 = tpu.vector_load %arg22[%swap3A, %swap3A_552] {strides = array<i32>} : memref<40x128xf32, #tpu.memory_space<vmem>>, vector<1x16xf32>,
      %swap3A_554 = vector.shape_cast %swap3A_553 : vector<1x16xf32> to vector<16xf32>
      %swap3A_555 = vector.shape_cast %max3A_551 : vector<16xf32> to vector<1x16xf32>
      tpu.vector_store %arg22[%swap3A, %swap3A_552], %swap3A_555 {strides = array<i32>} : memref<40x128xf32, #tpu.memory_space<vmem>>, vector<1x16xf32>,
      %get3A_556 = arith.index_cast %scan3A_541 : i32 to index
      %get3A_557 = arith.constant 16 : index
      %get3A_558 = tpu.vector_load %arg19[%get3A_556, %get3A_557] {strides = array<i32>} : memref<40x128xf32, #tpu.memory_space<vmem>>, vector<1x16xf32>,
      %get3A_559 = vector.shape_cast %get3A_558 : vector<1x16xf32> to vector<16xf32>
      %get3A_560 = arith.index_cast %scan3A_541 : i32 to index
      %get3A_561 = arith.constant 16 : index
      %get3A_562 = tpu.vector_load %arg22[%get3A_560, %get3A_561] {strides = array<i32>} : memref<40x128xf32, #tpu.memory_space<vmem>>, vector<1x16xf32>,
      %get3A_563 = vector.shape_cast %get3A_562 : vector<1x16xf32> to vector<16xf32>
      %add3A_564 = arith.addf %get3A_559, %get3A_563 : vector<16xf32>
      %max3A_565 = arith.constant 0.000000e+00 : f32
      %max3A_566 = vector.broadcast %max3A_565 : f32 to vector<16xf32>
      %max3A_567 = arith.maximumf %add3A_564, %max3A_566 : vector<16xf32>
      %swap3A_568 = arith.index_cast %scan3A_541 : i32 to index
      %swap3A_569 = arith.constant 16 : index
      %swap3A_570 = tpu.vector_load %arg22[%swap3A_568, %swap3A_569] {strides = array<i32>} : memref<40x128xf32, #tpu.memory_space<vmem>>, vector<1x16xf32>,
      %swap3A_571 = vector.shape_cast %swap3A_570 : vector<1x16xf32> to vector<16xf32>
      %swap3A_572 = vector.shape_cast %max3A_567 : vector<16xf32> to vector<1x16xf32>
      tpu.vector_store %arg22[%swap3A_568, %swap3A_569], %swap3A_572 {strides = array<i32>} : memref<40x128xf32, #tpu.memory_space<vmem>>, vector<1x16xf32>,
      %get3A_573 = arith.index_cast %scan3A_541 : i32 to index
      %get3A_574 = arith.constant 32 : index
      %get3A_575 = tpu.vector_load %arg19[%get3A_573, %get3A_574] {strides = array<i32>} : memref<40x128xf32, #tpu.memory_space<vmem>>, vector<1x16xf32>,
      %get3A_576 = vector.shape_cast %get3A_575 : vector<1x16xf32> to vector<16xf32>
      %get3A_577 = arith.index_cast %scan3A_541 : i32 to index
      %get3A_578 = arith.constant 32 : index
      %get3A_579 = tpu.vector_load %arg22[%get3A_577, %get3A_578] {strides = array<i32>} : memref<40x128xf32, #tpu.memory_space<vmem>>, vector<1x16xf32>,
      %get3A_580 = vector.shape_cast %get3A_579 : vector<1x16xf32> to vector<16xf32>
      %add3A_581 = arith.addf %get3A_576, %get3A_580 : vector<16xf32>
      %max3A_582 = arith.constant 0.000000e+00 : f32
      %max3A_583 = vector.broadcast %max3A_582 : f32 to vector<16xf32>
      %max3A_584 = arith.maximumf %add3A_581, %max3A_583 : vector<16xf32>
      %swap3A_585 = arith.index_cast %scan3A_541 : i32 to index
      %swap3A_586 = arith.constant 32 : index
      %swap3A_587 = tpu.vector_load %arg22[%swap3A_585, %swap3A_586] {strides = array<i32>} : memref<40x128xf32, #tpu.memory_space<vmem>>, vector<1x16xf32>,
      %swap3A_588 = vector.shape_cast %swap3A_587 : vector<1x16xf32> to vector<16xf32>
      %swap3A_589 = vector.shape_cast %max3A_584 : vector<16xf32> to vector<1x16xf32>
      tpu.vector_store %arg22[%swap3A_585, %swap3A_586], %swap3A_589 {strides = array<i32>} : memref<40x128xf32, #tpu.memory_space<vmem>>, vector<1x16xf32>,
      %get3A_590 = arith.index_cast %scan3A_541 : i32 to index
      %get3A_591 = arith.constant 48 : index
      %get3A_592 = tpu.vector_load %arg19[%get3A_590, %get3A_591] {strides = array<i32>} : memref<40x128xf32, #tpu.memory_space<vmem>>, vector<1x16xf32>,
      %get3A_593 = vector.shape_cast %get3A_592 : vector<1x16xf32> to vector<16xf32>
      %get3A_594 = arith.index_cast %scan3A_541 : i32 to index
      %get3A_595 = arith.constant 48 : index
      %get3A_596 = tpu.vector_load %arg22[%get3A_594, %get3A_595] {strides = array<i32>} : memref<40x128xf32, #tpu.memory_space<vmem>>, vector<1x16xf32>,
      %get3A_597 = vector.shape_cast %get3A_596 : vector<1x16xf32> to vector<16xf32>
      %add3A_598 = arith.addf %get3A_593, %get3A_597 : vector<16xf32>
      %max3A_599 = arith.constant 0.000000e+00 : f32
      %max3A_600 = vector.broadcast %max3A_599 : f32 to vector<16xf32>
      %max3A_601 = arith.maximumf %add3A_598, %max3A_600 : vector<16xf32>
      %swap3A_602 = arith.index_cast %scan3A_541 : i32 to index
      %swap3A_603 = arith.constant 48 : index
      %swap3A_604 = tpu.vector_load %arg22[%swap3A_602, %swap3A_603] {strides = array<i32>} : memref<40x128xf32, #tpu.memory_space<vmem>>, vector<1x16xf32>,
      %swap3A_605 = vector.shape_cast %swap3A_604 : vector<1x16xf32> to vector<16xf32>
      %swap3A_606 = vector.shape_cast %max3A_601 : vector<16xf32> to vector<1x16xf32>
      tpu.vector_store %arg22[%swap3A_602, %swap3A_603], %swap3A_606 {strides = array<i32>} : memref<40x128xf32, #tpu.memory_space<vmem>>, vector<1x16xf32>,
      %get3A_607 = arith.index_cast %scan3A_541 : i32 to index
      %get3A_608 = arith.constant 64 : index
      %get3A_609 = tpu.vector_load %arg19[%get3A_607, %get3A_608] {strides = array<i32>} : memref<40x128xf32, #tpu.memory_space<vmem>>, vector<1x16xf32>,
      %get3A_610 = vector.shape_cast %get3A_609 : vector<1x16xf32> to vector<16xf32>
      %get3A_611 = arith.index_cast %scan3A_541 : i32 to index
      %get3A_612 = arith.constant 64 : index
      %get3A_613 = tpu.vector_load %arg22[%get3A_611, %get3A_612] {strides = array<i32>} : memref<40x128xf32, #tpu.memory_space<vmem>>, vector<1x16xf32>,
      %get3A_614 = vector.shape_cast %get3A_613 : vector<1x16xf32> to vector<16xf32>
      %add3A_615 = arith.addf %get3A_610, %get3A_614 : vector<16xf32>
      %max3A_616 = arith.constant 0.000000e+00 : f32
      %max3A_617 = vector.broadcast %max3A_616 : f32 to vector<16xf32>
      %max3A_618 = arith.maximumf %add3A_615, %max3A_617 : vector<16xf32>
      %swap3A_619 = arith.index_cast %scan3A_541 : i32 to index
      %swap3A_620 = arith.constant 64 : index
      %swap3A_621 = tpu.vector_load %arg22[%swap3A_619, %swap3A_620] {strides = array<i32>} : memref<40x128xf32, #tpu.memory_space<vmem>>, vector<1x16xf32>,
      %swap3A_622 = vector.shape_cast %swap3A_621 : vector<1x16xf32> to vector<16xf32>
      %swap3A_623 = vector.shape_cast %max3A_618 : vector<16xf32> to vector<1x16xf32>
      tpu.vector_store %arg22[%swap3A_619, %swap3A_620], %swap3A_623 {strides = array<i32>} : memref<40x128xf32, #tpu.memory_space<vmem>>, vector<1x16xf32>,
      %get3A_624 = arith.index_cast %scan3A_541 : i32 to index
      %get3A_625 = arith.constant 80 : index
      %get3A_626 = tpu.vector_load %arg19[%get3A_624, %get3A_625] {strides = array<i32>} : memref<40x128xf32, #tpu.memory_space<vmem>>, vector<1x16xf32>,
      %get3A_627 = vector.shape_cast %get3A_626 : vector<1x16xf32> to vector<16xf32>
      %get3A_628 = arith.index_cast %scan3A_541 : i32 to index
      %get3A_629 = arith.constant 80 : index
      %get3A_630 = tpu.vector_load %arg22[%get3A_628, %get3A_629] {strides = array<i32>} : memref<40x128xf32, #tpu.memory_space<vmem>>, vector<1x16xf32>,
      %get3A_631 = vector.shape_cast %get3A_630 : vector<1x16xf32> to vector<16xf32>
      %add3A_632 = arith.addf %get3A_627, %get3A_631 : vector<16xf32>
      %max3A_633 = arith.constant 0.000000e+00 : f32
      %max3A_634 = vector.broadcast %max3A_633 : f32 to vector<16xf32>
      %max3A_635 = arith.maximumf %add3A_632, %max3A_634 : vector<16xf32>
      %swap3A_636 = arith.index_cast %scan3A_541 : i32 to index
      %swap3A_637 = arith.constant 80 : index
      %swap3A_638 = tpu.vector_load %arg22[%swap3A_636, %swap3A_637] {strides = array<i32>} : memref<40x128xf32, #tpu.memory_space<vmem>>, vector<1x16xf32>,
      %swap3A_639 = vector.shape_cast %swap3A_638 : vector<1x16xf32> to vector<16xf32>
      %swap3A_640 = vector.shape_cast %max3A_635 : vector<16xf32> to vector<1x16xf32>
      tpu.vector_store %arg22[%swap3A_636, %swap3A_637], %swap3A_640 {strides = array<i32>} : memref<40x128xf32, #tpu.memory_space<vmem>>, vector<1x16xf32>,
      %get3A_641 = arith.index_cast %scan3A_541 : i32 to index
      %get3A_642 = arith.constant 96 : index
      %get3A_643 = tpu.vector_load %arg19[%get3A_641, %get3A_642] {strides = array<i32>} : memref<40x128xf32, #tpu.memory_space<vmem>>, vector<1x16xf32>,
      %get3A_644 = vector.shape_cast %get3A_643 : vector<1x16xf32> to vector<16xf32>
      %get3A_645 = arith.index_cast %scan3A_541 : i32 to index
      %get3A_646 = arith.constant 96 : index
      %get3A_647 = tpu.vector_load %arg22[%get3A_645, %get3A_646] {strides = array<i32>} : memref<40x128xf32, #tpu.memory_space<vmem>>, vector<1x16xf32>,
      %get3A_648 = vector.shape_cast %get3A_647 : vector<1x16xf32> to vector<16xf32>
      %add3A_649 = arith.addf %get3A_644, %get3A_648 : vector<16xf32>
      %max3A_650 = arith.constant 0.000000e+00 : f32
      %max3A_651 = vector.broadcast %max3A_650 : f32 to vector<16xf32>
      %max3A_652 = arith.maximumf %add3A_649, %max3A_651 : vector<16xf32>
      %swap3A_653 = arith.index_cast %scan3A_541 : i32 to index
      %swap3A_654 = arith.constant 96 : index
      %swap3A_655 = tpu.vector_load %arg22[%swap3A_653, %swap3A_654] {strides = array<i32>} : memref<40x128xf32, #tpu.memory_space<vmem>>, vector<1x16xf32>,
      %swap3A_656 = vector.shape_cast %swap3A_655 : vector<1x16xf32> to vector<16xf32>
      %swap3A_657 = vector.shape_cast %max3A_652 : vector<16xf32> to vector<1x16xf32>
      tpu.vector_store %arg22[%swap3A_653, %swap3A_654], %swap3A_657 {strides = array<i32>} : memref<40x128xf32, #tpu.memory_space<vmem>>, vector<1x16xf32>,
      %get3A_658 = arith.index_cast %scan3A_541 : i32 to index
      %get3A_659 = arith.constant 112 : index
      %get3A_660 = tpu.vector_load %arg19[%get3A_658, %get3A_659] {strides = array<i32>} : memref<40x128xf32, #tpu.memory_space<vmem>>, vector<1x16xf32>,
      %get3A_661 = vector.shape_cast %get3A_660 : vector<1x16xf32> to vector<16xf32>
      %get3A_662 = arith.index_cast %scan3A_541 : i32 to index
      %get3A_663 = arith.constant 112 : index
      %get3A_664 = tpu.vector_load %arg22[%get3A_662, %get3A_663] {strides = array<i32>} : memref<40x128xf32, #tpu.memory_space<vmem>>, vector<1x16xf32>,
      %get3A_665 = vector.shape_cast %get3A_664 : vector<1x16xf32> to vector<16xf32>
      %add3A_666 = arith.addf %get3A_661, %get3A_665 : vector<16xf32>
      %max3A_667 = arith.constant 0.000000e+00 : f32
      %max3A_668 = vector.broadcast %max3A_667 : f32 to vector<16xf32>
      %max3A_669 = arith.maximumf %add3A_666, %max3A_668 : vector<16xf32>
      %swap3A_670 = arith.index_cast %scan3A_541 : i32 to index
      %swap3A_671 = arith.constant 112 : index
      %swap3A_672 = tpu.vector_load %arg22[%swap3A_670, %swap3A_671] {strides = array<i32>} : memref<40x128xf32, #tpu.memory_space<vmem>>, vector<1x16xf32>,
      %swap3A_673 = vector.shape_cast %swap3A_672 : vector<1x16xf32> to vector<16xf32>
      %swap3A_674 = vector.shape_cast %max3A_669 : vector<16xf32> to vector<1x16xf32>
      tpu.vector_store %arg22[%swap3A_670, %swap3A_671], %swap3A_674 {strides = array<i32>} : memref<40x128xf32, #tpu.memory_space<vmem>>, vector<1x16xf32>,
    }
    %scan3A_193 = arith.constant 40 : i32
    %dma_start3A_194 = arith.constant 0 : i32
    %dma_start3A_195 = arith.constant 0 : i32
    %dma_start3A_196 = tpu.memref_slice %arg54[%dma_start3A_194, %dma_start3A_195] : memref<10240x128xf32, #tpu.memory_space<vmem_shared>> -> memref<10240x128xf32, #tpu.memory_space<vmem_shared>>
    tpu.enqueue_indirect_dma source(%arg22 : memref<40x128xf32, #tpu.memory_space<vmem>>) target(%dma_start3A_196 : memref<10240x128xf32, #tpu.memory_space<vmem_shared>>) offsets(%arg13 : memref<40xi32, #tpu.memory_space<vmem>>) semaphore(%arg49 : memref<!tpu.dma_semaphore, #tpu.memory_space<semaphore_mem>>) {add = true}
    %add3A_197 = arith.constant 120 : i32
    %add3A_198 = arith.addi %mul3A_2, %add3A_197 : i32
    %dma_wait3A_199 = arith.constant 0 : i32
    %dma_wait3A_200 = tpu.memref_slice %arg3[%dma_wait3A_199] : memref<640000xi32, #tpu.memory_space<hbm>> -> memref<40xi32, #tpu.memory_space<hbm>>
    %dma_wait3A_201 = arith.constant 0 : i32
    %dma_wait3A_202 = tpu.memref_slice %arg3[%dma_wait3A_201] : memref<640000xi32, #tpu.memory_space<hbm>> -> memref<40xi32, #tpu.memory_space<hbm>>
    tpu.wait_dma2 semaphore(%arg30 : memref<!tpu.dma_semaphore, #tpu.memory_space<semaphore_mem>>) src(%dma_wait3A_202 : memref<40xi32, #tpu.memory_space<hbm>>) dst(%arg9 : memref<40xi32, #tpu.memory_space<vmem>>)
    %dma_wait3A_203 = arith.constant 0 : i32
    %dma_wait3A_204 = tpu.memref_slice %arg3[%dma_wait3A_203] : memref<640000xi32, #tpu.memory_space<hbm>> -> memref<40xi32, #tpu.memory_space<hbm>>
    %dma_wait3A_205 = arith.constant 0 : i32
    %dma_wait3A_206 = tpu.memref_slice %arg3[%dma_wait3A_205] : memref<640000xi32, #tpu.memory_space<hbm>> -> memref<40xi32, #tpu.memory_space<hbm>>
    tpu.wait_dma2 semaphore(%arg36 : memref<!tpu.dma_semaphore, #tpu.memory_space<semaphore_mem>>) src(%dma_wait3A_206 : memref<40xi32, #tpu.memory_space<hbm>>) dst(%arg15 : memref<40xi32, #tpu.memory_space<vmem>>)
    %dma_start3A_207 = arith.constant 0 : i32
    %dma_start3A_208 = arith.constant 0 : i32
    %dma_start3A_209 = tpu.memref_slice %arg2[%dma_start3A_207, %dma_start3A_208] : memref<10000x128xf32, #tpu.memory_space<hbm>> -> memref<10000x128xf32, #tpu.memory_space<hbm>>
    tpu.enqueue_indirect_dma source(%dma_start3A_209 : memref<10000x128xf32, #tpu.memory_space<hbm>>) target(%arg18 : memref<40x128xf32, #tpu.memory_space<vmem>>) offsets(%arg9 : memref<40xi32, #tpu.memory_space<vmem>>) semaphore(%arg39 : memref<!tpu.dma_semaphore, #tpu.memory_space<semaphore_mem>>)
    %dma_start3A_210 = arith.constant 0 : i32
    %dma_start3A_211 = tpu.memref_slice %arg4[%add3A_198, %dma_start3A_210] : memref<320000x128xf32, #tpu.memory_space<hbm>> -> memref<40x128xf32, #tpu.memory_space<hbm>>
    %dma_start3A_212 = arith.constant 0 : i32
    %dma_start3A_213 = tpu.memref_slice %arg4[%add3A_198, %dma_start3A_212] : memref<320000x128xf32, #tpu.memory_space<hbm>> -> memref<40x128xf32, #tpu.memory_space<hbm>>
    tpu.enqueue_dma source(%dma_start3A_213 : memref<40x128xf32, #tpu.memory_space<hbm>>) target(%arg24 : memref<40x128xf32, #tpu.memory_space<vmem>>) target_semaphore(%arg45 : memref<!tpu.dma_semaphore, #tpu.memory_space<semaphore_mem>>)
    %add3A_214 = arith.constant 200 : i32
    %add3A_215 = arith.addi %mul3A_2, %add3A_214 : i32
    %dma_start3A_216 = tpu.memref_slice %arg3[%add3A_215] : memref<640000xi32, #tpu.memory_space<hbm>> -> memref<40xi32, #tpu.memory_space<hbm>>
    %dma_start3A_217 = tpu.memref_slice %arg3[%add3A_215] : memref<640000xi32, #tpu.memory_space<hbm>> -> memref<40xi32, #tpu.memory_space<hbm>>
    tpu.enqueue_dma source(%dma_start3A_217 : memref<40xi32, #tpu.memory_space<hbm>>) target(%arg11 : memref<40xi32, #tpu.memory_space<vmem>>) target_semaphore(%arg32 : memref<!tpu.dma_semaphore, #tpu.memory_space<semaphore_mem>>)
    %add3A_218 = arith.constant 320000 : i32
    %add3A_219 = arith.addi %add3A_218, %add3A_215 : i32
    %dma_start3A_220 = tpu.memref_slice %arg3[%add3A_219] : memref<640000xi32, #tpu.memory_space<hbm>> -> memref<40xi32, #tpu.memory_space<hbm>>
    %dma_start3A_221 = tpu.memref_slice %arg3[%add3A_219] : memref<640000xi32, #tpu.memory_space<hbm>> -> memref<40xi32, #tpu.memory_space<hbm>>
    tpu.enqueue_dma source(%dma_start3A_221 : memref<40xi32, #tpu.memory_space<hbm>>) target(%arg17 : memref<40xi32, #tpu.memory_space<vmem>>) target_semaphore(%arg38 : memref<!tpu.dma_semaphore, #tpu.memory_space<semaphore_mem>>)
    %dma_wait3A_222 = arith.constant 0 : i32
    %dma_wait3A_223 = arith.constant 0 : i32
    %dma_wait3A_224 = tpu.memref_slice %arg2[%dma_wait3A_222, %dma_wait3A_223] : memref<10000x128xf32, #tpu.memory_space<hbm>> -> memref<10000x128xf32, #tpu.memory_space<hbm>>
    tpu.wait_indirect_dma semaphore(%arg41 : memref<!tpu.dma_semaphore, #tpu.memory_space<semaphore_mem>>) src(%dma_wait3A_224 : memref<10000x128xf32, #tpu.memory_space<hbm>>) dst(%arg20 : memref<40x128xf32, #tpu.memory_space<vmem>>)
    %dma_wait3A_225 = arith.constant 0 : i32
    %dma_wait3A_226 = arith.constant 0 : i32
    %dma_wait3A_227 = tpu.memref_slice %arg4[%dma_wait3A_225, %dma_wait3A_226] : memref<320000x128xf32, #tpu.memory_space<hbm>> -> memref<40x128xf32, #tpu.memory_space<hbm>>
    %dma_wait3A_228 = arith.constant 0 : i32
    %dma_wait3A_229 = arith.constant 0 : i32
    %dma_wait3A_230 = tpu.memref_slice %arg4[%dma_wait3A_228, %dma_wait3A_229] : memref<320000x128xf32, #tpu.memory_space<hbm>> -> memref<40x128xf32, #tpu.memory_space<hbm>>
    tpu.wait_dma2 semaphore(%arg44 : memref<!tpu.dma_semaphore, #tpu.memory_space<semaphore_mem>>) src(%dma_wait3A_230 : memref<40x128xf32, #tpu.memory_space<hbm>>) dst(%arg23 : memref<40x128xf32, #tpu.memory_space<vmem>>)
    %scan3A_231 = arith.constant 0 : i32
    %scan3A_232 = arith.constant 0 : i32
    %scan3A_233 = arith.constant 40 : i32
    %scan3A_234 = arith.addi %scan3A_232, %scan3A_233 : i32
    %scan3A_235 = arith.constant 1 : i32
    scf.for %scan3A_541 = %scan3A_232 to %scan3A_234 step %scan3A_235  : i32 {
      %get3A = arith.index_cast %scan3A_541 : i32 to index
      %get3A_542 = arith.constant 0 : index
      %get3A_543 = tpu.vector_load %arg20[%get3A, %get3A_542] {strides = array<i32>} : memref<40x128xf32, #tpu.memory_space<vmem>>, vector<1x16xf32>,
      %get3A_544 = vector.shape_cast %get3A_543 : vector<1x16xf32> to vector<16xf32>
      %get3A_545 = arith.index_cast %scan3A_541 : i32 to index
      %get3A_546 = arith.constant 0 : index
      %get3A_547 = tpu.vector_load %arg23[%get3A_545, %get3A_546] {strides = array<i32>} : memref<40x128xf32, #tpu.memory_space<vmem>>, vector<1x16xf32>,
      %get3A_548 = vector.shape_cast %get3A_547 : vector<1x16xf32> to vector<16xf32>
      %add3A_549 = arith.addf %get3A_544, %get3A_548 : vector<16xf32>
      %max3A = arith.constant 0.000000e+00 : f32
      %max3A_550 = vector.broadcast %max3A : f32 to vector<16xf32>
      %max3A_551 = arith.maximumf %add3A_549, %max3A_550 : vector<16xf32>
      %swap3A = arith.index_cast %scan3A_541 : i32 to index
      %swap3A_552 = arith.constant 0 : index
      %swap3A_553 = tpu.vector_load %arg23[%swap3A, %swap3A_552] {strides = array<i32>} : memref<40x128xf32, #tpu.memory_space<vmem>>, vector<1x16xf32>,
      %swap3A_554 = vector.shape_cast %swap3A_553 : vector<1x16xf32> to vector<16xf32>
      %swap3A_555 = vector.shape_cast %max3A_551 : vector<16xf32> to vector<1x16xf32>
      tpu.vector_store %arg23[%swap3A, %swap3A_552], %swap3A_555 {strides = array<i32>} : memref<40x128xf32, #tpu.memory_space<vmem>>, vector<1x16xf32>,
      %get3A_556 = arith.index_cast %scan3A_541 : i32 to index
      %get3A_557 = arith.constant 16 : index
      %get3A_558 = tpu.vector_load %arg20[%get3A_556, %get3A_557] {strides = array<i32>} : memref<40x128xf32, #tpu.memory_space<vmem>>, vector<1x16xf32>,
      %get3A_559 = vector.shape_cast %get3A_558 : vector<1x16xf32> to vector<16xf32>
      %get3A_560 = arith.index_cast %scan3A_541 : i32 to index
      %get3A_561 = arith.constant 16 : index
      %get3A_562 = tpu.vector_load %arg23[%get3A_560, %get3A_561] {strides = array<i32>} : memref<40x128xf32, #tpu.memory_space<vmem>>, vector<1x16xf32>,
      %get3A_563 = vector.shape_cast %get3A_562 : vector<1x16xf32> to vector<16xf32>
      %add3A_564 = arith.addf %get3A_559, %get3A_563 : vector<16xf32>
      %max3A_565 = arith.constant 0.000000e+00 : f32
      %max3A_566 = vector.broadcast %max3A_565 : f32 to vector<16xf32>
      %max3A_567 = arith.maximumf %add3A_564, %max3A_566 : vector<16xf32>
      %swap3A_568 = arith.index_cast %scan3A_541 : i32 to index
      %swap3A_569 = arith.constant 16 : index
      %swap3A_570 = tpu.vector_load %arg23[%swap3A_568, %swap3A_569] {strides = array<i32>} : memref<40x128xf32, #tpu.memory_space<vmem>>, vector<1x16xf32>,
      %swap3A_571 = vector.shape_cast %swap3A_570 : vector<1x16xf32> to vector<16xf32>
      %swap3A_572 = vector.shape_cast %max3A_567 : vector<16xf32> to vector<1x16xf32>
      tpu.vector_store %arg23[%swap3A_568, %swap3A_569], %swap3A_572 {strides = array<i32>} : memref<40x128xf32, #tpu.memory_space<vmem>>, vector<1x16xf32>,
      %get3A_573 = arith.index_cast %scan3A_541 : i32 to index
      %get3A_574 = arith.constant 32 : index
      %get3A_575 = tpu.vector_load %arg20[%get3A_573, %get3A_574] {strides = array<i32>} : memref<40x128xf32, #tpu.memory_space<vmem>>, vector<1x16xf32>,
      %get3A_576 = vector.shape_cast %get3A_575 : vector<1x16xf32> to vector<16xf32>
      %get3A_577 = arith.index_cast %scan3A_541 : i32 to index
      %get3A_578 = arith.constant 32 : index
      %get3A_579 = tpu.vector_load %arg23[%get3A_577, %get3A_578] {strides = array<i32>} : memref<40x128xf32, #tpu.memory_space<vmem>>, vector<1x16xf32>,
      %get3A_580 = vector.shape_cast %get3A_579 : vector<1x16xf32> to vector<16xf32>
      %add3A_581 = arith.addf %get3A_576, %get3A_580 : vector<16xf32>
      %max3A_582 = arith.constant 0.000000e+00 : f32
      %max3A_583 = vector.broadcast %max3A_582 : f32 to vector<16xf32>
      %max3A_584 = arith.maximumf %add3A_581, %max3A_583 : vector<16xf32>
      %swap3A_585 = arith.index_cast %scan3A_541 : i32 to index
      %swap3A_586 = arith.constant 32 : index
      %swap3A_587 = tpu.vector_load %arg23[%swap3A_585, %swap3A_586] {strides = array<i32>} : memref<40x128xf32, #tpu.memory_space<vmem>>, vector<1x16xf32>,
      %swap3A_588 = vector.shape_cast %swap3A_587 : vector<1x16xf32> to vector<16xf32>
      %swap3A_589 = vector.shape_cast %max3A_584 : vector<16xf32> to vector<1x16xf32>
      tpu.vector_store %arg23[%swap3A_585, %swap3A_586], %swap3A_589 {strides = array<i32>} : memref<40x128xf32, #tpu.memory_space<vmem>>, vector<1x16xf32>,
      %get3A_590 = arith.index_cast %scan3A_541 : i32 to index
      %get3A_591 = arith.constant 48 : index
      %get3A_592 = tpu.vector_load %arg20[%get3A_590, %get3A_591] {strides = array<i32>} : memref<40x128xf32, #tpu.memory_space<vmem>>, vector<1x16xf32>,
      %get3A_593 = vector.shape_cast %get3A_592 : vector<1x16xf32> to vector<16xf32>
      %get3A_594 = arith.index_cast %scan3A_541 : i32 to index
      %get3A_595 = arith.constant 48 : index
      %get3A_596 = tpu.vector_load %arg23[%get3A_594, %get3A_595] {strides = array<i32>} : memref<40x128xf32, #tpu.memory_space<vmem>>, vector<1x16xf32>,
      %get3A_597 = vector.shape_cast %get3A_596 : vector<1x16xf32> to vector<16xf32>
      %add3A_598 = arith.addf %get3A_593, %get3A_597 : vector<16xf32>
      %max3A_599 = arith.constant 0.000000e+00 : f32
      %max3A_600 = vector.broadcast %max3A_599 : f32 to vector<16xf32>
      %max3A_601 = arith.maximumf %add3A_598, %max3A_600 : vector<16xf32>
      %swap3A_602 = arith.index_cast %scan3A_541 : i32 to index
      %swap3A_603 = arith.constant 48 : index
      %swap3A_604 = tpu.vector_load %arg23[%swap3A_602, %swap3A_603] {strides = array<i32>} : memref<40x128xf32, #tpu.memory_space<vmem>>, vector<1x16xf32>,
      %swap3A_605 = vector.shape_cast %swap3A_604 : vector<1x16xf32> to vector<16xf32>
      %swap3A_606 = vector.shape_cast %max3A_601 : vector<16xf32> to vector<1x16xf32>
      tpu.vector_store %arg23[%swap3A_602, %swap3A_603], %swap3A_606 {strides = array<i32>} : memref<40x128xf32, #tpu.memory_space<vmem>>, vector<1x16xf32>,
      %get3A_607 = arith.index_cast %scan3A_541 : i32 to index
      %get3A_608 = arith.constant 64 : index
      %get3A_609 = tpu.vector_load %arg20[%get3A_607, %get3A_608] {strides = array<i32>} : memref<40x128xf32, #tpu.memory_space<vmem>>, vector<1x16xf32>,
      %get3A_610 = vector.shape_cast %get3A_609 : vector<1x16xf32> to vector<16xf32>
      %get3A_611 = arith.index_cast %scan3A_541 : i32 to index
      %get3A_612 = arith.constant 64 : index
      %get3A_613 = tpu.vector_load %arg23[%get3A_611, %get3A_612] {strides = array<i32>} : memref<40x128xf32, #tpu.memory_space<vmem>>, vector<1x16xf32>,
      %get3A_614 = vector.shape_cast %get3A_613 : vector<1x16xf32> to vector<16xf32>
      %add3A_615 = arith.addf %get3A_610, %get3A_614 : vector<16xf32>
      %max3A_616 = arith.constant 0.000000e+00 : f32
      %max3A_617 = vector.broadcast %max3A_616 : f32 to vector<16xf32>
      %max3A_618 = arith.maximumf %add3A_615, %max3A_617 : vector<16xf32>
      %swap3A_619 = arith.index_cast %scan3A_541 : i32 to index
      %swap3A_620 = arith.constant 64 : index
      %swap3A_621 = tpu.vector_load %arg23[%swap3A_619, %swap3A_620] {strides = array<i32>} : memref<40x128xf32, #tpu.memory_space<vmem>>, vector<1x16xf32>,
      %swap3A_622 = vector.shape_cast %swap3A_621 : vector<1x16xf32> to vector<16xf32>
      %swap3A_623 = vector.shape_cast %max3A_618 : vector<16xf32> to vector<1x16xf32>
      tpu.vector_store %arg23[%swap3A_619, %swap3A_620], %swap3A_623 {strides = array<i32>} : memref<40x128xf32, #tpu.memory_space<vmem>>, vector<1x16xf32>,
      %get3A_624 = arith.index_cast %scan3A_541 : i32 to index
      %get3A_625 = arith.constant 80 : index
      %get3A_626 = tpu.vector_load %arg20[%get3A_624, %get3A_625] {strides = array<i32>} : memref<40x128xf32, #tpu.memory_space<vmem>>, vector<1x16xf32>,
      %get3A_627 = vector.shape_cast %get3A_626 : vector<1x16xf32> to vector<16xf32>
      %get3A_628 = arith.index_cast %scan3A_541 : i32 to index
      %get3A_629 = arith.constant 80 : index
      %get3A_630 = tpu.vector_load %arg23[%get3A_628, %get3A_629] {strides = array<i32>} : memref<40x128xf32, #tpu.memory_space<vmem>>, vector<1x16xf32>,
      %get3A_631 = vector.shape_cast %get3A_630 : vector<1x16xf32> to vector<16xf32>
      %add3A_632 = arith.addf %get3A_627, %get3A_631 : vector<16xf32>
      %max3A_633 = arith.constant 0.000000e+00 : f32
      %max3A_634 = vector.broadcast %max3A_633 : f32 to vector<16xf32>
      %max3A_635 = arith.maximumf %add3A_632, %max3A_634 : vector<16xf32>
      %swap3A_636 = arith.index_cast %scan3A_541 : i32 to index
      %swap3A_637 = arith.constant 80 : index
      %swap3A_638 = tpu.vector_load %arg23[%swap3A_636, %swap3A_637] {strides = array<i32>} : memref<40x128xf32, #tpu.memory_space<vmem>>, vector<1x16xf32>,
      %swap3A_639 = vector.shape_cast %swap3A_638 : vector<1x16xf32> to vector<16xf32>
      %swap3A_640 = vector.shape_cast %max3A_635 : vector<16xf32> to vector<1x16xf32>
      tpu.vector_store %arg23[%swap3A_636, %swap3A_637], %swap3A_640 {strides = array<i32>} : memref<40x128xf32, #tpu.memory_space<vmem>>, vector<1x16xf32>,
      %get3A_641 = arith.index_cast %scan3A_541 : i32 to index
      %get3A_642 = arith.constant 96 : index
      %get3A_643 = tpu.vector_load %arg20[%get3A_641, %get3A_642] {strides = array<i32>} : memref<40x128xf32, #tpu.memory_space<vmem>>, vector<1x16xf32>,
      %get3A_644 = vector.shape_cast %get3A_643 : vector<1x16xf32> to vector<16xf32>
      %get3A_645 = arith.index_cast %scan3A_541 : i32 to index
      %get3A_646 = arith.constant 96 : index
      %get3A_647 = tpu.vector_load %arg23[%get3A_645, %get3A_646] {strides = array<i32>} : memref<40x128xf32, #tpu.memory_space<vmem>>, vector<1x16xf32>,
      %get3A_648 = vector.shape_cast %get3A_647 : vector<1x16xf32> to vector<16xf32>
      %add3A_649 = arith.addf %get3A_644, %get3A_648 : vector<16xf32>
      %max3A_650 = arith.constant 0.000000e+00 : f32
      %max3A_651 = vector.broadcast %max3A_650 : f32 to vector<16xf32>
      %max3A_652 = arith.maximumf %add3A_649, %max3A_651 : vector<16xf32>
      %swap3A_653 = arith.index_cast %scan3A_541 : i32 to index
      %swap3A_654 = arith.constant 96 : index
      %swap3A_655 = tpu.vector_load %arg23[%swap3A_653, %swap3A_654] {strides = array<i32>} : memref<40x128xf32, #tpu.memory_space<vmem>>, vector<1x16xf32>,
      %swap3A_656 = vector.shape_cast %swap3A_655 : vector<1x16xf32> to vector<16xf32>
      %swap3A_657 = vector.shape_cast %max3A_652 : vector<16xf32> to vector<1x16xf32>
      tpu.vector_store %arg23[%swap3A_653, %swap3A_654], %swap3A_657 {strides = array<i32>} : memref<40x128xf32, #tpu.memory_space<vmem>>, vector<1x16xf32>,
      %get3A_658 = arith.index_cast %scan3A_541 : i32 to index
      %get3A_659 = arith.constant 112 : index
      %get3A_660 = tpu.vector_load %arg20[%get3A_658, %get3A_659] {strides = array<i32>} : memref<40x128xf32, #tpu.memory_space<vmem>>, vector<1x16xf32>,
      %get3A_661 = vector.shape_cast %get3A_660 : vector<1x16xf32> to vector<16xf32>
      %get3A_662 = arith.index_cast %scan3A_541 : i32 to index
      %get3A_663 = arith.constant 112 : index
      %get3A_664 = tpu.vector_load %arg23[%get3A_662, %get3A_663] {strides = array<i32>} : memref<40x128xf32, #tpu.memory_space<vmem>>, vector<1x16xf32>,
      %get3A_665 = vector.shape_cast %get3A_664 : vector<1x16xf32> to vector<16xf32>
      %add3A_666 = arith.addf %get3A_661, %get3A_665 : vector<16xf32>
      %max3A_667 = arith.constant 0.000000e+00 : f32
      %max3A_668 = vector.broadcast %max3A_667 : f32 to vector<16xf32>
      %max3A_669 = arith.maximumf %add3A_666, %max3A_668 : vector<16xf32>
      %swap3A_670 = arith.index_cast %scan3A_541 : i32 to index
      %swap3A_671 = arith.constant 112 : index
      %swap3A_672 = tpu.vector_load %arg23[%swap3A_670, %swap3A_671] {strides = array<i32>} : memref<40x128xf32, #tpu.memory_space<vmem>>, vector<1x16xf32>,
      %swap3A_673 = vector.shape_cast %swap3A_672 : vector<1x16xf32> to vector<16xf32>
      %swap3A_674 = vector.shape_cast %max3A_669 : vector<16xf32> to vector<1x16xf32>
      tpu.vector_store %arg23[%swap3A_670, %swap3A_671], %swap3A_674 {strides = array<i32>} : memref<40x128xf32, #tpu.memory_space<vmem>>, vector<1x16xf32>,
    }
    %scan3A_236 = arith.constant 40 : i32
    %dma_start3A_237 = arith.constant 0 : i32
    %dma_start3A_238 = arith.constant 0 : i32
    %dma_start3A_239 = tpu.memref_slice %arg54[%dma_start3A_237, %dma_start3A_238] : memref<10240x128xf32, #tpu.memory_space<vmem_shared>> -> memref<10240x128xf32, #tpu.memory_space<vmem_shared>>
    tpu.enqueue_indirect_dma source(%arg23 : memref<40x128xf32, #tpu.memory_space<vmem>>) target(%dma_start3A_239 : memref<10240x128xf32, #tpu.memory_space<vmem_shared>>) offsets(%arg14 : memref<40xi32, #tpu.memory_space<vmem>>) semaphore(%arg50 : memref<!tpu.dma_semaphore, #tpu.memory_space<semaphore_mem>>) {add = true}
    %dma_wait3A_240 = arith.constant 0 : i32
    %dma_wait3A_241 = arith.constant 0 : i32
    %dma_wait3A_242 = tpu.memref_slice %arg54[%dma_wait3A_240, %dma_wait3A_241] : memref<10240x128xf32, #tpu.memory_space<vmem_shared>> -> memref<10240x128xf32, #tpu.memory_space<vmem_shared>>
    tpu.wait_indirect_dma semaphore(%arg48 : memref<!tpu.dma_semaphore, #tpu.memory_space<semaphore_mem>>) src(%arg21 : memref<40x128xf32, #tpu.memory_space<vmem>>) dst(%dma_wait3A_242 : memref<10240x128xf32, #tpu.memory_space<vmem_shared>>)
    %add3A_243 = arith.constant 160 : i32
    %add3A_244 = arith.addi %mul3A_2, %add3A_243 : i32
    %dma_wait3A_245 = arith.constant 0 : i32
    %dma_wait3A_246 = tpu.memref_slice %arg3[%dma_wait3A_245] : memref<640000xi32, #tpu.memory_space<hbm>> -> memref<40xi32, #tpu.memory_space<hbm>>
    %dma_wait3A_247 = arith.constant 0 : i32
    %dma_wait3A_248 = tpu.memref_slice %arg3[%dma_wait3A_247] : memref<640000xi32, #tpu.memory_space<hbm>> -> memref<40xi32, #tpu.memory_space<hbm>>
    tpu.wait_dma2 semaphore(%arg31 : memref<!tpu.dma_semaphore, #tpu.memory_space<semaphore_mem>>) src(%dma_wait3A_248 : memref<40xi32, #tpu.memory_space<hbm>>) dst(%arg10 : memref<40xi32, #tpu.memory_space<vmem>>)
    %dma_wait3A_249 = arith.constant 0 : i32
    %dma_wait3A_250 = tpu.memref_slice %arg3[%dma_wait3A_249] : memref<640000xi32, #tpu.memory_space<hbm>> -> memref<40xi32, #tpu.memory_space<hbm>>
    %dma_wait3A_251 = arith.constant 0 : i32
    %dma_wait3A_252 = tpu.memref_slice %arg3[%dma_wait3A_251] : memref<640000xi32, #tpu.memory_space<hbm>> -> memref<40xi32, #tpu.memory_space<hbm>>
    tpu.wait_dma2 semaphore(%arg37 : memref<!tpu.dma_semaphore, #tpu.memory_space<semaphore_mem>>) src(%dma_wait3A_252 : memref<40xi32, #tpu.memory_space<hbm>>) dst(%arg16 : memref<40xi32, #tpu.memory_space<vmem>>)
    %dma_start3A_253 = arith.constant 0 : i32
    %dma_start3A_254 = arith.constant 0 : i32
    %dma_start3A_255 = tpu.memref_slice %arg2[%dma_start3A_253, %dma_start3A_254] : memref<10000x128xf32, #tpu.memory_space<hbm>> -> memref<10000x128xf32, #tpu.memory_space<hbm>>
    tpu.enqueue_indirect_dma source(%dma_start3A_255 : memref<10000x128xf32, #tpu.memory_space<hbm>>) target(%arg19 : memref<40x128xf32, #tpu.memory_space<vmem>>) offsets(%arg10 : memref<40xi32, #tpu.memory_space<vmem>>) semaphore(%arg40 : memref<!tpu.dma_semaphore, #tpu.memory_space<semaphore_mem>>)
    %dma_start3A_256 = arith.constant 0 : i32
    %dma_start3A_257 = tpu.memref_slice %arg4[%add3A_244, %dma_start3A_256] : memref<320000x128xf32, #tpu.memory_space<hbm>> -> memref<40x128xf32, #tpu.memory_space<hbm>>
    %dma_start3A_258 = arith.constant 0 : i32
    %dma_start3A_259 = tpu.memref_slice %arg4[%add3A_244, %dma_start3A_258] : memref<320000x128xf32, #tpu.memory_space<hbm>> -> memref<40x128xf32, #tpu.memory_space<hbm>>
    tpu.enqueue_dma source(%dma_start3A_259 : memref<40x128xf32, #tpu.memory_space<hbm>>) target(%arg25 : memref<40x128xf32, #tpu.memory_space<vmem>>) target_semaphore(%arg46 : memref<!tpu.dma_semaphore, #tpu.memory_space<semaphore_mem>>)
    %add3A_260 = arith.constant 240 : i32
    %add3A_261 = arith.addi %mul3A_2, %add3A_260 : i32
    %dma_start3A_262 = tpu.memref_slice %arg3[%add3A_261] : memref<640000xi32, #tpu.memory_space<hbm>> -> memref<40xi32, #tpu.memory_space<hbm>>
    %dma_start3A_263 = tpu.memref_slice %arg3[%add3A_261] : memref<640000xi32, #tpu.memory_space<hbm>> -> memref<40xi32, #tpu.memory_space<hbm>>
    tpu.enqueue_dma source(%dma_start3A_263 : memref<40xi32, #tpu.memory_space<hbm>>) target(%arg6 : memref<40xi32, #tpu.memory_space<vmem>>) target_semaphore(%arg27 : memref<!tpu.dma_semaphore, #tpu.memory_space<semaphore_mem>>)
    %add3A_264 = arith.constant 320000 : i32
    %add3A_265 = arith.addi %add3A_264, %add3A_261 : i32
    %dma_start3A_266 = tpu.memref_slice %arg3[%add3A_265] : memref<640000xi32, #tpu.memory_space<hbm>> -> memref<40xi32, #tpu.memory_space<hbm>>
    %dma_start3A_267 = tpu.memref_slice %arg3[%add3A_265] : memref<640000xi32, #tpu.memory_space<hbm>> -> memref<40xi32, #tpu.memory_space<hbm>>
    tpu.enqueue_dma source(%dma_start3A_267 : memref<40xi32, #tpu.memory_space<hbm>>) target(%arg12 : memref<40xi32, #tpu.memory_space<vmem>>) target_semaphore(%arg33 : memref<!tpu.dma_semaphore, #tpu.memory_space<semaphore_mem>>)
    %dma_wait3A_268 = arith.constant 0 : i32
    %dma_wait3A_269 = arith.constant 0 : i32
    %dma_wait3A_270 = tpu.memref_slice %arg2[%dma_wait3A_268, %dma_wait3A_269] : memref<10000x128xf32, #tpu.memory_space<hbm>> -> memref<10000x128xf32, #tpu.memory_space<hbm>>
    tpu.wait_indirect_dma semaphore(%arg39 : memref<!tpu.dma_semaphore, #tpu.memory_space<semaphore_mem>>) src(%dma_wait3A_270 : memref<10000x128xf32, #tpu.memory_space<hbm>>) dst(%arg18 : memref<40x128xf32, #tpu.memory_space<vmem>>)
    %dma_wait3A_271 = arith.constant 0 : i32
    %dma_wait3A_272 = arith.constant 0 : i32
    %dma_wait3A_273 = tpu.memref_slice %arg4[%dma_wait3A_271, %dma_wait3A_272] : memref<320000x128xf32, #tpu.memory_space<hbm>> -> memref<40x128xf32, #tpu.memory_space<hbm>>
    %dma_wait3A_274 = arith.constant 0 : i32
    %dma_wait3A_275 = arith.constant 0 : i32
    %dma_wait3A_276 = tpu.memref_slice %arg4[%dma_wait3A_274, %dma_wait3A_275] : memref<320000x128xf32, #tpu.memory_space<hbm>> -> memref<40x128xf32, #tpu.memory_space<hbm>>
    tpu.wait_dma2 semaphore(%arg45 : memref<!tpu.dma_semaphore, #tpu.memory_space<semaphore_mem>>) src(%dma_wait3A_276 : memref<40x128xf32, #tpu.memory_space<hbm>>) dst(%arg24 : memref<40x128xf32, #tpu.memory_space<vmem>>)
    %scan3A_277 = arith.constant 0 : i32
    %scan3A_278 = arith.constant 0 : i32
    %scan3A_279 = arith.constant 40 : i32
    %scan3A_280 = arith.addi %scan3A_278, %scan3A_279 : i32
    %scan3A_281 = arith.constant 1 : i32
    scf.for %scan3A_541 = %scan3A_278 to %scan3A_280 step %scan3A_281  : i32 {
      %get3A = arith.index_cast %scan3A_541 : i32 to index
      %get3A_542 = arith.constant 0 : index
      %get3A_543 = tpu.vector_load %arg18[%get3A, %get3A_542] {strides = array<i32>} : memref<40x128xf32, #tpu.memory_space<vmem>>, vector<1x16xf32>,
      %get3A_544 = vector.shape_cast %get3A_543 : vector<1x16xf32> to vector<16xf32>
      %get3A_545 = arith.index_cast %scan3A_541 : i32 to index
      %get3A_546 = arith.constant 0 : index
      %get3A_547 = tpu.vector_load %arg24[%get3A_545, %get3A_546] {strides = array<i32>} : memref<40x128xf32, #tpu.memory_space<vmem>>, vector<1x16xf32>,
      %get3A_548 = vector.shape_cast %get3A_547 : vector<1x16xf32> to vector<16xf32>
      %add3A_549 = arith.addf %get3A_544, %get3A_548 : vector<16xf32>
      %max3A = arith.constant 0.000000e+00 : f32
      %max3A_550 = vector.broadcast %max3A : f32 to vector<16xf32>
      %max3A_551 = arith.maximumf %add3A_549, %max3A_550 : vector<16xf32>
      %swap3A = arith.index_cast %scan3A_541 : i32 to index
      %swap3A_552 = arith.constant 0 : index
      %swap3A_553 = tpu.vector_load %arg24[%swap3A, %swap3A_552] {strides = array<i32>} : memref<40x128xf32, #tpu.memory_space<vmem>>, vector<1x16xf32>,
      %swap3A_554 = vector.shape_cast %swap3A_553 : vector<1x16xf32> to vector<16xf32>
      %swap3A_555 = vector.shape_cast %max3A_551 : vector<16xf32> to vector<1x16xf32>
      tpu.vector_store %arg24[%swap3A, %swap3A_552], %swap3A_555 {strides = array<i32>} : memref<40x128xf32, #tpu.memory_space<vmem>>, vector<1x16xf32>,
      %get3A_556 = arith.index_cast %scan3A_541 : i32 to index
      %get3A_557 = arith.constant 16 : index
      %get3A_558 = tpu.vector_load %arg18[%get3A_556, %get3A_557] {strides = array<i32>} : memref<40x128xf32, #tpu.memory_space<vmem>>, vector<1x16xf32>,
      %get3A_559 = vector.shape_cast %get3A_558 : vector<1x16xf32> to vector<16xf32>
      %get3A_560 = arith.index_cast %scan3A_541 : i32 to index
      %get3A_561 = arith.constant 16 : index
      %get3A_562 = tpu.vector_load %arg24[%get3A_560, %get3A_561] {strides = array<i32>} : memref<40x128xf32, #tpu.memory_space<vmem>>, vector<1x16xf32>,
      %get3A_563 = vector.shape_cast %get3A_562 : vector<1x16xf32> to vector<16xf32>
      %add3A_564 = arith.addf %get3A_559, %get3A_563 : vector<16xf32>
      %max3A_565 = arith.constant 0.000000e+00 : f32
      %max3A_566 = vector.broadcast %max3A_565 : f32 to vector<16xf32>
      %max3A_567 = arith.maximumf %add3A_564, %max3A_566 : vector<16xf32>
      %swap3A_568 = arith.index_cast %scan3A_541 : i32 to index
      %swap3A_569 = arith.constant 16 : index
      %swap3A_570 = tpu.vector_load %arg24[%swap3A_568, %swap3A_569] {strides = array<i32>} : memref<40x128xf32, #tpu.memory_space<vmem>>, vector<1x16xf32>,
      %swap3A_571 = vector.shape_cast %swap3A_570 : vector<1x16xf32> to vector<16xf32>
      %swap3A_572 = vector.shape_cast %max3A_567 : vector<16xf32> to vector<1x16xf32>
      tpu.vector_store %arg24[%swap3A_568, %swap3A_569], %swap3A_572 {strides = array<i32>} : memref<40x128xf32, #tpu.memory_space<vmem>>, vector<1x16xf32>,
      %get3A_573 = arith.index_cast %scan3A_541 : i32 to index
      %get3A_574 = arith.constant 32 : index
      %get3A_575 = tpu.vector_load %arg18[%get3A_573, %get3A_574] {strides = array<i32>} : memref<40x128xf32, #tpu.memory_space<vmem>>, vector<1x16xf32>,
      %get3A_576 = vector.shape_cast %get3A_575 : vector<1x16xf32> to vector<16xf32>
      %get3A_577 = arith.index_cast %scan3A_541 : i32 to index
      %get3A_578 = arith.constant 32 : index
      %get3A_579 = tpu.vector_load %arg24[%get3A_577, %get3A_578] {strides = array<i32>} : memref<40x128xf32, #tpu.memory_space<vmem>>, vector<1x16xf32>,
      %get3A_580 = vector.shape_cast %get3A_579 : vector<1x16xf32> to vector<16xf32>
      %add3A_581 = arith.addf %get3A_576, %get3A_580 : vector<16xf32>
      %max3A_582 = arith.constant 0.000000e+00 : f32
      %max3A_583 = vector.broadcast %max3A_582 : f32 to vector<16xf32>
      %max3A_584 = arith.maximumf %add3A_581, %max3A_583 : vector<16xf32>
      %swap3A_585 = arith.index_cast %scan3A_541 : i32 to index
      %swap3A_586 = arith.constant 32 : index
      %swap3A_587 = tpu.vector_load %arg24[%swap3A_585, %swap3A_586] {strides = array<i32>} : memref<40x128xf32, #tpu.memory_space<vmem>>, vector<1x16xf32>,
      %swap3A_588 = vector.shape_cast %swap3A_587 : vector<1x16xf32> to vector<16xf32>
      %swap3A_589 = vector.shape_cast %max3A_584 : vector<16xf32> to vector<1x16xf32>
      tpu.vector_store %arg24[%swap3A_585, %swap3A_586], %swap3A_589 {strides = array<i32>} : memref<40x128xf32, #tpu.memory_space<vmem>>, vector<1x16xf32>,
      %get3A_590 = arith.index_cast %scan3A_541 : i32 to index
      %get3A_591 = arith.constant 48 : index
      %get3A_592 = tpu.vector_load %arg18[%get3A_590, %get3A_591] {strides = array<i32>} : memref<40x128xf32, #tpu.memory_space<vmem>>, vector<1x16xf32>,
      %get3A_593 = vector.shape_cast %get3A_592 : vector<1x16xf32> to vector<16xf32>
      %get3A_594 = arith.index_cast %scan3A_541 : i32 to index
      %get3A_595 = arith.constant 48 : index
      %get3A_596 = tpu.vector_load %arg24[%get3A_594, %get3A_595] {strides = array<i32>} : memref<40x128xf32, #tpu.memory_space<vmem>>, vector<1x16xf32>,
      %get3A_597 = vector.shape_cast %get3A_596 : vector<1x16xf32> to vector<16xf32>
      %add3A_598 = arith.addf %get3A_593, %get3A_597 : vector<16xf32>
      %max3A_599 = arith.constant 0.000000e+00 : f32
      %max3A_600 = vector.broadcast %max3A_599 : f32 to vector<16xf32>
      %max3A_601 = arith.maximumf %add3A_598, %max3A_600 : vector<16xf32>
      %swap3A_602 = arith.index_cast %scan3A_541 : i32 to index
      %swap3A_603 = arith.constant 48 : index
      %swap3A_604 = tpu.vector_load %arg24[%swap3A_602, %swap3A_603] {strides = array<i32>} : memref<40x128xf32, #tpu.memory_space<vmem>>, vector<1x16xf32>,
      %swap3A_605 = vector.shape_cast %swap3A_604 : vector<1x16xf32> to vector<16xf32>
      %swap3A_606 = vector.shape_cast %max3A_601 : vector<16xf32> to vector<1x16xf32>
      tpu.vector_store %arg24[%swap3A_602, %swap3A_603], %swap3A_606 {strides = array<i32>} : memref<40x128xf32, #tpu.memory_space<vmem>>, vector<1x16xf32>,
      %get3A_607 = arith.index_cast %scan3A_541 : i32 to index
      %get3A_608 = arith.constant 64 : index
      %get3A_609 = tpu.vector_load %arg18[%get3A_607, %get3A_608] {strides = array<i32>} : memref<40x128xf32, #tpu.memory_space<vmem>>, vector<1x16xf32>,
      %get3A_610 = vector.shape_cast %get3A_609 : vector<1x16xf32> to vector<16xf32>
      %get3A_611 = arith.index_cast %scan3A_541 : i32 to index
      %get3A_612 = arith.constant 64 : index
      %get3A_613 = tpu.vector_load %arg24[%get3A_611, %get3A_612] {strides = array<i32>} : memref<40x128xf32, #tpu.memory_space<vmem>>, vector<1x16xf32>,
      %get3A_614 = vector.shape_cast %get3A_613 : vector<1x16xf32> to vector<16xf32>
      %add3A_615 = arith.addf %get3A_610, %get3A_614 : vector<16xf32>
      %max3A_616 = arith.constant 0.000000e+00 : f32
      %max3A_617 = vector.broadcast %max3A_616 : f32 to vector<16xf32>
      %max3A_618 = arith.maximumf %add3A_615, %max3A_617 : vector<16xf32>
      %swap3A_619 = arith.index_cast %scan3A_541 : i32 to index
      %swap3A_620 = arith.constant 64 : index
      %swap3A_621 = tpu.vector_load %arg24[%swap3A_619, %swap3A_620] {strides = array<i32>} : memref<40x128xf32, #tpu.memory_space<vmem>>, vector<1x16xf32>,
      %swap3A_622 = vector.shape_cast %swap3A_621 : vector<1x16xf32> to vector<16xf32>
      %swap3A_623 = vector.shape_cast %max3A_618 : vector<16xf32> to vector<1x16xf32>
      tpu.vector_store %arg24[%swap3A_619, %swap3A_620], %swap3A_623 {strides = array<i32>} : memref<40x128xf32, #tpu.memory_space<vmem>>, vector<1x16xf32>,
      %get3A_624 = arith.index_cast %scan3A_541 : i32 to index
      %get3A_625 = arith.constant 80 : index
      %get3A_626 = tpu.vector_load %arg18[%get3A_624, %get3A_625] {strides = array<i32>} : memref<40x128xf32, #tpu.memory_space<vmem>>, vector<1x16xf32>,
      %get3A_627 = vector.shape_cast %get3A_626 : vector<1x16xf32> to vector<16xf32>
      %get3A_628 = arith.index_cast %scan3A_541 : i32 to index
      %get3A_629 = arith.constant 80 : index
      %get3A_630 = tpu.vector_load %arg24[%get3A_628, %get3A_629] {strides = array<i32>} : memref<40x128xf32, #tpu.memory_space<vmem>>, vector<1x16xf32>,
      %get3A_631 = vector.shape_cast %get3A_630 : vector<1x16xf32> to vector<16xf32>
      %add3A_632 = arith.addf %get3A_627, %get3A_631 : vector<16xf32>
      %max3A_633 = arith.constant 0.000000e+00 : f32
      %max3A_634 = vector.broadcast %max3A_633 : f32 to vector<16xf32>
      %max3A_635 = arith.maximumf %add3A_632, %max3A_634 : vector<16xf32>
      %swap3A_636 = arith.index_cast %scan3A_541 : i32 to index
      %swap3A_637 = arith.constant 80 : index
      %swap3A_638 = tpu.vector_load %arg24[%swap3A_636, %swap3A_637] {strides = array<i32>} : memref<40x128xf32, #tpu.memory_space<vmem>>, vector<1x16xf32>,
      %swap3A_639 = vector.shape_cast %swap3A_638 : vector<1x16xf32> to vector<16xf32>
      %swap3A_640 = vector.shape_cast %max3A_635 : vector<16xf32> to vector<1x16xf32>
      tpu.vector_store %arg24[%swap3A_636, %swap3A_637], %swap3A_640 {strides = array<i32>} : memref<40x128xf32, #tpu.memory_space<vmem>>, vector<1x16xf32>,
      %get3A_641 = arith.index_cast %scan3A_541 : i32 to index
      %get3A_642 = arith.constant 96 : index
      %get3A_643 = tpu.vector_load %arg18[%get3A_641, %get3A_642] {strides = array<i32>} : memref<40x128xf32, #tpu.memory_space<vmem>>, vector<1x16xf32>,
      %get3A_644 = vector.shape_cast %get3A_643 : vector<1x16xf32> to vector<16xf32>
      %get3A_645 = arith.index_cast %scan3A_541 : i32 to index
      %get3A_646 = arith.constant 96 : index
      %get3A_647 = tpu.vector_load %arg24[%get3A_645, %get3A_646] {strides = array<i32>} : memref<40x128xf32, #tpu.memory_space<vmem>>, vector<1x16xf32>,
      %get3A_648 = vector.shape_cast %get3A_647 : vector<1x16xf32> to vector<16xf32>
      %add3A_649 = arith.addf %get3A_644, %get3A_648 : vector<16xf32>
      %max3A_650 = arith.constant 0.000000e+00 : f32
      %max3A_651 = vector.broadcast %max3A_650 : f32 to vector<16xf32>
      %max3A_652 = arith.maximumf %add3A_649, %max3A_651 : vector<16xf32>
      %swap3A_653 = arith.index_cast %scan3A_541 : i32 to index
      %swap3A_654 = arith.constant 96 : index
      %swap3A_655 = tpu.vector_load %arg24[%swap3A_653, %swap3A_654] {strides = array<i32>} : memref<40x128xf32, #tpu.memory_space<vmem>>, vector<1x16xf32>,
      %swap3A_656 = vector.shape_cast %swap3A_655 : vector<1x16xf32> to vector<16xf32>
      %swap3A_657 = vector.shape_cast %max3A_652 : vector<16xf32> to vector<1x16xf32>
      tpu.vector_store %arg24[%swap3A_653, %swap3A_654], %swap3A_657 {strides = array<i32>} : memref<40x128xf32, #tpu.memory_space<vmem>>, vector<1x16xf32>,
      %get3A_658 = arith.index_cast %scan3A_541 : i32 to index
      %get3A_659 = arith.constant 112 : index
      %get3A_660 = tpu.vector_load %arg18[%get3A_658, %get3A_659] {strides = array<i32>} : memref<40x128xf32, #tpu.memory_space<vmem>>, vector<1x16xf32>,
      %get3A_661 = vector.shape_cast %get3A_660 : vector<1x16xf32> to vector<16xf32>
      %get3A_662 = arith.index_cast %scan3A_541 : i32 to index
      %get3A_663 = arith.constant 112 : index
      %get3A_664 = tpu.vector_load %arg24[%get3A_662, %get3A_663] {strides = array<i32>} : memref<40x128xf32, #tpu.memory_space<vmem>>, vector<1x16xf32>,
      %get3A_665 = vector.shape_cast %get3A_664 : vector<1x16xf32> to vector<16xf32>
      %add3A_666 = arith.addf %get3A_661, %get3A_665 : vector<16xf32>
      %max3A_667 = arith.constant 0.000000e+00 : f32
      %max3A_668 = vector.broadcast %max3A_667 : f32 to vector<16xf32>
      %max3A_669 = arith.maximumf %add3A_666, %max3A_668 : vector<16xf32>
      %swap3A_670 = arith.index_cast %scan3A_541 : i32 to index
      %swap3A_671 = arith.constant 112 : index
      %swap3A_672 = tpu.vector_load %arg24[%swap3A_670, %swap3A_671] {strides = array<i32>} : memref<40x128xf32, #tpu.memory_space<vmem>>, vector<1x16xf32>,
      %swap3A_673 = vector.shape_cast %swap3A_672 : vector<1x16xf32> to vector<16xf32>
      %swap3A_674 = vector.shape_cast %max3A_669 : vector<16xf32> to vector<1x16xf32>
      tpu.vector_store %arg24[%swap3A_670, %swap3A_671], %swap3A_674 {strides = array<i32>} : memref<40x128xf32, #tpu.memory_space<vmem>>, vector<1x16xf32>,
    }
    %scan3A_282 = arith.constant 40 : i32
    %dma_start3A_283 = arith.constant 0 : i32
    %dma_start3A_284 = arith.constant 0 : i32
    %dma_start3A_285 = tpu.memref_slice %arg54[%dma_start3A_283, %dma_start3A_284] : memref<10240x128xf32, #tpu.memory_space<vmem_shared>> -> memref<10240x128xf32, #tpu.memory_space<vmem_shared>>
    tpu.enqueue_indirect_dma source(%arg24 : memref<40x128xf32, #tpu.memory_space<vmem>>) target(%dma_start3A_285 : memref<10240x128xf32, #tpu.memory_space<vmem_shared>>) offsets(%arg15 : memref<40xi32, #tpu.memory_space<vmem>>) semaphore(%arg51 : memref<!tpu.dma_semaphore, #tpu.memory_space<semaphore_mem>>) {add = true}
    %dma_wait3A_286 = arith.constant 0 : i32
    %dma_wait3A_287 = arith.constant 0 : i32
    %dma_wait3A_288 = tpu.memref_slice %arg54[%dma_wait3A_286, %dma_wait3A_287] : memref<10240x128xf32, #tpu.memory_space<vmem_shared>> -> memref<10240x128xf32, #tpu.memory_space<vmem_shared>>
    tpu.wait_indirect_dma semaphore(%arg49 : memref<!tpu.dma_semaphore, #tpu.memory_space<semaphore_mem>>) src(%arg22 : memref<40x128xf32, #tpu.memory_space<vmem>>) dst(%dma_wait3A_288 : memref<10240x128xf32, #tpu.memory_space<vmem_shared>>)
    %add3A_289 = arith.constant 200 : i32
    %add3A_290 = arith.addi %mul3A_2, %add3A_289 : i32
    %dma_wait3A_291 = arith.constant 0 : i32
    %dma_wait3A_292 = tpu.memref_slice %arg3[%dma_wait3A_291] : memref<640000xi32, #tpu.memory_space<hbm>> -> memref<40xi32, #tpu.memory_space<hbm>>
    %dma_wait3A_293 = arith.constant 0 : i32
    %dma_wait3A_294 = tpu.memref_slice %arg3[%dma_wait3A_293] : memref<640000xi32, #tpu.memory_space<hbm>> -> memref<40xi32, #tpu.memory_space<hbm>>
    tpu.wait_dma2 semaphore(%arg32 : memref<!tpu.dma_semaphore, #tpu.memory_space<semaphore_mem>>) src(%dma_wait3A_294 : memref<40xi32, #tpu.memory_space<hbm>>) dst(%arg11 : memref<40xi32, #tpu.memory_space<vmem>>)
    %dma_wait3A_295 = arith.constant 0 : i32
    %dma_wait3A_296 = tpu.memref_slice %arg3[%dma_wait3A_295] : memref<640000xi32, #tpu.memory_space<hbm>> -> memref<40xi32, #tpu.memory_space<hbm>>
    %dma_wait3A_297 = arith.constant 0 : i32
    %dma_wait3A_298 = tpu.memref_slice %arg3[%dma_wait3A_297] : memref<640000xi32, #tpu.memory_space<hbm>> -> memref<40xi32, #tpu.memory_space<hbm>>
    tpu.wait_dma2 semaphore(%arg38 : memref<!tpu.dma_semaphore, #tpu.memory_space<semaphore_mem>>) src(%dma_wait3A_298 : memref<40xi32, #tpu.memory_space<hbm>>) dst(%arg17 : memref<40xi32, #tpu.memory_space<vmem>>)
    %dma_start3A_299 = arith.constant 0 : i32
    %dma_start3A_300 = arith.constant 0 : i32
    %dma_start3A_301 = tpu.memref_slice %arg2[%dma_start3A_299, %dma_start3A_300] : memref<10000x128xf32, #tpu.memory_space<hbm>> -> memref<10000x128xf32, #tpu.memory_space<hbm>>
    tpu.enqueue_indirect_dma source(%dma_start3A_301 : memref<10000x128xf32, #tpu.memory_space<hbm>>) target(%arg20 : memref<40x128xf32, #tpu.memory_space<vmem>>) offsets(%arg11 : memref<40xi32, #tpu.memory_space<vmem>>) semaphore(%arg41 : memref<!tpu.dma_semaphore, #tpu.memory_space<semaphore_mem>>)
    %dma_start3A_302 = arith.constant 0 : i32
    %dma_start3A_303 = tpu.memref_slice %arg4[%add3A_290, %dma_start3A_302] : memref<320000x128xf32, #tpu.memory_space<hbm>> -> memref<40x128xf32, #tpu.memory_space<hbm>>
    %dma_start3A_304 = arith.constant 0 : i32
    %dma_start3A_305 = tpu.memref_slice %arg4[%add3A_290, %dma_start3A_304] : memref<320000x128xf32, #tpu.memory_space<hbm>> -> memref<40x128xf32, #tpu.memory_space<hbm>>
    tpu.enqueue_dma source(%dma_start3A_305 : memref<40x128xf32, #tpu.memory_space<hbm>>) target(%arg26 : memref<40x128xf32, #tpu.memory_space<vmem>>) target_semaphore(%arg47 : memref<!tpu.dma_semaphore, #tpu.memory_space<semaphore_mem>>)
    %add3A_306 = arith.constant 280 : i32
    %add3A_307 = arith.addi %mul3A_2, %add3A_306 : i32
    %dma_start3A_308 = tpu.memref_slice %arg3[%add3A_307] : memref<640000xi32, #tpu.memory_space<hbm>> -> memref<40xi32, #tpu.memory_space<hbm>>
    %dma_start3A_309 = tpu.memref_slice %arg3[%add3A_307] : memref<640000xi32, #tpu.memory_space<hbm>> -> memref<40xi32, #tpu.memory_space<hbm>>
    tpu.enqueue_dma source(%dma_start3A_309 : memref<40xi32, #tpu.memory_space<hbm>>) target(%arg7 : memref<40xi32, #tpu.memory_space<vmem>>) target_semaphore(%arg28 : memref<!tpu.dma_semaphore, #tpu.memory_space<semaphore_mem>>)
    %add3A_310 = arith.constant 320000 : i32
    %add3A_311 = arith.addi %add3A_310, %add3A_307 : i32
    %dma_start3A_312 = tpu.memref_slice %arg3[%add3A_311] : memref<640000xi32, #tpu.memory_space<hbm>> -> memref<40xi32, #tpu.memory_space<hbm>>
    %dma_start3A_313 = tpu.memref_slice %arg3[%add3A_311] : memref<640000xi32, #tpu.memory_space<hbm>> -> memref<40xi32, #tpu.memory_space<hbm>>
    tpu.enqueue_dma source(%dma_start3A_313 : memref<40xi32, #tpu.memory_space<hbm>>) target(%arg13 : memref<40xi32, #tpu.memory_space<vmem>>) target_semaphore(%arg34 : memref<!tpu.dma_semaphore, #tpu.memory_space<semaphore_mem>>)
    %dma_wait3A_314 = arith.constant 0 : i32
    %dma_wait3A_315 = arith.constant 0 : i32
    %dma_wait3A_316 = tpu.memref_slice %arg2[%dma_wait3A_314, %dma_wait3A_315] : memref<10000x128xf32, #tpu.memory_space<hbm>> -> memref<10000x128xf32, #tpu.memory_space<hbm>>
    tpu.wait_indirect_dma semaphore(%arg40 : memref<!tpu.dma_semaphore, #tpu.memory_space<semaphore_mem>>) src(%dma_wait3A_316 : memref<10000x128xf32, #tpu.memory_space<hbm>>) dst(%arg19 : memref<40x128xf32, #tpu.memory_space<vmem>>)
    %dma_wait3A_317 = arith.constant 0 : i32
    %dma_wait3A_318 = arith.constant 0 : i32
    %dma_wait3A_319 = tpu.memref_slice %arg4[%dma_wait3A_317, %dma_wait3A_318] : memref<320000x128xf32, #tpu.memory_space<hbm>> -> memref<40x128xf32, #tpu.memory_space<hbm>>
    %dma_wait3A_320 = arith.constant 0 : i32
    %dma_wait3A_321 = arith.constant 0 : i32
    %dma_wait3A_322 = tpu.memref_slice %arg4[%dma_wait3A_320, %dma_wait3A_321] : memref<320000x128xf32, #tpu.memory_space<hbm>> -> memref<40x128xf32, #tpu.memory_space<hbm>>
    tpu.wait_dma2 semaphore(%arg46 : memref<!tpu.dma_semaphore, #tpu.memory_space<semaphore_mem>>) src(%dma_wait3A_322 : memref<40x128xf32, #tpu.memory_space<hbm>>) dst(%arg25 : memref<40x128xf32, #tpu.memory_space<vmem>>)
    %scan3A_323 = arith.constant 0 : i32
    %scan3A_324 = arith.constant 0 : i32
    %scan3A_325 = arith.constant 40 : i32
    %scan3A_326 = arith.addi %scan3A_324, %scan3A_325 : i32
    %scan3A_327 = arith.constant 1 : i32
    scf.for %scan3A_541 = %scan3A_324 to %scan3A_326 step %scan3A_327  : i32 {
      %get3A = arith.index_cast %scan3A_541 : i32 to index
      %get3A_542 = arith.constant 0 : index
      %get3A_543 = tpu.vector_load %arg19[%get3A, %get3A_542] {strides = array<i32>} : memref<40x128xf32, #tpu.memory_space<vmem>>, vector<1x16xf32>,
      %get3A_544 = vector.shape_cast %get3A_543 : vector<1x16xf32> to vector<16xf32>
      %get3A_545 = arith.index_cast %scan3A_541 : i32 to index
      %get3A_546 = arith.constant 0 : index
      %get3A_547 = tpu.vector_load %arg25[%get3A_545, %get3A_546] {strides = array<i32>} : memref<40x128xf32, #tpu.memory_space<vmem>>, vector<1x16xf32>,
      %get3A_548 = vector.shape_cast %get3A_547 : vector<1x16xf32> to vector<16xf32>
      %add3A_549 = arith.addf %get3A_544, %get3A_548 : vector<16xf32>
      %max3A = arith.constant 0.000000e+00 : f32
      %max3A_550 = vector.broadcast %max3A : f32 to vector<16xf32>
      %max3A_551 = arith.maximumf %add3A_549, %max3A_550 : vector<16xf32>
      %swap3A = arith.index_cast %scan3A_541 : i32 to index
      %swap3A_552 = arith.constant 0 : index
      %swap3A_553 = tpu.vector_load %arg25[%swap3A, %swap3A_552] {strides = array<i32>} : memref<40x128xf32, #tpu.memory_space<vmem>>, vector<1x16xf32>,
      %swap3A_554 = vector.shape_cast %swap3A_553 : vector<1x16xf32> to vector<16xf32>
      %swap3A_555 = vector.shape_cast %max3A_551 : vector<16xf32> to vector<1x16xf32>
      tpu.vector_store %arg25[%swap3A, %swap3A_552], %swap3A_555 {strides = array<i32>} : memref<40x128xf32, #tpu.memory_space<vmem>>, vector<1x16xf32>,
      %get3A_556 = arith.index_cast %scan3A_541 : i32 to index
      %get3A_557 = arith.constant 16 : index
      %get3A_558 = tpu.vector_load %arg19[%get3A_556, %get3A_557] {strides = array<i32>} : memref<40x128xf32, #tpu.memory_space<vmem>>, vector<1x16xf32>,
      %get3A_559 = vector.shape_cast %get3A_558 : vector<1x16xf32> to vector<16xf32>
      %get3A_560 = arith.index_cast %scan3A_541 : i32 to index
      %get3A_561 = arith.constant 16 : index
      %get3A_562 = tpu.vector_load %arg25[%get3A_560, %get3A_561] {strides = array<i32>} : memref<40x128xf32, #tpu.memory_space<vmem>>, vector<1x16xf32>,
      %get3A_563 = vector.shape_cast %get3A_562 : vector<1x16xf32> to vector<16xf32>
      %add3A_564 = arith.addf %get3A_559, %get3A_563 : vector<16xf32>
      %max3A_565 = arith.constant 0.000000e+00 : f32
      %max3A_566 = vector.broadcast %max3A_565 : f32 to vector<16xf32>
      %max3A_567 = arith.maximumf %add3A_564, %max3A_566 : vector<16xf32>
      %swap3A_568 = arith.index_cast %scan3A_541 : i32 to index
      %swap3A_569 = arith.constant 16 : index
      %swap3A_570 = tpu.vector_load %arg25[%swap3A_568, %swap3A_569] {strides = array<i32>} : memref<40x128xf32, #tpu.memory_space<vmem>>, vector<1x16xf32>,
      %swap3A_571 = vector.shape_cast %swap3A_570 : vector<1x16xf32> to vector<16xf32>
      %swap3A_572 = vector.shape_cast %max3A_567 : vector<16xf32> to vector<1x16xf32>
      tpu.vector_store %arg25[%swap3A_568, %swap3A_569], %swap3A_572 {strides = array<i32>} : memref<40x128xf32, #tpu.memory_space<vmem>>, vector<1x16xf32>,
      %get3A_573 = arith.index_cast %scan3A_541 : i32 to index
      %get3A_574 = arith.constant 32 : index
      %get3A_575 = tpu.vector_load %arg19[%get3A_573, %get3A_574] {strides = array<i32>} : memref<40x128xf32, #tpu.memory_space<vmem>>, vector<1x16xf32>,
      %get3A_576 = vector.shape_cast %get3A_575 : vector<1x16xf32> to vector<16xf32>
      %get3A_577 = arith.index_cast %scan3A_541 : i32 to index
      %get3A_578 = arith.constant 32 : index
      %get3A_579 = tpu.vector_load %arg25[%get3A_577, %get3A_578] {strides = array<i32>} : memref<40x128xf32, #tpu.memory_space<vmem>>, vector<1x16xf32>,
      %get3A_580 = vector.shape_cast %get3A_579 : vector<1x16xf32> to vector<16xf32>
      %add3A_581 = arith.addf %get3A_576, %get3A_580 : vector<16xf32>
      %max3A_582 = arith.constant 0.000000e+00 : f32
      %max3A_583 = vector.broadcast %max3A_582 : f32 to vector<16xf32>
      %max3A_584 = arith.maximumf %add3A_581, %max3A_583 : vector<16xf32>
      %swap3A_585 = arith.index_cast %scan3A_541 : i32 to index
      %swap3A_586 = arith.constant 32 : index
      %swap3A_587 = tpu.vector_load %arg25[%swap3A_585, %swap3A_586] {strides = array<i32>} : memref<40x128xf32, #tpu.memory_space<vmem>>, vector<1x16xf32>,
      %swap3A_588 = vector.shape_cast %swap3A_587 : vector<1x16xf32> to vector<16xf32>
      %swap3A_589 = vector.shape_cast %max3A_584 : vector<16xf32> to vector<1x16xf32>
      tpu.vector_store %arg25[%swap3A_585, %swap3A_586], %swap3A_589 {strides = array<i32>} : memref<40x128xf32, #tpu.memory_space<vmem>>, vector<1x16xf32>,
      %get3A_590 = arith.index_cast %scan3A_541 : i32 to index
      %get3A_591 = arith.constant 48 : index
      %get3A_592 = tpu.vector_load %arg19[%get3A_590, %get3A_591] {strides = array<i32>} : memref<40x128xf32, #tpu.memory_space<vmem>>, vector<1x16xf32>,
      %get3A_593 = vector.shape_cast %get3A_592 : vector<1x16xf32> to vector<16xf32>
      %get3A_594 = arith.index_cast %scan3A_541 : i32 to index
      %get3A_595 = arith.constant 48 : index
      %get3A_596 = tpu.vector_load %arg25[%get3A_594, %get3A_595] {strides = array<i32>} : memref<40x128xf32, #tpu.memory_space<vmem>>, vector<1x16xf32>,
      %get3A_597 = vector.shape_cast %get3A_596 : vector<1x16xf32> to vector<16xf32>
      %add3A_598 = arith.addf %get3A_593, %get3A_597 : vector<16xf32>
      %max3A_599 = arith.constant 0.000000e+00 : f32
      %max3A_600 = vector.broadcast %max3A_599 : f32 to vector<16xf32>
      %max3A_601 = arith.maximumf %add3A_598, %max3A_600 : vector<16xf32>
      %swap3A_602 = arith.index_cast %scan3A_541 : i32 to index
      %swap3A_603 = arith.constant 48 : index
      %swap3A_604 = tpu.vector_load %arg25[%swap3A_602, %swap3A_603] {strides = array<i32>} : memref<40x128xf32, #tpu.memory_space<vmem>>, vector<1x16xf32>,
      %swap3A_605 = vector.shape_cast %swap3A_604 : vector<1x16xf32> to vector<16xf32>
      %swap3A_606 = vector.shape_cast %max3A_601 : vector<16xf32> to vector<1x16xf32>
      tpu.vector_store %arg25[%swap3A_602, %swap3A_603], %swap3A_606 {strides = array<i32>} : memref<40x128xf32, #tpu.memory_space<vmem>>, vector<1x16xf32>,
      %get3A_607 = arith.index_cast %scan3A_541 : i32 to index
      %get3A_608 = arith.constant 64 : index
      %get3A_609 = tpu.vector_load %arg19[%get3A_607, %get3A_608] {strides = array<i32>} : memref<40x128xf32, #tpu.memory_space<vmem>>, vector<1x16xf32>,
      %get3A_610 = vector.shape_cast %get3A_609 : vector<1x16xf32> to vector<16xf32>
      %get3A_611 = arith.index_cast %scan3A_541 : i32 to index
      %get3A_612 = arith.constant 64 : index
      %get3A_613 = tpu.vector_load %arg25[%get3A_611, %get3A_612] {strides = array<i32>} : memref<40x128xf32, #tpu.memory_space<vmem>>, vector<1x16xf32>,
      %get3A_614 = vector.shape_cast %get3A_613 : vector<1x16xf32> to vector<16xf32>
      %add3A_615 = arith.addf %get3A_610, %get3A_614 : vector<16xf32>
      %max3A_616 = arith.constant 0.000000e+00 : f32
      %max3A_617 = vector.broadcast %max3A_616 : f32 to vector<16xf32>
      %max3A_618 = arith.maximumf %add3A_615, %max3A_617 : vector<16xf32>
      %swap3A_619 = arith.index_cast %scan3A_541 : i32 to index
      %swap3A_620 = arith.constant 64 : index
      %swap3A_621 = tpu.vector_load %arg25[%swap3A_619, %swap3A_620] {strides = array<i32>} : memref<40x128xf32, #tpu.memory_space<vmem>>, vector<1x16xf32>,
      %swap3A_622 = vector.shape_cast %swap3A_621 : vector<1x16xf32> to vector<16xf32>
      %swap3A_623 = vector.shape_cast %max3A_618 : vector<16xf32> to vector<1x16xf32>
      tpu.vector_store %arg25[%swap3A_619, %swap3A_620], %swap3A_623 {strides = array<i32>} : memref<40x128xf32, #tpu.memory_space<vmem>>, vector<1x16xf32>,
      %get3A_624 = arith.index_cast %scan3A_541 : i32 to index
      %get3A_625 = arith.constant 80 : index
      %get3A_626 = tpu.vector_load %arg19[%get3A_624, %get3A_625] {strides = array<i32>} : memref<40x128xf32, #tpu.memory_space<vmem>>, vector<1x16xf32>,
      %get3A_627 = vector.shape_cast %get3A_626 : vector<1x16xf32> to vector<16xf32>
      %get3A_628 = arith.index_cast %scan3A_541 : i32 to index
      %get3A_629 = arith.constant 80 : index
      %get3A_630 = tpu.vector_load %arg25[%get3A_628, %get3A_629] {strides = array<i32>} : memref<40x128xf32, #tpu.memory_space<vmem>>, vector<1x16xf32>,
      %get3A_631 = vector.shape_cast %get3A_630 : vector<1x16xf32> to vector<16xf32>
      %add3A_632 = arith.addf %get3A_627, %get3A_631 : vector<16xf32>
      %max3A_633 = arith.constant 0.000000e+00 : f32
      %max3A_634 = vector.broadcast %max3A_633 : f32 to vector<16xf32>
      %max3A_635 = arith.maximumf %add3A_632, %max3A_634 : vector<16xf32>
      %swap3A_636 = arith.index_cast %scan3A_541 : i32 to index
      %swap3A_637 = arith.constant 80 : index
      %swap3A_638 = tpu.vector_load %arg25[%swap3A_636, %swap3A_637] {strides = array<i32>} : memref<40x128xf32, #tpu.memory_space<vmem>>, vector<1x16xf32>,
      %swap3A_639 = vector.shape_cast %swap3A_638 : vector<1x16xf32> to vector<16xf32>
      %swap3A_640 = vector.shape_cast %max3A_635 : vector<16xf32> to vector<1x16xf32>
      tpu.vector_store %arg25[%swap3A_636, %swap3A_637], %swap3A_640 {strides = array<i32>} : memref<40x128xf32, #tpu.memory_space<vmem>>, vector<1x16xf32>,
      %get3A_641 = arith.index_cast %scan3A_541 : i32 to index
      %get3A_642 = arith.constant 96 : index
      %get3A_643 = tpu.vector_load %arg19[%get3A_641, %get3A_642] {strides = array<i32>} : memref<40x128xf32, #tpu.memory_space<vmem>>, vector<1x16xf32>,
      %get3A_644 = vector.shape_cast %get3A_643 : vector<1x16xf32> to vector<16xf32>
      %get3A_645 = arith.index_cast %scan3A_541 : i32 to index
      %get3A_646 = arith.constant 96 : index
      %get3A_647 = tpu.vector_load %arg25[%get3A_645, %get3A_646] {strides = array<i32>} : memref<40x128xf32, #tpu.memory_space<vmem>>, vector<1x16xf32>,
      %get3A_648 = vector.shape_cast %get3A_647 : vector<1x16xf32> to vector<16xf32>
      %add3A_649 = arith.addf %get3A_644, %get3A_648 : vector<16xf32>
      %max3A_650 = arith.constant 0.000000e+00 : f32
      %max3A_651 = vector.broadcast %max3A_650 : f32 to vector<16xf32>
      %max3A_652 = arith.maximumf %add3A_649, %max3A_651 : vector<16xf32>
      %swap3A_653 = arith.index_cast %scan3A_541 : i32 to index
      %swap3A_654 = arith.constant 96 : index
      %swap3A_655 = tpu.vector_load %arg25[%swap3A_653, %swap3A_654] {strides = array<i32>} : memref<40x128xf32, #tpu.memory_space<vmem>>, vector<1x16xf32>,
      %swap3A_656 = vector.shape_cast %swap3A_655 : vector<1x16xf32> to vector<16xf32>
      %swap3A_657 = vector.shape_cast %max3A_652 : vector<16xf32> to vector<1x16xf32>
      tpu.vector_store %arg25[%swap3A_653, %swap3A_654], %swap3A_657 {strides = array<i32>} : memref<40x128xf32, #tpu.memory_space<vmem>>, vector<1x16xf32>,
      %get3A_658 = arith.index_cast %scan3A_541 : i32 to index
      %get3A_659 = arith.constant 112 : index
      %get3A_660 = tpu.vector_load %arg19[%get3A_658, %get3A_659] {strides = array<i32>} : memref<40x128xf32, #tpu.memory_space<vmem>>, vector<1x16xf32>,
      %get3A_661 = vector.shape_cast %get3A_660 : vector<1x16xf32> to vector<16xf32>
      %get3A_662 = arith.index_cast %scan3A_541 : i32 to index
      %get3A_663 = arith.constant 112 : index
      %get3A_664 = tpu.vector_load %arg25[%get3A_662, %get3A_663] {strides = array<i32>} : memref<40x128xf32, #tpu.memory_space<vmem>>, vector<1x16xf32>,
      %get3A_665 = vector.shape_cast %get3A_664 : vector<1x16xf32> to vector<16xf32>
      %add3A_666 = arith.addf %get3A_661, %get3A_665 : vector<16xf32>
      %max3A_667 = arith.constant 0.000000e+00 : f32
      %max3A_668 = vector.broadcast %max3A_667 : f32 to vector<16xf32>
      %max3A_669 = arith.maximumf %add3A_666, %max3A_668 : vector<16xf32>
      %swap3A_670 = arith.index_cast %scan3A_541 : i32 to index
      %swap3A_671 = arith.constant 112 : index
      %swap3A_672 = tpu.vector_load %arg25[%swap3A_670, %swap3A_671] {strides = array<i32>} : memref<40x128xf32, #tpu.memory_space<vmem>>, vector<1x16xf32>,
      %swap3A_673 = vector.shape_cast %swap3A_672 : vector<1x16xf32> to vector<16xf32>
      %swap3A_674 = vector.shape_cast %max3A_669 : vector<16xf32> to vector<1x16xf32>
      tpu.vector_store %arg25[%swap3A_670, %swap3A_671], %swap3A_674 {strides = array<i32>} : memref<40x128xf32, #tpu.memory_space<vmem>>, vector<1x16xf32>,
    }
    %scan3A_328 = arith.constant 40 : i32
    %dma_start3A_329 = arith.constant 0 : i32
    %dma_start3A_330 = arith.constant 0 : i32
    %dma_start3A_331 = tpu.memref_slice %arg54[%dma_start3A_329, %dma_start3A_330] : memref<10240x128xf32, #tpu.memory_space<vmem_shared>> -> memref<10240x128xf32, #tpu.memory_space<vmem_shared>>
    tpu.enqueue_indirect_dma source(%arg25 : memref<40x128xf32, #tpu.memory_space<vmem>>) target(%dma_start3A_331 : memref<10240x128xf32, #tpu.memory_space<vmem_shared>>) offsets(%arg16 : memref<40xi32, #tpu.memory_space<vmem>>) semaphore(%arg52 : memref<!tpu.dma_semaphore, #tpu.memory_space<semaphore_mem>>) {add = true}
    %dma_wait3A_332 = arith.constant 0 : i32
    %dma_wait3A_333 = arith.constant 0 : i32
    %dma_wait3A_334 = tpu.memref_slice %arg54[%dma_wait3A_332, %dma_wait3A_333] : memref<10240x128xf32, #tpu.memory_space<vmem_shared>> -> memref<10240x128xf32, #tpu.memory_space<vmem_shared>>
    tpu.wait_indirect_dma semaphore(%arg50 : memref<!tpu.dma_semaphore, #tpu.memory_space<semaphore_mem>>) src(%arg23 : memref<40x128xf32, #tpu.memory_space<vmem>>) dst(%dma_wait3A_334 : memref<10240x128xf32, #tpu.memory_space<vmem_shared>>)
    %add3A_335 = arith.constant 240 : i32
    %add3A_336 = arith.addi %mul3A_2, %add3A_335 : i32
    %dma_wait3A_337 = arith.constant 0 : i32
    %dma_wait3A_338 = tpu.memref_slice %arg3[%dma_wait3A_337] : memref<640000xi32, #tpu.memory_space<hbm>> -> memref<40xi32, #tpu.memory_space<hbm>>
    %dma_wait3A_339 = arith.constant 0 : i32
    %dma_wait3A_340 = tpu.memref_slice %arg3[%dma_wait3A_339] : memref<640000xi32, #tpu.memory_space<hbm>> -> memref<40xi32, #tpu.memory_space<hbm>>
    tpu.wait_dma2 semaphore(%arg27 : memref<!tpu.dma_semaphore, #tpu.memory_space<semaphore_mem>>) src(%dma_wait3A_340 : memref<40xi32, #tpu.memory_space<hbm>>) dst(%arg6 : memref<40xi32, #tpu.memory_space<vmem>>)
    %dma_wait3A_341 = arith.constant 0 : i32
    %dma_wait3A_342 = tpu.memref_slice %arg3[%dma_wait3A_341] : memref<640000xi32, #tpu.memory_space<hbm>> -> memref<40xi32, #tpu.memory_space<hbm>>
    %dma_wait3A_343 = arith.constant 0 : i32
    %dma_wait3A_344 = tpu.memref_slice %arg3[%dma_wait3A_343] : memref<640000xi32, #tpu.memory_space<hbm>> -> memref<40xi32, #tpu.memory_space<hbm>>
    tpu.wait_dma2 semaphore(%arg33 : memref<!tpu.dma_semaphore, #tpu.memory_space<semaphore_mem>>) src(%dma_wait3A_344 : memref<40xi32, #tpu.memory_space<hbm>>) dst(%arg12 : memref<40xi32, #tpu.memory_space<vmem>>)
    %dma_start3A_345 = arith.constant 0 : i32
    %dma_start3A_346 = arith.constant 0 : i32
    %dma_start3A_347 = tpu.memref_slice %arg2[%dma_start3A_345, %dma_start3A_346] : memref<10000x128xf32, #tpu.memory_space<hbm>> -> memref<10000x128xf32, #tpu.memory_space<hbm>>
    tpu.enqueue_indirect_dma source(%dma_start3A_347 : memref<10000x128xf32, #tpu.memory_space<hbm>>) target(%arg18 : memref<40x128xf32, #tpu.memory_space<vmem>>) offsets(%arg6 : memref<40xi32, #tpu.memory_space<vmem>>) semaphore(%arg39 : memref<!tpu.dma_semaphore, #tpu.memory_space<semaphore_mem>>)
    %dma_start3A_348 = arith.constant 0 : i32
    %dma_start3A_349 = tpu.memref_slice %arg4[%add3A_336, %dma_start3A_348] : memref<320000x128xf32, #tpu.memory_space<hbm>> -> memref<40x128xf32, #tpu.memory_space<hbm>>
    %dma_start3A_350 = arith.constant 0 : i32
    %dma_start3A_351 = tpu.memref_slice %arg4[%add3A_336, %dma_start3A_350] : memref<320000x128xf32, #tpu.memory_space<hbm>> -> memref<40x128xf32, #tpu.memory_space<hbm>>
    tpu.enqueue_dma source(%dma_start3A_351 : memref<40x128xf32, #tpu.memory_space<hbm>>) target(%arg21 : memref<40x128xf32, #tpu.memory_space<vmem>>) target_semaphore(%arg42 : memref<!tpu.dma_semaphore, #tpu.memory_space<semaphore_mem>>)
    %add3A_352 = arith.constant 320 : i32
    %add3A_353 = arith.addi %mul3A_2, %add3A_352 : i32
    %dma_start3A_354 = tpu.memref_slice %arg3[%add3A_353] : memref<640000xi32, #tpu.memory_space<hbm>> -> memref<40xi32, #tpu.memory_space<hbm>>
    %dma_start3A_355 = tpu.memref_slice %arg3[%add3A_353] : memref<640000xi32, #tpu.memory_space<hbm>> -> memref<40xi32, #tpu.memory_space<hbm>>
    tpu.enqueue_dma source(%dma_start3A_355 : memref<40xi32, #tpu.memory_space<hbm>>) target(%arg8 : memref<40xi32, #tpu.memory_space<vmem>>) target_semaphore(%arg29 : memref<!tpu.dma_semaphore, #tpu.memory_space<semaphore_mem>>)
    %add3A_356 = arith.constant 320000 : i32
    %add3A_357 = arith.addi %add3A_356, %add3A_353 : i32
    %dma_start3A_358 = tpu.memref_slice %arg3[%add3A_357] : memref<640000xi32, #tpu.memory_space<hbm>> -> memref<40xi32, #tpu.memory_space<hbm>>
    %dma_start3A_359 = tpu.memref_slice %arg3[%add3A_357] : memref<640000xi32, #tpu.memory_space<hbm>> -> memref<40xi32, #tpu.memory_space<hbm>>
    tpu.enqueue_dma source(%dma_start3A_359 : memref<40xi32, #tpu.memory_space<hbm>>) target(%arg14 : memref<40xi32, #tpu.memory_space<vmem>>) target_semaphore(%arg35 : memref<!tpu.dma_semaphore, #tpu.memory_space<semaphore_mem>>)
    %dma_wait3A_360 = arith.constant 0 : i32
    %dma_wait3A_361 = arith.constant 0 : i32
    %dma_wait3A_362 = tpu.memref_slice %arg2[%dma_wait3A_360, %dma_wait3A_361] : memref<10000x128xf32, #tpu.memory_space<hbm>> -> memref<10000x128xf32, #tpu.memory_space<hbm>>
    tpu.wait_indirect_dma semaphore(%arg41 : memref<!tpu.dma_semaphore, #tpu.memory_space<semaphore_mem>>) src(%dma_wait3A_362 : memref<10000x128xf32, #tpu.memory_space<hbm>>) dst(%arg20 : memref<40x128xf32, #tpu.memory_space<vmem>>)
    %dma_wait3A_363 = arith.constant 0 : i32
    %dma_wait3A_364 = arith.constant 0 : i32
    %dma_wait3A_365 = tpu.memref_slice %arg4[%dma_wait3A_363, %dma_wait3A_364] : memref<320000x128xf32, #tpu.memory_space<hbm>> -> memref<40x128xf32, #tpu.memory_space<hbm>>
    %dma_wait3A_366 = arith.constant 0 : i32
    %dma_wait3A_367 = arith.constant 0 : i32
    %dma_wait3A_368 = tpu.memref_slice %arg4[%dma_wait3A_366, %dma_wait3A_367] : memref<320000x128xf32, #tpu.memory_space<hbm>> -> memref<40x128xf32, #tpu.memory_space<hbm>>
    tpu.wait_dma2 semaphore(%arg47 : memref<!tpu.dma_semaphore, #tpu.memory_space<semaphore_mem>>) src(%dma_wait3A_368 : memref<40x128xf32, #tpu.memory_space<hbm>>) dst(%arg26 : memref<40x128xf32, #tpu.memory_space<vmem>>)
    %scan3A_369 = arith.constant 0 : i32
    %scan3A_370 = arith.constant 0 : i32
    %scan3A_371 = arith.constant 40 : i32
    %scan3A_372 = arith.addi %scan3A_370, %scan3A_371 : i32
    %scan3A_373 = arith.constant 1 : i32
    scf.for %scan3A_541 = %scan3A_370 to %scan3A_372 step %scan3A_373  : i32 {
      %get3A = arith.index_cast %scan3A_541 : i32 to index
      %get3A_542 = arith.constant 0 : index
      %get3A_543 = tpu.vector_load %arg20[%get3A, %get3A_542] {strides = array<i32>} : memref<40x128xf32, #tpu.memory_space<vmem>>, vector<1x16xf32>,
      %get3A_544 = vector.shape_cast %get3A_543 : vector<1x16xf32> to vector<16xf32>
      %get3A_545 = arith.index_cast %scan3A_541 : i32 to index
      %get3A_546 = arith.constant 0 : index
      %get3A_547 = tpu.vector_load %arg26[%get3A_545, %get3A_546] {strides = array<i32>} : memref<40x128xf32, #tpu.memory_space<vmem>>, vector<1x16xf32>,
      %get3A_548 = vector.shape_cast %get3A_547 : vector<1x16xf32> to vector<16xf32>
      %add3A_549 = arith.addf %get3A_544, %get3A_548 : vector<16xf32>
      %max3A = arith.constant 0.000000e+00 : f32
      %max3A_550 = vector.broadcast %max3A : f32 to vector<16xf32>
      %max3A_551 = arith.maximumf %add3A_549, %max3A_550 : vector<16xf32>
      %swap3A = arith.index_cast %scan3A_541 : i32 to index
      %swap3A_552 = arith.constant 0 : index
      %swap3A_553 = tpu.vector_load %arg26[%swap3A, %swap3A_552] {strides = array<i32>} : memref<40x128xf32, #tpu.memory_space<vmem>>, vector<1x16xf32>,
      %swap3A_554 = vector.shape_cast %swap3A_553 : vector<1x16xf32> to vector<16xf32>
      %swap3A_555 = vector.shape_cast %max3A_551 : vector<16xf32> to vector<1x16xf32>
      tpu.vector_store %arg26[%swap3A, %swap3A_552], %swap3A_555 {strides = array<i32>} : memref<40x128xf32, #tpu.memory_space<vmem>>, vector<1x16xf32>,
      %get3A_556 = arith.index_cast %scan3A_541 : i32 to index
      %get3A_557 = arith.constant 16 : index
      %get3A_558 = tpu.vector_load %arg20[%get3A_556, %get3A_557] {strides = array<i32>} : memref<40x128xf32, #tpu.memory_space<vmem>>, vector<1x16xf32>,
      %get3A_559 = vector.shape_cast %get3A_558 : vector<1x16xf32> to vector<16xf32>
      %get3A_560 = arith.index_cast %scan3A_541 : i32 to index
      %get3A_561 = arith.constant 16 : index
      %get3A_562 = tpu.vector_load %arg26[%get3A_560, %get3A_561] {strides = array<i32>} : memref<40x128xf32, #tpu.memory_space<vmem>>, vector<1x16xf32>,
      %get3A_563 = vector.shape_cast %get3A_562 : vector<1x16xf32> to vector<16xf32>
      %add3A_564 = arith.addf %get3A_559, %get3A_563 : vector<16xf32>
      %max3A_565 = arith.constant 0.000000e+00 : f32
      %max3A_566 = vector.broadcast %max3A_565 : f32 to vector<16xf32>
      %max3A_567 = arith.maximumf %add3A_564, %max3A_566 : vector<16xf32>
      %swap3A_568 = arith.index_cast %scan3A_541 : i32 to index
      %swap3A_569 = arith.constant 16 : index
      %swap3A_570 = tpu.vector_load %arg26[%swap3A_568, %swap3A_569] {strides = array<i32>} : memref<40x128xf32, #tpu.memory_space<vmem>>, vector<1x16xf32>,
      %swap3A_571 = vector.shape_cast %swap3A_570 : vector<1x16xf32> to vector<16xf32>
      %swap3A_572 = vector.shape_cast %max3A_567 : vector<16xf32> to vector<1x16xf32>
      tpu.vector_store %arg26[%swap3A_568, %swap3A_569], %swap3A_572 {strides = array<i32>} : memref<40x128xf32, #tpu.memory_space<vmem>>, vector<1x16xf32>,
      %get3A_573 = arith.index_cast %scan3A_541 : i32 to index
      %get3A_574 = arith.constant 32 : index
      %get3A_575 = tpu.vector_load %arg20[%get3A_573, %get3A_574] {strides = array<i32>} : memref<40x128xf32, #tpu.memory_space<vmem>>, vector<1x16xf32>,
      %get3A_576 = vector.shape_cast %get3A_575 : vector<1x16xf32> to vector<16xf32>
      %get3A_577 = arith.index_cast %scan3A_541 : i32 to index
      %get3A_578 = arith.constant 32 : index
      %get3A_579 = tpu.vector_load %arg26[%get3A_577, %get3A_578] {strides = array<i32>} : memref<40x128xf32, #tpu.memory_space<vmem>>, vector<1x16xf32>,
      %get3A_580 = vector.shape_cast %get3A_579 : vector<1x16xf32> to vector<16xf32>
      %add3A_581 = arith.addf %get3A_576, %get3A_580 : vector<16xf32>
      %max3A_582 = arith.constant 0.000000e+00 : f32
      %max3A_583 = vector.broadcast %max3A_582 : f32 to vector<16xf32>
      %max3A_584 = arith.maximumf %add3A_581, %max3A_583 : vector<16xf32>
      %swap3A_585 = arith.index_cast %scan3A_541 : i32 to index
      %swap3A_586 = arith.constant 32 : index
      %swap3A_587 = tpu.vector_load %arg26[%swap3A_585, %swap3A_586] {strides = array<i32>} : memref<40x128xf32, #tpu.memory_space<vmem>>, vector<1x16xf32>,
      %swap3A_588 = vector.shape_cast %swap3A_587 : vector<1x16xf32> to vector<16xf32>
      %swap3A_589 = vector.shape_cast %max3A_584 : vector<16xf32> to vector<1x16xf32>
      tpu.vector_store %arg26[%swap3A_585, %swap3A_586], %swap3A_589 {strides = array<i32>} : memref<40x128xf32, #tpu.memory_space<vmem>>, vector<1x16xf32>,
      %get3A_590 = arith.index_cast %scan3A_541 : i32 to index
      %get3A_591 = arith.constant 48 : index
      %get3A_592 = tpu.vector_load %arg20[%get3A_590, %get3A_591] {strides = array<i32>} : memref<40x128xf32, #tpu.memory_space<vmem>>, vector<1x16xf32>,
      %get3A_593 = vector.shape_cast %get3A_592 : vector<1x16xf32> to vector<16xf32>
      %get3A_594 = arith.index_cast %scan3A_541 : i32 to index
      %get3A_595 = arith.constant 48 : index
      %get3A_596 = tpu.vector_load %arg26[%get3A_594, %get3A_595] {strides = array<i32>} : memref<40x128xf32, #tpu.memory_space<vmem>>, vector<1x16xf32>,
      %get3A_597 = vector.shape_cast %get3A_596 : vector<1x16xf32> to vector<16xf32>
      %add3A_598 = arith.addf %get3A_593, %get3A_597 : vector<16xf32>
      %max3A_599 = arith.constant 0.000000e+00 : f32
      %max3A_600 = vector.broadcast %max3A_599 : f32 to vector<16xf32>
      %max3A_601 = arith.maximumf %add3A_598, %max3A_600 : vector<16xf32>
      %swap3A_602 = arith.index_cast %scan3A_541 : i32 to index
      %swap3A_603 = arith.constant 48 : index
      %swap3A_604 = tpu.vector_load %arg26[%swap3A_602, %swap3A_603] {strides = array<i32>} : memref<40x128xf32, #tpu.memory_space<vmem>>, vector<1x16xf32>,
      %swap3A_605 = vector.shape_cast %swap3A_604 : vector<1x16xf32> to vector<16xf32>
      %swap3A_606 = vector.shape_cast %max3A_601 : vector<16xf32> to vector<1x16xf32>
      tpu.vector_store %arg26[%swap3A_602, %swap3A_603], %swap3A_606 {strides = array<i32>} : memref<40x128xf32, #tpu.memory_space<vmem>>, vector<1x16xf32>,
      %get3A_607 = arith.index_cast %scan3A_541 : i32 to index
      %get3A_608 = arith.constant 64 : index
      %get3A_609 = tpu.vector_load %arg20[%get3A_607, %get3A_608] {strides = array<i32>} : memref<40x128xf32, #tpu.memory_space<vmem>>, vector<1x16xf32>,
      %get3A_610 = vector.shape_cast %get3A_609 : vector<1x16xf32> to vector<16xf32>
      %get3A_611 = arith.index_cast %scan3A_541 : i32 to index
      %get3A_612 = arith.constant 64 : index
      %get3A_613 = tpu.vector_load %arg26[%get3A_611, %get3A_612] {strides = array<i32>} : memref<40x128xf32, #tpu.memory_space<vmem>>, vector<1x16xf32>,
      %get3A_614 = vector.shape_cast %get3A_613 : vector<1x16xf32> to vector<16xf32>
      %add3A_615 = arith.addf %get3A_610, %get3A_614 : vector<16xf32>
      %max3A_616 = arith.constant 0.000000e+00 : f32
      %max3A_617 = vector.broadcast %max3A_616 : f32 to vector<16xf32>
      %max3A_618 = arith.maximumf %add3A_615, %max3A_617 : vector<16xf32>
      %swap3A_619 = arith.index_cast %scan3A_541 : i32 to index
      %swap3A_620 = arith.constant 64 : index
      %swap3A_621 = tpu.vector_load %arg26[%swap3A_619, %swap3A_620] {strides = array<i32>} : memref<40x128xf32, #tpu.memory_space<vmem>>, vector<1x16xf32>,
      %swap3A_622 = vector.shape_cast %swap3A_621 : vector<1x16xf32> to vector<16xf32>
      %swap3A_623 = vector.shape_cast %max3A_618 : vector<16xf32> to vector<1x16xf32>
      tpu.vector_store %arg26[%swap3A_619, %swap3A_620], %swap3A_623 {strides = array<i32>} : memref<40x128xf32, #tpu.memory_space<vmem>>, vector<1x16xf32>,
      %get3A_624 = arith.index_cast %scan3A_541 : i32 to index
      %get3A_625 = arith.constant 80 : index
      %get3A_626 = tpu.vector_load %arg20[%get3A_624, %get3A_625] {strides = array<i32>} : memref<40x128xf32, #tpu.memory_space<vmem>>, vector<1x16xf32>,
      %get3A_627 = vector.shape_cast %get3A_626 : vector<1x16xf32> to vector<16xf32>
      %get3A_628 = arith.index_cast %scan3A_541 : i32 to index
      %get3A_629 = arith.constant 80 : index
      %get3A_630 = tpu.vector_load %arg26[%get3A_628, %get3A_629] {strides = array<i32>} : memref<40x128xf32, #tpu.memory_space<vmem>>, vector<1x16xf32>,
      %get3A_631 = vector.shape_cast %get3A_630 : vector<1x16xf32> to vector<16xf32>
      %add3A_632 = arith.addf %get3A_627, %get3A_631 : vector<16xf32>
      %max3A_633 = arith.constant 0.000000e+00 : f32
      %max3A_634 = vector.broadcast %max3A_633 : f32 to vector<16xf32>
      %max3A_635 = arith.maximumf %add3A_632, %max3A_634 : vector<16xf32>
      %swap3A_636 = arith.index_cast %scan3A_541 : i32 to index
      %swap3A_637 = arith.constant 80 : index
      %swap3A_638 = tpu.vector_load %arg26[%swap3A_636, %swap3A_637] {strides = array<i32>} : memref<40x128xf32, #tpu.memory_space<vmem>>, vector<1x16xf32>,
      %swap3A_639 = vector.shape_cast %swap3A_638 : vector<1x16xf32> to vector<16xf32>
      %swap3A_640 = vector.shape_cast %max3A_635 : vector<16xf32> to vector<1x16xf32>
      tpu.vector_store %arg26[%swap3A_636, %swap3A_637], %swap3A_640 {strides = array<i32>} : memref<40x128xf32, #tpu.memory_space<vmem>>, vector<1x16xf32>,
      %get3A_641 = arith.index_cast %scan3A_541 : i32 to index
      %get3A_642 = arith.constant 96 : index
      %get3A_643 = tpu.vector_load %arg20[%get3A_641, %get3A_642] {strides = array<i32>} : memref<40x128xf32, #tpu.memory_space<vmem>>, vector<1x16xf32>,
      %get3A_644 = vector.shape_cast %get3A_643 : vector<1x16xf32> to vector<16xf32>
      %get3A_645 = arith.index_cast %scan3A_541 : i32 to index
      %get3A_646 = arith.constant 96 : index
      %get3A_647 = tpu.vector_load %arg26[%get3A_645, %get3A_646] {strides = array<i32>} : memref<40x128xf32, #tpu.memory_space<vmem>>, vector<1x16xf32>,
      %get3A_648 = vector.shape_cast %get3A_647 : vector<1x16xf32> to vector<16xf32>
      %add3A_649 = arith.addf %get3A_644, %get3A_648 : vector<16xf32>
      %max3A_650 = arith.constant 0.000000e+00 : f32
      %max3A_651 = vector.broadcast %max3A_650 : f32 to vector<16xf32>
      %max3A_652 = arith.maximumf %add3A_649, %max3A_651 : vector<16xf32>
      %swap3A_653 = arith.index_cast %scan3A_541 : i32 to index
      %swap3A_654 = arith.constant 96 : index
      %swap3A_655 = tpu.vector_load %arg26[%swap3A_653, %swap3A_654] {strides = array<i32>} : memref<40x128xf32, #tpu.memory_space<vmem>>, vector<1x16xf32>,
      %swap3A_656 = vector.shape_cast %swap3A_655 : vector<1x16xf32> to vector<16xf32>
      %swap3A_657 = vector.shape_cast %max3A_652 : vector<16xf32> to vector<1x16xf32>
      tpu.vector_store %arg26[%swap3A_653, %swap3A_654], %swap3A_657 {strides = array<i32>} : memref<40x128xf32, #tpu.memory_space<vmem>>, vector<1x16xf32>,
      %get3A_658 = arith.index_cast %scan3A_541 : i32 to index
      %get3A_659 = arith.constant 112 : index
      %get3A_660 = tpu.vector_load %arg20[%get3A_658, %get3A_659] {strides = array<i32>} : memref<40x128xf32, #tpu.memory_space<vmem>>, vector<1x16xf32>,
      %get3A_661 = vector.shape_cast %get3A_660 : vector<1x16xf32> to vector<16xf32>
      %get3A_662 = arith.index_cast %scan3A_541 : i32 to index
      %get3A_663 = arith.constant 112 : index
      %get3A_664 = tpu.vector_load %arg26[%get3A_662, %get3A_663] {strides = array<i32>} : memref<40x128xf32, #tpu.memory_space<vmem>>, vector<1x16xf32>,
      %get3A_665 = vector.shape_cast %get3A_664 : vector<1x16xf32> to vector<16xf32>
      %add3A_666 = arith.addf %get3A_661, %get3A_665 : vector<16xf32>
      %max3A_667 = arith.constant 0.000000e+00 : f32
      %max3A_668 = vector.broadcast %max3A_667 : f32 to vector<16xf32>
      %max3A_669 = arith.maximumf %add3A_666, %max3A_668 : vector<16xf32>
      %swap3A_670 = arith.index_cast %scan3A_541 : i32 to index
      %swap3A_671 = arith.constant 112 : index
      %swap3A_672 = tpu.vector_load %arg26[%swap3A_670, %swap3A_671] {strides = array<i32>} : memref<40x128xf32, #tpu.memory_space<vmem>>, vector<1x16xf32>,
      %swap3A_673 = vector.shape_cast %swap3A_672 : vector<1x16xf32> to vector<16xf32>
      %swap3A_674 = vector.shape_cast %max3A_669 : vector<16xf32> to vector<1x16xf32>
      tpu.vector_store %arg26[%swap3A_670, %swap3A_671], %swap3A_674 {strides = array<i32>} : memref<40x128xf32, #tpu.memory_space<vmem>>, vector<1x16xf32>,
    }
    %scan3A_374 = arith.constant 40 : i32
    %dma_start3A_375 = arith.constant 0 : i32
    %dma_start3A_376 = arith.constant 0 : i32
    %dma_start3A_377 = tpu.memref_slice %arg54[%dma_start3A_375, %dma_start3A_376] : memref<10240x128xf32, #tpu.memory_space<vmem_shared>> -> memref<10240x128xf32, #tpu.memory_space<vmem_shared>>
    tpu.enqueue_indirect_dma source(%arg26 : memref<40x128xf32, #tpu.memory_space<vmem>>) target(%dma_start3A_377 : memref<10240x128xf32, #tpu.memory_space<vmem_shared>>) offsets(%arg17 : memref<40xi32, #tpu.memory_space<vmem>>) semaphore(%arg53 : memref<!tpu.dma_semaphore, #tpu.memory_space<semaphore_mem>>) {add = true}
    %dma_wait3A_378 = arith.constant 0 : i32
    %dma_wait3A_379 = arith.constant 0 : i32
    %dma_wait3A_380 = tpu.memref_slice %arg54[%dma_wait3A_378, %dma_wait3A_379] : memref<10240x128xf32, #tpu.memory_space<vmem_shared>> -> memref<10240x128xf32, #tpu.memory_space<vmem_shared>>
    tpu.wait_indirect_dma semaphore(%arg51 : memref<!tpu.dma_semaphore, #tpu.memory_space<semaphore_mem>>) src(%arg24 : memref<40x128xf32, #tpu.memory_space<vmem>>) dst(%dma_wait3A_380 : memref<10240x128xf32, #tpu.memory_space<vmem_shared>>)
    %add3A_381 = arith.constant 280 : i32
    %add3A_382 = arith.addi %mul3A_2, %add3A_381 : i32
    %dma_wait3A_383 = arith.constant 0 : i32
    %dma_wait3A_384 = tpu.memref_slice %arg3[%dma_wait3A_383] : memref<640000xi32, #tpu.memory_space<hbm>> -> memref<40xi32, #tpu.memory_space<hbm>>
    %dma_wait3A_385 = arith.constant 0 : i32
    %dma_wait3A_386 = tpu.memref_slice %arg3[%dma_wait3A_385] : memref<640000xi32, #tpu.memory_space<hbm>> -> memref<40xi32, #tpu.memory_space<hbm>>
    tpu.wait_dma2 semaphore(%arg28 : memref<!tpu.dma_semaphore, #tpu.memory_space<semaphore_mem>>) src(%dma_wait3A_386 : memref<40xi32, #tpu.memory_space<hbm>>) dst(%arg7 : memref<40xi32, #tpu.memory_space<vmem>>)
    %dma_wait3A_387 = arith.constant 0 : i32
    %dma_wait3A_388 = tpu.memref_slice %arg3[%dma_wait3A_387] : memref<640000xi32, #tpu.memory_space<hbm>> -> memref<40xi32, #tpu.memory_space<hbm>>
    %dma_wait3A_389 = arith.constant 0 : i32
    %dma_wait3A_390 = tpu.memref_slice %arg3[%dma_wait3A_389] : memref<640000xi32, #tpu.memory_space<hbm>> -> memref<40xi32, #tpu.memory_space<hbm>>
    tpu.wait_dma2 semaphore(%arg34 : memref<!tpu.dma_semaphore, #tpu.memory_space<semaphore_mem>>) src(%dma_wait3A_390 : memref<40xi32, #tpu.memory_space<hbm>>) dst(%arg13 : memref<40xi32, #tpu.memory_space<vmem>>)
    %dma_start3A_391 = arith.constant 0 : i32
    %dma_start3A_392 = arith.constant 0 : i32
    %dma_start3A_393 = tpu.memref_slice %arg2[%dma_start3A_391, %dma_start3A_392] : memref<10000x128xf32, #tpu.memory_space<hbm>> -> memref<10000x128xf32, #tpu.memory_space<hbm>>
    tpu.enqueue_indirect_dma source(%dma_start3A_393 : memref<10000x128xf32, #tpu.memory_space<hbm>>) target(%arg19 : memref<40x128xf32, #tpu.memory_space<vmem>>) offsets(%arg7 : memref<40xi32, #tpu.memory_space<vmem>>) semaphore(%arg40 : memref<!tpu.dma_semaphore, #tpu.memory_space<semaphore_mem>>)
    %dma_start3A_394 = arith.constant 0 : i32
    %dma_start3A_395 = tpu.memref_slice %arg4[%add3A_382, %dma_start3A_394] : memref<320000x128xf32, #tpu.memory_space<hbm>> -> memref<40x128xf32, #tpu.memory_space<hbm>>
    %dma_start3A_396 = arith.constant 0 : i32
    %dma_start3A_397 = tpu.memref_slice %arg4[%add3A_382, %dma_start3A_396] : memref<320000x128xf32, #tpu.memory_space<hbm>> -> memref<40x128xf32, #tpu.memory_space<hbm>>
    tpu.enqueue_dma source(%dma_start3A_397 : memref<40x128xf32, #tpu.memory_space<hbm>>) target(%arg22 : memref<40x128xf32, #tpu.memory_space<vmem>>) target_semaphore(%arg43 : memref<!tpu.dma_semaphore, #tpu.memory_space<semaphore_mem>>)
    %add3A_398 = arith.constant 360 : i32
    %add3A_399 = arith.addi %mul3A_2, %add3A_398 : i32
    %dma_start3A_400 = tpu.memref_slice %arg3[%add3A_399] : memref<640000xi32, #tpu.memory_space<hbm>> -> memref<40xi32, #tpu.memory_space<hbm>>
    %dma_start3A_401 = tpu.memref_slice %arg3[%add3A_399] : memref<640000xi32, #tpu.memory_space<hbm>> -> memref<40xi32, #tpu.memory_space<hbm>>
    tpu.enqueue_dma source(%dma_start3A_401 : memref<40xi32, #tpu.memory_space<hbm>>) target(%arg9 : memref<40xi32, #tpu.memory_space<vmem>>) target_semaphore(%arg30 : memref<!tpu.dma_semaphore, #tpu.memory_space<semaphore_mem>>)
    %add3A_402 = arith.constant 320000 : i32
    %add3A_403 = arith.addi %add3A_402, %add3A_399 : i32
    %dma_start3A_404 = tpu.memref_slice %arg3[%add3A_403] : memref<640000xi32, #tpu.memory_space<hbm>> -> memref<40xi32, #tpu.memory_space<hbm>>
    %dma_start3A_405 = tpu.memref_slice %arg3[%add3A_403] : memref<640000xi32, #tpu.memory_space<hbm>> -> memref<40xi32, #tpu.memory_space<hbm>>
    tpu.enqueue_dma source(%dma_start3A_405 : memref<40xi32, #tpu.memory_space<hbm>>) target(%arg15 : memref<40xi32, #tpu.memory_space<vmem>>) target_semaphore(%arg36 : memref<!tpu.dma_semaphore, #tpu.memory_space<semaphore_mem>>)
    %scan3A_406 = arith.constant 0 : i32
    %scan3A_407 = arith.constant 0 : i32
    %scan3A_408 = arith.constant 40 : i32
    %scan3A_409 = arith.addi %scan3A_407, %scan3A_408 : i32
    %scan3A_410 = arith.constant 1 : i32
    scf.for %scan3A_541 = %scan3A_407 to %scan3A_409 step %scan3A_410  : i32 {
      %mul3A_542 = arith.constant 6 : i32
      %mul3A_543 = arith.muli %scan3A_541, %mul3A_542 : i32
      %add3A_544 = arith.constant 6 : i32
      %add3A_545 = arith.addi %add3A_544, %mul3A_543 : i32
      %add3A_546 = arith.constant 0 : i32
      %add3A_547 = arith.addi %add3A_545, %add3A_546 : i32
      %dma_wait3A_548 = arith.constant 0 : i32
      %dma_wait3A_549 = arith.constant 0 : i32
      %dma_wait3A_550 = tpu.memref_slice %arg2[%dma_wait3A_548, %dma_wait3A_549] : memref<10000x128xf32, #tpu.memory_space<hbm>> -> memref<10000x128xf32, #tpu.memory_space<hbm>>
      tpu.wait_indirect_dma semaphore(%arg39 : memref<!tpu.dma_semaphore, #tpu.memory_space<semaphore_mem>>) src(%dma_wait3A_550 : memref<10000x128xf32, #tpu.memory_space<hbm>>) dst(%arg18 : memref<40x128xf32, #tpu.memory_space<vmem>>)
      %dma_wait3A_551 = arith.constant 0 : i32
      %dma_wait3A_552 = arith.constant 0 : i32
      %dma_wait3A_553 = tpu.memref_slice %arg4[%dma_wait3A_551, %dma_wait3A_552] : memref<320000x128xf32, #tpu.memory_space<hbm>> -> memref<40x128xf32, #tpu.memory_space<hbm>>
      %dma_wait3A_554 = arith.constant 0 : i32
      %dma_wait3A_555 = arith.constant 0 : i32
      %dma_wait3A_556 = tpu.memref_slice %arg4[%dma_wait3A_554, %dma_wait3A_555] : memref<320000x128xf32, #tpu.memory_space<hbm>> -> memref<40x128xf32, #tpu.memory_space<hbm>>
      tpu.wait_dma2 semaphore(%arg42 : memref<!tpu.dma_semaphore, #tpu.memory_space<semaphore_mem>>) src(%dma_wait3A_556 : memref<40x128xf32, #tpu.memory_space<hbm>>) dst(%arg21 : memref<40x128xf32, #tpu.memory_space<vmem>>)
      %scan3A_557 = arith.constant 0 : i32
      %scan3A_558 = arith.constant 0 : i32
      %scan3A_559 = arith.constant 40 : i32
      %scan3A_560 = arith.addi %scan3A_558, %scan3A_559 : i32
      %scan3A_561 = arith.constant 1 : i32
      scf.for %scan3A_890 = %scan3A_558 to %scan3A_560 step %scan3A_561  : i32 {
        %get3A = arith.index_cast %scan3A_890 : i32 to index
        %get3A_891 = arith.constant 0 : index
        %get3A_892 = tpu.vector_load %arg18[%get3A, %get3A_891] {strides = array<i32>} : memref<40x128xf32, #tpu.memory_space<vmem>>, vector<1x16xf32>,
        %get3A_893 = vector.shape_cast %get3A_892 : vector<1x16xf32> to vector<16xf32>
        %get3A_894 = arith.index_cast %scan3A_890 : i32 to index
        %get3A_895 = arith.constant 0 : index
        %get3A_896 = tpu.vector_load %arg21[%get3A_894, %get3A_895] {strides = array<i32>} : memref<40x128xf32, #tpu.memory_space<vmem>>, vector<1x16xf32>,
        %get3A_897 = vector.shape_cast %get3A_896 : vector<1x16xf32> to vector<16xf32>
        %add3A_898 = arith.addf %get3A_893, %get3A_897 : vector<16xf32>
        %max3A = arith.constant 0.000000e+00 : f32
        %max3A_899 = vector.broadcast %max3A : f32 to vector<16xf32>
        %max3A_900 = arith.maximumf %add3A_898, %max3A_899 : vector<16xf32>
        %swap3A = arith.index_cast %scan3A_890 : i32 to index
        %swap3A_901 = arith.constant 0 : index
        %swap3A_902 = tpu.vector_load %arg21[%swap3A, %swap3A_901] {strides = array<i32>} : memref<40x128xf32, #tpu.memory_space<vmem>>, vector<1x16xf32>,
        %swap3A_903 = vector.shape_cast %swap3A_902 : vector<1x16xf32> to vector<16xf32>
        %swap3A_904 = vector.shape_cast %max3A_900 : vector<16xf32> to vector<1x16xf32>
        tpu.vector_store %arg21[%swap3A, %swap3A_901], %swap3A_904 {strides = array<i32>} : memref<40x128xf32, #tpu.memory_space<vmem>>, vector<1x16xf32>,
        %get3A_905 = arith.index_cast %scan3A_890 : i32 to index
        %get3A_906 = arith.constant 16 : index
        %get3A_907 = tpu.vector_load %arg18[%get3A_905, %get3A_906] {strides = array<i32>} : memref<40x128xf32, #tpu.memory_space<vmem>>, vector<1x16xf32>,
        %get3A_908 = vector.shape_cast %get3A_907 : vector<1x16xf32> to vector<16xf32>
        %get3A_909 = arith.index_cast %scan3A_890 : i32 to index
        %get3A_910 = arith.constant 16 : index
        %get3A_911 = tpu.vector_load %arg21[%get3A_909, %get3A_910] {strides = array<i32>} : memref<40x128xf32, #tpu.memory_space<vmem>>, vector<1x16xf32>,
        %get3A_912 = vector.shape_cast %get3A_911 : vector<1x16xf32> to vector<16xf32>
        %add3A_913 = arith.addf %get3A_908, %get3A_912 : vector<16xf32>
        %max3A_914 = arith.constant 0.000000e+00 : f32
        %max3A_915 = vector.broadcast %max3A_914 : f32 to vector<16xf32>
        %max3A_916 = arith.maximumf %add3A_913, %max3A_915 : vector<16xf32>
        %swap3A_917 = arith.index_cast %scan3A_890 : i32 to index
        %swap3A_918 = arith.constant 16 : index
        %swap3A_919 = tpu.vector_load %arg21[%swap3A_917, %swap3A_918] {strides = array<i32>} : memref<40x128xf32, #tpu.memory_space<vmem>>, vector<1x16xf32>,
        %swap3A_920 = vector.shape_cast %swap3A_919 : vector<1x16xf32> to vector<16xf32>
        %swap3A_921 = vector.shape_cast %max3A_916 : vector<16xf32> to vector<1x16xf32>
        tpu.vector_store %arg21[%swap3A_917, %swap3A_918], %swap3A_921 {strides = array<i32>} : memref<40x128xf32, #tpu.memory_space<vmem>>, vector<1x16xf32>,
        %get3A_922 = arith.index_cast %scan3A_890 : i32 to index
        %get3A_923 = arith.constant 32 : index
        %get3A_924 = tpu.vector_load %arg18[%get3A_922, %get3A_923] {strides = array<i32>} : memref<40x128xf32, #tpu.memory_space<vmem>>, vector<1x16xf32>,
        %get3A_925 = vector.shape_cast %get3A_924 : vector<1x16xf32> to vector<16xf32>
        %get3A_926 = arith.index_cast %scan3A_890 : i32 to index
        %get3A_927 = arith.constant 32 : index
        %get3A_928 = tpu.vector_load %arg21[%get3A_926, %get3A_927] {strides = array<i32>} : memref<40x128xf32, #tpu.memory_space<vmem>>, vector<1x16xf32>,
        %get3A_929 = vector.shape_cast %get3A_928 : vector<1x16xf32> to vector<16xf32>
        %add3A_930 = arith.addf %get3A_925, %get3A_929 : vector<16xf32>
        %max3A_931 = arith.constant 0.000000e+00 : f32
        %max3A_932 = vector.broadcast %max3A_931 : f32 to vector<16xf32>
        %max3A_933 = arith.maximumf %add3A_930, %max3A_932 : vector<16xf32>
        %swap3A_934 = arith.index_cast %scan3A_890 : i32 to index
        %swap3A_935 = arith.constant 32 : index
        %swap3A_936 = tpu.vector_load %arg21[%swap3A_934, %swap3A_935] {strides = array<i32>} : memref<40x128xf32, #tpu.memory_space<vmem>>, vector<1x16xf32>,
        %swap3A_937 = vector.shape_cast %swap3A_936 : vector<1x16xf32> to vector<16xf32>
        %swap3A_938 = vector.shape_cast %max3A_933 : vector<16xf32> to vector<1x16xf32>
        tpu.vector_store %arg21[%swap3A_934, %swap3A_935], %swap3A_938 {strides = array<i32>} : memref<40x128xf32, #tpu.memory_space<vmem>>, vector<1x16xf32>,
        %get3A_939 = arith.index_cast %scan3A_890 : i32 to index
        %get3A_940 = arith.constant 48 : index
        %get3A_941 = tpu.vector_load %arg18[%get3A_939, %get3A_940] {strides = array<i32>} : memref<40x128xf32, #tpu.memory_space<vmem>>, vector<1x16xf32>,
        %get3A_942 = vector.shape_cast %get3A_941 : vector<1x16xf32> to vector<16xf32>
        %get3A_943 = arith.index_cast %scan3A_890 : i32 to index
        %get3A_944 = arith.constant 48 : index
        %get3A_945 = tpu.vector_load %arg21[%get3A_943, %get3A_944] {strides = array<i32>} : memref<40x128xf32, #tpu.memory_space<vmem>>, vector<1x16xf32>,
        %get3A_946 = vector.shape_cast %get3A_945 : vector<1x16xf32> to vector<16xf32>
        %add3A_947 = arith.addf %get3A_942, %get3A_946 : vector<16xf32>
        %max3A_948 = arith.constant 0.000000e+00 : f32
        %max3A_949 = vector.broadcast %max3A_948 : f32 to vector<16xf32>
        %max3A_950 = arith.maximumf %add3A_947, %max3A_949 : vector<16xf32>
        %swap3A_951 = arith.index_cast %scan3A_890 : i32 to index
        %swap3A_952 = arith.constant 48 : index
        %swap3A_953 = tpu.vector_load %arg21[%swap3A_951, %swap3A_952] {strides = array<i32>} : memref<40x128xf32, #tpu.memory_space<vmem>>, vector<1x16xf32>,
        %swap3A_954 = vector.shape_cast %swap3A_953 : vector<1x16xf32> to vector<16xf32>
        %swap3A_955 = vector.shape_cast %max3A_950 : vector<16xf32> to vector<1x16xf32>
        tpu.vector_store %arg21[%swap3A_951, %swap3A_952], %swap3A_955 {strides = array<i32>} : memref<40x128xf32, #tpu.memory_space<vmem>>, vector<1x16xf32>,
        %get3A_956 = arith.index_cast %scan3A_890 : i32 to index
        %get3A_957 = arith.constant 64 : index
        %get3A_958 = tpu.vector_load %arg18[%get3A_956, %get3A_957] {strides = array<i32>} : memref<40x128xf32, #tpu.memory_space<vmem>>, vector<1x16xf32>,
        %get3A_959 = vector.shape_cast %get3A_958 : vector<1x16xf32> to vector<16xf32>
        %get3A_960 = arith.index_cast %scan3A_890 : i32 to index
        %get3A_961 = arith.constant 64 : index
        %get3A_962 = tpu.vector_load %arg21[%get3A_960, %get3A_961] {strides = array<i32>} : memref<40x128xf32, #tpu.memory_space<vmem>>, vector<1x16xf32>,
        %get3A_963 = vector.shape_cast %get3A_962 : vector<1x16xf32> to vector<16xf32>
        %add3A_964 = arith.addf %get3A_959, %get3A_963 : vector<16xf32>
        %max3A_965 = arith.constant 0.000000e+00 : f32
        %max3A_966 = vector.broadcast %max3A_965 : f32 to vector<16xf32>
        %max3A_967 = arith.maximumf %add3A_964, %max3A_966 : vector<16xf32>
        %swap3A_968 = arith.index_cast %scan3A_890 : i32 to index
        %swap3A_969 = arith.constant 64 : index
        %swap3A_970 = tpu.vector_load %arg21[%swap3A_968, %swap3A_969] {strides = array<i32>} : memref<40x128xf32, #tpu.memory_space<vmem>>, vector<1x16xf32>,
        %swap3A_971 = vector.shape_cast %swap3A_970 : vector<1x16xf32> to vector<16xf32>
        %swap3A_972 = vector.shape_cast %max3A_967 : vector<16xf32> to vector<1x16xf32>
        tpu.vector_store %arg21[%swap3A_968, %swap3A_969], %swap3A_972 {strides = array<i32>} : memref<40x128xf32, #tpu.memory_space<vmem>>, vector<1x16xf32>,
        %get3A_973 = arith.index_cast %scan3A_890 : i32 to index
        %get3A_974 = arith.constant 80 : index
        %get3A_975 = tpu.vector_load %arg18[%get3A_973, %get3A_974] {strides = array<i32>} : memref<40x128xf32, #tpu.memory_space<vmem>>, vector<1x16xf32>,
        %get3A_976 = vector.shape_cast %get3A_975 : vector<1x16xf32> to vector<16xf32>
        %get3A_977 = arith.index_cast %scan3A_890 : i32 to index
        %get3A_978 = arith.constant 80 : index
        %get3A_979 = tpu.vector_load %arg21[%get3A_977, %get3A_978] {strides = array<i32>} : memref<40x128xf32, #tpu.memory_space<vmem>>, vector<1x16xf32>,
        %get3A_980 = vector.shape_cast %get3A_979 : vector<1x16xf32> to vector<16xf32>
        %add3A_981 = arith.addf %get3A_976, %get3A_980 : vector<16xf32>
        %max3A_982 = arith.constant 0.000000e+00 : f32
        %max3A_983 = vector.broadcast %max3A_982 : f32 to vector<16xf32>
        %max3A_984 = arith.maximumf %add3A_981, %max3A_983 : vector<16xf32>
        %swap3A_985 = arith.index_cast %scan3A_890 : i32 to index
        %swap3A_986 = arith.constant 80 : index
        %swap3A_987 = tpu.vector_load %arg21[%swap3A_985, %swap3A_986] {strides = array<i32>} : memref<40x128xf32, #tpu.memory_space<vmem>>, vector<1x16xf32>,
        %swap3A_988 = vector.shape_cast %swap3A_987 : vector<1x16xf32> to vector<16xf32>
        %swap3A_989 = vector.shape_cast %max3A_984 : vector<16xf32> to vector<1x16xf32>
        tpu.vector_store %arg21[%swap3A_985, %swap3A_986], %swap3A_989 {strides = array<i32>} : memref<40x128xf32, #tpu.memory_space<vmem>>, vector<1x16xf32>,
        %get3A_990 = arith.index_cast %scan3A_890 : i32 to index
        %get3A_991 = arith.constant 96 : index
        %get3A_992 = tpu.vector_load %arg18[%get3A_990, %get3A_991] {strides = array<i32>} : memref<40x128xf32, #tpu.memory_space<vmem>>, vector<1x16xf32>,
        %get3A_993 = vector.shape_cast %get3A_992 : vector<1x16xf32> to vector<16xf32>
        %get3A_994 = arith.index_cast %scan3A_890 : i32 to index
        %get3A_995 = arith.constant 96 : index
        %get3A_996 = tpu.vector_load %arg21[%get3A_994, %get3A_995] {strides = array<i32>} : memref<40x128xf32, #tpu.memory_space<vmem>>, vector<1x16xf32>,
        %get3A_997 = vector.shape_cast %get3A_996 : vector<1x16xf32> to vector<16xf32>
        %add3A_998 = arith.addf %get3A_993, %get3A_997 : vector<16xf32>
        %max3A_999 = arith.constant 0.000000e+00 : f32
        %max3A_1000 = vector.broadcast %max3A_999 : f32 to vector<16xf32>
        %max3A_1001 = arith.maximumf %add3A_998, %max3A_1000 : vector<16xf32>
        %swap3A_1002 = arith.index_cast %scan3A_890 : i32 to index
        %swap3A_1003 = arith.constant 96 : index
        %swap3A_1004 = tpu.vector_load %arg21[%swap3A_1002, %swap3A_1003] {strides = array<i32>} : memref<40x128xf32, #tpu.memory_space<vmem>>, vector<1x16xf32>,
        %swap3A_1005 = vector.shape_cast %swap3A_1004 : vector<1x16xf32> to vector<16xf32>
        %swap3A_1006 = vector.shape_cast %max3A_1001 : vector<16xf32> to vector<1x16xf32>
        tpu.vector_store %arg21[%swap3A_1002, %swap3A_1003], %swap3A_1006 {strides = array<i32>} : memref<40x128xf32, #tpu.memory_space<vmem>>, vector<1x16xf32>,
        %get3A_1007 = arith.index_cast %scan3A_890 : i32 to index
        %get3A_1008 = arith.constant 112 : index
        %get3A_1009 = tpu.vector_load %arg18[%get3A_1007, %get3A_1008] {strides = array<i32>} : memref<40x128xf32, #tpu.memory_space<vmem>>, vector<1x16xf32>,
        %get3A_1010 = vector.shape_cast %get3A_1009 : vector<1x16xf32> to vector<16xf32>
        %get3A_1011 = arith.index_cast %scan3A_890 : i32 to index
        %get3A_1012 = arith.constant 112 : index
        %get3A_1013 = tpu.vector_load %arg21[%get3A_1011, %get3A_1012] {strides = array<i32>} : memref<40x128xf32, #tpu.memory_space<vmem>>, vector<1x16xf32>,
        %get3A_1014 = vector.shape_cast %get3A_1013 : vector<1x16xf32> to vector<16xf32>
        %add3A_1015 = arith.addf %get3A_1010, %get3A_1014 : vector<16xf32>
        %max3A_1016 = arith.constant 0.000000e+00 : f32
        %max3A_1017 = vector.broadcast %max3A_1016 : f32 to vector<16xf32>
        %max3A_1018 = arith.maximumf %add3A_1015, %max3A_1017 : vector<16xf32>
        %swap3A_1019 = arith.index_cast %scan3A_890 : i32 to index
        %swap3A_1020 = arith.constant 112 : index
        %swap3A_1021 = tpu.vector_load %arg21[%swap3A_1019, %swap3A_1020] {strides = array<i32>} : memref<40x128xf32, #tpu.memory_space<vmem>>, vector<1x16xf32>,
        %swap3A_1022 = vector.shape_cast %swap3A_1021 : vector<1x16xf32> to vector<16xf32>
        %swap3A_1023 = vector.shape_cast %max3A_1018 : vector<16xf32> to vector<1x16xf32>
        tpu.vector_store %arg21[%swap3A_1019, %swap3A_1020], %swap3A_1023 {strides = array<i32>} : memref<40x128xf32, #tpu.memory_space<vmem>>, vector<1x16xf32>,
      }
      %scan3A_562 = arith.constant 40 : i32
      %dma_start3A_563 = arith.constant 0 : i32
      %dma_start3A_564 = arith.constant 0 : i32
      %dma_start3A_565 = tpu.memref_slice %arg54[%dma_start3A_563, %dma_start3A_564] : memref<10240x128xf32, #tpu.memory_space<vmem_shared>> -> memref<10240x128xf32, #tpu.memory_space<vmem_shared>>
      tpu.enqueue_indirect_dma source(%arg21 : memref<40x128xf32, #tpu.memory_space<vmem>>) target(%dma_start3A_565 : memref<10240x128xf32, #tpu.memory_space<vmem_shared>>) offsets(%arg12 : memref<40xi32, #tpu.memory_space<vmem>>) semaphore(%arg48 : memref<!tpu.dma_semaphore, #tpu.memory_space<semaphore_mem>>) {add = true}
      %dma_wait3A_566 = arith.constant 0 : i32
      %dma_wait3A_567 = arith.constant 0 : i32
      %dma_wait3A_568 = tpu.memref_slice %arg54[%dma_wait3A_566, %dma_wait3A_567] : memref<10240x128xf32, #tpu.memory_space<vmem_shared>> -> memref<10240x128xf32, #tpu.memory_space<vmem_shared>>
      tpu.wait_indirect_dma semaphore(%arg52 : memref<!tpu.dma_semaphore, #tpu.memory_space<semaphore_mem>>) src(%arg25 : memref<40x128xf32, #tpu.memory_space<vmem>>) dst(%dma_wait3A_568 : memref<10240x128xf32, #tpu.memory_space<vmem_shared>>)
      %add3A_569 = arith.constant 2 : i32
      %add3A_570 = arith.addi %add3A_547, %add3A_569 : i32
      %mul3A_571 = arith.constant 40 : i32
      %mul3A_572 = arith.muli %add3A_570, %mul3A_571 : i32
      %add3A_573 = arith.addi %mul3A_2, %mul3A_572 : i32
      %dma_wait3A_574 = arith.constant 0 : i32
      %dma_wait3A_575 = tpu.memref_slice %arg3[%dma_wait3A_574] : memref<640000xi32, #tpu.memory_space<hbm>> -> memref<40xi32, #tpu.memory_space<hbm>>
      %dma_wait3A_576 = arith.constant 0 : i32
      %dma_wait3A_577 = tpu.memref_slice %arg3[%dma_wait3A_576] : memref<640000xi32, #tpu.memory_space<hbm>> -> memref<40xi32, #tpu.memory_space<hbm>>
      tpu.wait_dma2 semaphore(%arg29 : memref<!tpu.dma_semaphore, #tpu.memory_space<semaphore_mem>>) src(%dma_wait3A_577 : memref<40xi32, #tpu.memory_space<hbm>>) dst(%arg8 : memref<40xi32, #tpu.memory_space<vmem>>)
      %dma_wait3A_578 = arith.constant 0 : i32
      %dma_wait3A_579 = tpu.memref_slice %arg3[%dma_wait3A_578] : memref<640000xi32, #tpu.memory_space<hbm>> -> memref<40xi32, #tpu.memory_space<hbm>>
      %dma_wait3A_580 = arith.constant 0 : i32
      %dma_wait3A_581 = tpu.memref_slice %arg3[%dma_wait3A_580] : memref<640000xi32, #tpu.memory_space<hbm>> -> memref<40xi32, #tpu.memory_space<hbm>>
      tpu.wait_dma2 semaphore(%arg35 : memref<!tpu.dma_semaphore, #tpu.memory_space<semaphore_mem>>) src(%dma_wait3A_581 : memref<40xi32, #tpu.memory_space<hbm>>) dst(%arg14 : memref<40xi32, #tpu.memory_space<vmem>>)
      %dma_start3A_582 = arith.constant 0 : i32
      %dma_start3A_583 = arith.constant 0 : i32
      %dma_start3A_584 = tpu.memref_slice %arg2[%dma_start3A_582, %dma_start3A_583] : memref<10000x128xf32, #tpu.memory_space<hbm>> -> memref<10000x128xf32, #tpu.memory_space<hbm>>
      tpu.enqueue_indirect_dma source(%dma_start3A_584 : memref<10000x128xf32, #tpu.memory_space<hbm>>) target(%arg20 : memref<40x128xf32, #tpu.memory_space<vmem>>) offsets(%arg8 : memref<40xi32, #tpu.memory_space<vmem>>) semaphore(%arg41 : memref<!tpu.dma_semaphore, #tpu.memory_space<semaphore_mem>>)
      %dma_start3A_585 = arith.constant 0 : i32
      %dma_start3A_586 = tpu.memref_slice %arg4[%add3A_573, %dma_start3A_585] : memref<320000x128xf32, #tpu.memory_space<hbm>> -> memref<40x128xf32, #tpu.memory_space<hbm>>
      %dma_start3A_587 = arith.constant 0 : i32
      %dma_start3A_588 = tpu.memref_slice %arg4[%add3A_573, %dma_start3A_587] : memref<320000x128xf32, #tpu.memory_space<hbm>> -> memref<40x128xf32, #tpu.memory_space<hbm>>
      tpu.enqueue_dma source(%dma_start3A_588 : memref<40x128xf32, #tpu.memory_space<hbm>>) target(%arg23 : memref<40x128xf32, #tpu.memory_space<vmem>>) target_semaphore(%arg44 : memref<!tpu.dma_semaphore, #tpu.memory_space<semaphore_mem>>)
      %add3A_589 = arith.constant 4 : i32
      %add3A_590 = arith.addi %add3A_547, %add3A_589 : i32
      %mul3A_591 = arith.constant 40 : i32
      %mul3A_592 = arith.muli %add3A_590, %mul3A_591 : i32
      %add3A_593 = arith.addi %mul3A_2, %mul3A_592 : i32
      %dma_start3A_594 = tpu.memref_slice %arg3[%add3A_593] : memref<640000xi32, #tpu.memory_space<hbm>> -> memref<40xi32, #tpu.memory_space<hbm>>
      %dma_start3A_595 = tpu.memref_slice %arg3[%add3A_593] : memref<640000xi32, #tpu.memory_space<hbm>> -> memref<40xi32, #tpu.memory_space<hbm>>
      tpu.enqueue_dma source(%dma_start3A_595 : memref<40xi32, #tpu.memory_space<hbm>>) target(%arg10 : memref<40xi32, #tpu.memory_space<vmem>>) target_semaphore(%arg31 : memref<!tpu.dma_semaphore, #tpu.memory_space<semaphore_mem>>)
      %add3A_596 = arith.constant 320000 : i32
      %add3A_597 = arith.addi %add3A_596, %add3A_593 : i32
      %dma_start3A_598 = tpu.memref_slice %arg3[%add3A_597] : memref<640000xi32, #tpu.memory_space<hbm>> -> memref<40xi32, #tpu.memory_space<hbm>>
      %dma_start3A_599 = tpu.memref_slice %arg3[%add3A_597] : memref<640000xi32, #tpu.memory_space<hbm>> -> memref<40xi32, #tpu.memory_space<hbm>>
      tpu.enqueue_dma source(%dma_start3A_599 : memref<40xi32, #tpu.memory_space<hbm>>) target(%arg16 : memref<40xi32, #tpu.memory_space<vmem>>) target_semaphore(%arg37 : memref<!tpu.dma_semaphore, #tpu.memory_space<semaphore_mem>>)
      %mul3A_600 = arith.constant 6 : i32
      %mul3A_601 = arith.muli %scan3A_541, %mul3A_600 : i32
      %add3A_602 = arith.constant 6 : i32
      %add3A_603 = arith.addi %add3A_602, %mul3A_601 : i32
      %add3A_604 = arith.constant 1 : i32
      %add3A_605 = arith.addi %add3A_603, %add3A_604 : i32
      %dma_wait3A_606 = arith.constant 0 : i32
      %dma_wait3A_607 = arith.constant 0 : i32
      %dma_wait3A_608 = tpu.memref_slice %arg2[%dma_wait3A_606, %dma_wait3A_607] : memref<10000x128xf32, #tpu.memory_space<hbm>> -> memref<10000x128xf32, #tpu.memory_space<hbm>>
      tpu.wait_indirect_dma semaphore(%arg40 : memref<!tpu.dma_semaphore, #tpu.memory_space<semaphore_mem>>) src(%dma_wait3A_608 : memref<10000x128xf32, #tpu.memory_space<hbm>>) dst(%arg19 : memref<40x128xf32, #tpu.memory_space<vmem>>)
      %dma_wait3A_609 = arith.constant 0 : i32
      %dma_wait3A_610 = arith.constant 0 : i32
      %dma_wait3A_611 = tpu.memref_slice %arg4[%dma_wait3A_609, %dma_wait3A_610] : memref<320000x128xf32, #tpu.memory_space<hbm>> -> memref<40x128xf32, #tpu.memory_space<hbm>>
      %dma_wait3A_612 = arith.constant 0 : i32
      %dma_wait3A_613 = arith.constant 0 : i32
      %dma_wait3A_614 = tpu.memref_slice %arg4[%dma_wait3A_612, %dma_wait3A_613] : memref<320000x128xf32, #tpu.memory_space<hbm>> -> memref<40x128xf32, #tpu.memory_space<hbm>>
      tpu.wait_dma2 semaphore(%arg43 : memref<!tpu.dma_semaphore, #tpu.memory_space<semaphore_mem>>) src(%dma_wait3A_614 : memref<40x128xf32, #tpu.memory_space<hbm>>) dst(%arg22 : memref<40x128xf32, #tpu.memory_space<vmem>>)
      %scan3A_615 = arith.constant 0 : i32
      %scan3A_616 = arith.constant 0 : i32
      %scan3A_617 = arith.constant 40 : i32
      %scan3A_618 = arith.addi %scan3A_616, %scan3A_617 : i32
      %scan3A_619 = arith.constant 1 : i32
      scf.for %scan3A_890 = %scan3A_616 to %scan3A_618 step %scan3A_619  : i32 {
        %get3A = arith.index_cast %scan3A_890 : i32 to index
        %get3A_891 = arith.constant 0 : index
        %get3A_892 = tpu.vector_load %arg19[%get3A, %get3A_891] {strides = array<i32>} : memref<40x128xf32, #tpu.memory_space<vmem>>, vector<1x16xf32>,
        %get3A_893 = vector.shape_cast %get3A_892 : vector<1x16xf32> to vector<16xf32>
        %get3A_894 = arith.index_cast %scan3A_890 : i32 to index
        %get3A_895 = arith.constant 0 : index
        %get3A_896 = tpu.vector_load %arg22[%get3A_894, %get3A_895] {strides = array<i32>} : memref<40x128xf32, #tpu.memory_space<vmem>>, vector<1x16xf32>,
        %get3A_897 = vector.shape_cast %get3A_896 : vector<1x16xf32> to vector<16xf32>
        %add3A_898 = arith.addf %get3A_893, %get3A_897 : vector<16xf32>
        %max3A = arith.constant 0.000000e+00 : f32
        %max3A_899 = vector.broadcast %max3A : f32 to vector<16xf32>
        %max3A_900 = arith.maximumf %add3A_898, %max3A_899 : vector<16xf32>
        %swap3A = arith.index_cast %scan3A_890 : i32 to index
        %swap3A_901 = arith.constant 0 : index
        %swap3A_902 = tpu.vector_load %arg22[%swap3A, %swap3A_901] {strides = array<i32>} : memref<40x128xf32, #tpu.memory_space<vmem>>, vector<1x16xf32>,
        %swap3A_903 = vector.shape_cast %swap3A_902 : vector<1x16xf32> to vector<16xf32>
        %swap3A_904 = vector.shape_cast %max3A_900 : vector<16xf32> to vector<1x16xf32>
        tpu.vector_store %arg22[%swap3A, %swap3A_901], %swap3A_904 {strides = array<i32>} : memref<40x128xf32, #tpu.memory_space<vmem>>, vector<1x16xf32>,
        %get3A_905 = arith.index_cast %scan3A_890 : i32 to index
        %get3A_906 = arith.constant 16 : index
        %get3A_907 = tpu.vector_load %arg19[%get3A_905, %get3A_906] {strides = array<i32>} : memref<40x128xf32, #tpu.memory_space<vmem>>, vector<1x16xf32>,
        %get3A_908 = vector.shape_cast %get3A_907 : vector<1x16xf32> to vector<16xf32>
        %get3A_909 = arith.index_cast %scan3A_890 : i32 to index
        %get3A_910 = arith.constant 16 : index
        %get3A_911 = tpu.vector_load %arg22[%get3A_909, %get3A_910] {strides = array<i32>} : memref<40x128xf32, #tpu.memory_space<vmem>>, vector<1x16xf32>,
        %get3A_912 = vector.shape_cast %get3A_911 : vector<1x16xf32> to vector<16xf32>
        %add3A_913 = arith.addf %get3A_908, %get3A_912 : vector<16xf32>
        %max3A_914 = arith.constant 0.000000e+00 : f32
        %max3A_915 = vector.broadcast %max3A_914 : f32 to vector<16xf32>
        %max3A_916 = arith.maximumf %add3A_913, %max3A_915 : vector<16xf32>
        %swap3A_917 = arith.index_cast %scan3A_890 : i32 to index
        %swap3A_918 = arith.constant 16 : index
        %swap3A_919 = tpu.vector_load %arg22[%swap3A_917, %swap3A_918] {strides = array<i32>} : memref<40x128xf32, #tpu.memory_space<vmem>>, vector<1x16xf32>,
        %swap3A_920 = vector.shape_cast %swap3A_919 : vector<1x16xf32> to vector<16xf32>
        %swap3A_921 = vector.shape_cast %max3A_916 : vector<16xf32> to vector<1x16xf32>
        tpu.vector_store %arg22[%swap3A_917, %swap3A_918], %swap3A_921 {strides = array<i32>} : memref<40x128xf32, #tpu.memory_space<vmem>>, vector<1x16xf32>,
        %get3A_922 = arith.index_cast %scan3A_890 : i32 to index
        %get3A_923 = arith.constant 32 : index
        %get3A_924 = tpu.vector_load %arg19[%get3A_922, %get3A_923] {strides = array<i32>} : memref<40x128xf32, #tpu.memory_space<vmem>>, vector<1x16xf32>,
        %get3A_925 = vector.shape_cast %get3A_924 : vector<1x16xf32> to vector<16xf32>
        %get3A_926 = arith.index_cast %scan3A_890 : i32 to index
        %get3A_927 = arith.constant 32 : index
        %get3A_928 = tpu.vector_load %arg22[%get3A_926, %get3A_927] {strides = array<i32>} : memref<40x128xf32, #tpu.memory_space<vmem>>, vector<1x16xf32>,
        %get3A_929 = vector.shape_cast %get3A_928 : vector<1x16xf32> to vector<16xf32>
        %add3A_930 = arith.addf %get3A_925, %get3A_929 : vector<16xf32>
        %max3A_931 = arith.constant 0.000000e+00 : f32
        %max3A_932 = vector.broadcast %max3A_931 : f32 to vector<16xf32>
        %max3A_933 = arith.maximumf %add3A_930, %max3A_932 : vector<16xf32>
        %swap3A_934 = arith.index_cast %scan3A_890 : i32 to index
        %swap3A_935 = arith.constant 32 : index
        %swap3A_936 = tpu.vector_load %arg22[%swap3A_934, %swap3A_935] {strides = array<i32>} : memref<40x128xf32, #tpu.memory_space<vmem>>, vector<1x16xf32>,
        %swap3A_937 = vector.shape_cast %swap3A_936 : vector<1x16xf32> to vector<16xf32>
        %swap3A_938 = vector.shape_cast %max3A_933 : vector<16xf32> to vector<1x16xf32>
        tpu.vector_store %arg22[%swap3A_934, %swap3A_935], %swap3A_938 {strides = array<i32>} : memref<40x128xf32, #tpu.memory_space<vmem>>, vector<1x16xf32>,
        %get3A_939 = arith.index_cast %scan3A_890 : i32 to index
        %get3A_940 = arith.constant 48 : index
        %get3A_941 = tpu.vector_load %arg19[%get3A_939, %get3A_940] {strides = array<i32>} : memref<40x128xf32, #tpu.memory_space<vmem>>, vector<1x16xf32>,
        %get3A_942 = vector.shape_cast %get3A_941 : vector<1x16xf32> to vector<16xf32>
        %get3A_943 = arith.index_cast %scan3A_890 : i32 to index
        %get3A_944 = arith.constant 48 : index
        %get3A_945 = tpu.vector_load %arg22[%get3A_943, %get3A_944] {strides = array<i32>} : memref<40x128xf32, #tpu.memory_space<vmem>>, vector<1x16xf32>,
        %get3A_946 = vector.shape_cast %get3A_945 : vector<1x16xf32> to vector<16xf32>
        %add3A_947 = arith.addf %get3A_942, %get3A_946 : vector<16xf32>
        %max3A_948 = arith.constant 0.000000e+00 : f32
        %max3A_949 = vector.broadcast %max3A_948 : f32 to vector<16xf32>
        %max3A_950 = arith.maximumf %add3A_947, %max3A_949 : vector<16xf32>
        %swap3A_951 = arith.index_cast %scan3A_890 : i32 to index
        %swap3A_952 = arith.constant 48 : index
        %swap3A_953 = tpu.vector_load %arg22[%swap3A_951, %swap3A_952] {strides = array<i32>} : memref<40x128xf32, #tpu.memory_space<vmem>>, vector<1x16xf32>,
        %swap3A_954 = vector.shape_cast %swap3A_953 : vector<1x16xf32> to vector<16xf32>
        %swap3A_955 = vector.shape_cast %max3A_950 : vector<16xf32> to vector<1x16xf32>
        tpu.vector_store %arg22[%swap3A_951, %swap3A_952], %swap3A_955 {strides = array<i32>} : memref<40x128xf32, #tpu.memory_space<vmem>>, vector<1x16xf32>,
        %get3A_956 = arith.index_cast %scan3A_890 : i32 to index
        %get3A_957 = arith.constant 64 : index
        %get3A_958 = tpu.vector_load %arg19[%get3A_956, %get3A_957] {strides = array<i32>} : memref<40x128xf32, #tpu.memory_space<vmem>>, vector<1x16xf32>,
        %get3A_959 = vector.shape_cast %get3A_958 : vector<1x16xf32> to vector<16xf32>
        %get3A_960 = arith.index_cast %scan3A_890 : i32 to index
        %get3A_961 = arith.constant 64 : index
        %get3A_962 = tpu.vector_load %arg22[%get3A_960, %get3A_961] {strides = array<i32>} : memref<40x128xf32, #tpu.memory_space<vmem>>, vector<1x16xf32>,
        %get3A_963 = vector.shape_cast %get3A_962 : vector<1x16xf32> to vector<16xf32>
        %add3A_964 = arith.addf %get3A_959, %get3A_963 : vector<16xf32>
        %max3A_965 = arith.constant 0.000000e+00 : f32
        %max3A_966 = vector.broadcast %max3A_965 : f32 to vector<16xf32>
        %max3A_967 = arith.maximumf %add3A_964, %max3A_966 : vector<16xf32>
        %swap3A_968 = arith.index_cast %scan3A_890 : i32 to index
        %swap3A_969 = arith.constant 64 : index
        %swap3A_970 = tpu.vector_load %arg22[%swap3A_968, %swap3A_969] {strides = array<i32>} : memref<40x128xf32, #tpu.memory_space<vmem>>, vector<1x16xf32>,
        %swap3A_971 = vector.shape_cast %swap3A_970 : vector<1x16xf32> to vector<16xf32>
        %swap3A_972 = vector.shape_cast %max3A_967 : vector<16xf32> to vector<1x16xf32>
        tpu.vector_store %arg22[%swap3A_968, %swap3A_969], %swap3A_972 {strides = array<i32>} : memref<40x128xf32, #tpu.memory_space<vmem>>, vector<1x16xf32>,
        %get3A_973 = arith.index_cast %scan3A_890 : i32 to index
        %get3A_974 = arith.constant 80 : index
        %get3A_975 = tpu.vector_load %arg19[%get3A_973, %get3A_974] {strides = array<i32>} : memref<40x128xf32, #tpu.memory_space<vmem>>, vector<1x16xf32>,
        %get3A_976 = vector.shape_cast %get3A_975 : vector<1x16xf32> to vector<16xf32>
        %get3A_977 = arith.index_cast %scan3A_890 : i32 to index
        %get3A_978 = arith.constant 80 : index
        %get3A_979 = tpu.vector_load %arg22[%get3A_977, %get3A_978] {strides = array<i32>} : memref<40x128xf32, #tpu.memory_space<vmem>>, vector<1x16xf32>,
        %get3A_980 = vector.shape_cast %get3A_979 : vector<1x16xf32> to vector<16xf32>
        %add3A_981 = arith.addf %get3A_976, %get3A_980 : vector<16xf32>
        %max3A_982 = arith.constant 0.000000e+00 : f32
        %max3A_983 = vector.broadcast %max3A_982 : f32 to vector<16xf32>
        %max3A_984 = arith.maximumf %add3A_981, %max3A_983 : vector<16xf32>
        %swap3A_985 = arith.index_cast %scan3A_890 : i32 to index
        %swap3A_986 = arith.constant 80 : index
        %swap3A_987 = tpu.vector_load %arg22[%swap3A_985, %swap3A_986] {strides = array<i32>} : memref<40x128xf32, #tpu.memory_space<vmem>>, vector<1x16xf32>,
        %swap3A_988 = vector.shape_cast %swap3A_987 : vector<1x16xf32> to vector<16xf32>
        %swap3A_989 = vector.shape_cast %max3A_984 : vector<16xf32> to vector<1x16xf32>
        tpu.vector_store %arg22[%swap3A_985, %swap3A_986], %swap3A_989 {strides = array<i32>} : memref<40x128xf32, #tpu.memory_space<vmem>>, vector<1x16xf32>,
        %get3A_990 = arith.index_cast %scan3A_890 : i32 to index
        %get3A_991 = arith.constant 96 : index
        %get3A_992 = tpu.vector_load %arg19[%get3A_990, %get3A_991] {strides = array<i32>} : memref<40x128xf32, #tpu.memory_space<vmem>>, vector<1x16xf32>,
        %get3A_993 = vector.shape_cast %get3A_992 : vector<1x16xf32> to vector<16xf32>
        %get3A_994 = arith.index_cast %scan3A_890 : i32 to index
        %get3A_995 = arith.constant 96 : index
        %get3A_996 = tpu.vector_load %arg22[%get3A_994, %get3A_995] {strides = array<i32>} : memref<40x128xf32, #tpu.memory_space<vmem>>, vector<1x16xf32>,
        %get3A_997 = vector.shape_cast %get3A_996 : vector<1x16xf32> to vector<16xf32>
        %add3A_998 = arith.addf %get3A_993, %get3A_997 : vector<16xf32>
        %max3A_999 = arith.constant 0.000000e+00 : f32
        %max3A_1000 = vector.broadcast %max3A_999 : f32 to vector<16xf32>
        %max3A_1001 = arith.maximumf %add3A_998, %max3A_1000 : vector<16xf32>
        %swap3A_1002 = arith.index_cast %scan3A_890 : i32 to index
        %swap3A_1003 = arith.constant 96 : index
        %swap3A_1004 = tpu.vector_load %arg22[%swap3A_1002, %swap3A_1003] {strides = array<i32>} : memref<40x128xf32, #tpu.memory_space<vmem>>, vector<1x16xf32>,
        %swap3A_1005 = vector.shape_cast %swap3A_1004 : vector<1x16xf32> to vector<16xf32>
        %swap3A_1006 = vector.shape_cast %max3A_1001 : vector<16xf32> to vector<1x16xf32>
        tpu.vector_store %arg22[%swap3A_1002, %swap3A_1003], %swap3A_1006 {strides = array<i32>} : memref<40x128xf32, #tpu.memory_space<vmem>>, vector<1x16xf32>,
        %get3A_1007 = arith.index_cast %scan3A_890 : i32 to index
        %get3A_1008 = arith.constant 112 : index
        %get3A_1009 = tpu.vector_load %arg19[%get3A_1007, %get3A_1008] {strides = array<i32>} : memref<40x128xf32, #tpu.memory_space<vmem>>, vector<1x16xf32>,
        %get3A_1010 = vector.shape_cast %get3A_1009 : vector<1x16xf32> to vector<16xf32>
        %get3A_1011 = arith.index_cast %scan3A_890 : i32 to index
        %get3A_1012 = arith.constant 112 : index
        %get3A_1013 = tpu.vector_load %arg22[%get3A_1011, %get3A_1012] {strides = array<i32>} : memref<40x128xf32, #tpu.memory_space<vmem>>, vector<1x16xf32>,
        %get3A_1014 = vector.shape_cast %get3A_1013 : vector<1x16xf32> to vector<16xf32>
        %add3A_1015 = arith.addf %get3A_1010, %get3A_1014 : vector<16xf32>
        %max3A_1016 = arith.constant 0.000000e+00 : f32
        %max3A_1017 = vector.broadcast %max3A_1016 : f32 to vector<16xf32>
        %max3A_1018 = arith.maximumf %add3A_1015, %max3A_1017 : vector<16xf32>
        %swap3A_1019 = arith.index_cast %scan3A_890 : i32 to index
        %swap3A_1020 = arith.constant 112 : index
        %swap3A_1021 = tpu.vector_load %arg22[%swap3A_1019, %swap3A_1020] {strides = array<i32>} : memref<40x128xf32, #tpu.memory_space<vmem>>, vector<1x16xf32>,
        %swap3A_1022 = vector.shape_cast %swap3A_1021 : vector<1x16xf32> to vector<16xf32>
        %swap3A_1023 = vector.shape_cast %max3A_1018 : vector<16xf32> to vector<1x16xf32>
        tpu.vector_store %arg22[%swap3A_1019, %swap3A_1020], %swap3A_1023 {strides = array<i32>} : memref<40x128xf32, #tpu.memory_space<vmem>>, vector<1x16xf32>,
      }
      %scan3A_620 = arith.constant 40 : i32
      %dma_start3A_621 = arith.constant 0 : i32
      %dma_start3A_622 = arith.constant 0 : i32
      %dma_start3A_623 = tpu.memref_slice %arg54[%dma_start3A_621, %dma_start3A_622] : memref<10240x128xf32, #tpu.memory_space<vmem_shared>> -> memref<10240x128xf32, #tpu.memory_space<vmem_shared>>
      tpu.enqueue_indirect_dma source(%arg22 : memref<40x128xf32, #tpu.memory_space<vmem>>) target(%dma_start3A_623 : memref<10240x128xf32, #tpu.memory_space<vmem_shared>>) offsets(%arg13 : memref<40xi32, #tpu.memory_space<vmem>>) semaphore(%arg49 : memref<!tpu.dma_semaphore, #tpu.memory_space<semaphore_mem>>) {add = true}
      %dma_wait3A_624 = arith.constant 0 : i32
      %dma_wait3A_625 = arith.constant 0 : i32
      %dma_wait3A_626 = tpu.memref_slice %arg54[%dma_wait3A_624, %dma_wait3A_625] : memref<10240x128xf32, #tpu.memory_space<vmem_shared>> -> memref<10240x128xf32, #tpu.memory_space<vmem_shared>>
      tpu.wait_indirect_dma semaphore(%arg53 : memref<!tpu.dma_semaphore, #tpu.memory_space<semaphore_mem>>) src(%arg26 : memref<40x128xf32, #tpu.memory_space<vmem>>) dst(%dma_wait3A_626 : memref<10240x128xf32, #tpu.memory_space<vmem_shared>>)
      %add3A_627 = arith.constant 2 : i32
      %add3A_628 = arith.addi %add3A_605, %add3A_627 : i32
      %mul3A_629 = arith.constant 40 : i32
      %mul3A_630 = arith.muli %add3A_628, %mul3A_629 : i32
      %add3A_631 = arith.addi %mul3A_2, %mul3A_630 : i32
      %dma_wait3A_632 = arith.constant 0 : i32
      %dma_wait3A_633 = tpu.memref_slice %arg3[%dma_wait3A_632] : memref<640000xi32, #tpu.memory_space<hbm>> -> memref<40xi32, #tpu.memory_space<hbm>>
      %dma_wait3A_634 = arith.constant 0 : i32
      %dma_wait3A_635 = tpu.memref_slice %arg3[%dma_wait3A_634] : memref<640000xi32, #tpu.memory_space<hbm>> -> memref<40xi32, #tpu.memory_space<hbm>>
      tpu.wait_dma2 semaphore(%arg30 : memref<!tpu.dma_semaphore, #tpu.memory_space<semaphore_mem>>) src(%dma_wait3A_635 : memref<40xi32, #tpu.memory_space<hbm>>) dst(%arg9 : memref<40xi32, #tpu.memory_space<vmem>>)
      %dma_wait3A_636 = arith.constant 0 : i32
      %dma_wait3A_637 = tpu.memref_slice %arg3[%dma_wait3A_636] : memref<640000xi32, #tpu.memory_space<hbm>> -> memref<40xi32, #tpu.memory_space<hbm>>
      %dma_wait3A_638 = arith.constant 0 : i32
      %dma_wait3A_639 = tpu.memref_slice %arg3[%dma_wait3A_638] : memref<640000xi32, #tpu.memory_space<hbm>> -> memref<40xi32, #tpu.memory_space<hbm>>
      tpu.wait_dma2 semaphore(%arg36 : memref<!tpu.dma_semaphore, #tpu.memory_space<semaphore_mem>>) src(%dma_wait3A_639 : memref<40xi32, #tpu.memory_space<hbm>>) dst(%arg15 : memref<40xi32, #tpu.memory_space<vmem>>)
      %dma_start3A_640 = arith.constant 0 : i32
      %dma_start3A_641 = arith.constant 0 : i32
      %dma_start3A_642 = tpu.memref_slice %arg2[%dma_start3A_640, %dma_start3A_641] : memref<10000x128xf32, #tpu.memory_space<hbm>> -> memref<10000x128xf32, #tpu.memory_space<hbm>>
      tpu.enqueue_indirect_dma source(%dma_start3A_642 : memref<10000x128xf32, #tpu.memory_space<hbm>>) target(%arg18 : memref<40x128xf32, #tpu.memory_space<vmem>>) offsets(%arg9 : memref<40xi32, #tpu.memory_space<vmem>>) semaphore(%arg39 : memref<!tpu.dma_semaphore, #tpu.memory_space<semaphore_mem>>)
      %dma_start3A_643 = arith.constant 0 : i32
      %dma_start3A_644 = tpu.memref_slice %arg4[%add3A_631, %dma_start3A_643] : memref<320000x128xf32, #tpu.memory_space<hbm>> -> memref<40x128xf32, #tpu.memory_space<hbm>>
      %dma_start3A_645 = arith.constant 0 : i32
      %dma_start3A_646 = tpu.memref_slice %arg4[%add3A_631, %dma_start3A_645] : memref<320000x128xf32, #tpu.memory_space<hbm>> -> memref<40x128xf32, #tpu.memory_space<hbm>>
      tpu.enqueue_dma source(%dma_start3A_646 : memref<40x128xf32, #tpu.memory_space<hbm>>) target(%arg24 : memref<40x128xf32, #tpu.memory_space<vmem>>) target_semaphore(%arg45 : memref<!tpu.dma_semaphore, #tpu.memory_space<semaphore_mem>>)
      %add3A_647 = arith.constant 4 : i32
      %add3A_648 = arith.addi %add3A_605, %add3A_647 : i32
      %mul3A_649 = arith.constant 40 : i32
      %mul3A_650 = arith.muli %add3A_648, %mul3A_649 : i32
      %add3A_651 = arith.addi %mul3A_2, %mul3A_650 : i32
      %dma_start3A_652 = tpu.memref_slice %arg3[%add3A_651] : memref<640000xi32, #tpu.memory_space<hbm>> -> memref<40xi32, #tpu.memory_space<hbm>>
      %dma_start3A_653 = tpu.memref_slice %arg3[%add3A_651] : memref<640000xi32, #tpu.memory_space<hbm>> -> memref<40xi32, #tpu.memory_space<hbm>>
      tpu.enqueue_dma source(%dma_start3A_653 : memref<40xi32, #tpu.memory_space<hbm>>) target(%arg11 : memref<40xi32, #tpu.memory_space<vmem>>) target_semaphore(%arg32 : memref<!tpu.dma_semaphore, #tpu.memory_space<semaphore_mem>>)
      %add3A_654 = arith.constant 320000 : i32
      %add3A_655 = arith.addi %add3A_654, %add3A_651 : i32
      %dma_start3A_656 = tpu.memref_slice %arg3[%add3A_655] : memref<640000xi32, #tpu.memory_space<hbm>> -> memref<40xi32, #tpu.memory_space<hbm>>
      %dma_start3A_657 = tpu.memref_slice %arg3[%add3A_655] : memref<640000xi32, #tpu.memory_space<hbm>> -> memref<40xi32, #tpu.memory_space<hbm>>
      tpu.enqueue_dma source(%dma_start3A_657 : memref<40xi32, #tpu.memory_space<hbm>>) target(%arg17 : memref<40xi32, #tpu.memory_space<vmem>>) target_semaphore(%arg38 : memref<!tpu.dma_semaphore, #tpu.memory_space<semaphore_mem>>)
      %mul3A_658 = arith.constant 6 : i32
      %mul3A_659 = arith.muli %scan3A_541, %mul3A_658 : i32
      %add3A_660 = arith.constant 6 : i32
      %add3A_661 = arith.addi %add3A_660, %mul3A_659 : i32
      %add3A_662 = arith.constant 2 : i32
      %add3A_663 = arith.addi %add3A_661, %add3A_662 : i32
      %dma_wait3A_664 = arith.constant 0 : i32
      %dma_wait3A_665 = arith.constant 0 : i32
      %dma_wait3A_666 = tpu.memref_slice %arg2[%dma_wait3A_664, %dma_wait3A_665] : memref<10000x128xf32, #tpu.memory_space<hbm>> -> memref<10000x128xf32, #tpu.memory_space<hbm>>
      tpu.wait_indirect_dma semaphore(%arg41 : memref<!tpu.dma_semaphore, #tpu.memory_space<semaphore_mem>>) src(%dma_wait3A_666 : memref<10000x128xf32, #tpu.memory_space<hbm>>) dst(%arg20 : memref<40x128xf32, #tpu.memory_space<vmem>>)
      %dma_wait3A_667 = arith.constant 0 : i32
      %dma_wait3A_668 = arith.constant 0 : i32
      %dma_wait3A_669 = tpu.memref_slice %arg4[%dma_wait3A_667, %dma_wait3A_668] : memref<320000x128xf32, #tpu.memory_space<hbm>> -> memref<40x128xf32, #tpu.memory_space<hbm>>
      %dma_wait3A_670 = arith.constant 0 : i32
      %dma_wait3A_671 = arith.constant 0 : i32
      %dma_wait3A_672 = tpu.memref_slice %arg4[%dma_wait3A_670, %dma_wait3A_671] : memref<320000x128xf32, #tpu.memory_space<hbm>> -> memref<40x128xf32, #tpu.memory_space<hbm>>
      tpu.wait_dma2 semaphore(%arg44 : memref<!tpu.dma_semaphore, #tpu.memory_space<semaphore_mem>>) src(%dma_wait3A_672 : memref<40x128xf32, #tpu.memory_space<hbm>>) dst(%arg23 : memref<40x128xf32, #tpu.memory_space<vmem>>)
      %scan3A_673 = arith.constant 0 : i32
      %scan3A_674 = arith.constant 0 : i32
      %scan3A_675 = arith.constant 40 : i32
      %scan3A_676 = arith.addi %scan3A_674, %scan3A_675 : i32
      %scan3A_677 = arith.constant 1 : i32
      scf.for %scan3A_890 = %scan3A_674 to %scan3A_676 step %scan3A_677  : i32 {
        %get3A = arith.index_cast %scan3A_890 : i32 to index
        %get3A_891 = arith.constant 0 : index
        %get3A_892 = tpu.vector_load %arg20[%get3A, %get3A_891] {strides = array<i32>} : memref<40x128xf32, #tpu.memory_space<vmem>>, vector<1x16xf32>,
        %get3A_893 = vector.shape_cast %get3A_892 : vector<1x16xf32> to vector<16xf32>
        %get3A_894 = arith.index_cast %scan3A_890 : i32 to index
        %get3A_895 = arith.constant 0 : index
        %get3A_896 = tpu.vector_load %arg23[%get3A_894, %get3A_895] {strides = array<i32>} : memref<40x128xf32, #tpu.memory_space<vmem>>, vector<1x16xf32>,
        %get3A_897 = vector.shape_cast %get3A_896 : vector<1x16xf32> to vector<16xf32>
        %add3A_898 = arith.addf %get3A_893, %get3A_897 : vector<16xf32>
        %max3A = arith.constant 0.000000e+00 : f32
        %max3A_899 = vector.broadcast %max3A : f32 to vector<16xf32>
        %max3A_900 = arith.maximumf %add3A_898, %max3A_899 : vector<16xf32>
        %swap3A = arith.index_cast %scan3A_890 : i32 to index
        %swap3A_901 = arith.constant 0 : index
        %swap3A_902 = tpu.vector_load %arg23[%swap3A, %swap3A_901] {strides = array<i32>} : memref<40x128xf32, #tpu.memory_space<vmem>>, vector<1x16xf32>,
        %swap3A_903 = vector.shape_cast %swap3A_902 : vector<1x16xf32> to vector<16xf32>
        %swap3A_904 = vector.shape_cast %max3A_900 : vector<16xf32> to vector<1x16xf32>
        tpu.vector_store %arg23[%swap3A, %swap3A_901], %swap3A_904 {strides = array<i32>} : memref<40x128xf32, #tpu.memory_space<vmem>>, vector<1x16xf32>,
        %get3A_905 = arith.index_cast %scan3A_890 : i32 to index
        %get3A_906 = arith.constant 16 : index
        %get3A_907 = tpu.vector_load %arg20[%get3A_905, %get3A_906] {strides = array<i32>} : memref<40x128xf32, #tpu.memory_space<vmem>>, vector<1x16xf32>,
        %get3A_908 = vector.shape_cast %get3A_907 : vector<1x16xf32> to vector<16xf32>
        %get3A_909 = arith.index_cast %scan3A_890 : i32 to index
        %get3A_910 = arith.constant 16 : index
        %get3A_911 = tpu.vector_load %arg23[%get3A_909, %get3A_910] {strides = array<i32>} : memref<40x128xf32, #tpu.memory_space<vmem>>, vector<1x16xf32>,
        %get3A_912 = vector.shape_cast %get3A_911 : vector<1x16xf32> to vector<16xf32>
        %add3A_913 = arith.addf %get3A_908, %get3A_912 : vector<16xf32>
        %max3A_914 = arith.constant 0.000000e+00 : f32
        %max3A_915 = vector.broadcast %max3A_914 : f32 to vector<16xf32>
        %max3A_916 = arith.maximumf %add3A_913, %max3A_915 : vector<16xf32>
        %swap3A_917 = arith.index_cast %scan3A_890 : i32 to index
        %swap3A_918 = arith.constant 16 : index
        %swap3A_919 = tpu.vector_load %arg23[%swap3A_917, %swap3A_918] {strides = array<i32>} : memref<40x128xf32, #tpu.memory_space<vmem>>, vector<1x16xf32>,
        %swap3A_920 = vector.shape_cast %swap3A_919 : vector<1x16xf32> to vector<16xf32>
        %swap3A_921 = vector.shape_cast %max3A_916 : vector<16xf32> to vector<1x16xf32>
        tpu.vector_store %arg23[%swap3A_917, %swap3A_918], %swap3A_921 {strides = array<i32>} : memref<40x128xf32, #tpu.memory_space<vmem>>, vector<1x16xf32>,
        %get3A_922 = arith.index_cast %scan3A_890 : i32 to index
        %get3A_923 = arith.constant 32 : index
        %get3A_924 = tpu.vector_load %arg20[%get3A_922, %get3A_923] {strides = array<i32>} : memref<40x128xf32, #tpu.memory_space<vmem>>, vector<1x16xf32>,
        %get3A_925 = vector.shape_cast %get3A_924 : vector<1x16xf32> to vector<16xf32>
        %get3A_926 = arith.index_cast %scan3A_890 : i32 to index
        %get3A_927 = arith.constant 32 : index
        %get3A_928 = tpu.vector_load %arg23[%get3A_926, %get3A_927] {strides = array<i32>} : memref<40x128xf32, #tpu.memory_space<vmem>>, vector<1x16xf32>,
        %get3A_929 = vector.shape_cast %get3A_928 : vector<1x16xf32> to vector<16xf32>
        %add3A_930 = arith.addf %get3A_925, %get3A_929 : vector<16xf32>
        %max3A_931 = arith.constant 0.000000e+00 : f32
        %max3A_932 = vector.broadcast %max3A_931 : f32 to vector<16xf32>
        %max3A_933 = arith.maximumf %add3A_930, %max3A_932 : vector<16xf32>
        %swap3A_934 = arith.index_cast %scan3A_890 : i32 to index
        %swap3A_935 = arith.constant 32 : index
        %swap3A_936 = tpu.vector_load %arg23[%swap3A_934, %swap3A_935] {strides = array<i32>} : memref<40x128xf32, #tpu.memory_space<vmem>>, vector<1x16xf32>,
        %swap3A_937 = vector.shape_cast %swap3A_936 : vector<1x16xf32> to vector<16xf32>
        %swap3A_938 = vector.shape_cast %max3A_933 : vector<16xf32> to vector<1x16xf32>
        tpu.vector_store %arg23[%swap3A_934, %swap3A_935], %swap3A_938 {strides = array<i32>} : memref<40x128xf32, #tpu.memory_space<vmem>>, vector<1x16xf32>,
        %get3A_939 = arith.index_cast %scan3A_890 : i32 to index
        %get3A_940 = arith.constant 48 : index
        %get3A_941 = tpu.vector_load %arg20[%get3A_939, %get3A_940] {strides = array<i32>} : memref<40x128xf32, #tpu.memory_space<vmem>>, vector<1x16xf32>,
        %get3A_942 = vector.shape_cast %get3A_941 : vector<1x16xf32> to vector<16xf32>
        %get3A_943 = arith.index_cast %scan3A_890 : i32 to index
        %get3A_944 = arith.constant 48 : index
        %get3A_945 = tpu.vector_load %arg23[%get3A_943, %get3A_944] {strides = array<i32>} : memref<40x128xf32, #tpu.memory_space<vmem>>, vector<1x16xf32>,
        %get3A_946 = vector.shape_cast %get3A_945 : vector<1x16xf32> to vector<16xf32>
        %add3A_947 = arith.addf %get3A_942, %get3A_946 : vector<16xf32>
        %max3A_948 = arith.constant 0.000000e+00 : f32
        %max3A_949 = vector.broadcast %max3A_948 : f32 to vector<16xf32>
        %max3A_950 = arith.maximumf %add3A_947, %max3A_949 : vector<16xf32>
        %swap3A_951 = arith.index_cast %scan3A_890 : i32 to index
        %swap3A_952 = arith.constant 48 : index
        %swap3A_953 = tpu.vector_load %arg23[%swap3A_951, %swap3A_952] {strides = array<i32>} : memref<40x128xf32, #tpu.memory_space<vmem>>, vector<1x16xf32>,
        %swap3A_954 = vector.shape_cast %swap3A_953 : vector<1x16xf32> to vector<16xf32>
        %swap3A_955 = vector.shape_cast %max3A_950 : vector<16xf32> to vector<1x16xf32>
        tpu.vector_store %arg23[%swap3A_951, %swap3A_952], %swap3A_955 {strides = array<i32>} : memref<40x128xf32, #tpu.memory_space<vmem>>, vector<1x16xf32>,
        %get3A_956 = arith.index_cast %scan3A_890 : i32 to index
        %get3A_957 = arith.constant 64 : index
        %get3A_958 = tpu.vector_load %arg20[%get3A_956, %get3A_957] {strides = array<i32>} : memref<40x128xf32, #tpu.memory_space<vmem>>, vector<1x16xf32>,
        %get3A_959 = vector.shape_cast %get3A_958 : vector<1x16xf32> to vector<16xf32>
        %get3A_960 = arith.index_cast %scan3A_890 : i32 to index
        %get3A_961 = arith.constant 64 : index
        %get3A_962 = tpu.vector_load %arg23[%get3A_960, %get3A_961] {strides = array<i32>} : memref<40x128xf32, #tpu.memory_space<vmem>>, vector<1x16xf32>,
        %get3A_963 = vector.shape_cast %get3A_962 : vector<1x16xf32> to vector<16xf32>
        %add3A_964 = arith.addf %get3A_959, %get3A_963 : vector<16xf32>
        %max3A_965 = arith.constant 0.000000e+00 : f32
        %max3A_966 = vector.broadcast %max3A_965 : f32 to vector<16xf32>
        %max3A_967 = arith.maximumf %add3A_964, %max3A_966 : vector<16xf32>
        %swap3A_968 = arith.index_cast %scan3A_890 : i32 to index
        %swap3A_969 = arith.constant 64 : index
        %swap3A_970 = tpu.vector_load %arg23[%swap3A_968, %swap3A_969] {strides = array<i32>} : memref<40x128xf32, #tpu.memory_space<vmem>>, vector<1x16xf32>,
        %swap3A_971 = vector.shape_cast %swap3A_970 : vector<1x16xf32> to vector<16xf32>
        %swap3A_972 = vector.shape_cast %max3A_967 : vector<16xf32> to vector<1x16xf32>
        tpu.vector_store %arg23[%swap3A_968, %swap3A_969], %swap3A_972 {strides = array<i32>} : memref<40x128xf32, #tpu.memory_space<vmem>>, vector<1x16xf32>,
        %get3A_973 = arith.index_cast %scan3A_890 : i32 to index
        %get3A_974 = arith.constant 80 : index
        %get3A_975 = tpu.vector_load %arg20[%get3A_973, %get3A_974] {strides = array<i32>} : memref<40x128xf32, #tpu.memory_space<vmem>>, vector<1x16xf32>,
        %get3A_976 = vector.shape_cast %get3A_975 : vector<1x16xf32> to vector<16xf32>
        %get3A_977 = arith.index_cast %scan3A_890 : i32 to index
        %get3A_978 = arith.constant 80 : index
        %get3A_979 = tpu.vector_load %arg23[%get3A_977, %get3A_978] {strides = array<i32>} : memref<40x128xf32, #tpu.memory_space<vmem>>, vector<1x16xf32>,
        %get3A_980 = vector.shape_cast %get3A_979 : vector<1x16xf32> to vector<16xf32>
        %add3A_981 = arith.addf %get3A_976, %get3A_980 : vector<16xf32>
        %max3A_982 = arith.constant 0.000000e+00 : f32
        %max3A_983 = vector.broadcast %max3A_982 : f32 to vector<16xf32>
        %max3A_984 = arith.maximumf %add3A_981, %max3A_983 : vector<16xf32>
        %swap3A_985 = arith.index_cast %scan3A_890 : i32 to index
        %swap3A_986 = arith.constant 80 : index
        %swap3A_987 = tpu.vector_load %arg23[%swap3A_985, %swap3A_986] {strides = array<i32>} : memref<40x128xf32, #tpu.memory_space<vmem>>, vector<1x16xf32>,
        %swap3A_988 = vector.shape_cast %swap3A_987 : vector<1x16xf32> to vector<16xf32>
        %swap3A_989 = vector.shape_cast %max3A_984 : vector<16xf32> to vector<1x16xf32>
        tpu.vector_store %arg23[%swap3A_985, %swap3A_986], %swap3A_989 {strides = array<i32>} : memref<40x128xf32, #tpu.memory_space<vmem>>, vector<1x16xf32>,
        %get3A_990 = arith.index_cast %scan3A_890 : i32 to index
        %get3A_991 = arith.constant 96 : index
        %get3A_992 = tpu.vector_load %arg20[%get3A_990, %get3A_991] {strides = array<i32>} : memref<40x128xf32, #tpu.memory_space<vmem>>, vector<1x16xf32>,
        %get3A_993 = vector.shape_cast %get3A_992 : vector<1x16xf32> to vector<16xf32>
        %get3A_994 = arith.index_cast %scan3A_890 : i32 to index
        %get3A_995 = arith.constant 96 : index
        %get3A_996 = tpu.vector_load %arg23[%get3A_994, %get3A_995] {strides = array<i32>} : memref<40x128xf32, #tpu.memory_space<vmem>>, vector<1x16xf32>,
        %get3A_997 = vector.shape_cast %get3A_996 : vector<1x16xf32> to vector<16xf32>
        %add3A_998 = arith.addf %get3A_993, %get3A_997 : vector<16xf32>
        %max3A_999 = arith.constant 0.000000e+00 : f32
        %max3A_1000 = vector.broadcast %max3A_999 : f32 to vector<16xf32>
        %max3A_1001 = arith.maximumf %add3A_998, %max3A_1000 : vector<16xf32>
        %swap3A_1002 = arith.index_cast %scan3A_890 : i32 to index
        %swap3A_1003 = arith.constant 96 : index
        %swap3A_1004 = tpu.vector_load %arg23[%swap3A_1002, %swap3A_1003] {strides = array<i32>} : memref<40x128xf32, #tpu.memory_space<vmem>>, vector<1x16xf32>,
        %swap3A_1005 = vector.shape_cast %swap3A_1004 : vector<1x16xf32> to vector<16xf32>
        %swap3A_1006 = vector.shape_cast %max3A_1001 : vector<16xf32> to vector<1x16xf32>
        tpu.vector_store %arg23[%swap3A_1002, %swap3A_1003], %swap3A_1006 {strides = array<i32>} : memref<40x128xf32, #tpu.memory_space<vmem>>, vector<1x16xf32>,
        %get3A_1007 = arith.index_cast %scan3A_890 : i32 to index
        %get3A_1008 = arith.constant 112 : index
        %get3A_1009 = tpu.vector_load %arg20[%get3A_1007, %get3A_1008] {strides = array<i32>} : memref<40x128xf32, #tpu.memory_space<vmem>>, vector<1x16xf32>,
        %get3A_1010 = vector.shape_cast %get3A_1009 : vector<1x16xf32> to vector<16xf32>
        %get3A_1011 = arith.index_cast %scan3A_890 : i32 to index
        %get3A_1012 = arith.constant 112 : index
        %get3A_1013 = tpu.vector_load %arg23[%get3A_1011, %get3A_1012] {strides = array<i32>} : memref<40x128xf32, #tpu.memory_space<vmem>>, vector<1x16xf32>,
        %get3A_1014 = vector.shape_cast %get3A_1013 : vector<1x16xf32> to vector<16xf32>
        %add3A_1015 = arith.addf %get3A_1010, %get3A_1014 : vector<16xf32>
        %max3A_1016 = arith.constant 0.000000e+00 : f32
        %max3A_1017 = vector.broadcast %max3A_1016 : f32 to vector<16xf32>
        %max3A_1018 = arith.maximumf %add3A_1015, %max3A_1017 : vector<16xf32>
        %swap3A_1019 = arith.index_cast %scan3A_890 : i32 to index
        %swap3A_1020 = arith.constant 112 : index
        %swap3A_1021 = tpu.vector_load %arg23[%swap3A_1019, %swap3A_1020] {strides = array<i32>} : memref<40x128xf32, #tpu.memory_space<vmem>>, vector<1x16xf32>,
        %swap3A_1022 = vector.shape_cast %swap3A_1021 : vector<1x16xf32> to vector<16xf32>
        %swap3A_1023 = vector.shape_cast %max3A_1018 : vector<16xf32> to vector<1x16xf32>
        tpu.vector_store %arg23[%swap3A_1019, %swap3A_1020], %swap3A_1023 {strides = array<i32>} : memref<40x128xf32, #tpu.memory_space<vmem>>, vector<1x16xf32>,
      }
      %scan3A_678 = arith.constant 40 : i32
      %dma_start3A_679 = arith.constant 0 : i32
      %dma_start3A_680 = arith.constant 0 : i32
      %dma_start3A_681 = tpu.memref_slice %arg54[%dma_start3A_679, %dma_start3A_680] : memref<10240x128xf32, #tpu.memory_space<vmem_shared>> -> memref<10240x128xf32, #tpu.memory_space<vmem_shared>>
      tpu.enqueue_indirect_dma source(%arg23 : memref<40x128xf32, #tpu.memory_space<vmem>>) target(%dma_start3A_681 : memref<10240x128xf32, #tpu.memory_space<vmem_shared>>) offsets(%arg14 : memref<40xi32, #tpu.memory_space<vmem>>) semaphore(%arg50 : memref<!tpu.dma_semaphore, #tpu.memory_space<semaphore_mem>>) {add = true}
      %dma_wait3A_682 = arith.constant 0 : i32
      %dma_wait3A_683 = arith.constant 0 : i32
      %dma_wait3A_684 = tpu.memref_slice %arg54[%dma_wait3A_682, %dma_wait3A_683] : memref<10240x128xf32, #tpu.memory_space<vmem_shared>> -> memref<10240x128xf32, #tpu.memory_space<vmem_shared>>
      tpu.wait_indirect_dma semaphore(%arg48 : memref<!tpu.dma_semaphore, #tpu.memory_space<semaphore_mem>>) src(%arg21 : memref<40x128xf32, #tpu.memory_space<vmem>>) dst(%dma_wait3A_684 : memref<10240x128xf32, #tpu.memory_space<vmem_shared>>)
      %add3A_685 = arith.constant 2 : i32
      %add3A_686 = arith.addi %add3A_663, %add3A_685 : i32
      %mul3A_687 = arith.constant 40 : i32
      %mul3A_688 = arith.muli %add3A_686, %mul3A_687 : i32
      %add3A_689 = arith.addi %mul3A_2, %mul3A_688 : i32
      %dma_wait3A_690 = arith.constant 0 : i32
      %dma_wait3A_691 = tpu.memref_slice %arg3[%dma_wait3A_690] : memref<640000xi32, #tpu.memory_space<hbm>> -> memref<40xi32, #tpu.memory_space<hbm>>
      %dma_wait3A_692 = arith.constant 0 : i32
      %dma_wait3A_693 = tpu.memref_slice %arg3[%dma_wait3A_692] : memref<640000xi32, #tpu.memory_space<hbm>> -> memref<40xi32, #tpu.memory_space<hbm>>
      tpu.wait_dma2 semaphore(%arg31 : memref<!tpu.dma_semaphore, #tpu.memory_space<semaphore_mem>>) src(%dma_wait3A_693 : memref<40xi32, #tpu.memory_space<hbm>>) dst(%arg10 : memref<40xi32, #tpu.memory_space<vmem>>)
      %dma_wait3A_694 = arith.constant 0 : i32
      %dma_wait3A_695 = tpu.memref_slice %arg3[%dma_wait3A_694] : memref<640000xi32, #tpu.memory_space<hbm>> -> memref<40xi32, #tpu.memory_space<hbm>>
      %dma_wait3A_696 = arith.constant 0 : i32
      %dma_wait3A_697 = tpu.memref_slice %arg3[%dma_wait3A_696] : memref<640000xi32, #tpu.memory_space<hbm>> -> memref<40xi32, #tpu.memory_space<hbm>>
      tpu.wait_dma2 semaphore(%arg37 : memref<!tpu.dma_semaphore, #tpu.memory_space<semaphore_mem>>) src(%dma_wait3A_697 : memref<40xi32, #tpu.memory_space<hbm>>) dst(%arg16 : memref<40xi32, #tpu.memory_space<vmem>>)
      %dma_start3A_698 = arith.constant 0 : i32
      %dma_start3A_699 = arith.constant 0 : i32
      %dma_start3A_700 = tpu.memref_slice %arg2[%dma_start3A_698, %dma_start3A_699] : memref<10000x128xf32, #tpu.memory_space<hbm>> -> memref<10000x128xf32, #tpu.memory_space<hbm>>
      tpu.enqueue_indirect_dma source(%dma_start3A_700 : memref<10000x128xf32, #tpu.memory_space<hbm>>) target(%arg19 : memref<40x128xf32, #tpu.memory_space<vmem>>) offsets(%arg10 : memref<40xi32, #tpu.memory_space<vmem>>) semaphore(%arg40 : memref<!tpu.dma_semaphore, #tpu.memory_space<semaphore_mem>>)
      %dma_start3A_701 = arith.constant 0 : i32
      %dma_start3A_702 = tpu.memref_slice %arg4[%add3A_689, %dma_start3A_701] : memref<320000x128xf32, #tpu.memory_space<hbm>> -> memref<40x128xf32, #tpu.memory_space<hbm>>
      %dma_start3A_703 = arith.constant 0 : i32
      %dma_start3A_704 = tpu.memref_slice %arg4[%add3A_689, %dma_start3A_703] : memref<320000x128xf32, #tpu.memory_space<hbm>> -> memref<40x128xf32, #tpu.memory_space<hbm>>
      tpu.enqueue_dma source(%dma_start3A_704 : memref<40x128xf32, #tpu.memory_space<hbm>>) target(%arg25 : memref<40x128xf32, #tpu.memory_space<vmem>>) target_semaphore(%arg46 : memref<!tpu.dma_semaphore, #tpu.memory_space<semaphore_mem>>)
      %add3A_705 = arith.constant 4 : i32
      %add3A_706 = arith.addi %add3A_663, %add3A_705 : i32
      %mul3A_707 = arith.constant 40 : i32
      %mul3A_708 = arith.muli %add3A_706, %mul3A_707 : i32
      %add3A_709 = arith.addi %mul3A_2, %mul3A_708 : i32
      %dma_start3A_710 = tpu.memref_slice %arg3[%add3A_709] : memref<640000xi32, #tpu.memory_space<hbm>> -> memref<40xi32, #tpu.memory_space<hbm>>
      %dma_start3A_711 = tpu.memref_slice %arg3[%add3A_709] : memref<640000xi32, #tpu.memory_space<hbm>> -> memref<40xi32, #tpu.memory_space<hbm>>
      tpu.enqueue_dma source(%dma_start3A_711 : memref<40xi32, #tpu.memory_space<hbm>>) target(%arg6 : memref<40xi32, #tpu.memory_space<vmem>>) target_semaphore(%arg27 : memref<!tpu.dma_semaphore, #tpu.memory_space<semaphore_mem>>)
      %add3A_712 = arith.constant 320000 : i32
      %add3A_713 = arith.addi %add3A_712, %add3A_709 : i32
      %dma_start3A_714 = tpu.memref_slice %arg3[%add3A_713] : memref<640000xi32, #tpu.memory_space<hbm>> -> memref<40xi32, #tpu.memory_space<hbm>>
      %dma_start3A_715 = tpu.memref_slice %arg3[%add3A_713] : memref<640000xi32, #tpu.memory_space<hbm>> -> memref<40xi32, #tpu.memory_space<hbm>>
      tpu.enqueue_dma source(%dma_start3A_715 : memref<40xi32, #tpu.memory_space<hbm>>) target(%arg12 : memref<40xi32, #tpu.memory_space<vmem>>) target_semaphore(%arg33 : memref<!tpu.dma_semaphore, #tpu.memory_space<semaphore_mem>>)
      %mul3A_716 = arith.constant 6 : i32
      %mul3A_717 = arith.muli %scan3A_541, %mul3A_716 : i32
      %add3A_718 = arith.constant 6 : i32
      %add3A_719 = arith.addi %add3A_718, %mul3A_717 : i32
      %add3A_720 = arith.constant 3 : i32
      %add3A_721 = arith.addi %add3A_719, %add3A_720 : i32
      %dma_wait3A_722 = arith.constant 0 : i32
      %dma_wait3A_723 = arith.constant 0 : i32
      %dma_wait3A_724 = tpu.memref_slice %arg2[%dma_wait3A_722, %dma_wait3A_723] : memref<10000x128xf32, #tpu.memory_space<hbm>> -> memref<10000x128xf32, #tpu.memory_space<hbm>>
      tpu.wait_indirect_dma semaphore(%arg39 : memref<!tpu.dma_semaphore, #tpu.memory_space<semaphore_mem>>) src(%dma_wait3A_724 : memref<10000x128xf32, #tpu.memory_space<hbm>>) dst(%arg18 : memref<40x128xf32, #tpu.memory_space<vmem>>)
      %dma_wait3A_725 = arith.constant 0 : i32
      %dma_wait3A_726 = arith.constant 0 : i32
      %dma_wait3A_727 = tpu.memref_slice %arg4[%dma_wait3A_725, %dma_wait3A_726] : memref<320000x128xf32, #tpu.memory_space<hbm>> -> memref<40x128xf32, #tpu.memory_space<hbm>>
      %dma_wait3A_728 = arith.constant 0 : i32
      %dma_wait3A_729 = arith.constant 0 : i32
      %dma_wait3A_730 = tpu.memref_slice %arg4[%dma_wait3A_728, %dma_wait3A_729] : memref<320000x128xf32, #tpu.memory_space<hbm>> -> memref<40x128xf32, #tpu.memory_space<hbm>>
      tpu.wait_dma2 semaphore(%arg45 : memref<!tpu.dma_semaphore, #tpu.memory_space<semaphore_mem>>) src(%dma_wait3A_730 : memref<40x128xf32, #tpu.memory_space<hbm>>) dst(%arg24 : memref<40x128xf32, #tpu.memory_space<vmem>>)
      %scan3A_731 = arith.constant 0 : i32
      %scan3A_732 = arith.constant 0 : i32
      %scan3A_733 = arith.constant 40 : i32
      %scan3A_734 = arith.addi %scan3A_732, %scan3A_733 : i32
      %scan3A_735 = arith.constant 1 : i32
      scf.for %scan3A_890 = %scan3A_732 to %scan3A_734 step %scan3A_735  : i32 {
        %get3A = arith.index_cast %scan3A_890 : i32 to index
        %get3A_891 = arith.constant 0 : index
        %get3A_892 = tpu.vector_load %arg18[%get3A, %get3A_891] {strides = array<i32>} : memref<40x128xf32, #tpu.memory_space<vmem>>, vector<1x16xf32>,
        %get3A_893 = vector.shape_cast %get3A_892 : vector<1x16xf32> to vector<16xf32>
        %get3A_894 = arith.index_cast %scan3A_890 : i32 to index
        %get3A_895 = arith.constant 0 : index
        %get3A_896 = tpu.vector_load %arg24[%get3A_894, %get3A_895] {strides = array<i32>} : memref<40x128xf32, #tpu.memory_space<vmem>>, vector<1x16xf32>,
        %get3A_897 = vector.shape_cast %get3A_896 : vector<1x16xf32> to vector<16xf32>
        %add3A_898 = arith.addf %get3A_893, %get3A_897 : vector<16xf32>
        %max3A = arith.constant 0.000000e+00 : f32
        %max3A_899 = vector.broadcast %max3A : f32 to vector<16xf32>
        %max3A_900 = arith.maximumf %add3A_898, %max3A_899 : vector<16xf32>
        %swap3A = arith.index_cast %scan3A_890 : i32 to index
        %swap3A_901 = arith.constant 0 : index
        %swap3A_902 = tpu.vector_load %arg24[%swap3A, %swap3A_901] {strides = array<i32>} : memref<40x128xf32, #tpu.memory_space<vmem>>, vector<1x16xf32>,
        %swap3A_903 = vector.shape_cast %swap3A_902 : vector<1x16xf32> to vector<16xf32>
        %swap3A_904 = vector.shape_cast %max3A_900 : vector<16xf32> to vector<1x16xf32>
        tpu.vector_store %arg24[%swap3A, %swap3A_901], %swap3A_904 {strides = array<i32>} : memref<40x128xf32, #tpu.memory_space<vmem>>, vector<1x16xf32>,
        %get3A_905 = arith.index_cast %scan3A_890 : i32 to index
        %get3A_906 = arith.constant 16 : index
        %get3A_907 = tpu.vector_load %arg18[%get3A_905, %get3A_906] {strides = array<i32>} : memref<40x128xf32, #tpu.memory_space<vmem>>, vector<1x16xf32>,
        %get3A_908 = vector.shape_cast %get3A_907 : vector<1x16xf32> to vector<16xf32>
        %get3A_909 = arith.index_cast %scan3A_890 : i32 to index
        %get3A_910 = arith.constant 16 : index
        %get3A_911 = tpu.vector_load %arg24[%get3A_909, %get3A_910] {strides = array<i32>} : memref<40x128xf32, #tpu.memory_space<vmem>>, vector<1x16xf32>,
        %get3A_912 = vector.shape_cast %get3A_911 : vector<1x16xf32> to vector<16xf32>
        %add3A_913 = arith.addf %get3A_908, %get3A_912 : vector<16xf32>
        %max3A_914 = arith.constant 0.000000e+00 : f32
        %max3A_915 = vector.broadcast %max3A_914 : f32 to vector<16xf32>
        %max3A_916 = arith.maximumf %add3A_913, %max3A_915 : vector<16xf32>
        %swap3A_917 = arith.index_cast %scan3A_890 : i32 to index
        %swap3A_918 = arith.constant 16 : index
        %swap3A_919 = tpu.vector_load %arg24[%swap3A_917, %swap3A_918] {strides = array<i32>} : memref<40x128xf32, #tpu.memory_space<vmem>>, vector<1x16xf32>,
        %swap3A_920 = vector.shape_cast %swap3A_919 : vector<1x16xf32> to vector<16xf32>
        %swap3A_921 = vector.shape_cast %max3A_916 : vector<16xf32> to vector<1x16xf32>
        tpu.vector_store %arg24[%swap3A_917, %swap3A_918], %swap3A_921 {strides = array<i32>} : memref<40x128xf32, #tpu.memory_space<vmem>>, vector<1x16xf32>,
        %get3A_922 = arith.index_cast %scan3A_890 : i32 to index
        %get3A_923 = arith.constant 32 : index
        %get3A_924 = tpu.vector_load %arg18[%get3A_922, %get3A_923] {strides = array<i32>} : memref<40x128xf32, #tpu.memory_space<vmem>>, vector<1x16xf32>,
        %get3A_925 = vector.shape_cast %get3A_924 : vector<1x16xf32> to vector<16xf32>
        %get3A_926 = arith.index_cast %scan3A_890 : i32 to index
        %get3A_927 = arith.constant 32 : index
        %get3A_928 = tpu.vector_load %arg24[%get3A_926, %get3A_927] {strides = array<i32>} : memref<40x128xf32, #tpu.memory_space<vmem>>, vector<1x16xf32>,
        %get3A_929 = vector.shape_cast %get3A_928 : vector<1x16xf32> to vector<16xf32>
        %add3A_930 = arith.addf %get3A_925, %get3A_929 : vector<16xf32>
        %max3A_931 = arith.constant 0.000000e+00 : f32
        %max3A_932 = vector.broadcast %max3A_931 : f32 to vector<16xf32>
        %max3A_933 = arith.maximumf %add3A_930, %max3A_932 : vector<16xf32>
        %swap3A_934 = arith.index_cast %scan3A_890 : i32 to index
        %swap3A_935 = arith.constant 32 : index
        %swap3A_936 = tpu.vector_load %arg24[%swap3A_934, %swap3A_935] {strides = array<i32>} : memref<40x128xf32, #tpu.memory_space<vmem>>, vector<1x16xf32>,
        %swap3A_937 = vector.shape_cast %swap3A_936 : vector<1x16xf32> to vector<16xf32>
        %swap3A_938 = vector.shape_cast %max3A_933 : vector<16xf32> to vector<1x16xf32>
        tpu.vector_store %arg24[%swap3A_934, %swap3A_935], %swap3A_938 {strides = array<i32>} : memref<40x128xf32, #tpu.memory_space<vmem>>, vector<1x16xf32>,
        %get3A_939 = arith.index_cast %scan3A_890 : i32 to index
        %get3A_940 = arith.constant 48 : index
        %get3A_941 = tpu.vector_load %arg18[%get3A_939, %get3A_940] {strides = array<i32>} : memref<40x128xf32, #tpu.memory_space<vmem>>, vector<1x16xf32>,
        %get3A_942 = vector.shape_cast %get3A_941 : vector<1x16xf32> to vector<16xf32>
        %get3A_943 = arith.index_cast %scan3A_890 : i32 to index
        %get3A_944 = arith.constant 48 : index
        %get3A_945 = tpu.vector_load %arg24[%get3A_943, %get3A_944] {strides = array<i32>} : memref<40x128xf32, #tpu.memory_space<vmem>>, vector<1x16xf32>,
        %get3A_946 = vector.shape_cast %get3A_945 : vector<1x16xf32> to vector<16xf32>
        %add3A_947 = arith.addf %get3A_942, %get3A_946 : vector<16xf32>
        %max3A_948 = arith.constant 0.000000e+00 : f32
        %max3A_949 = vector.broadcast %max3A_948 : f32 to vector<16xf32>
        %max3A_950 = arith.maximumf %add3A_947, %max3A_949 : vector<16xf32>
        %swap3A_951 = arith.index_cast %scan3A_890 : i32 to index
        %swap3A_952 = arith.constant 48 : index
        %swap3A_953 = tpu.vector_load %arg24[%swap3A_951, %swap3A_952] {strides = array<i32>} : memref<40x128xf32, #tpu.memory_space<vmem>>, vector<1x16xf32>,
        %swap3A_954 = vector.shape_cast %swap3A_953 : vector<1x16xf32> to vector<16xf32>
        %swap3A_955 = vector.shape_cast %max3A_950 : vector<16xf32> to vector<1x16xf32>
        tpu.vector_store %arg24[%swap3A_951, %swap3A_952], %swap3A_955 {strides = array<i32>} : memref<40x128xf32, #tpu.memory_space<vmem>>, vector<1x16xf32>,
        %get3A_956 = arith.index_cast %scan3A_890 : i32 to index
        %get3A_957 = arith.constant 64 : index
        %get3A_958 = tpu.vector_load %arg18[%get3A_956, %get3A_957] {strides = array<i32>} : memref<40x128xf32, #tpu.memory_space<vmem>>, vector<1x16xf32>,
        %get3A_959 = vector.shape_cast %get3A_958 : vector<1x16xf32> to vector<16xf32>
        %get3A_960 = arith.index_cast %scan3A_890 : i32 to index
        %get3A_961 = arith.constant 64 : index
        %get3A_962 = tpu.vector_load %arg24[%get3A_960, %get3A_961] {strides = array<i32>} : memref<40x128xf32, #tpu.memory_space<vmem>>, vector<1x16xf32>,
        %get3A_963 = vector.shape_cast %get3A_962 : vector<1x16xf32> to vector<16xf32>
        %add3A_964 = arith.addf %get3A_959, %get3A_963 : vector<16xf32>
        %max3A_965 = arith.constant 0.000000e+00 : f32
        %max3A_966 = vector.broadcast %max3A_965 : f32 to vector<16xf32>
        %max3A_967 = arith.maximumf %add3A_964, %max3A_966 : vector<16xf32>
        %swap3A_968 = arith.index_cast %scan3A_890 : i32 to index
        %swap3A_969 = arith.constant 64 : index
        %swap3A_970 = tpu.vector_load %arg24[%swap3A_968, %swap3A_969] {strides = array<i32>} : memref<40x128xf32, #tpu.memory_space<vmem>>, vector<1x16xf32>,
        %swap3A_971 = vector.shape_cast %swap3A_970 : vector<1x16xf32> to vector<16xf32>
        %swap3A_972 = vector.shape_cast %max3A_967 : vector<16xf32> to vector<1x16xf32>
        tpu.vector_store %arg24[%swap3A_968, %swap3A_969], %swap3A_972 {strides = array<i32>} : memref<40x128xf32, #tpu.memory_space<vmem>>, vector<1x16xf32>,
        %get3A_973 = arith.index_cast %scan3A_890 : i32 to index
        %get3A_974 = arith.constant 80 : index
        %get3A_975 = tpu.vector_load %arg18[%get3A_973, %get3A_974] {strides = array<i32>} : memref<40x128xf32, #tpu.memory_space<vmem>>, vector<1x16xf32>,
        %get3A_976 = vector.shape_cast %get3A_975 : vector<1x16xf32> to vector<16xf32>
        %get3A_977 = arith.index_cast %scan3A_890 : i32 to index
        %get3A_978 = arith.constant 80 : index
        %get3A_979 = tpu.vector_load %arg24[%get3A_977, %get3A_978] {strides = array<i32>} : memref<40x128xf32, #tpu.memory_space<vmem>>, vector<1x16xf32>,
        %get3A_980 = vector.shape_cast %get3A_979 : vector<1x16xf32> to vector<16xf32>
        %add3A_981 = arith.addf %get3A_976, %get3A_980 : vector<16xf32>
        %max3A_982 = arith.constant 0.000000e+00 : f32
        %max3A_983 = vector.broadcast %max3A_982 : f32 to vector<16xf32>
        %max3A_984 = arith.maximumf %add3A_981, %max3A_983 : vector<16xf32>
        %swap3A_985 = arith.index_cast %scan3A_890 : i32 to index
        %swap3A_986 = arith.constant 80 : index
        %swap3A_987 = tpu.vector_load %arg24[%swap3A_985, %swap3A_986] {strides = array<i32>} : memref<40x128xf32, #tpu.memory_space<vmem>>, vector<1x16xf32>,
        %swap3A_988 = vector.shape_cast %swap3A_987 : vector<1x16xf32> to vector<16xf32>
        %swap3A_989 = vector.shape_cast %max3A_984 : vector<16xf32> to vector<1x16xf32>
        tpu.vector_store %arg24[%swap3A_985, %swap3A_986], %swap3A_989 {strides = array<i32>} : memref<40x128xf32, #tpu.memory_space<vmem>>, vector<1x16xf32>,
        %get3A_990 = arith.index_cast %scan3A_890 : i32 to index
        %get3A_991 = arith.constant 96 : index
        %get3A_992 = tpu.vector_load %arg18[%get3A_990, %get3A_991] {strides = array<i32>} : memref<40x128xf32, #tpu.memory_space<vmem>>, vector<1x16xf32>,
        %get3A_993 = vector.shape_cast %get3A_992 : vector<1x16xf32> to vector<16xf32>
        %get3A_994 = arith.index_cast %scan3A_890 : i32 to index
        %get3A_995 = arith.constant 96 : index
        %get3A_996 = tpu.vector_load %arg24[%get3A_994, %get3A_995] {strides = array<i32>} : memref<40x128xf32, #tpu.memory_space<vmem>>, vector<1x16xf32>,
        %get3A_997 = vector.shape_cast %get3A_996 : vector<1x16xf32> to vector<16xf32>
        %add3A_998 = arith.addf %get3A_993, %get3A_997 : vector<16xf32>
        %max3A_999 = arith.constant 0.000000e+00 : f32
        %max3A_1000 = vector.broadcast %max3A_999 : f32 to vector<16xf32>
        %max3A_1001 = arith.maximumf %add3A_998, %max3A_1000 : vector<16xf32>
        %swap3A_1002 = arith.index_cast %scan3A_890 : i32 to index
        %swap3A_1003 = arith.constant 96 : index
        %swap3A_1004 = tpu.vector_load %arg24[%swap3A_1002, %swap3A_1003] {strides = array<i32>} : memref<40x128xf32, #tpu.memory_space<vmem>>, vector<1x16xf32>,
        %swap3A_1005 = vector.shape_cast %swap3A_1004 : vector<1x16xf32> to vector<16xf32>
        %swap3A_1006 = vector.shape_cast %max3A_1001 : vector<16xf32> to vector<1x16xf32>
        tpu.vector_store %arg24[%swap3A_1002, %swap3A_1003], %swap3A_1006 {strides = array<i32>} : memref<40x128xf32, #tpu.memory_space<vmem>>, vector<1x16xf32>,
        %get3A_1007 = arith.index_cast %scan3A_890 : i32 to index
        %get3A_1008 = arith.constant 112 : index
        %get3A_1009 = tpu.vector_load %arg18[%get3A_1007, %get3A_1008] {strides = array<i32>} : memref<40x128xf32, #tpu.memory_space<vmem>>, vector<1x16xf32>,
        %get3A_1010 = vector.shape_cast %get3A_1009 : vector<1x16xf32> to vector<16xf32>
        %get3A_1011 = arith.index_cast %scan3A_890 : i32 to index
        %get3A_1012 = arith.constant 112 : index
        %get3A_1013 = tpu.vector_load %arg24[%get3A_1011, %get3A_1012] {strides = array<i32>} : memref<40x128xf32, #tpu.memory_space<vmem>>, vector<1x16xf32>,
        %get3A_1014 = vector.shape_cast %get3A_1013 : vector<1x16xf32> to vector<16xf32>
        %add3A_1015 = arith.addf %get3A_1010, %get3A_1014 : vector<16xf32>
        %max3A_1016 = arith.constant 0.000000e+00 : f32
        %max3A_1017 = vector.broadcast %max3A_1016 : f32 to vector<16xf32>
        %max3A_1018 = arith.maximumf %add3A_1015, %max3A_1017 : vector<16xf32>
        %swap3A_1019 = arith.index_cast %scan3A_890 : i32 to index
        %swap3A_1020 = arith.constant 112 : index
        %swap3A_1021 = tpu.vector_load %arg24[%swap3A_1019, %swap3A_1020] {strides = array<i32>} : memref<40x128xf32, #tpu.memory_space<vmem>>, vector<1x16xf32>,
        %swap3A_1022 = vector.shape_cast %swap3A_1021 : vector<1x16xf32> to vector<16xf32>
        %swap3A_1023 = vector.shape_cast %max3A_1018 : vector<16xf32> to vector<1x16xf32>
        tpu.vector_store %arg24[%swap3A_1019, %swap3A_1020], %swap3A_1023 {strides = array<i32>} : memref<40x128xf32, #tpu.memory_space<vmem>>, vector<1x16xf32>,
      }
      %scan3A_736 = arith.constant 40 : i32
      %dma_start3A_737 = arith.constant 0 : i32
      %dma_start3A_738 = arith.constant 0 : i32
      %dma_start3A_739 = tpu.memref_slice %arg54[%dma_start3A_737, %dma_start3A_738] : memref<10240x128xf32, #tpu.memory_space<vmem_shared>> -> memref<10240x128xf32, #tpu.memory_space<vmem_shared>>
      tpu.enqueue_indirect_dma source(%arg24 : memref<40x128xf32, #tpu.memory_space<vmem>>) target(%dma_start3A_739 : memref<10240x128xf32, #tpu.memory_space<vmem_shared>>) offsets(%arg15 : memref<40xi32, #tpu.memory_space<vmem>>) semaphore(%arg51 : memref<!tpu.dma_semaphore, #tpu.memory_space<semaphore_mem>>) {add = true}
      %dma_wait3A_740 = arith.constant 0 : i32
      %dma_wait3A_741 = arith.constant 0 : i32
      %dma_wait3A_742 = tpu.memref_slice %arg54[%dma_wait3A_740, %dma_wait3A_741] : memref<10240x128xf32, #tpu.memory_space<vmem_shared>> -> memref<10240x128xf32, #tpu.memory_space<vmem_shared>>
      tpu.wait_indirect_dma semaphore(%arg49 : memref<!tpu.dma_semaphore, #tpu.memory_space<semaphore_mem>>) src(%arg22 : memref<40x128xf32, #tpu.memory_space<vmem>>) dst(%dma_wait3A_742 : memref<10240x128xf32, #tpu.memory_space<vmem_shared>>)
      %add3A_743 = arith.constant 2 : i32
      %add3A_744 = arith.addi %add3A_721, %add3A_743 : i32
      %mul3A_745 = arith.constant 40 : i32
      %mul3A_746 = arith.muli %add3A_744, %mul3A_745 : i32
      %add3A_747 = arith.addi %mul3A_2, %mul3A_746 : i32
      %dma_wait3A_748 = arith.constant 0 : i32
      %dma_wait3A_749 = tpu.memref_slice %arg3[%dma_wait3A_748] : memref<640000xi32, #tpu.memory_space<hbm>> -> memref<40xi32, #tpu.memory_space<hbm>>
      %dma_wait3A_750 = arith.constant 0 : i32
      %dma_wait3A_751 = tpu.memref_slice %arg3[%dma_wait3A_750] : memref<640000xi32, #tpu.memory_space<hbm>> -> memref<40xi32, #tpu.memory_space<hbm>>
      tpu.wait_dma2 semaphore(%arg32 : memref<!tpu.dma_semaphore, #tpu.memory_space<semaphore_mem>>) src(%dma_wait3A_751 : memref<40xi32, #tpu.memory_space<hbm>>) dst(%arg11 : memref<40xi32, #tpu.memory_space<vmem>>)
      %dma_wait3A_752 = arith.constant 0 : i32
      %dma_wait3A_753 = tpu.memref_slice %arg3[%dma_wait3A_752] : memref<640000xi32, #tpu.memory_space<hbm>> -> memref<40xi32, #tpu.memory_space<hbm>>
      %dma_wait3A_754 = arith.constant 0 : i32
      %dma_wait3A_755 = tpu.memref_slice %arg3[%dma_wait3A_754] : memref<640000xi32, #tpu.memory_space<hbm>> -> memref<40xi32, #tpu.memory_space<hbm>>
      tpu.wait_dma2 semaphore(%arg38 : memref<!tpu.dma_semaphore, #tpu.memory_space<semaphore_mem>>) src(%dma_wait3A_755 : memref<40xi32, #tpu.memory_space<hbm>>) dst(%arg17 : memref<40xi32, #tpu.memory_space<vmem>>)
      %dma_start3A_756 = arith.constant 0 : i32
      %dma_start3A_757 = arith.constant 0 : i32
      %dma_start3A_758 = tpu.memref_slice %arg2[%dma_start3A_756, %dma_start3A_757] : memref<10000x128xf32, #tpu.memory_space<hbm>> -> memref<10000x128xf32, #tpu.memory_space<hbm>>
      tpu.enqueue_indirect_dma source(%dma_start3A_758 : memref<10000x128xf32, #tpu.memory_space<hbm>>) target(%arg20 : memref<40x128xf32, #tpu.memory_space<vmem>>) offsets(%arg11 : memref<40xi32, #tpu.memory_space<vmem>>) semaphore(%arg41 : memref<!tpu.dma_semaphore, #tpu.memory_space<semaphore_mem>>)
      %dma_start3A_759 = arith.constant 0 : i32
      %dma_start3A_760 = tpu.memref_slice %arg4[%add3A_747, %dma_start3A_759] : memref<320000x128xf32, #tpu.memory_space<hbm>> -> memref<40x128xf32, #tpu.memory_space<hbm>>
      %dma_start3A_761 = arith.constant 0 : i32
      %dma_start3A_762 = tpu.memref_slice %arg4[%add3A_747, %dma_start3A_761] : memref<320000x128xf32, #tpu.memory_space<hbm>> -> memref<40x128xf32, #tpu.memory_space<hbm>>
      tpu.enqueue_dma source(%dma_start3A_762 : memref<40x128xf32, #tpu.memory_space<hbm>>) target(%arg26 : memref<40x128xf32, #tpu.memory_space<vmem>>) target_semaphore(%arg47 : memref<!tpu.dma_semaphore, #tpu.memory_space<semaphore_mem>>)
      %add3A_763 = arith.constant 4 : i32
      %add3A_764 = arith.addi %add3A_721, %add3A_763 : i32
      %mul3A_765 = arith.constant 40 : i32
      %mul3A_766 = arith.muli %add3A_764, %mul3A_765 : i32
      %add3A_767 = arith.addi %mul3A_2, %mul3A_766 : i32
      %dma_start3A_768 = tpu.memref_slice %arg3[%add3A_767] : memref<640000xi32, #tpu.memory_space<hbm>> -> memref<40xi32, #tpu.memory_space<hbm>>
      %dma_start3A_769 = tpu.memref_slice %arg3[%add3A_767] : memref<640000xi32, #tpu.memory_space<hbm>> -> memref<40xi32, #tpu.memory_space<hbm>>
      tpu.enqueue_dma source(%dma_start3A_769 : memref<40xi32, #tpu.memory_space<hbm>>) target(%arg7 : memref<40xi32, #tpu.memory_space<vmem>>) target_semaphore(%arg28 : memref<!tpu.dma_semaphore, #tpu.memory_space<semaphore_mem>>)
      %add3A_770 = arith.constant 320000 : i32
      %add3A_771 = arith.addi %add3A_770, %add3A_767 : i32
      %dma_start3A_772 = tpu.memref_slice %arg3[%add3A_771] : memref<640000xi32, #tpu.memory_space<hbm>> -> memref<40xi32, #tpu.memory_space<hbm>>
      %dma_start3A_773 = tpu.memref_slice %arg3[%add3A_771] : memref<640000xi32, #tpu.memory_space<hbm>> -> memref<40xi32, #tpu.memory_space<hbm>>
      tpu.enqueue_dma source(%dma_start3A_773 : memref<40xi32, #tpu.memory_space<hbm>>) target(%arg13 : memref<40xi32, #tpu.memory_space<vmem>>) target_semaphore(%arg34 : memref<!tpu.dma_semaphore, #tpu.memory_space<semaphore_mem>>)
      %mul3A_774 = arith.constant 6 : i32
      %mul3A_775 = arith.muli %scan3A_541, %mul3A_774 : i32
      %add3A_776 = arith.constant 6 : i32
      %add3A_777 = arith.addi %add3A_776, %mul3A_775 : i32
      %add3A_778 = arith.constant 4 : i32
      %add3A_779 = arith.addi %add3A_777, %add3A_778 : i32
      %dma_wait3A_780 = arith.constant 0 : i32
      %dma_wait3A_781 = arith.constant 0 : i32
      %dma_wait3A_782 = tpu.memref_slice %arg2[%dma_wait3A_780, %dma_wait3A_781] : memref<10000x128xf32, #tpu.memory_space<hbm>> -> memref<10000x128xf32, #tpu.memory_space<hbm>>
      tpu.wait_indirect_dma semaphore(%arg40 : memref<!tpu.dma_semaphore, #tpu.memory_space<semaphore_mem>>) src(%dma_wait3A_782 : memref<10000x128xf32, #tpu.memory_space<hbm>>) dst(%arg19 : memref<40x128xf32, #tpu.memory_space<vmem>>)
      %dma_wait3A_783 = arith.constant 0 : i32
      %dma_wait3A_784 = arith.constant 0 : i32
      %dma_wait3A_785 = tpu.memref_slice %arg4[%dma_wait3A_783, %dma_wait3A_784] : memref<320000x128xf32, #tpu.memory_space<hbm>> -> memref<40x128xf32, #tpu.memory_space<hbm>>
      %dma_wait3A_786 = arith.constant 0 : i32
      %dma_wait3A_787 = arith.constant 0 : i32
      %dma_wait3A_788 = tpu.memref_slice %arg4[%dma_wait3A_786, %dma_wait3A_787] : memref<320000x128xf32, #tpu.memory_space<hbm>> -> memref<40x128xf32, #tpu.memory_space<hbm>>
      tpu.wait_dma2 semaphore(%arg46 : memref<!tpu.dma_semaphore, #tpu.memory_space<semaphore_mem>>) src(%dma_wait3A_788 : memref<40x128xf32, #tpu.memory_space<hbm>>) dst(%arg25 : memref<40x128xf32, #tpu.memory_space<vmem>>)
      %scan3A_789 = arith.constant 0 : i32
      %scan3A_790 = arith.constant 0 : i32
      %scan3A_791 = arith.constant 40 : i32
      %scan3A_792 = arith.addi %scan3A_790, %scan3A_791 : i32
      %scan3A_793 = arith.constant 1 : i32
      scf.for %scan3A_890 = %scan3A_790 to %scan3A_792 step %scan3A_793  : i32 {
        %get3A = arith.index_cast %scan3A_890 : i32 to index
        %get3A_891 = arith.constant 0 : index
        %get3A_892 = tpu.vector_load %arg19[%get3A, %get3A_891] {strides = array<i32>} : memref<40x128xf32, #tpu.memory_space<vmem>>, vector<1x16xf32>,
        %get3A_893 = vector.shape_cast %get3A_892 : vector<1x16xf32> to vector<16xf32>
        %get3A_894 = arith.index_cast %scan3A_890 : i32 to index
        %get3A_895 = arith.constant 0 : index
        %get3A_896 = tpu.vector_load %arg25[%get3A_894, %get3A_895] {strides = array<i32>} : memref<40x128xf32, #tpu.memory_space<vmem>>, vector<1x16xf32>,
        %get3A_897 = vector.shape_cast %get3A_896 : vector<1x16xf32> to vector<16xf32>
        %add3A_898 = arith.addf %get3A_893, %get3A_897 : vector<16xf32>
        %max3A = arith.constant 0.000000e+00 : f32
        %max3A_899 = vector.broadcast %max3A : f32 to vector<16xf32>
        %max3A_900 = arith.maximumf %add3A_898, %max3A_899 : vector<16xf32>
        %swap3A = arith.index_cast %scan3A_890 : i32 to index
        %swap3A_901 = arith.constant 0 : index
        %swap3A_902 = tpu.vector_load %arg25[%swap3A, %swap3A_901] {strides = array<i32>} : memref<40x128xf32, #tpu.memory_space<vmem>>, vector<1x16xf32>,
        %swap3A_903 = vector.shape_cast %swap3A_902 : vector<1x16xf32> to vector<16xf32>
        %swap3A_904 = vector.shape_cast %max3A_900 : vector<16xf32> to vector<1x16xf32>
        tpu.vector_store %arg25[%swap3A, %swap3A_901], %swap3A_904 {strides = array<i32>} : memref<40x128xf32, #tpu.memory_space<vmem>>, vector<1x16xf32>,
        %get3A_905 = arith.index_cast %scan3A_890 : i32 to index
        %get3A_906 = arith.constant 16 : index
        %get3A_907 = tpu.vector_load %arg19[%get3A_905, %get3A_906] {strides = array<i32>} : memref<40x128xf32, #tpu.memory_space<vmem>>, vector<1x16xf32>,
        %get3A_908 = vector.shape_cast %get3A_907 : vector<1x16xf32> to vector<16xf32>
        %get3A_909 = arith.index_cast %scan3A_890 : i32 to index
        %get3A_910 = arith.constant 16 : index
        %get3A_911 = tpu.vector_load %arg25[%get3A_909, %get3A_910] {strides = array<i32>} : memref<40x128xf32, #tpu.memory_space<vmem>>, vector<1x16xf32>,
        %get3A_912 = vector.shape_cast %get3A_911 : vector<1x16xf32> to vector<16xf32>
        %add3A_913 = arith.addf %get3A_908, %get3A_912 : vector<16xf32>
        %max3A_914 = arith.constant 0.000000e+00 : f32
        %max3A_915 = vector.broadcast %max3A_914 : f32 to vector<16xf32>
        %max3A_916 = arith.maximumf %add3A_913, %max3A_915 : vector<16xf32>
        %swap3A_917 = arith.index_cast %scan3A_890 : i32 to index
        %swap3A_918 = arith.constant 16 : index
        %swap3A_919 = tpu.vector_load %arg25[%swap3A_917, %swap3A_918] {strides = array<i32>} : memref<40x128xf32, #tpu.memory_space<vmem>>, vector<1x16xf32>,
        %swap3A_920 = vector.shape_cast %swap3A_919 : vector<1x16xf32> to vector<16xf32>
        %swap3A_921 = vector.shape_cast %max3A_916 : vector<16xf32> to vector<1x16xf32>
        tpu.vector_store %arg25[%swap3A_917, %swap3A_918], %swap3A_921 {strides = array<i32>} : memref<40x128xf32, #tpu.memory_space<vmem>>, vector<1x16xf32>,
        %get3A_922 = arith.index_cast %scan3A_890 : i32 to index
        %get3A_923 = arith.constant 32 : index
        %get3A_924 = tpu.vector_load %arg19[%get3A_922, %get3A_923] {strides = array<i32>} : memref<40x128xf32, #tpu.memory_space<vmem>>, vector<1x16xf32>,
        %get3A_925 = vector.shape_cast %get3A_924 : vector<1x16xf32> to vector<16xf32>
        %get3A_926 = arith.index_cast %scan3A_890 : i32 to index
        %get3A_927 = arith.constant 32 : index
        %get3A_928 = tpu.vector_load %arg25[%get3A_926, %get3A_927] {strides = array<i32>} : memref<40x128xf32, #tpu.memory_space<vmem>>, vector<1x16xf32>,
        %get3A_929 = vector.shape_cast %get3A_928 : vector<1x16xf32> to vector<16xf32>
        %add3A_930 = arith.addf %get3A_925, %get3A_929 : vector<16xf32>
        %max3A_931 = arith.constant 0.000000e+00 : f32
        %max3A_932 = vector.broadcast %max3A_931 : f32 to vector<16xf32>
        %max3A_933 = arith.maximumf %add3A_930, %max3A_932 : vector<16xf32>
        %swap3A_934 = arith.index_cast %scan3A_890 : i32 to index
        %swap3A_935 = arith.constant 32 : index
        %swap3A_936 = tpu.vector_load %arg25[%swap3A_934, %swap3A_935] {strides = array<i32>} : memref<40x128xf32, #tpu.memory_space<vmem>>, vector<1x16xf32>,
        %swap3A_937 = vector.shape_cast %swap3A_936 : vector<1x16xf32> to vector<16xf32>
        %swap3A_938 = vector.shape_cast %max3A_933 : vector<16xf32> to vector<1x16xf32>
        tpu.vector_store %arg25[%swap3A_934, %swap3A_935], %swap3A_938 {strides = array<i32>} : memref<40x128xf32, #tpu.memory_space<vmem>>, vector<1x16xf32>,
        %get3A_939 = arith.index_cast %scan3A_890 : i32 to index
        %get3A_940 = arith.constant 48 : index
        %get3A_941 = tpu.vector_load %arg19[%get3A_939, %get3A_940] {strides = array<i32>} : memref<40x128xf32, #tpu.memory_space<vmem>>, vector<1x16xf32>,
        %get3A_942 = vector.shape_cast %get3A_941 : vector<1x16xf32> to vector<16xf32>
        %get3A_943 = arith.index_cast %scan3A_890 : i32 to index
        %get3A_944 = arith.constant 48 : index
        %get3A_945 = tpu.vector_load %arg25[%get3A_943, %get3A_944] {strides = array<i32>} : memref<40x128xf32, #tpu.memory_space<vmem>>, vector<1x16xf32>,
        %get3A_946 = vector.shape_cast %get3A_945 : vector<1x16xf32> to vector<16xf32>
        %add3A_947 = arith.addf %get3A_942, %get3A_946 : vector<16xf32>
        %max3A_948 = arith.constant 0.000000e+00 : f32
        %max3A_949 = vector.broadcast %max3A_948 : f32 to vector<16xf32>
        %max3A_950 = arith.maximumf %add3A_947, %max3A_949 : vector<16xf32>
        %swap3A_951 = arith.index_cast %scan3A_890 : i32 to index
        %swap3A_952 = arith.constant 48 : index
        %swap3A_953 = tpu.vector_load %arg25[%swap3A_951, %swap3A_952] {strides = array<i32>} : memref<40x128xf32, #tpu.memory_space<vmem>>, vector<1x16xf32>,
        %swap3A_954 = vector.shape_cast %swap3A_953 : vector<1x16xf32> to vector<16xf32>
        %swap3A_955 = vector.shape_cast %max3A_950 : vector<16xf32> to vector<1x16xf32>
        tpu.vector_store %arg25[%swap3A_951, %swap3A_952], %swap3A_955 {strides = array<i32>} : memref<40x128xf32, #tpu.memory_space<vmem>>, vector<1x16xf32>,
        %get3A_956 = arith.index_cast %scan3A_890 : i32 to index
        %get3A_957 = arith.constant 64 : index
        %get3A_958 = tpu.vector_load %arg19[%get3A_956, %get3A_957] {strides = array<i32>} : memref<40x128xf32, #tpu.memory_space<vmem>>, vector<1x16xf32>,
        %get3A_959 = vector.shape_cast %get3A_958 : vector<1x16xf32> to vector<16xf32>
        %get3A_960 = arith.index_cast %scan3A_890 : i32 to index
        %get3A_961 = arith.constant 64 : index
        %get3A_962 = tpu.vector_load %arg25[%get3A_960, %get3A_961] {strides = array<i32>} : memref<40x128xf32, #tpu.memory_space<vmem>>, vector<1x16xf32>,
        %get3A_963 = vector.shape_cast %get3A_962 : vector<1x16xf32> to vector<16xf32>
        %add3A_964 = arith.addf %get3A_959, %get3A_963 : vector<16xf32>
        %max3A_965 = arith.constant 0.000000e+00 : f32
        %max3A_966 = vector.broadcast %max3A_965 : f32 to vector<16xf32>
        %max3A_967 = arith.maximumf %add3A_964, %max3A_966 : vector<16xf32>
        %swap3A_968 = arith.index_cast %scan3A_890 : i32 to index
        %swap3A_969 = arith.constant 64 : index
        %swap3A_970 = tpu.vector_load %arg25[%swap3A_968, %swap3A_969] {strides = array<i32>} : memref<40x128xf32, #tpu.memory_space<vmem>>, vector<1x16xf32>,
        %swap3A_971 = vector.shape_cast %swap3A_970 : vector<1x16xf32> to vector<16xf32>
        %swap3A_972 = vector.shape_cast %max3A_967 : vector<16xf32> to vector<1x16xf32>
        tpu.vector_store %arg25[%swap3A_968, %swap3A_969], %swap3A_972 {strides = array<i32>} : memref<40x128xf32, #tpu.memory_space<vmem>>, vector<1x16xf32>,
        %get3A_973 = arith.index_cast %scan3A_890 : i32 to index
        %get3A_974 = arith.constant 80 : index
        %get3A_975 = tpu.vector_load %arg19[%get3A_973, %get3A_974] {strides = array<i32>} : memref<40x128xf32, #tpu.memory_space<vmem>>, vector<1x16xf32>,
        %get3A_976 = vector.shape_cast %get3A_975 : vector<1x16xf32> to vector<16xf32>
        %get3A_977 = arith.index_cast %scan3A_890 : i32 to index
        %get3A_978 = arith.constant 80 : index
        %get3A_979 = tpu.vector_load %arg25[%get3A_977, %get3A_978] {strides = array<i32>} : memref<40x128xf32, #tpu.memory_space<vmem>>, vector<1x16xf32>,
        %get3A_980 = vector.shape_cast %get3A_979 : vector<1x16xf32> to vector<16xf32>
        %add3A_981 = arith.addf %get3A_976, %get3A_980 : vector<16xf32>
        %max3A_982 = arith.constant 0.000000e+00 : f32
        %max3A_983 = vector.broadcast %max3A_982 : f32 to vector<16xf32>
        %max3A_984 = arith.maximumf %add3A_981, %max3A_983 : vector<16xf32>
        %swap3A_985 = arith.index_cast %scan3A_890 : i32 to index
        %swap3A_986 = arith.constant 80 : index
        %swap3A_987 = tpu.vector_load %arg25[%swap3A_985, %swap3A_986] {strides = array<i32>} : memref<40x128xf32, #tpu.memory_space<vmem>>, vector<1x16xf32>,
        %swap3A_988 = vector.shape_cast %swap3A_987 : vector<1x16xf32> to vector<16xf32>
        %swap3A_989 = vector.shape_cast %max3A_984 : vector<16xf32> to vector<1x16xf32>
        tpu.vector_store %arg25[%swap3A_985, %swap3A_986], %swap3A_989 {strides = array<i32>} : memref<40x128xf32, #tpu.memory_space<vmem>>, vector<1x16xf32>,
        %get3A_990 = arith.index_cast %scan3A_890 : i32 to index
        %get3A_991 = arith.constant 96 : index
        %get3A_992 = tpu.vector_load %arg19[%get3A_990, %get3A_991] {strides = array<i32>} : memref<40x128xf32, #tpu.memory_space<vmem>>, vector<1x16xf32>,
        %get3A_993 = vector.shape_cast %get3A_992 : vector<1x16xf32> to vector<16xf32>
        %get3A_994 = arith.index_cast %scan3A_890 : i32 to index
        %get3A_995 = arith.constant 96 : index
        %get3A_996 = tpu.vector_load %arg25[%get3A_994, %get3A_995] {strides = array<i32>} : memref<40x128xf32, #tpu.memory_space<vmem>>, vector<1x16xf32>,
        %get3A_997 = vector.shape_cast %get3A_996 : vector<1x16xf32> to vector<16xf32>
        %add3A_998 = arith.addf %get3A_993, %get3A_997 : vector<16xf32>
        %max3A_999 = arith.constant 0.000000e+00 : f32
        %max3A_1000 = vector.broadcast %max3A_999 : f32 to vector<16xf32>
        %max3A_1001 = arith.maximumf %add3A_998, %max3A_1000 : vector<16xf32>
        %swap3A_1002 = arith.index_cast %scan3A_890 : i32 to index
        %swap3A_1003 = arith.constant 96 : index
        %swap3A_1004 = tpu.vector_load %arg25[%swap3A_1002, %swap3A_1003] {strides = array<i32>} : memref<40x128xf32, #tpu.memory_space<vmem>>, vector<1x16xf32>,
        %swap3A_1005 = vector.shape_cast %swap3A_1004 : vector<1x16xf32> to vector<16xf32>
        %swap3A_1006 = vector.shape_cast %max3A_1001 : vector<16xf32> to vector<1x16xf32>
        tpu.vector_store %arg25[%swap3A_1002, %swap3A_1003], %swap3A_1006 {strides = array<i32>} : memref<40x128xf32, #tpu.memory_space<vmem>>, vector<1x16xf32>,
        %get3A_1007 = arith.index_cast %scan3A_890 : i32 to index
        %get3A_1008 = arith.constant 112 : index
        %get3A_1009 = tpu.vector_load %arg19[%get3A_1007, %get3A_1008] {strides = array<i32>} : memref<40x128xf32, #tpu.memory_space<vmem>>, vector<1x16xf32>,
        %get3A_1010 = vector.shape_cast %get3A_1009 : vector<1x16xf32> to vector<16xf32>
        %get3A_1011 = arith.index_cast %scan3A_890 : i32 to index
        %get3A_1012 = arith.constant 112 : index
        %get3A_1013 = tpu.vector_load %arg25[%get3A_1011, %get3A_1012] {strides = array<i32>} : memref<40x128xf32, #tpu.memory_space<vmem>>, vector<1x16xf32>,
        %get3A_1014 = vector.shape_cast %get3A_1013 : vector<1x16xf32> to vector<16xf32>
        %add3A_1015 = arith.addf %get3A_1010, %get3A_1014 : vector<16xf32>
        %max3A_1016 = arith.constant 0.000000e+00 : f32
        %max3A_1017 = vector.broadcast %max3A_1016 : f32 to vector<16xf32>
        %max3A_1018 = arith.maximumf %add3A_1015, %max3A_1017 : vector<16xf32>
        %swap3A_1019 = arith.index_cast %scan3A_890 : i32 to index
        %swap3A_1020 = arith.constant 112 : index
        %swap3A_1021 = tpu.vector_load %arg25[%swap3A_1019, %swap3A_1020] {strides = array<i32>} : memref<40x128xf32, #tpu.memory_space<vmem>>, vector<1x16xf32>,
        %swap3A_1022 = vector.shape_cast %swap3A_1021 : vector<1x16xf32> to vector<16xf32>
        %swap3A_1023 = vector.shape_cast %max3A_1018 : vector<16xf32> to vector<1x16xf32>
        tpu.vector_store %arg25[%swap3A_1019, %swap3A_1020], %swap3A_1023 {strides = array<i32>} : memref<40x128xf32, #tpu.memory_space<vmem>>, vector<1x16xf32>,
      }
      %scan3A_794 = arith.constant 40 : i32
      %dma_start3A_795 = arith.constant 0 : i32
      %dma_start3A_796 = arith.constant 0 : i32
      %dma_start3A_797 = tpu.memref_slice %arg54[%dma_start3A_795, %dma_start3A_796] : memref<10240x128xf32, #tpu.memory_space<vmem_shared>> -> memref<10240x128xf32, #tpu.memory_space<vmem_shared>>
      tpu.enqueue_indirect_dma source(%arg25 : memref<40x128xf32, #tpu.memory_space<vmem>>) target(%dma_start3A_797 : memref<10240x128xf32, #tpu.memory_space<vmem_shared>>) offsets(%arg16 : memref<40xi32, #tpu.memory_space<vmem>>) semaphore(%arg52 : memref<!tpu.dma_semaphore, #tpu.memory_space<semaphore_mem>>) {add = true}
      %dma_wait3A_798 = arith.constant 0 : i32
      %dma_wait3A_799 = arith.constant 0 : i32
      %dma_wait3A_800 = tpu.memref_slice %arg54[%dma_wait3A_798, %dma_wait3A_799] : memref<10240x128xf32, #tpu.memory_space<vmem_shared>> -> memref<10240x128xf32, #tpu.memory_space<vmem_shared>>
      tpu.wait_indirect_dma semaphore(%arg50 : memref<!tpu.dma_semaphore, #tpu.memory_space<semaphore_mem>>) src(%arg23 : memref<40x128xf32, #tpu.memory_space<vmem>>) dst(%dma_wait3A_800 : memref<10240x128xf32, #tpu.memory_space<vmem_shared>>)
      %add3A_801 = arith.constant 2 : i32
      %add3A_802 = arith.addi %add3A_779, %add3A_801 : i32
      %mul3A_803 = arith.constant 40 : i32
      %mul3A_804 = arith.muli %add3A_802, %mul3A_803 : i32
      %add3A_805 = arith.addi %mul3A_2, %mul3A_804 : i32
      %dma_wait3A_806 = arith.constant 0 : i32
      %dma_wait3A_807 = tpu.memref_slice %arg3[%dma_wait3A_806] : memref<640000xi32, #tpu.memory_space<hbm>> -> memref<40xi32, #tpu.memory_space<hbm>>
      %dma_wait3A_808 = arith.constant 0 : i32
      %dma_wait3A_809 = tpu.memref_slice %arg3[%dma_wait3A_808] : memref<640000xi32, #tpu.memory_space<hbm>> -> memref<40xi32, #tpu.memory_space<hbm>>
      tpu.wait_dma2 semaphore(%arg27 : memref<!tpu.dma_semaphore, #tpu.memory_space<semaphore_mem>>) src(%dma_wait3A_809 : memref<40xi32, #tpu.memory_space<hbm>>) dst(%arg6 : memref<40xi32, #tpu.memory_space<vmem>>)
      %dma_wait3A_810 = arith.constant 0 : i32
      %dma_wait3A_811 = tpu.memref_slice %arg3[%dma_wait3A_810] : memref<640000xi32, #tpu.memory_space<hbm>> -> memref<40xi32, #tpu.memory_space<hbm>>
      %dma_wait3A_812 = arith.constant 0 : i32
      %dma_wait3A_813 = tpu.memref_slice %arg3[%dma_wait3A_812] : memref<640000xi32, #tpu.memory_space<hbm>> -> memref<40xi32, #tpu.memory_space<hbm>>
      tpu.wait_dma2 semaphore(%arg33 : memref<!tpu.dma_semaphore, #tpu.memory_space<semaphore_mem>>) src(%dma_wait3A_813 : memref<40xi32, #tpu.memory_space<hbm>>) dst(%arg12 : memref<40xi32, #tpu.memory_space<vmem>>)
      %dma_start3A_814 = arith.constant 0 : i32
      %dma_start3A_815 = arith.constant 0 : i32
      %dma_start3A_816 = tpu.memref_slice %arg2[%dma_start3A_814, %dma_start3A_815] : memref<10000x128xf32, #tpu.memory_space<hbm>> -> memref<10000x128xf32, #tpu.memory_space<hbm>>
      tpu.enqueue_indirect_dma source(%dma_start3A_816 : memref<10000x128xf32, #tpu.memory_space<hbm>>) target(%arg18 : memref<40x128xf32, #tpu.memory_space<vmem>>) offsets(%arg6 : memref<40xi32, #tpu.memory_space<vmem>>) semaphore(%arg39 : memref<!tpu.dma_semaphore, #tpu.memory_space<semaphore_mem>>)
      %dma_start3A_817 = arith.constant 0 : i32
      %dma_start3A_818 = tpu.memref_slice %arg4[%add3A_805, %dma_start3A_817] : memref<320000x128xf32, #tpu.memory_space<hbm>> -> memref<40x128xf32, #tpu.memory_space<hbm>>
      %dma_start3A_819 = arith.constant 0 : i32
      %dma_start3A_820 = tpu.memref_slice %arg4[%add3A_805, %dma_start3A_819] : memref<320000x128xf32, #tpu.memory_space<hbm>> -> memref<40x128xf32, #tpu.memory_space<hbm>>
      tpu.enqueue_dma source(%dma_start3A_820 : memref<40x128xf32, #tpu.memory_space<hbm>>) target(%arg21 : memref<40x128xf32, #tpu.memory_space<vmem>>) target_semaphore(%arg42 : memref<!tpu.dma_semaphore, #tpu.memory_space<semaphore_mem>>)
      %add3A_821 = arith.constant 4 : i32
      %add3A_822 = arith.addi %add3A_779, %add3A_821 : i32
      %mul3A_823 = arith.constant 40 : i32
      %mul3A_824 = arith.muli %add3A_822, %mul3A_823 : i32
      %add3A_825 = arith.addi %mul3A_2, %mul3A_824 : i32
      %dma_start3A_826 = tpu.memref_slice %arg3[%add3A_825] : memref<640000xi32, #tpu.memory_space<hbm>> -> memref<40xi32, #tpu.memory_space<hbm>>
      %dma_start3A_827 = tpu.memref_slice %arg3[%add3A_825] : memref<640000xi32, #tpu.memory_space<hbm>> -> memref<40xi32, #tpu.memory_space<hbm>>
      tpu.enqueue_dma source(%dma_start3A_827 : memref<40xi32, #tpu.memory_space<hbm>>) target(%arg8 : memref<40xi32, #tpu.memory_space<vmem>>) target_semaphore(%arg29 : memref<!tpu.dma_semaphore, #tpu.memory_space<semaphore_mem>>)
      %add3A_828 = arith.constant 320000 : i32
      %add3A_829 = arith.addi %add3A_828, %add3A_825 : i32
      %dma_start3A_830 = tpu.memref_slice %arg3[%add3A_829] : memref<640000xi32, #tpu.memory_space<hbm>> -> memref<40xi32, #tpu.memory_space<hbm>>
      %dma_start3A_831 = tpu.memref_slice %arg3[%add3A_829] : memref<640000xi32, #tpu.memory_space<hbm>> -> memref<40xi32, #tpu.memory_space<hbm>>
      tpu.enqueue_dma source(%dma_start3A_831 : memref<40xi32, #tpu.memory_space<hbm>>) target(%arg14 : memref<40xi32, #tpu.memory_space<vmem>>) target_semaphore(%arg35 : memref<!tpu.dma_semaphore, #tpu.memory_space<semaphore_mem>>)
      %mul3A_832 = arith.constant 6 : i32
      %mul3A_833 = arith.muli %scan3A_541, %mul3A_832 : i32
      %add3A_834 = arith.constant 6 : i32
      %add3A_835 = arith.addi %add3A_834, %mul3A_833 : i32
      %add3A_836 = arith.constant 5 : i32
      %add3A_837 = arith.addi %add3A_835, %add3A_836 : i32
      %dma_wait3A_838 = arith.constant 0 : i32
      %dma_wait3A_839 = arith.constant 0 : i32
      %dma_wait3A_840 = tpu.memref_slice %arg2[%dma_wait3A_838, %dma_wait3A_839] : memref<10000x128xf32, #tpu.memory_space<hbm>> -> memref<10000x128xf32, #tpu.memory_space<hbm>>
      tpu.wait_indirect_dma semaphore(%arg41 : memref<!tpu.dma_semaphore, #tpu.memory_space<semaphore_mem>>) src(%dma_wait3A_840 : memref<10000x128xf32, #tpu.memory_space<hbm>>) dst(%arg20 : memref<40x128xf32, #tpu.memory_space<vmem>>)
      %dma_wait3A_841 = arith.constant 0 : i32
      %dma_wait3A_842 = arith.constant 0 : i32
      %dma_wait3A_843 = tpu.memref_slice %arg4[%dma_wait3A_841, %dma_wait3A_842] : memref<320000x128xf32, #tpu.memory_space<hbm>> -> memref<40x128xf32, #tpu.memory_space<hbm>>
      %dma_wait3A_844 = arith.constant 0 : i32
      %dma_wait3A_845 = arith.constant 0 : i32
      %dma_wait3A_846 = tpu.memref_slice %arg4[%dma_wait3A_844, %dma_wait3A_845] : memref<320000x128xf32, #tpu.memory_space<hbm>> -> memref<40x128xf32, #tpu.memory_space<hbm>>
      tpu.wait_dma2 semaphore(%arg47 : memref<!tpu.dma_semaphore, #tpu.memory_space<semaphore_mem>>) src(%dma_wait3A_846 : memref<40x128xf32, #tpu.memory_space<hbm>>) dst(%arg26 : memref<40x128xf32, #tpu.memory_space<vmem>>)
      %scan3A_847 = arith.constant 0 : i32
      %scan3A_848 = arith.constant 0 : i32
      %scan3A_849 = arith.constant 40 : i32
      %scan3A_850 = arith.addi %scan3A_848, %scan3A_849 : i32
      %scan3A_851 = arith.constant 1 : i32
      scf.for %scan3A_890 = %scan3A_848 to %scan3A_850 step %scan3A_851  : i32 {
        %get3A = arith.index_cast %scan3A_890 : i32 to index
        %get3A_891 = arith.constant 0 : index
        %get3A_892 = tpu.vector_load %arg20[%get3A, %get3A_891] {strides = array<i32>} : memref<40x128xf32, #tpu.memory_space<vmem>>, vector<1x16xf32>,
        %get3A_893 = vector.shape_cast %get3A_892 : vector<1x16xf32> to vector<16xf32>
        %get3A_894 = arith.index_cast %scan3A_890 : i32 to index
        %get3A_895 = arith.constant 0 : index
        %get3A_896 = tpu.vector_load %arg26[%get3A_894, %get3A_895] {strides = array<i32>} : memref<40x128xf32, #tpu.memory_space<vmem>>, vector<1x16xf32>,
        %get3A_897 = vector.shape_cast %get3A_896 : vector<1x16xf32> to vector<16xf32>
        %add3A_898 = arith.addf %get3A_893, %get3A_897 : vector<16xf32>
        %max3A = arith.constant 0.000000e+00 : f32
        %max3A_899 = vector.broadcast %max3A : f32 to vector<16xf32>
        %max3A_900 = arith.maximumf %add3A_898, %max3A_899 : vector<16xf32>
        %swap3A = arith.index_cast %scan3A_890 : i32 to index
        %swap3A_901 = arith.constant 0 : index
        %swap3A_902 = tpu.vector_load %arg26[%swap3A, %swap3A_901] {strides = array<i32>} : memref<40x128xf32, #tpu.memory_space<vmem>>, vector<1x16xf32>,
        %swap3A_903 = vector.shape_cast %swap3A_902 : vector<1x16xf32> to vector<16xf32>
        %swap3A_904 = vector.shape_cast %max3A_900 : vector<16xf32> to vector<1x16xf32>
        tpu.vector_store %arg26[%swap3A, %swap3A_901], %swap3A_904 {strides = array<i32>} : memref<40x128xf32, #tpu.memory_space<vmem>>, vector<1x16xf32>,
        %get3A_905 = arith.index_cast %scan3A_890 : i32 to index
        %get3A_906 = arith.constant 16 : index
        %get3A_907 = tpu.vector_load %arg20[%get3A_905, %get3A_906] {strides = array<i32>} : memref<40x128xf32, #tpu.memory_space<vmem>>, vector<1x16xf32>,
        %get3A_908 = vector.shape_cast %get3A_907 : vector<1x16xf32> to vector<16xf32>
        %get3A_909 = arith.index_cast %scan3A_890 : i32 to index
        %get3A_910 = arith.constant 16 : index
        %get3A_911 = tpu.vector_load %arg26[%get3A_909, %get3A_910] {strides = array<i32>} : memref<40x128xf32, #tpu.memory_space<vmem>>, vector<1x16xf32>,
        %get3A_912 = vector.shape_cast %get3A_911 : vector<1x16xf32> to vector<16xf32>
        %add3A_913 = arith.addf %get3A_908, %get3A_912 : vector<16xf32>
        %max3A_914 = arith.constant 0.000000e+00 : f32
        %max3A_915 = vector.broadcast %max3A_914 : f32 to vector<16xf32>
        %max3A_916 = arith.maximumf %add3A_913, %max3A_915 : vector<16xf32>
        %swap3A_917 = arith.index_cast %scan3A_890 : i32 to index
        %swap3A_918 = arith.constant 16 : index
        %swap3A_919 = tpu.vector_load %arg26[%swap3A_917, %swap3A_918] {strides = array<i32>} : memref<40x128xf32, #tpu.memory_space<vmem>>, vector<1x16xf32>,
        %swap3A_920 = vector.shape_cast %swap3A_919 : vector<1x16xf32> to vector<16xf32>
        %swap3A_921 = vector.shape_cast %max3A_916 : vector<16xf32> to vector<1x16xf32>
        tpu.vector_store %arg26[%swap3A_917, %swap3A_918], %swap3A_921 {strides = array<i32>} : memref<40x128xf32, #tpu.memory_space<vmem>>, vector<1x16xf32>,
        %get3A_922 = arith.index_cast %scan3A_890 : i32 to index
        %get3A_923 = arith.constant 32 : index
        %get3A_924 = tpu.vector_load %arg20[%get3A_922, %get3A_923] {strides = array<i32>} : memref<40x128xf32, #tpu.memory_space<vmem>>, vector<1x16xf32>,
        %get3A_925 = vector.shape_cast %get3A_924 : vector<1x16xf32> to vector<16xf32>
        %get3A_926 = arith.index_cast %scan3A_890 : i32 to index
        %get3A_927 = arith.constant 32 : index
        %get3A_928 = tpu.vector_load %arg26[%get3A_926, %get3A_927] {strides = array<i32>} : memref<40x128xf32, #tpu.memory_space<vmem>>, vector<1x16xf32>,
        %get3A_929 = vector.shape_cast %get3A_928 : vector<1x16xf32> to vector<16xf32>
        %add3A_930 = arith.addf %get3A_925, %get3A_929 : vector<16xf32>
        %max3A_931 = arith.constant 0.000000e+00 : f32
        %max3A_932 = vector.broadcast %max3A_931 : f32 to vector<16xf32>
        %max3A_933 = arith.maximumf %add3A_930, %max3A_932 : vector<16xf32>
        %swap3A_934 = arith.index_cast %scan3A_890 : i32 to index
        %swap3A_935 = arith.constant 32 : index
        %swap3A_936 = tpu.vector_load %arg26[%swap3A_934, %swap3A_935] {strides = array<i32>} : memref<40x128xf32, #tpu.memory_space<vmem>>, vector<1x16xf32>,
        %swap3A_937 = vector.shape_cast %swap3A_936 : vector<1x16xf32> to vector<16xf32>
        %swap3A_938 = vector.shape_cast %max3A_933 : vector<16xf32> to vector<1x16xf32>
        tpu.vector_store %arg26[%swap3A_934, %swap3A_935], %swap3A_938 {strides = array<i32>} : memref<40x128xf32, #tpu.memory_space<vmem>>, vector<1x16xf32>,
        %get3A_939 = arith.index_cast %scan3A_890 : i32 to index
        %get3A_940 = arith.constant 48 : index
        %get3A_941 = tpu.vector_load %arg20[%get3A_939, %get3A_940] {strides = array<i32>} : memref<40x128xf32, #tpu.memory_space<vmem>>, vector<1x16xf32>,
        %get3A_942 = vector.shape_cast %get3A_941 : vector<1x16xf32> to vector<16xf32>
        %get3A_943 = arith.index_cast %scan3A_890 : i32 to index
        %get3A_944 = arith.constant 48 : index
        %get3A_945 = tpu.vector_load %arg26[%get3A_943, %get3A_944] {strides = array<i32>} : memref<40x128xf32, #tpu.memory_space<vmem>>, vector<1x16xf32>,
        %get3A_946 = vector.shape_cast %get3A_945 : vector<1x16xf32> to vector<16xf32>
        %add3A_947 = arith.addf %get3A_942, %get3A_946 : vector<16xf32>
        %max3A_948 = arith.constant 0.000000e+00 : f32
        %max3A_949 = vector.broadcast %max3A_948 : f32 to vector<16xf32>
        %max3A_950 = arith.maximumf %add3A_947, %max3A_949 : vector<16xf32>
        %swap3A_951 = arith.index_cast %scan3A_890 : i32 to index
        %swap3A_952 = arith.constant 48 : index
        %swap3A_953 = tpu.vector_load %arg26[%swap3A_951, %swap3A_952] {strides = array<i32>} : memref<40x128xf32, #tpu.memory_space<vmem>>, vector<1x16xf32>,
        %swap3A_954 = vector.shape_cast %swap3A_953 : vector<1x16xf32> to vector<16xf32>
        %swap3A_955 = vector.shape_cast %max3A_950 : vector<16xf32> to vector<1x16xf32>
        tpu.vector_store %arg26[%swap3A_951, %swap3A_952], %swap3A_955 {strides = array<i32>} : memref<40x128xf32, #tpu.memory_space<vmem>>, vector<1x16xf32>,
        %get3A_956 = arith.index_cast %scan3A_890 : i32 to index
        %get3A_957 = arith.constant 64 : index
        %get3A_958 = tpu.vector_load %arg20[%get3A_956, %get3A_957] {strides = array<i32>} : memref<40x128xf32, #tpu.memory_space<vmem>>, vector<1x16xf32>,
        %get3A_959 = vector.shape_cast %get3A_958 : vector<1x16xf32> to vector<16xf32>
        %get3A_960 = arith.index_cast %scan3A_890 : i32 to index
        %get3A_961 = arith.constant 64 : index
        %get3A_962 = tpu.vector_load %arg26[%get3A_960, %get3A_961] {strides = array<i32>} : memref<40x128xf32, #tpu.memory_space<vmem>>, vector<1x16xf32>,
        %get3A_963 = vector.shape_cast %get3A_962 : vector<1x16xf32> to vector<16xf32>
        %add3A_964 = arith.addf %get3A_959, %get3A_963 : vector<16xf32>
        %max3A_965 = arith.constant 0.000000e+00 : f32
        %max3A_966 = vector.broadcast %max3A_965 : f32 to vector<16xf32>
        %max3A_967 = arith.maximumf %add3A_964, %max3A_966 : vector<16xf32>
        %swap3A_968 = arith.index_cast %scan3A_890 : i32 to index
        %swap3A_969 = arith.constant 64 : index
        %swap3A_970 = tpu.vector_load %arg26[%swap3A_968, %swap3A_969] {strides = array<i32>} : memref<40x128xf32, #tpu.memory_space<vmem>>, vector<1x16xf32>,
        %swap3A_971 = vector.shape_cast %swap3A_970 : vector<1x16xf32> to vector<16xf32>
        %swap3A_972 = vector.shape_cast %max3A_967 : vector<16xf32> to vector<1x16xf32>
        tpu.vector_store %arg26[%swap3A_968, %swap3A_969], %swap3A_972 {strides = array<i32>} : memref<40x128xf32, #tpu.memory_space<vmem>>, vector<1x16xf32>,
        %get3A_973 = arith.index_cast %scan3A_890 : i32 to index
        %get3A_974 = arith.constant 80 : index
        %get3A_975 = tpu.vector_load %arg20[%get3A_973, %get3A_974] {strides = array<i32>} : memref<40x128xf32, #tpu.memory_space<vmem>>, vector<1x16xf32>,
        %get3A_976 = vector.shape_cast %get3A_975 : vector<1x16xf32> to vector<16xf32>
        %get3A_977 = arith.index_cast %scan3A_890 : i32 to index
        %get3A_978 = arith.constant 80 : index
        %get3A_979 = tpu.vector_load %arg26[%get3A_977, %get3A_978] {strides = array<i32>} : memref<40x128xf32, #tpu.memory_space<vmem>>, vector<1x16xf32>,
        %get3A_980 = vector.shape_cast %get3A_979 : vector<1x16xf32> to vector<16xf32>
        %add3A_981 = arith.addf %get3A_976, %get3A_980 : vector<16xf32>
        %max3A_982 = arith.constant 0.000000e+00 : f32
        %max3A_983 = vector.broadcast %max3A_982 : f32 to vector<16xf32>
        %max3A_984 = arith.maximumf %add3A_981, %max3A_983 : vector<16xf32>
        %swap3A_985 = arith.index_cast %scan3A_890 : i32 to index
        %swap3A_986 = arith.constant 80 : index
        %swap3A_987 = tpu.vector_load %arg26[%swap3A_985, %swap3A_986] {strides = array<i32>} : memref<40x128xf32, #tpu.memory_space<vmem>>, vector<1x16xf32>,
        %swap3A_988 = vector.shape_cast %swap3A_987 : vector<1x16xf32> to vector<16xf32>
        %swap3A_989 = vector.shape_cast %max3A_984 : vector<16xf32> to vector<1x16xf32>
        tpu.vector_store %arg26[%swap3A_985, %swap3A_986], %swap3A_989 {strides = array<i32>} : memref<40x128xf32, #tpu.memory_space<vmem>>, vector<1x16xf32>,
        %get3A_990 = arith.index_cast %scan3A_890 : i32 to index
        %get3A_991 = arith.constant 96 : index
        %get3A_992 = tpu.vector_load %arg20[%get3A_990, %get3A_991] {strides = array<i32>} : memref<40x128xf32, #tpu.memory_space<vmem>>, vector<1x16xf32>,
        %get3A_993 = vector.shape_cast %get3A_992 : vector<1x16xf32> to vector<16xf32>
        %get3A_994 = arith.index_cast %scan3A_890 : i32 to index
        %get3A_995 = arith.constant 96 : index
        %get3A_996 = tpu.vector_load %arg26[%get3A_994, %get3A_995] {strides = array<i32>} : memref<40x128xf32, #tpu.memory_space<vmem>>, vector<1x16xf32>,
        %get3A_997 = vector.shape_cast %get3A_996 : vector<1x16xf32> to vector<16xf32>
        %add3A_998 = arith.addf %get3A_993, %get3A_997 : vector<16xf32>
        %max3A_999 = arith.constant 0.000000e+00 : f32
        %max3A_1000 = vector.broadcast %max3A_999 : f32 to vector<16xf32>
        %max3A_1001 = arith.maximumf %add3A_998, %max3A_1000 : vector<16xf32>
        %swap3A_1002 = arith.index_cast %scan3A_890 : i32 to index
        %swap3A_1003 = arith.constant 96 : index
        %swap3A_1004 = tpu.vector_load %arg26[%swap3A_1002, %swap3A_1003] {strides = array<i32>} : memref<40x128xf32, #tpu.memory_space<vmem>>, vector<1x16xf32>,
        %swap3A_1005 = vector.shape_cast %swap3A_1004 : vector<1x16xf32> to vector<16xf32>
        %swap3A_1006 = vector.shape_cast %max3A_1001 : vector<16xf32> to vector<1x16xf32>
        tpu.vector_store %arg26[%swap3A_1002, %swap3A_1003], %swap3A_1006 {strides = array<i32>} : memref<40x128xf32, #tpu.memory_space<vmem>>, vector<1x16xf32>,
        %get3A_1007 = arith.index_cast %scan3A_890 : i32 to index
        %get3A_1008 = arith.constant 112 : index
        %get3A_1009 = tpu.vector_load %arg20[%get3A_1007, %get3A_1008] {strides = array<i32>} : memref<40x128xf32, #tpu.memory_space<vmem>>, vector<1x16xf32>,
        %get3A_1010 = vector.shape_cast %get3A_1009 : vector<1x16xf32> to vector<16xf32>
        %get3A_1011 = arith.index_cast %scan3A_890 : i32 to index
        %get3A_1012 = arith.constant 112 : index
        %get3A_1013 = tpu.vector_load %arg26[%get3A_1011, %get3A_1012] {strides = array<i32>} : memref<40x128xf32, #tpu.memory_space<vmem>>, vector<1x16xf32>,
        %get3A_1014 = vector.shape_cast %get3A_1013 : vector<1x16xf32> to vector<16xf32>
        %add3A_1015 = arith.addf %get3A_1010, %get3A_1014 : vector<16xf32>
        %max3A_1016 = arith.constant 0.000000e+00 : f32
        %max3A_1017 = vector.broadcast %max3A_1016 : f32 to vector<16xf32>
        %max3A_1018 = arith.maximumf %add3A_1015, %max3A_1017 : vector<16xf32>
        %swap3A_1019 = arith.index_cast %scan3A_890 : i32 to index
        %swap3A_1020 = arith.constant 112 : index
        %swap3A_1021 = tpu.vector_load %arg26[%swap3A_1019, %swap3A_1020] {strides = array<i32>} : memref<40x128xf32, #tpu.memory_space<vmem>>, vector<1x16xf32>,
        %swap3A_1022 = vector.shape_cast %swap3A_1021 : vector<1x16xf32> to vector<16xf32>
        %swap3A_1023 = vector.shape_cast %max3A_1018 : vector<16xf32> to vector<1x16xf32>
        tpu.vector_store %arg26[%swap3A_1019, %swap3A_1020], %swap3A_1023 {strides = array<i32>} : memref<40x128xf32, #tpu.memory_space<vmem>>, vector<1x16xf32>,
      }
      %scan3A_852 = arith.constant 40 : i32
      %dma_start3A_853 = arith.constant 0 : i32
      %dma_start3A_854 = arith.constant 0 : i32
      %dma_start3A_855 = tpu.memref_slice %arg54[%dma_start3A_853, %dma_start3A_854] : memref<10240x128xf32, #tpu.memory_space<vmem_shared>> -> memref<10240x128xf32, #tpu.memory_space<vmem_shared>>
      tpu.enqueue_indirect_dma source(%arg26 : memref<40x128xf32, #tpu.memory_space<vmem>>) target(%dma_start3A_855 : memref<10240x128xf32, #tpu.memory_space<vmem_shared>>) offsets(%arg17 : memref<40xi32, #tpu.memory_space<vmem>>) semaphore(%arg53 : memref<!tpu.dma_semaphore, #tpu.memory_space<semaphore_mem>>) {add = true}
      %dma_wait3A_856 = arith.constant 0 : i32
      %dma_wait3A_857 = arith.constant 0 : i32
      %dma_wait3A_858 = tpu.memref_slice %arg54[%dma_wait3A_856, %dma_wait3A_857] : memref<10240x128xf32, #tpu.memory_space<vmem_shared>> -> memref<10240x128xf32, #tpu.memory_space<vmem_shared>>
      tpu.wait_indirect_dma semaphore(%arg51 : memref<!tpu.dma_semaphore, #tpu.memory_space<semaphore_mem>>) src(%arg24 : memref<40x128xf32, #tpu.memory_space<vmem>>) dst(%dma_wait3A_858 : memref<10240x128xf32, #tpu.memory_space<vmem_shared>>)
      %add3A_859 = arith.constant 2 : i32
      %add3A_860 = arith.addi %add3A_837, %add3A_859 : i32
      %mul3A_861 = arith.constant 40 : i32
      %mul3A_862 = arith.muli %add3A_860, %mul3A_861 : i32
      %add3A_863 = arith.addi %mul3A_2, %mul3A_862 : i32
      %dma_wait3A_864 = arith.constant 0 : i32
      %dma_wait3A_865 = tpu.memref_slice %arg3[%dma_wait3A_864] : memref<640000xi32, #tpu.memory_space<hbm>> -> memref<40xi32, #tpu.memory_space<hbm>>
      %dma_wait3A_866 = arith.constant 0 : i32
      %dma_wait3A_867 = tpu.memref_slice %arg3[%dma_wait3A_866] : memref<640000xi32, #tpu.memory_space<hbm>> -> memref<40xi32, #tpu.memory_space<hbm>>
      tpu.wait_dma2 semaphore(%arg28 : memref<!tpu.dma_semaphore, #tpu.memory_space<semaphore_mem>>) src(%dma_wait3A_867 : memref<40xi32, #tpu.memory_space<hbm>>) dst(%arg7 : memref<40xi32, #tpu.memory_space<vmem>>)
      %dma_wait3A_868 = arith.constant 0 : i32
      %dma_wait3A_869 = tpu.memref_slice %arg3[%dma_wait3A_868] : memref<640000xi32, #tpu.memory_space<hbm>> -> memref<40xi32, #tpu.memory_space<hbm>>
      %dma_wait3A_870 = arith.constant 0 : i32
      %dma_wait3A_871 = tpu.memref_slice %arg3[%dma_wait3A_870] : memref<640000xi32, #tpu.memory_space<hbm>> -> memref<40xi32, #tpu.memory_space<hbm>>
      tpu.wait_dma2 semaphore(%arg34 : memref<!tpu.dma_semaphore, #tpu.memory_space<semaphore_mem>>) src(%dma_wait3A_871 : memref<40xi32, #tpu.memory_space<hbm>>) dst(%arg13 : memref<40xi32, #tpu.memory_space<vmem>>)
      %dma_start3A_872 = arith.constant 0 : i32
      %dma_start3A_873 = arith.constant 0 : i32
      %dma_start3A_874 = tpu.memref_slice %arg2[%dma_start3A_872, %dma_start3A_873] : memref<10000x128xf32, #tpu.memory_space<hbm>> -> memref<10000x128xf32, #tpu.memory_space<hbm>>
      tpu.enqueue_indirect_dma source(%dma_start3A_874 : memref<10000x128xf32, #tpu.memory_space<hbm>>) target(%arg19 : memref<40x128xf32, #tpu.memory_space<vmem>>) offsets(%arg7 : memref<40xi32, #tpu.memory_space<vmem>>) semaphore(%arg40 : memref<!tpu.dma_semaphore, #tpu.memory_space<semaphore_mem>>)
      %dma_start3A_875 = arith.constant 0 : i32
      %dma_start3A_876 = tpu.memref_slice %arg4[%add3A_863, %dma_start3A_875] : memref<320000x128xf32, #tpu.memory_space<hbm>> -> memref<40x128xf32, #tpu.memory_space<hbm>>
      %dma_start3A_877 = arith.constant 0 : i32
      %dma_start3A_878 = tpu.memref_slice %arg4[%add3A_863, %dma_start3A_877] : memref<320000x128xf32, #tpu.memory_space<hbm>> -> memref<40x128xf32, #tpu.memory_space<hbm>>
      tpu.enqueue_dma source(%dma_start3A_878 : memref<40x128xf32, #tpu.memory_space<hbm>>) target(%arg22 : memref<40x128xf32, #tpu.memory_space<vmem>>) target_semaphore(%arg43 : memref<!tpu.dma_semaphore, #tpu.memory_space<semaphore_mem>>)
      %add3A_879 = arith.constant 4 : i32
      %add3A_880 = arith.addi %add3A_837, %add3A_879 : i32
      %mul3A_881 = arith.constant 40 : i32
      %mul3A_882 = arith.muli %add3A_880, %mul3A_881 : i32
      %add3A_883 = arith.addi %mul3A_2, %mul3A_882 : i32
      %dma_start3A_884 = tpu.memref_slice %arg3[%add3A_883] : memref<640000xi32, #tpu.memory_space<hbm>> -> memref<40xi32, #tpu.memory_space<hbm>>
      %dma_start3A_885 = tpu.memref_slice %arg3[%add3A_883] : memref<640000xi32, #tpu.memory_space<hbm>> -> memref<40xi32, #tpu.memory_space<hbm>>
      tpu.enqueue_dma source(%dma_start3A_885 : memref<40xi32, #tpu.memory_space<hbm>>) target(%arg9 : memref<40xi32, #tpu.memory_space<vmem>>) target_semaphore(%arg30 : memref<!tpu.dma_semaphore, #tpu.memory_space<semaphore_mem>>)
      %add3A_886 = arith.constant 320000 : i32
      %add3A_887 = arith.addi %add3A_886, %add3A_883 : i32
      %dma_start3A_888 = tpu.memref_slice %arg3[%add3A_887] : memref<640000xi32, #tpu.memory_space<hbm>> -> memref<40xi32, #tpu.memory_space<hbm>>
      %dma_start3A_889 = tpu.memref_slice %arg3[%add3A_887] : memref<640000xi32, #tpu.memory_space<hbm>> -> memref<40xi32, #tpu.memory_space<hbm>>
      tpu.enqueue_dma source(%dma_start3A_889 : memref<40xi32, #tpu.memory_space<hbm>>) target(%arg15 : memref<40xi32, #tpu.memory_space<vmem>>) target_semaphore(%arg36 : memref<!tpu.dma_semaphore, #tpu.memory_space<semaphore_mem>>)
    }
    %scan3A_411 = arith.constant 40 : i32
    %dma_wait3A_412 = arith.constant 0 : i32
    %dma_wait3A_413 = arith.constant 0 : i32
    %dma_wait3A_414 = tpu.memref_slice %arg2[%dma_wait3A_412, %dma_wait3A_413] : memref<10000x128xf32, #tpu.memory_space<hbm>> -> memref<10000x128xf32, #tpu.memory_space<hbm>>
    tpu.wait_indirect_dma semaphore(%arg39 : memref<!tpu.dma_semaphore, #tpu.memory_space<semaphore_mem>>) src(%dma_wait3A_414 : memref<10000x128xf32, #tpu.memory_space<hbm>>) dst(%arg18 : memref<40x128xf32, #tpu.memory_space<vmem>>)
    %dma_wait3A_415 = arith.constant 0 : i32
    %dma_wait3A_416 = arith.constant 0 : i32
    %dma_wait3A_417 = tpu.memref_slice %arg4[%dma_wait3A_415, %dma_wait3A_416] : memref<320000x128xf32, #tpu.memory_space<hbm>> -> memref<40x128xf32, #tpu.memory_space<hbm>>
    %dma_wait3A_418 = arith.constant 0 : i32
    %dma_wait3A_419 = arith.constant 0 : i32
    %dma_wait3A_420 = tpu.memref_slice %arg4[%dma_wait3A_418, %dma_wait3A_419] : memref<320000x128xf32, #tpu.memory_space<hbm>> -> memref<40x128xf32, #tpu.memory_space<hbm>>
    tpu.wait_dma2 semaphore(%arg42 : memref<!tpu.dma_semaphore, #tpu.memory_space<semaphore_mem>>) src(%dma_wait3A_420 : memref<40x128xf32, #tpu.memory_space<hbm>>) dst(%arg21 : memref<40x128xf32, #tpu.memory_space<vmem>>)
    %scan3A_421 = arith.constant 0 : i32
    %scan3A_422 = arith.constant 0 : i32
    %scan3A_423 = arith.constant 40 : i32
    %scan3A_424 = arith.addi %scan3A_422, %scan3A_423 : i32
    %scan3A_425 = arith.constant 1 : i32
    scf.for %scan3A_541 = %scan3A_422 to %scan3A_424 step %scan3A_425  : i32 {
      %get3A = arith.index_cast %scan3A_541 : i32 to index
      %get3A_542 = arith.constant 0 : index
      %get3A_543 = tpu.vector_load %arg18[%get3A, %get3A_542] {strides = array<i32>} : memref<40x128xf32, #tpu.memory_space<vmem>>, vector<1x16xf32>,
      %get3A_544 = vector.shape_cast %get3A_543 : vector<1x16xf32> to vector<16xf32>
      %get3A_545 = arith.index_cast %scan3A_541 : i32 to index
      %get3A_546 = arith.constant 0 : index
      %get3A_547 = tpu.vector_load %arg21[%get3A_545, %get3A_546] {strides = array<i32>} : memref<40x128xf32, #tpu.memory_space<vmem>>, vector<1x16xf32>,
      %get3A_548 = vector.shape_cast %get3A_547 : vector<1x16xf32> to vector<16xf32>
      %add3A_549 = arith.addf %get3A_544, %get3A_548 : vector<16xf32>
      %max3A = arith.constant 0.000000e+00 : f32
      %max3A_550 = vector.broadcast %max3A : f32 to vector<16xf32>
      %max3A_551 = arith.maximumf %add3A_549, %max3A_550 : vector<16xf32>
      %swap3A = arith.index_cast %scan3A_541 : i32 to index
      %swap3A_552 = arith.constant 0 : index
      %swap3A_553 = tpu.vector_load %arg21[%swap3A, %swap3A_552] {strides = array<i32>} : memref<40x128xf32, #tpu.memory_space<vmem>>, vector<1x16xf32>,
      %swap3A_554 = vector.shape_cast %swap3A_553 : vector<1x16xf32> to vector<16xf32>
      %swap3A_555 = vector.shape_cast %max3A_551 : vector<16xf32> to vector<1x16xf32>
      tpu.vector_store %arg21[%swap3A, %swap3A_552], %swap3A_555 {strides = array<i32>} : memref<40x128xf32, #tpu.memory_space<vmem>>, vector<1x16xf32>,
      %get3A_556 = arith.index_cast %scan3A_541 : i32 to index
      %get3A_557 = arith.constant 16 : index
      %get3A_558 = tpu.vector_load %arg18[%get3A_556, %get3A_557] {strides = array<i32>} : memref<40x128xf32, #tpu.memory_space<vmem>>, vector<1x16xf32>,
      %get3A_559 = vector.shape_cast %get3A_558 : vector<1x16xf32> to vector<16xf32>
      %get3A_560 = arith.index_cast %scan3A_541 : i32 to index
      %get3A_561 = arith.constant 16 : index
      %get3A_562 = tpu.vector_load %arg21[%get3A_560, %get3A_561] {strides = array<i32>} : memref<40x128xf32, #tpu.memory_space<vmem>>, vector<1x16xf32>,
      %get3A_563 = vector.shape_cast %get3A_562 : vector<1x16xf32> to vector<16xf32>
      %add3A_564 = arith.addf %get3A_559, %get3A_563 : vector<16xf32>
      %max3A_565 = arith.constant 0.000000e+00 : f32
      %max3A_566 = vector.broadcast %max3A_565 : f32 to vector<16xf32>
      %max3A_567 = arith.maximumf %add3A_564, %max3A_566 : vector<16xf32>
      %swap3A_568 = arith.index_cast %scan3A_541 : i32 to index
      %swap3A_569 = arith.constant 16 : index
      %swap3A_570 = tpu.vector_load %arg21[%swap3A_568, %swap3A_569] {strides = array<i32>} : memref<40x128xf32, #tpu.memory_space<vmem>>, vector<1x16xf32>,
      %swap3A_571 = vector.shape_cast %swap3A_570 : vector<1x16xf32> to vector<16xf32>
      %swap3A_572 = vector.shape_cast %max3A_567 : vector<16xf32> to vector<1x16xf32>
      tpu.vector_store %arg21[%swap3A_568, %swap3A_569], %swap3A_572 {strides = array<i32>} : memref<40x128xf32, #tpu.memory_space<vmem>>, vector<1x16xf32>,
      %get3A_573 = arith.index_cast %scan3A_541 : i32 to index
      %get3A_574 = arith.constant 32 : index
      %get3A_575 = tpu.vector_load %arg18[%get3A_573, %get3A_574] {strides = array<i32>} : memref<40x128xf32, #tpu.memory_space<vmem>>, vector<1x16xf32>,
      %get3A_576 = vector.shape_cast %get3A_575 : vector<1x16xf32> to vector<16xf32>
      %get3A_577 = arith.index_cast %scan3A_541 : i32 to index
      %get3A_578 = arith.constant 32 : index
      %get3A_579 = tpu.vector_load %arg21[%get3A_577, %get3A_578] {strides = array<i32>} : memref<40x128xf32, #tpu.memory_space<vmem>>, vector<1x16xf32>,
      %get3A_580 = vector.shape_cast %get3A_579 : vector<1x16xf32> to vector<16xf32>
      %add3A_581 = arith.addf %get3A_576, %get3A_580 : vector<16xf32>
      %max3A_582 = arith.constant 0.000000e+00 : f32
      %max3A_583 = vector.broadcast %max3A_582 : f32 to vector<16xf32>
      %max3A_584 = arith.maximumf %add3A_581, %max3A_583 : vector<16xf32>
      %swap3A_585 = arith.index_cast %scan3A_541 : i32 to index
      %swap3A_586 = arith.constant 32 : index
      %swap3A_587 = tpu.vector_load %arg21[%swap3A_585, %swap3A_586] {strides = array<i32>} : memref<40x128xf32, #tpu.memory_space<vmem>>, vector<1x16xf32>,
      %swap3A_588 = vector.shape_cast %swap3A_587 : vector<1x16xf32> to vector<16xf32>
      %swap3A_589 = vector.shape_cast %max3A_584 : vector<16xf32> to vector<1x16xf32>
      tpu.vector_store %arg21[%swap3A_585, %swap3A_586], %swap3A_589 {strides = array<i32>} : memref<40x128xf32, #tpu.memory_space<vmem>>, vector<1x16xf32>,
      %get3A_590 = arith.index_cast %scan3A_541 : i32 to index
      %get3A_591 = arith.constant 48 : index
      %get3A_592 = tpu.vector_load %arg18[%get3A_590, %get3A_591] {strides = array<i32>} : memref<40x128xf32, #tpu.memory_space<vmem>>, vector<1x16xf32>,
      %get3A_593 = vector.shape_cast %get3A_592 : vector<1x16xf32> to vector<16xf32>
      %get3A_594 = arith.index_cast %scan3A_541 : i32 to index
      %get3A_595 = arith.constant 48 : index
      %get3A_596 = tpu.vector_load %arg21[%get3A_594, %get3A_595] {strides = array<i32>} : memref<40x128xf32, #tpu.memory_space<vmem>>, vector<1x16xf32>,
      %get3A_597 = vector.shape_cast %get3A_596 : vector<1x16xf32> to vector<16xf32>
      %add3A_598 = arith.addf %get3A_593, %get3A_597 : vector<16xf32>
      %max3A_599 = arith.constant 0.000000e+00 : f32
      %max3A_600 = vector.broadcast %max3A_599 : f32 to vector<16xf32>
      %max3A_601 = arith.maximumf %add3A_598, %max3A_600 : vector<16xf32>
      %swap3A_602 = arith.index_cast %scan3A_541 : i32 to index
      %swap3A_603 = arith.constant 48 : index
      %swap3A_604 = tpu.vector_load %arg21[%swap3A_602, %swap3A_603] {strides = array<i32>} : memref<40x128xf32, #tpu.memory_space<vmem>>, vector<1x16xf32>,
      %swap3A_605 = vector.shape_cast %swap3A_604 : vector<1x16xf32> to vector<16xf32>
      %swap3A_606 = vector.shape_cast %max3A_601 : vector<16xf32> to vector<1x16xf32>
      tpu.vector_store %arg21[%swap3A_602, %swap3A_603], %swap3A_606 {strides = array<i32>} : memref<40x128xf32, #tpu.memory_space<vmem>>, vector<1x16xf32>,
      %get3A_607 = arith.index_cast %scan3A_541 : i32 to index
      %get3A_608 = arith.constant 64 : index
      %get3A_609 = tpu.vector_load %arg18[%get3A_607, %get3A_608] {strides = array<i32>} : memref<40x128xf32, #tpu.memory_space<vmem>>, vector<1x16xf32>,
      %get3A_610 = vector.shape_cast %get3A_609 : vector<1x16xf32> to vector<16xf32>
      %get3A_611 = arith.index_cast %scan3A_541 : i32 to index
      %get3A_612 = arith.constant 64 : index
      %get3A_613 = tpu.vector_load %arg21[%get3A_611, %get3A_612] {strides = array<i32>} : memref<40x128xf32, #tpu.memory_space<vmem>>, vector<1x16xf32>,
      %get3A_614 = vector.shape_cast %get3A_613 : vector<1x16xf32> to vector<16xf32>
      %add3A_615 = arith.addf %get3A_610, %get3A_614 : vector<16xf32>
      %max3A_616 = arith.constant 0.000000e+00 : f32
      %max3A_617 = vector.broadcast %max3A_616 : f32 to vector<16xf32>
      %max3A_618 = arith.maximumf %add3A_615, %max3A_617 : vector<16xf32>
      %swap3A_619 = arith.index_cast %scan3A_541 : i32 to index
      %swap3A_620 = arith.constant 64 : index
      %swap3A_621 = tpu.vector_load %arg21[%swap3A_619, %swap3A_620] {strides = array<i32>} : memref<40x128xf32, #tpu.memory_space<vmem>>, vector<1x16xf32>,
      %swap3A_622 = vector.shape_cast %swap3A_621 : vector<1x16xf32> to vector<16xf32>
      %swap3A_623 = vector.shape_cast %max3A_618 : vector<16xf32> to vector<1x16xf32>
      tpu.vector_store %arg21[%swap3A_619, %swap3A_620], %swap3A_623 {strides = array<i32>} : memref<40x128xf32, #tpu.memory_space<vmem>>, vector<1x16xf32>,
      %get3A_624 = arith.index_cast %scan3A_541 : i32 to index
      %get3A_625 = arith.constant 80 : index
      %get3A_626 = tpu.vector_load %arg18[%get3A_624, %get3A_625] {strides = array<i32>} : memref<40x128xf32, #tpu.memory_space<vmem>>, vector<1x16xf32>,
      %get3A_627 = vector.shape_cast %get3A_626 : vector<1x16xf32> to vector<16xf32>
      %get3A_628 = arith.index_cast %scan3A_541 : i32 to index
      %get3A_629 = arith.constant 80 : index
      %get3A_630 = tpu.vector_load %arg21[%get3A_628, %get3A_629] {strides = array<i32>} : memref<40x128xf32, #tpu.memory_space<vmem>>, vector<1x16xf32>,
      %get3A_631 = vector.shape_cast %get3A_630 : vector<1x16xf32> to vector<16xf32>
      %add3A_632 = arith.addf %get3A_627, %get3A_631 : vector<16xf32>
      %max3A_633 = arith.constant 0.000000e+00 : f32
      %max3A_634 = vector.broadcast %max3A_633 : f32 to vector<16xf32>
      %max3A_635 = arith.maximumf %add3A_632, %max3A_634 : vector<16xf32>
      %swap3A_636 = arith.index_cast %scan3A_541 : i32 to index
      %swap3A_637 = arith.constant 80 : index
      %swap3A_638 = tpu.vector_load %arg21[%swap3A_636, %swap3A_637] {strides = array<i32>} : memref<40x128xf32, #tpu.memory_space<vmem>>, vector<1x16xf32>,
      %swap3A_639 = vector.shape_cast %swap3A_638 : vector<1x16xf32> to vector<16xf32>
      %swap3A_640 = vector.shape_cast %max3A_635 : vector<16xf32> to vector<1x16xf32>
      tpu.vector_store %arg21[%swap3A_636, %swap3A_637], %swap3A_640 {strides = array<i32>} : memref<40x128xf32, #tpu.memory_space<vmem>>, vector<1x16xf32>,
      %get3A_641 = arith.index_cast %scan3A_541 : i32 to index
      %get3A_642 = arith.constant 96 : index
      %get3A_643 = tpu.vector_load %arg18[%get3A_641, %get3A_642] {strides = array<i32>} : memref<40x128xf32, #tpu.memory_space<vmem>>, vector<1x16xf32>,
      %get3A_644 = vector.shape_cast %get3A_643 : vector<1x16xf32> to vector<16xf32>
      %get3A_645 = arith.index_cast %scan3A_541 : i32 to index
      %get3A_646 = arith.constant 96 : index
      %get3A_647 = tpu.vector_load %arg21[%get3A_645, %get3A_646] {strides = array<i32>} : memref<40x128xf32, #tpu.memory_space<vmem>>, vector<1x16xf32>,
      %get3A_648 = vector.shape_cast %get3A_647 : vector<1x16xf32> to vector<16xf32>
      %add3A_649 = arith.addf %get3A_644, %get3A_648 : vector<16xf32>
      %max3A_650 = arith.constant 0.000000e+00 : f32
      %max3A_651 = vector.broadcast %max3A_650 : f32 to vector<16xf32>
      %max3A_652 = arith.maximumf %add3A_649, %max3A_651 : vector<16xf32>
      %swap3A_653 = arith.index_cast %scan3A_541 : i32 to index
      %swap3A_654 = arith.constant 96 : index
      %swap3A_655 = tpu.vector_load %arg21[%swap3A_653, %swap3A_654] {strides = array<i32>} : memref<40x128xf32, #tpu.memory_space<vmem>>, vector<1x16xf32>,
      %swap3A_656 = vector.shape_cast %swap3A_655 : vector<1x16xf32> to vector<16xf32>
      %swap3A_657 = vector.shape_cast %max3A_652 : vector<16xf32> to vector<1x16xf32>
      tpu.vector_store %arg21[%swap3A_653, %swap3A_654], %swap3A_657 {strides = array<i32>} : memref<40x128xf32, #tpu.memory_space<vmem>>, vector<1x16xf32>,
      %get3A_658 = arith.index_cast %scan3A_541 : i32 to index
      %get3A_659 = arith.constant 112 : index
      %get3A_660 = tpu.vector_load %arg18[%get3A_658, %get3A_659] {strides = array<i32>} : memref<40x128xf32, #tpu.memory_space<vmem>>, vector<1x16xf32>,
      %get3A_661 = vector.shape_cast %get3A_660 : vector<1x16xf32> to vector<16xf32>
      %get3A_662 = arith.index_cast %scan3A_541 : i32 to index
      %get3A_663 = arith.constant 112 : index
      %get3A_664 = tpu.vector_load %arg21[%get3A_662, %get3A_663] {strides = array<i32>} : memref<40x128xf32, #tpu.memory_space<vmem>>, vector<1x16xf32>,
      %get3A_665 = vector.shape_cast %get3A_664 : vector<1x16xf32> to vector<16xf32>
      %add3A_666 = arith.addf %get3A_661, %get3A_665 : vector<16xf32>
      %max3A_667 = arith.constant 0.000000e+00 : f32
      %max3A_668 = vector.broadcast %max3A_667 : f32 to vector<16xf32>
      %max3A_669 = arith.maximumf %add3A_666, %max3A_668 : vector<16xf32>
      %swap3A_670 = arith.index_cast %scan3A_541 : i32 to index
      %swap3A_671 = arith.constant 112 : index
      %swap3A_672 = tpu.vector_load %arg21[%swap3A_670, %swap3A_671] {strides = array<i32>} : memref<40x128xf32, #tpu.memory_space<vmem>>, vector<1x16xf32>,
      %swap3A_673 = vector.shape_cast %swap3A_672 : vector<1x16xf32> to vector<16xf32>
      %swap3A_674 = vector.shape_cast %max3A_669 : vector<16xf32> to vector<1x16xf32>
      tpu.vector_store %arg21[%swap3A_670, %swap3A_671], %swap3A_674 {strides = array<i32>} : memref<40x128xf32, #tpu.memory_space<vmem>>, vector<1x16xf32>,
    }
    %scan3A_426 = arith.constant 40 : i32
    %dma_start3A_427 = arith.constant 0 : i32
    %dma_start3A_428 = arith.constant 0 : i32
    %dma_start3A_429 = tpu.memref_slice %arg54[%dma_start3A_427, %dma_start3A_428] : memref<10240x128xf32, #tpu.memory_space<vmem_shared>> -> memref<10240x128xf32, #tpu.memory_space<vmem_shared>>
    tpu.enqueue_indirect_dma source(%arg21 : memref<40x128xf32, #tpu.memory_space<vmem>>) target(%dma_start3A_429 : memref<10240x128xf32, #tpu.memory_space<vmem_shared>>) offsets(%arg12 : memref<40xi32, #tpu.memory_space<vmem>>) semaphore(%arg48 : memref<!tpu.dma_semaphore, #tpu.memory_space<semaphore_mem>>) {add = true}
    %dma_wait3A_430 = arith.constant 0 : i32
    %dma_wait3A_431 = arith.constant 0 : i32
    %dma_wait3A_432 = tpu.memref_slice %arg54[%dma_wait3A_430, %dma_wait3A_431] : memref<10240x128xf32, #tpu.memory_space<vmem_shared>> -> memref<10240x128xf32, #tpu.memory_space<vmem_shared>>
    tpu.wait_indirect_dma semaphore(%arg52 : memref<!tpu.dma_semaphore, #tpu.memory_space<semaphore_mem>>) src(%arg25 : memref<40x128xf32, #tpu.memory_space<vmem>>) dst(%dma_wait3A_432 : memref<10240x128xf32, #tpu.memory_space<vmem_shared>>)
    %add3A_433 = arith.constant 9920 : i32
    %add3A_434 = arith.addi %mul3A_2, %add3A_433 : i32
    %dma_wait3A_435 = arith.constant 0 : i32
    %dma_wait3A_436 = tpu.memref_slice %arg3[%dma_wait3A_435] : memref<640000xi32, #tpu.memory_space<hbm>> -> memref<40xi32, #tpu.memory_space<hbm>>
    %dma_wait3A_437 = arith.constant 0 : i32
    %dma_wait3A_438 = tpu.memref_slice %arg3[%dma_wait3A_437] : memref<640000xi32, #tpu.memory_space<hbm>> -> memref<40xi32, #tpu.memory_space<hbm>>
    tpu.wait_dma2 semaphore(%arg29 : memref<!tpu.dma_semaphore, #tpu.memory_space<semaphore_mem>>) src(%dma_wait3A_438 : memref<40xi32, #tpu.memory_space<hbm>>) dst(%arg8 : memref<40xi32, #tpu.memory_space<vmem>>)
    %dma_wait3A_439 = arith.constant 0 : i32
    %dma_wait3A_440 = tpu.memref_slice %arg3[%dma_wait3A_439] : memref<640000xi32, #tpu.memory_space<hbm>> -> memref<40xi32, #tpu.memory_space<hbm>>
    %dma_wait3A_441 = arith.constant 0 : i32
    %dma_wait3A_442 = tpu.memref_slice %arg3[%dma_wait3A_441] : memref<640000xi32, #tpu.memory_space<hbm>> -> memref<40xi32, #tpu.memory_space<hbm>>
    tpu.wait_dma2 semaphore(%arg35 : memref<!tpu.dma_semaphore, #tpu.memory_space<semaphore_mem>>) src(%dma_wait3A_442 : memref<40xi32, #tpu.memory_space<hbm>>) dst(%arg14 : memref<40xi32, #tpu.memory_space<vmem>>)
    %dma_start3A_443 = arith.constant 0 : i32
    %dma_start3A_444 = arith.constant 0 : i32
    %dma_start3A_445 = tpu.memref_slice %arg2[%dma_start3A_443, %dma_start3A_444] : memref<10000x128xf32, #tpu.memory_space<hbm>> -> memref<10000x128xf32, #tpu.memory_space<hbm>>
    tpu.enqueue_indirect_dma source(%dma_start3A_445 : memref<10000x128xf32, #tpu.memory_space<hbm>>) target(%arg20 : memref<40x128xf32, #tpu.memory_space<vmem>>) offsets(%arg8 : memref<40xi32, #tpu.memory_space<vmem>>) semaphore(%arg41 : memref<!tpu.dma_semaphore, #tpu.memory_space<semaphore_mem>>)
    %dma_start3A_446 = arith.constant 0 : i32
    %dma_start3A_447 = tpu.memref_slice %arg4[%add3A_434, %dma_start3A_446] : memref<320000x128xf32, #tpu.memory_space<hbm>> -> memref<40x128xf32, #tpu.memory_space<hbm>>
    %dma_start3A_448 = arith.constant 0 : i32
    %dma_start3A_449 = tpu.memref_slice %arg4[%add3A_434, %dma_start3A_448] : memref<320000x128xf32, #tpu.memory_space<hbm>> -> memref<40x128xf32, #tpu.memory_space<hbm>>
    tpu.enqueue_dma source(%dma_start3A_449 : memref<40x128xf32, #tpu.memory_space<hbm>>) target(%arg23 : memref<40x128xf32, #tpu.memory_space<vmem>>) target_semaphore(%arg44 : memref<!tpu.dma_semaphore, #tpu.memory_space<semaphore_mem>>)
    %dma_wait3A_450 = arith.constant 0 : i32
    %dma_wait3A_451 = arith.constant 0 : i32
    %dma_wait3A_452 = tpu.memref_slice %arg2[%dma_wait3A_450, %dma_wait3A_451] : memref<10000x128xf32, #tpu.memory_space<hbm>> -> memref<10000x128xf32, #tpu.memory_space<hbm>>
    tpu.wait_indirect_dma semaphore(%arg40 : memref<!tpu.dma_semaphore, #tpu.memory_space<semaphore_mem>>) src(%dma_wait3A_452 : memref<10000x128xf32, #tpu.memory_space<hbm>>) dst(%arg19 : memref<40x128xf32, #tpu.memory_space<vmem>>)
    %dma_wait3A_453 = arith.constant 0 : i32
    %dma_wait3A_454 = arith.constant 0 : i32
    %dma_wait3A_455 = tpu.memref_slice %arg4[%dma_wait3A_453, %dma_wait3A_454] : memref<320000x128xf32, #tpu.memory_space<hbm>> -> memref<40x128xf32, #tpu.memory_space<hbm>>
    %dma_wait3A_456 = arith.constant 0 : i32
    %dma_wait3A_457 = arith.constant 0 : i32
    %dma_wait3A_458 = tpu.memref_slice %arg4[%dma_wait3A_456, %dma_wait3A_457] : memref<320000x128xf32, #tpu.memory_space<hbm>> -> memref<40x128xf32, #tpu.memory_space<hbm>>
    tpu.wait_dma2 semaphore(%arg43 : memref<!tpu.dma_semaphore, #tpu.memory_space<semaphore_mem>>) src(%dma_wait3A_458 : memref<40x128xf32, #tpu.memory_space<hbm>>) dst(%arg22 : memref<40x128xf32, #tpu.memory_space<vmem>>)
    %scan3A_459 = arith.constant 0 : i32
    %scan3A_460 = arith.constant 0 : i32
    %scan3A_461 = arith.constant 40 : i32
    %scan3A_462 = arith.addi %scan3A_460, %scan3A_461 : i32
    %scan3A_463 = arith.constant 1 : i32
    scf.for %scan3A_541 = %scan3A_460 to %scan3A_462 step %scan3A_463  : i32 {
      %get3A = arith.index_cast %scan3A_541 : i32 to index
      %get3A_542 = arith.constant 0 : index
      %get3A_543 = tpu.vector_load %arg19[%get3A, %get3A_542] {strides = array<i32>} : memref<40x128xf32, #tpu.memory_space<vmem>>, vector<1x16xf32>,
      %get3A_544 = vector.shape_cast %get3A_543 : vector<1x16xf32> to vector<16xf32>
      %get3A_545 = arith.index_cast %scan3A_541 : i32 to index
      %get3A_546 = arith.constant 0 : index
      %get3A_547 = tpu.vector_load %arg22[%get3A_545, %get3A_546] {strides = array<i32>} : memref<40x128xf32, #tpu.memory_space<vmem>>, vector<1x16xf32>,
      %get3A_548 = vector.shape_cast %get3A_547 : vector<1x16xf32> to vector<16xf32>
      %add3A_549 = arith.addf %get3A_544, %get3A_548 : vector<16xf32>
      %max3A = arith.constant 0.000000e+00 : f32
      %max3A_550 = vector.broadcast %max3A : f32 to vector<16xf32>
      %max3A_551 = arith.maximumf %add3A_549, %max3A_550 : vector<16xf32>
      %swap3A = arith.index_cast %scan3A_541 : i32 to index
      %swap3A_552 = arith.constant 0 : index
      %swap3A_553 = tpu.vector_load %arg22[%swap3A, %swap3A_552] {strides = array<i32>} : memref<40x128xf32, #tpu.memory_space<vmem>>, vector<1x16xf32>,
      %swap3A_554 = vector.shape_cast %swap3A_553 : vector<1x16xf32> to vector<16xf32>
      %swap3A_555 = vector.shape_cast %max3A_551 : vector<16xf32> to vector<1x16xf32>
      tpu.vector_store %arg22[%swap3A, %swap3A_552], %swap3A_555 {strides = array<i32>} : memref<40x128xf32, #tpu.memory_space<vmem>>, vector<1x16xf32>,
      %get3A_556 = arith.index_cast %scan3A_541 : i32 to index
      %get3A_557 = arith.constant 16 : index
      %get3A_558 = tpu.vector_load %arg19[%get3A_556, %get3A_557] {strides = array<i32>} : memref<40x128xf32, #tpu.memory_space<vmem>>, vector<1x16xf32>,
      %get3A_559 = vector.shape_cast %get3A_558 : vector<1x16xf32> to vector<16xf32>
      %get3A_560 = arith.index_cast %scan3A_541 : i32 to index
      %get3A_561 = arith.constant 16 : index
      %get3A_562 = tpu.vector_load %arg22[%get3A_560, %get3A_561] {strides = array<i32>} : memref<40x128xf32, #tpu.memory_space<vmem>>, vector<1x16xf32>,
      %get3A_563 = vector.shape_cast %get3A_562 : vector<1x16xf32> to vector<16xf32>
      %add3A_564 = arith.addf %get3A_559, %get3A_563 : vector<16xf32>
      %max3A_565 = arith.constant 0.000000e+00 : f32
      %max3A_566 = vector.broadcast %max3A_565 : f32 to vector<16xf32>
      %max3A_567 = arith.maximumf %add3A_564, %max3A_566 : vector<16xf32>
      %swap3A_568 = arith.index_cast %scan3A_541 : i32 to index
      %swap3A_569 = arith.constant 16 : index
      %swap3A_570 = tpu.vector_load %arg22[%swap3A_568, %swap3A_569] {strides = array<i32>} : memref<40x128xf32, #tpu.memory_space<vmem>>, vector<1x16xf32>,
      %swap3A_571 = vector.shape_cast %swap3A_570 : vector<1x16xf32> to vector<16xf32>
      %swap3A_572 = vector.shape_cast %max3A_567 : vector<16xf32> to vector<1x16xf32>
      tpu.vector_store %arg22[%swap3A_568, %swap3A_569], %swap3A_572 {strides = array<i32>} : memref<40x128xf32, #tpu.memory_space<vmem>>, vector<1x16xf32>,
      %get3A_573 = arith.index_cast %scan3A_541 : i32 to index
      %get3A_574 = arith.constant 32 : index
      %get3A_575 = tpu.vector_load %arg19[%get3A_573, %get3A_574] {strides = array<i32>} : memref<40x128xf32, #tpu.memory_space<vmem>>, vector<1x16xf32>,
      %get3A_576 = vector.shape_cast %get3A_575 : vector<1x16xf32> to vector<16xf32>
      %get3A_577 = arith.index_cast %scan3A_541 : i32 to index
      %get3A_578 = arith.constant 32 : index
      %get3A_579 = tpu.vector_load %arg22[%get3A_577, %get3A_578] {strides = array<i32>} : memref<40x128xf32, #tpu.memory_space<vmem>>, vector<1x16xf32>,
      %get3A_580 = vector.shape_cast %get3A_579 : vector<1x16xf32> to vector<16xf32>
      %add3A_581 = arith.addf %get3A_576, %get3A_580 : vector<16xf32>
      %max3A_582 = arith.constant 0.000000e+00 : f32
      %max3A_583 = vector.broadcast %max3A_582 : f32 to vector<16xf32>
      %max3A_584 = arith.maximumf %add3A_581, %max3A_583 : vector<16xf32>
      %swap3A_585 = arith.index_cast %scan3A_541 : i32 to index
      %swap3A_586 = arith.constant 32 : index
      %swap3A_587 = tpu.vector_load %arg22[%swap3A_585, %swap3A_586] {strides = array<i32>} : memref<40x128xf32, #tpu.memory_space<vmem>>, vector<1x16xf32>,
      %swap3A_588 = vector.shape_cast %swap3A_587 : vector<1x16xf32> to vector<16xf32>
      %swap3A_589 = vector.shape_cast %max3A_584 : vector<16xf32> to vector<1x16xf32>
      tpu.vector_store %arg22[%swap3A_585, %swap3A_586], %swap3A_589 {strides = array<i32>} : memref<40x128xf32, #tpu.memory_space<vmem>>, vector<1x16xf32>,
      %get3A_590 = arith.index_cast %scan3A_541 : i32 to index
      %get3A_591 = arith.constant 48 : index
      %get3A_592 = tpu.vector_load %arg19[%get3A_590, %get3A_591] {strides = array<i32>} : memref<40x128xf32, #tpu.memory_space<vmem>>, vector<1x16xf32>,
      %get3A_593 = vector.shape_cast %get3A_592 : vector<1x16xf32> to vector<16xf32>
      %get3A_594 = arith.index_cast %scan3A_541 : i32 to index
      %get3A_595 = arith.constant 48 : index
      %get3A_596 = tpu.vector_load %arg22[%get3A_594, %get3A_595] {strides = array<i32>} : memref<40x128xf32, #tpu.memory_space<vmem>>, vector<1x16xf32>,
      %get3A_597 = vector.shape_cast %get3A_596 : vector<1x16xf32> to vector<16xf32>
      %add3A_598 = arith.addf %get3A_593, %get3A_597 : vector<16xf32>
      %max3A_599 = arith.constant 0.000000e+00 : f32
      %max3A_600 = vector.broadcast %max3A_599 : f32 to vector<16xf32>
      %max3A_601 = arith.maximumf %add3A_598, %max3A_600 : vector<16xf32>
      %swap3A_602 = arith.index_cast %scan3A_541 : i32 to index
      %swap3A_603 = arith.constant 48 : index
      %swap3A_604 = tpu.vector_load %arg22[%swap3A_602, %swap3A_603] {strides = array<i32>} : memref<40x128xf32, #tpu.memory_space<vmem>>, vector<1x16xf32>,
      %swap3A_605 = vector.shape_cast %swap3A_604 : vector<1x16xf32> to vector<16xf32>
      %swap3A_606 = vector.shape_cast %max3A_601 : vector<16xf32> to vector<1x16xf32>
      tpu.vector_store %arg22[%swap3A_602, %swap3A_603], %swap3A_606 {strides = array<i32>} : memref<40x128xf32, #tpu.memory_space<vmem>>, vector<1x16xf32>,
      %get3A_607 = arith.index_cast %scan3A_541 : i32 to index
      %get3A_608 = arith.constant 64 : index
      %get3A_609 = tpu.vector_load %arg19[%get3A_607, %get3A_608] {strides = array<i32>} : memref<40x128xf32, #tpu.memory_space<vmem>>, vector<1x16xf32>,
      %get3A_610 = vector.shape_cast %get3A_609 : vector<1x16xf32> to vector<16xf32>
      %get3A_611 = arith.index_cast %scan3A_541 : i32 to index
      %get3A_612 = arith.constant 64 : index
      %get3A_613 = tpu.vector_load %arg22[%get3A_611, %get3A_612] {strides = array<i32>} : memref<40x128xf32, #tpu.memory_space<vmem>>, vector<1x16xf32>,
      %get3A_614 = vector.shape_cast %get3A_613 : vector<1x16xf32> to vector<16xf32>
      %add3A_615 = arith.addf %get3A_610, %get3A_614 : vector<16xf32>
      %max3A_616 = arith.constant 0.000000e+00 : f32
      %max3A_617 = vector.broadcast %max3A_616 : f32 to vector<16xf32>
      %max3A_618 = arith.maximumf %add3A_615, %max3A_617 : vector<16xf32>
      %swap3A_619 = arith.index_cast %scan3A_541 : i32 to index
      %swap3A_620 = arith.constant 64 : index
      %swap3A_621 = tpu.vector_load %arg22[%swap3A_619, %swap3A_620] {strides = array<i32>} : memref<40x128xf32, #tpu.memory_space<vmem>>, vector<1x16xf32>,
      %swap3A_622 = vector.shape_cast %swap3A_621 : vector<1x16xf32> to vector<16xf32>
      %swap3A_623 = vector.shape_cast %max3A_618 : vector<16xf32> to vector<1x16xf32>
      tpu.vector_store %arg22[%swap3A_619, %swap3A_620], %swap3A_623 {strides = array<i32>} : memref<40x128xf32, #tpu.memory_space<vmem>>, vector<1x16xf32>,
      %get3A_624 = arith.index_cast %scan3A_541 : i32 to index
      %get3A_625 = arith.constant 80 : index
      %get3A_626 = tpu.vector_load %arg19[%get3A_624, %get3A_625] {strides = array<i32>} : memref<40x128xf32, #tpu.memory_space<vmem>>, vector<1x16xf32>,
      %get3A_627 = vector.shape_cast %get3A_626 : vector<1x16xf32> to vector<16xf32>
      %get3A_628 = arith.index_cast %scan3A_541 : i32 to index
      %get3A_629 = arith.constant 80 : index
      %get3A_630 = tpu.vector_load %arg22[%get3A_628, %get3A_629] {strides = array<i32>} : memref<40x128xf32, #tpu.memory_space<vmem>>, vector<1x16xf32>,
      %get3A_631 = vector.shape_cast %get3A_630 : vector<1x16xf32> to vector<16xf32>
      %add3A_632 = arith.addf %get3A_627, %get3A_631 : vector<16xf32>
      %max3A_633 = arith.constant 0.000000e+00 : f32
      %max3A_634 = vector.broadcast %max3A_633 : f32 to vector<16xf32>
      %max3A_635 = arith.maximumf %add3A_632, %max3A_634 : vector<16xf32>
      %swap3A_636 = arith.index_cast %scan3A_541 : i32 to index
      %swap3A_637 = arith.constant 80 : index
      %swap3A_638 = tpu.vector_load %arg22[%swap3A_636, %swap3A_637] {strides = array<i32>} : memref<40x128xf32, #tpu.memory_space<vmem>>, vector<1x16xf32>,
      %swap3A_639 = vector.shape_cast %swap3A_638 : vector<1x16xf32> to vector<16xf32>
      %swap3A_640 = vector.shape_cast %max3A_635 : vector<16xf32> to vector<1x16xf32>
      tpu.vector_store %arg22[%swap3A_636, %swap3A_637], %swap3A_640 {strides = array<i32>} : memref<40x128xf32, #tpu.memory_space<vmem>>, vector<1x16xf32>,
      %get3A_641 = arith.index_cast %scan3A_541 : i32 to index
      %get3A_642 = arith.constant 96 : index
      %get3A_643 = tpu.vector_load %arg19[%get3A_641, %get3A_642] {strides = array<i32>} : memref<40x128xf32, #tpu.memory_space<vmem>>, vector<1x16xf32>,
      %get3A_644 = vector.shape_cast %get3A_643 : vector<1x16xf32> to vector<16xf32>
      %get3A_645 = arith.index_cast %scan3A_541 : i32 to index
      %get3A_646 = arith.constant 96 : index
      %get3A_647 = tpu.vector_load %arg22[%get3A_645, %get3A_646] {strides = array<i32>} : memref<40x128xf32, #tpu.memory_space<vmem>>, vector<1x16xf32>,
      %get3A_648 = vector.shape_cast %get3A_647 : vector<1x16xf32> to vector<16xf32>
      %add3A_649 = arith.addf %get3A_644, %get3A_648 : vector<16xf32>
      %max3A_650 = arith.constant 0.000000e+00 : f32
      %max3A_651 = vector.broadcast %max3A_650 : f32 to vector<16xf32>
      %max3A_652 = arith.maximumf %add3A_649, %max3A_651 : vector<16xf32>
      %swap3A_653 = arith.index_cast %scan3A_541 : i32 to index
      %swap3A_654 = arith.constant 96 : index
      %swap3A_655 = tpu.vector_load %arg22[%swap3A_653, %swap3A_654] {strides = array<i32>} : memref<40x128xf32, #tpu.memory_space<vmem>>, vector<1x16xf32>,
      %swap3A_656 = vector.shape_cast %swap3A_655 : vector<1x16xf32> to vector<16xf32>
      %swap3A_657 = vector.shape_cast %max3A_652 : vector<16xf32> to vector<1x16xf32>
      tpu.vector_store %arg22[%swap3A_653, %swap3A_654], %swap3A_657 {strides = array<i32>} : memref<40x128xf32, #tpu.memory_space<vmem>>, vector<1x16xf32>,
      %get3A_658 = arith.index_cast %scan3A_541 : i32 to index
      %get3A_659 = arith.constant 112 : index
      %get3A_660 = tpu.vector_load %arg19[%get3A_658, %get3A_659] {strides = array<i32>} : memref<40x128xf32, #tpu.memory_space<vmem>>, vector<1x16xf32>,
      %get3A_661 = vector.shape_cast %get3A_660 : vector<1x16xf32> to vector<16xf32>
      %get3A_662 = arith.index_cast %scan3A_541 : i32 to index
      %get3A_663 = arith.constant 112 : index
      %get3A_664 = tpu.vector_load %arg22[%get3A_662, %get3A_663] {strides = array<i32>} : memref<40x128xf32, #tpu.memory_space<vmem>>, vector<1x16xf32>,
      %get3A_665 = vector.shape_cast %get3A_664 : vector<1x16xf32> to vector<16xf32>
      %add3A_666 = arith.addf %get3A_661, %get3A_665 : vector<16xf32>
      %max3A_667 = arith.constant 0.000000e+00 : f32
      %max3A_668 = vector.broadcast %max3A_667 : f32 to vector<16xf32>
      %max3A_669 = arith.maximumf %add3A_666, %max3A_668 : vector<16xf32>
      %swap3A_670 = arith.index_cast %scan3A_541 : i32 to index
      %swap3A_671 = arith.constant 112 : index
      %swap3A_672 = tpu.vector_load %arg22[%swap3A_670, %swap3A_671] {strides = array<i32>} : memref<40x128xf32, #tpu.memory_space<vmem>>, vector<1x16xf32>,
      %swap3A_673 = vector.shape_cast %swap3A_672 : vector<1x16xf32> to vector<16xf32>
      %swap3A_674 = vector.shape_cast %max3A_669 : vector<16xf32> to vector<1x16xf32>
      tpu.vector_store %arg22[%swap3A_670, %swap3A_671], %swap3A_674 {strides = array<i32>} : memref<40x128xf32, #tpu.memory_space<vmem>>, vector<1x16xf32>,
    }
    %scan3A_464 = arith.constant 40 : i32
    %dma_start3A_465 = arith.constant 0 : i32
    %dma_start3A_466 = arith.constant 0 : i32
    %dma_start3A_467 = tpu.memref_slice %arg54[%dma_start3A_465, %dma_start3A_466] : memref<10240x128xf32, #tpu.memory_space<vmem_shared>> -> memref<10240x128xf32, #tpu.memory_space<vmem_shared>>
    tpu.enqueue_indirect_dma source(%arg22 : memref<40x128xf32, #tpu.memory_space<vmem>>) target(%dma_start3A_467 : memref<10240x128xf32, #tpu.memory_space<vmem_shared>>) offsets(%arg13 : memref<40xi32, #tpu.memory_space<vmem>>) semaphore(%arg49 : memref<!tpu.dma_semaphore, #tpu.memory_space<semaphore_mem>>) {add = true}
    %dma_wait3A_468 = arith.constant 0 : i32
    %dma_wait3A_469 = arith.constant 0 : i32
    %dma_wait3A_470 = tpu.memref_slice %arg54[%dma_wait3A_468, %dma_wait3A_469] : memref<10240x128xf32, #tpu.memory_space<vmem_shared>> -> memref<10240x128xf32, #tpu.memory_space<vmem_shared>>
    tpu.wait_indirect_dma semaphore(%arg53 : memref<!tpu.dma_semaphore, #tpu.memory_space<semaphore_mem>>) src(%arg26 : memref<40x128xf32, #tpu.memory_space<vmem>>) dst(%dma_wait3A_470 : memref<10240x128xf32, #tpu.memory_space<vmem_shared>>)
    %add3A_471 = arith.constant 9960 : i32
    %add3A_472 = arith.addi %mul3A_2, %add3A_471 : i32
    %dma_wait3A_473 = arith.constant 0 : i32
    %dma_wait3A_474 = tpu.memref_slice %arg3[%dma_wait3A_473] : memref<640000xi32, #tpu.memory_space<hbm>> -> memref<40xi32, #tpu.memory_space<hbm>>
    %dma_wait3A_475 = arith.constant 0 : i32
    %dma_wait3A_476 = tpu.memref_slice %arg3[%dma_wait3A_475] : memref<640000xi32, #tpu.memory_space<hbm>> -> memref<40xi32, #tpu.memory_space<hbm>>
    tpu.wait_dma2 semaphore(%arg30 : memref<!tpu.dma_semaphore, #tpu.memory_space<semaphore_mem>>) src(%dma_wait3A_476 : memref<40xi32, #tpu.memory_space<hbm>>) dst(%arg9 : memref<40xi32, #tpu.memory_space<vmem>>)
    %dma_wait3A_477 = arith.constant 0 : i32
    %dma_wait3A_478 = tpu.memref_slice %arg3[%dma_wait3A_477] : memref<640000xi32, #tpu.memory_space<hbm>> -> memref<40xi32, #tpu.memory_space<hbm>>
    %dma_wait3A_479 = arith.constant 0 : i32
    %dma_wait3A_480 = tpu.memref_slice %arg3[%dma_wait3A_479] : memref<640000xi32, #tpu.memory_space<hbm>> -> memref<40xi32, #tpu.memory_space<hbm>>
    tpu.wait_dma2 semaphore(%arg36 : memref<!tpu.dma_semaphore, #tpu.memory_space<semaphore_mem>>) src(%dma_wait3A_480 : memref<40xi32, #tpu.memory_space<hbm>>) dst(%arg15 : memref<40xi32, #tpu.memory_space<vmem>>)
    %dma_start3A_481 = arith.constant 0 : i32
    %dma_start3A_482 = arith.constant 0 : i32
    %dma_start3A_483 = tpu.memref_slice %arg2[%dma_start3A_481, %dma_start3A_482] : memref<10000x128xf32, #tpu.memory_space<hbm>> -> memref<10000x128xf32, #tpu.memory_space<hbm>>
    tpu.enqueue_indirect_dma source(%dma_start3A_483 : memref<10000x128xf32, #tpu.memory_space<hbm>>) target(%arg18 : memref<40x128xf32, #tpu.memory_space<vmem>>) offsets(%arg9 : memref<40xi32, #tpu.memory_space<vmem>>) semaphore(%arg39 : memref<!tpu.dma_semaphore, #tpu.memory_space<semaphore_mem>>)
    %dma_start3A_484 = arith.constant 0 : i32
    %dma_start3A_485 = tpu.memref_slice %arg4[%add3A_472, %dma_start3A_484] : memref<320000x128xf32, #tpu.memory_space<hbm>> -> memref<40x128xf32, #tpu.memory_space<hbm>>
    %dma_start3A_486 = arith.constant 0 : i32
    %dma_start3A_487 = tpu.memref_slice %arg4[%add3A_472, %dma_start3A_486] : memref<320000x128xf32, #tpu.memory_space<hbm>> -> memref<40x128xf32, #tpu.memory_space<hbm>>
    tpu.enqueue_dma source(%dma_start3A_487 : memref<40x128xf32, #tpu.memory_space<hbm>>) target(%arg24 : memref<40x128xf32, #tpu.memory_space<vmem>>) target_semaphore(%arg45 : memref<!tpu.dma_semaphore, #tpu.memory_space<semaphore_mem>>)
    %dma_wait3A_488 = arith.constant 0 : i32
    %dma_wait3A_489 = arith.constant 0 : i32
    %dma_wait3A_490 = tpu.memref_slice %arg2[%dma_wait3A_488, %dma_wait3A_489] : memref<10000x128xf32, #tpu.memory_space<hbm>> -> memref<10000x128xf32, #tpu.memory_space<hbm>>
    tpu.wait_indirect_dma semaphore(%arg41 : memref<!tpu.dma_semaphore, #tpu.memory_space<semaphore_mem>>) src(%dma_wait3A_490 : memref<10000x128xf32, #tpu.memory_space<hbm>>) dst(%arg20 : memref<40x128xf32, #tpu.memory_space<vmem>>)
    %dma_wait3A_491 = arith.constant 0 : i32
    %dma_wait3A_492 = arith.constant 0 : i32
    %dma_wait3A_493 = tpu.memref_slice %arg4[%dma_wait3A_491, %dma_wait3A_492] : memref<320000x128xf32, #tpu.memory_space<hbm>> -> memref<40x128xf32, #tpu.memory_space<hbm>>
    %dma_wait3A_494 = arith.constant 0 : i32
    %dma_wait3A_495 = arith.constant 0 : i32
    %dma_wait3A_496 = tpu.memref_slice %arg4[%dma_wait3A_494, %dma_wait3A_495] : memref<320000x128xf32, #tpu.memory_space<hbm>> -> memref<40x128xf32, #tpu.memory_space<hbm>>
    tpu.wait_dma2 semaphore(%arg44 : memref<!tpu.dma_semaphore, #tpu.memory_space<semaphore_mem>>) src(%dma_wait3A_496 : memref<40x128xf32, #tpu.memory_space<hbm>>) dst(%arg23 : memref<40x128xf32, #tpu.memory_space<vmem>>)
    %scan3A_497 = arith.constant 0 : i32
    %scan3A_498 = arith.constant 0 : i32
    %scan3A_499 = arith.constant 40 : i32
    %scan3A_500 = arith.addi %scan3A_498, %scan3A_499 : i32
    %scan3A_501 = arith.constant 1 : i32
    scf.for %scan3A_541 = %scan3A_498 to %scan3A_500 step %scan3A_501  : i32 {
      %get3A = arith.index_cast %scan3A_541 : i32 to index
      %get3A_542 = arith.constant 0 : index
      %get3A_543 = tpu.vector_load %arg20[%get3A, %get3A_542] {strides = array<i32>} : memref<40x128xf32, #tpu.memory_space<vmem>>, vector<1x16xf32>,
      %get3A_544 = vector.shape_cast %get3A_543 : vector<1x16xf32> to vector<16xf32>
      %get3A_545 = arith.index_cast %scan3A_541 : i32 to index
      %get3A_546 = arith.constant 0 : index
      %get3A_547 = tpu.vector_load %arg23[%get3A_545, %get3A_546] {strides = array<i32>} : memref<40x128xf32, #tpu.memory_space<vmem>>, vector<1x16xf32>,
      %get3A_548 = vector.shape_cast %get3A_547 : vector<1x16xf32> to vector<16xf32>
      %add3A_549 = arith.addf %get3A_544, %get3A_548 : vector<16xf32>
      %max3A = arith.constant 0.000000e+00 : f32
      %max3A_550 = vector.broadcast %max3A : f32 to vector<16xf32>
      %max3A_551 = arith.maximumf %add3A_549, %max3A_550 : vector<16xf32>
      %swap3A = arith.index_cast %scan3A_541 : i32 to index
      %swap3A_552 = arith.constant 0 : index
      %swap3A_553 = tpu.vector_load %arg23[%swap3A, %swap3A_552] {strides = array<i32>} : memref<40x128xf32, #tpu.memory_space<vmem>>, vector<1x16xf32>,
      %swap3A_554 = vector.shape_cast %swap3A_553 : vector<1x16xf32> to vector<16xf32>
      %swap3A_555 = vector.shape_cast %max3A_551 : vector<16xf32> to vector<1x16xf32>
      tpu.vector_store %arg23[%swap3A, %swap3A_552], %swap3A_555 {strides = array<i32>} : memref<40x128xf32, #tpu.memory_space<vmem>>, vector<1x16xf32>,
      %get3A_556 = arith.index_cast %scan3A_541 : i32 to index
      %get3A_557 = arith.constant 16 : index
      %get3A_558 = tpu.vector_load %arg20[%get3A_556, %get3A_557] {strides = array<i32>} : memref<40x128xf32, #tpu.memory_space<vmem>>, vector<1x16xf32>,
      %get3A_559 = vector.shape_cast %get3A_558 : vector<1x16xf32> to vector<16xf32>
      %get3A_560 = arith.index_cast %scan3A_541 : i32 to index
      %get3A_561 = arith.constant 16 : index
      %get3A_562 = tpu.vector_load %arg23[%get3A_560, %get3A_561] {strides = array<i32>} : memref<40x128xf32, #tpu.memory_space<vmem>>, vector<1x16xf32>,
      %get3A_563 = vector.shape_cast %get3A_562 : vector<1x16xf32> to vector<16xf32>
      %add3A_564 = arith.addf %get3A_559, %get3A_563 : vector<16xf32>
      %max3A_565 = arith.constant 0.000000e+00 : f32
      %max3A_566 = vector.broadcast %max3A_565 : f32 to vector<16xf32>
      %max3A_567 = arith.maximumf %add3A_564, %max3A_566 : vector<16xf32>
      %swap3A_568 = arith.index_cast %scan3A_541 : i32 to index
      %swap3A_569 = arith.constant 16 : index
      %swap3A_570 = tpu.vector_load %arg23[%swap3A_568, %swap3A_569] {strides = array<i32>} : memref<40x128xf32, #tpu.memory_space<vmem>>, vector<1x16xf32>,
      %swap3A_571 = vector.shape_cast %swap3A_570 : vector<1x16xf32> to vector<16xf32>
      %swap3A_572 = vector.shape_cast %max3A_567 : vector<16xf32> to vector<1x16xf32>
      tpu.vector_store %arg23[%swap3A_568, %swap3A_569], %swap3A_572 {strides = array<i32>} : memref<40x128xf32, #tpu.memory_space<vmem>>, vector<1x16xf32>,
      %get3A_573 = arith.index_cast %scan3A_541 : i32 to index
      %get3A_574 = arith.constant 32 : index
      %get3A_575 = tpu.vector_load %arg20[%get3A_573, %get3A_574] {strides = array<i32>} : memref<40x128xf32, #tpu.memory_space<vmem>>, vector<1x16xf32>,
      %get3A_576 = vector.shape_cast %get3A_575 : vector<1x16xf32> to vector<16xf32>
      %get3A_577 = arith.index_cast %scan3A_541 : i32 to index
      %get3A_578 = arith.constant 32 : index
      %get3A_579 = tpu.vector_load %arg23[%get3A_577, %get3A_578] {strides = array<i32>} : memref<40x128xf32, #tpu.memory_space<vmem>>, vector<1x16xf32>,
      %get3A_580 = vector.shape_cast %get3A_579 : vector<1x16xf32> to vector<16xf32>
      %add3A_581 = arith.addf %get3A_576, %get3A_580 : vector<16xf32>
      %max3A_582 = arith.constant 0.000000e+00 : f32
      %max3A_583 = vector.broadcast %max3A_582 : f32 to vector<16xf32>
      %max3A_584 = arith.maximumf %add3A_581, %max3A_583 : vector<16xf32>
      %swap3A_585 = arith.index_cast %scan3A_541 : i32 to index
      %swap3A_586 = arith.constant 32 : index
      %swap3A_587 = tpu.vector_load %arg23[%swap3A_585, %swap3A_586] {strides = array<i32>} : memref<40x128xf32, #tpu.memory_space<vmem>>, vector<1x16xf32>,
      %swap3A_588 = vector.shape_cast %swap3A_587 : vector<1x16xf32> to vector<16xf32>
      %swap3A_589 = vector.shape_cast %max3A_584 : vector<16xf32> to vector<1x16xf32>
      tpu.vector_store %arg23[%swap3A_585, %swap3A_586], %swap3A_589 {strides = array<i32>} : memref<40x128xf32, #tpu.memory_space<vmem>>, vector<1x16xf32>,
      %get3A_590 = arith.index_cast %scan3A_541 : i32 to index
      %get3A_591 = arith.constant 48 : index
      %get3A_592 = tpu.vector_load %arg20[%get3A_590, %get3A_591] {strides = array<i32>} : memref<40x128xf32, #tpu.memory_space<vmem>>, vector<1x16xf32>,
      %get3A_593 = vector.shape_cast %get3A_592 : vector<1x16xf32> to vector<16xf32>
      %get3A_594 = arith.index_cast %scan3A_541 : i32 to index
      %get3A_595 = arith.constant 48 : index
      %get3A_596 = tpu.vector_load %arg23[%get3A_594, %get3A_595] {strides = array<i32>} : memref<40x128xf32, #tpu.memory_space<vmem>>, vector<1x16xf32>,
      %get3A_597 = vector.shape_cast %get3A_596 : vector<1x16xf32> to vector<16xf32>
      %add3A_598 = arith.addf %get3A_593, %get3A_597 : vector<16xf32>
      %max3A_599 = arith.constant 0.000000e+00 : f32
      %max3A_600 = vector.broadcast %max3A_599 : f32 to vector<16xf32>
      %max3A_601 = arith.maximumf %add3A_598, %max3A_600 : vector<16xf32>
      %swap3A_602 = arith.index_cast %scan3A_541 : i32 to index
      %swap3A_603 = arith.constant 48 : index
      %swap3A_604 = tpu.vector_load %arg23[%swap3A_602, %swap3A_603] {strides = array<i32>} : memref<40x128xf32, #tpu.memory_space<vmem>>, vector<1x16xf32>,
      %swap3A_605 = vector.shape_cast %swap3A_604 : vector<1x16xf32> to vector<16xf32>
      %swap3A_606 = vector.shape_cast %max3A_601 : vector<16xf32> to vector<1x16xf32>
      tpu.vector_store %arg23[%swap3A_602, %swap3A_603], %swap3A_606 {strides = array<i32>} : memref<40x128xf32, #tpu.memory_space<vmem>>, vector<1x16xf32>,
      %get3A_607 = arith.index_cast %scan3A_541 : i32 to index
      %get3A_608 = arith.constant 64 : index
      %get3A_609 = tpu.vector_load %arg20[%get3A_607, %get3A_608] {strides = array<i32>} : memref<40x128xf32, #tpu.memory_space<vmem>>, vector<1x16xf32>,
      %get3A_610 = vector.shape_cast %get3A_609 : vector<1x16xf32> to vector<16xf32>
      %get3A_611 = arith.index_cast %scan3A_541 : i32 to index
      %get3A_612 = arith.constant 64 : index
      %get3A_613 = tpu.vector_load %arg23[%get3A_611, %get3A_612] {strides = array<i32>} : memref<40x128xf32, #tpu.memory_space<vmem>>, vector<1x16xf32>,
      %get3A_614 = vector.shape_cast %get3A_613 : vector<1x16xf32> to vector<16xf32>
      %add3A_615 = arith.addf %get3A_610, %get3A_614 : vector<16xf32>
      %max3A_616 = arith.constant 0.000000e+00 : f32
      %max3A_617 = vector.broadcast %max3A_616 : f32 to vector<16xf32>
      %max3A_618 = arith.maximumf %add3A_615, %max3A_617 : vector<16xf32>
      %swap3A_619 = arith.index_cast %scan3A_541 : i32 to index
      %swap3A_620 = arith.constant 64 : index
      %swap3A_621 = tpu.vector_load %arg23[%swap3A_619, %swap3A_620] {strides = array<i32>} : memref<40x128xf32, #tpu.memory_space<vmem>>, vector<1x16xf32>,
      %swap3A_622 = vector.shape_cast %swap3A_621 : vector<1x16xf32> to vector<16xf32>
      %swap3A_623 = vector.shape_cast %max3A_618 : vector<16xf32> to vector<1x16xf32>
      tpu.vector_store %arg23[%swap3A_619, %swap3A_620], %swap3A_623 {strides = array<i32>} : memref<40x128xf32, #tpu.memory_space<vmem>>, vector<1x16xf32>,
      %get3A_624 = arith.index_cast %scan3A_541 : i32 to index
      %get3A_625 = arith.constant 80 : index
      %get3A_626 = tpu.vector_load %arg20[%get3A_624, %get3A_625] {strides = array<i32>} : memref<40x128xf32, #tpu.memory_space<vmem>>, vector<1x16xf32>,
      %get3A_627 = vector.shape_cast %get3A_626 : vector<1x16xf32> to vector<16xf32>
      %get3A_628 = arith.index_cast %scan3A_541 : i32 to index
      %get3A_629 = arith.constant 80 : index
      %get3A_630 = tpu.vector_load %arg23[%get3A_628, %get3A_629] {strides = array<i32>} : memref<40x128xf32, #tpu.memory_space<vmem>>, vector<1x16xf32>,
      %get3A_631 = vector.shape_cast %get3A_630 : vector<1x16xf32> to vector<16xf32>
      %add3A_632 = arith.addf %get3A_627, %get3A_631 : vector<16xf32>
      %max3A_633 = arith.constant 0.000000e+00 : f32
      %max3A_634 = vector.broadcast %max3A_633 : f32 to vector<16xf32>
      %max3A_635 = arith.maximumf %add3A_632, %max3A_634 : vector<16xf32>
      %swap3A_636 = arith.index_cast %scan3A_541 : i32 to index
      %swap3A_637 = arith.constant 80 : index
      %swap3A_638 = tpu.vector_load %arg23[%swap3A_636, %swap3A_637] {strides = array<i32>} : memref<40x128xf32, #tpu.memory_space<vmem>>, vector<1x16xf32>,
      %swap3A_639 = vector.shape_cast %swap3A_638 : vector<1x16xf32> to vector<16xf32>
      %swap3A_640 = vector.shape_cast %max3A_635 : vector<16xf32> to vector<1x16xf32>
      tpu.vector_store %arg23[%swap3A_636, %swap3A_637], %swap3A_640 {strides = array<i32>} : memref<40x128xf32, #tpu.memory_space<vmem>>, vector<1x16xf32>,
      %get3A_641 = arith.index_cast %scan3A_541 : i32 to index
      %get3A_642 = arith.constant 96 : index
      %get3A_643 = tpu.vector_load %arg20[%get3A_641, %get3A_642] {strides = array<i32>} : memref<40x128xf32, #tpu.memory_space<vmem>>, vector<1x16xf32>,
      %get3A_644 = vector.shape_cast %get3A_643 : vector<1x16xf32> to vector<16xf32>
      %get3A_645 = arith.index_cast %scan3A_541 : i32 to index
      %get3A_646 = arith.constant 96 : index
      %get3A_647 = tpu.vector_load %arg23[%get3A_645, %get3A_646] {strides = array<i32>} : memref<40x128xf32, #tpu.memory_space<vmem>>, vector<1x16xf32>,
      %get3A_648 = vector.shape_cast %get3A_647 : vector<1x16xf32> to vector<16xf32>
      %add3A_649 = arith.addf %get3A_644, %get3A_648 : vector<16xf32>
      %max3A_650 = arith.constant 0.000000e+00 : f32
      %max3A_651 = vector.broadcast %max3A_650 : f32 to vector<16xf32>
      %max3A_652 = arith.maximumf %add3A_649, %max3A_651 : vector<16xf32>
      %swap3A_653 = arith.index_cast %scan3A_541 : i32 to index
      %swap3A_654 = arith.constant 96 : index
      %swap3A_655 = tpu.vector_load %arg23[%swap3A_653, %swap3A_654] {strides = array<i32>} : memref<40x128xf32, #tpu.memory_space<vmem>>, vector<1x16xf32>,
      %swap3A_656 = vector.shape_cast %swap3A_655 : vector<1x16xf32> to vector<16xf32>
      %swap3A_657 = vector.shape_cast %max3A_652 : vector<16xf32> to vector<1x16xf32>
      tpu.vector_store %arg23[%swap3A_653, %swap3A_654], %swap3A_657 {strides = array<i32>} : memref<40x128xf32, #tpu.memory_space<vmem>>, vector<1x16xf32>,
      %get3A_658 = arith.index_cast %scan3A_541 : i32 to index
      %get3A_659 = arith.constant 112 : index
      %get3A_660 = tpu.vector_load %arg20[%get3A_658, %get3A_659] {strides = array<i32>} : memref<40x128xf32, #tpu.memory_space<vmem>>, vector<1x16xf32>,
      %get3A_661 = vector.shape_cast %get3A_660 : vector<1x16xf32> to vector<16xf32>
      %get3A_662 = arith.index_cast %scan3A_541 : i32 to index
      %get3A_663 = arith.constant 112 : index
      %get3A_664 = tpu.vector_load %arg23[%get3A_662, %get3A_663] {strides = array<i32>} : memref<40x128xf32, #tpu.memory_space<vmem>>, vector<1x16xf32>,
      %get3A_665 = vector.shape_cast %get3A_664 : vector<1x16xf32> to vector<16xf32>
      %add3A_666 = arith.addf %get3A_661, %get3A_665 : vector<16xf32>
      %max3A_667 = arith.constant 0.000000e+00 : f32
      %max3A_668 = vector.broadcast %max3A_667 : f32 to vector<16xf32>
      %max3A_669 = arith.maximumf %add3A_666, %max3A_668 : vector<16xf32>
      %swap3A_670 = arith.index_cast %scan3A_541 : i32 to index
      %swap3A_671 = arith.constant 112 : index
      %swap3A_672 = tpu.vector_load %arg23[%swap3A_670, %swap3A_671] {strides = array<i32>} : memref<40x128xf32, #tpu.memory_space<vmem>>, vector<1x16xf32>,
      %swap3A_673 = vector.shape_cast %swap3A_672 : vector<1x16xf32> to vector<16xf32>
      %swap3A_674 = vector.shape_cast %max3A_669 : vector<16xf32> to vector<1x16xf32>
      tpu.vector_store %arg23[%swap3A_670, %swap3A_671], %swap3A_674 {strides = array<i32>} : memref<40x128xf32, #tpu.memory_space<vmem>>, vector<1x16xf32>,
    }
    %scan3A_502 = arith.constant 40 : i32
    %dma_start3A_503 = arith.constant 0 : i32
    %dma_start3A_504 = arith.constant 0 : i32
    %dma_start3A_505 = tpu.memref_slice %arg54[%dma_start3A_503, %dma_start3A_504] : memref<10240x128xf32, #tpu.memory_space<vmem_shared>> -> memref<10240x128xf32, #tpu.memory_space<vmem_shared>>
    tpu.enqueue_indirect_dma source(%arg23 : memref<40x128xf32, #tpu.memory_space<vmem>>) target(%dma_start3A_505 : memref<10240x128xf32, #tpu.memory_space<vmem_shared>>) offsets(%arg14 : memref<40xi32, #tpu.memory_space<vmem>>) semaphore(%arg50 : memref<!tpu.dma_semaphore, #tpu.memory_space<semaphore_mem>>) {add = true}
    %dma_wait3A_506 = arith.constant 0 : i32
    %dma_wait3A_507 = arith.constant 0 : i32
    %dma_wait3A_508 = tpu.memref_slice %arg54[%dma_wait3A_506, %dma_wait3A_507] : memref<10240x128xf32, #tpu.memory_space<vmem_shared>> -> memref<10240x128xf32, #tpu.memory_space<vmem_shared>>
    tpu.wait_indirect_dma semaphore(%arg48 : memref<!tpu.dma_semaphore, #tpu.memory_space<semaphore_mem>>) src(%arg21 : memref<40x128xf32, #tpu.memory_space<vmem>>) dst(%dma_wait3A_508 : memref<10240x128xf32, #tpu.memory_space<vmem_shared>>)
    %dma_wait3A_509 = arith.constant 0 : i32
    %dma_wait3A_510 = arith.constant 0 : i32
    %dma_wait3A_511 = tpu.memref_slice %arg2[%dma_wait3A_509, %dma_wait3A_510] : memref<10000x128xf32, #tpu.memory_space<hbm>> -> memref<10000x128xf32, #tpu.memory_space<hbm>>
    tpu.wait_indirect_dma semaphore(%arg39 : memref<!tpu.dma_semaphore, #tpu.memory_space<semaphore_mem>>) src(%dma_wait3A_511 : memref<10000x128xf32, #tpu.memory_space<hbm>>) dst(%arg18 : memref<40x128xf32, #tpu.memory_space<vmem>>)
    %dma_wait3A_512 = arith.constant 0 : i32
    %dma_wait3A_513 = arith.constant 0 : i32
    %dma_wait3A_514 = tpu.memref_slice %arg4[%dma_wait3A_512, %dma_wait3A_513] : memref<320000x128xf32, #tpu.memory_space<hbm>> -> memref<40x128xf32, #tpu.memory_space<hbm>>
    %dma_wait3A_515 = arith.constant 0 : i32
    %dma_wait3A_516 = arith.constant 0 : i32
    %dma_wait3A_517 = tpu.memref_slice %arg4[%dma_wait3A_515, %dma_wait3A_516] : memref<320000x128xf32, #tpu.memory_space<hbm>> -> memref<40x128xf32, #tpu.memory_space<hbm>>
    tpu.wait_dma2 semaphore(%arg45 : memref<!tpu.dma_semaphore, #tpu.memory_space<semaphore_mem>>) src(%dma_wait3A_517 : memref<40x128xf32, #tpu.memory_space<hbm>>) dst(%arg24 : memref<40x128xf32, #tpu.memory_space<vmem>>)
    %scan3A_518 = arith.constant 0 : i32
    %scan3A_519 = arith.constant 0 : i32
    %scan3A_520 = arith.constant 40 : i32
    %scan3A_521 = arith.addi %scan3A_519, %scan3A_520 : i32
    %scan3A_522 = arith.constant 1 : i32
    scf.for %scan3A_541 = %scan3A_519 to %scan3A_521 step %scan3A_522  : i32 {
      %get3A = arith.index_cast %scan3A_541 : i32 to index
      %get3A_542 = arith.constant 0 : index
      %get3A_543 = tpu.vector_load %arg18[%get3A, %get3A_542] {strides = array<i32>} : memref<40x128xf32, #tpu.memory_space<vmem>>, vector<1x16xf32>,
      %get3A_544 = vector.shape_cast %get3A_543 : vector<1x16xf32> to vector<16xf32>
      %get3A_545 = arith.index_cast %scan3A_541 : i32 to index
      %get3A_546 = arith.constant 0 : index
      %get3A_547 = tpu.vector_load %arg24[%get3A_545, %get3A_546] {strides = array<i32>} : memref<40x128xf32, #tpu.memory_space<vmem>>, vector<1x16xf32>,
      %get3A_548 = vector.shape_cast %get3A_547 : vector<1x16xf32> to vector<16xf32>
      %add3A_549 = arith.addf %get3A_544, %get3A_548 : vector<16xf32>
      %max3A = arith.constant 0.000000e+00 : f32
      %max3A_550 = vector.broadcast %max3A : f32 to vector<16xf32>
      %max3A_551 = arith.maximumf %add3A_549, %max3A_550 : vector<16xf32>
      %swap3A = arith.index_cast %scan3A_541 : i32 to index
      %swap3A_552 = arith.constant 0 : index
      %swap3A_553 = tpu.vector_load %arg24[%swap3A, %swap3A_552] {strides = array<i32>} : memref<40x128xf32, #tpu.memory_space<vmem>>, vector<1x16xf32>,
      %swap3A_554 = vector.shape_cast %swap3A_553 : vector<1x16xf32> to vector<16xf32>
      %swap3A_555 = vector.shape_cast %max3A_551 : vector<16xf32> to vector<1x16xf32>
      tpu.vector_store %arg24[%swap3A, %swap3A_552], %swap3A_555 {strides = array<i32>} : memref<40x128xf32, #tpu.memory_space<vmem>>, vector<1x16xf32>,
      %get3A_556 = arith.index_cast %scan3A_541 : i32 to index
      %get3A_557 = arith.constant 16 : index
      %get3A_558 = tpu.vector_load %arg18[%get3A_556, %get3A_557] {strides = array<i32>} : memref<40x128xf32, #tpu.memory_space<vmem>>, vector<1x16xf32>,
      %get3A_559 = vector.shape_cast %get3A_558 : vector<1x16xf32> to vector<16xf32>
      %get3A_560 = arith.index_cast %scan3A_541 : i32 to index
      %get3A_561 = arith.constant 16 : index
      %get3A_562 = tpu.vector_load %arg24[%get3A_560, %get3A_561] {strides = array<i32>} : memref<40x128xf32, #tpu.memory_space<vmem>>, vector<1x16xf32>,
      %get3A_563 = vector.shape_cast %get3A_562 : vector<1x16xf32> to vector<16xf32>
      %add3A_564 = arith.addf %get3A_559, %get3A_563 : vector<16xf32>
      %max3A_565 = arith.constant 0.000000e+00 : f32
      %max3A_566 = vector.broadcast %max3A_565 : f32 to vector<16xf32>
      %max3A_567 = arith.maximumf %add3A_564, %max3A_566 : vector<16xf32>
      %swap3A_568 = arith.index_cast %scan3A_541 : i32 to index
      %swap3A_569 = arith.constant 16 : index
      %swap3A_570 = tpu.vector_load %arg24[%swap3A_568, %swap3A_569] {strides = array<i32>} : memref<40x128xf32, #tpu.memory_space<vmem>>, vector<1x16xf32>,
      %swap3A_571 = vector.shape_cast %swap3A_570 : vector<1x16xf32> to vector<16xf32>
      %swap3A_572 = vector.shape_cast %max3A_567 : vector<16xf32> to vector<1x16xf32>
      tpu.vector_store %arg24[%swap3A_568, %swap3A_569], %swap3A_572 {strides = array<i32>} : memref<40x128xf32, #tpu.memory_space<vmem>>, vector<1x16xf32>,
      %get3A_573 = arith.index_cast %scan3A_541 : i32 to index
      %get3A_574 = arith.constant 32 : index
      %get3A_575 = tpu.vector_load %arg18[%get3A_573, %get3A_574] {strides = array<i32>} : memref<40x128xf32, #tpu.memory_space<vmem>>, vector<1x16xf32>,
      %get3A_576 = vector.shape_cast %get3A_575 : vector<1x16xf32> to vector<16xf32>
      %get3A_577 = arith.index_cast %scan3A_541 : i32 to index
      %get3A_578 = arith.constant 32 : index
      %get3A_579 = tpu.vector_load %arg24[%get3A_577, %get3A_578] {strides = array<i32>} : memref<40x128xf32, #tpu.memory_space<vmem>>, vector<1x16xf32>,
      %get3A_580 = vector.shape_cast %get3A_579 : vector<1x16xf32> to vector<16xf32>
      %add3A_581 = arith.addf %get3A_576, %get3A_580 : vector<16xf32>
      %max3A_582 = arith.constant 0.000000e+00 : f32
      %max3A_583 = vector.broadcast %max3A_582 : f32 to vector<16xf32>
      %max3A_584 = arith.maximumf %add3A_581, %max3A_583 : vector<16xf32>
      %swap3A_585 = arith.index_cast %scan3A_541 : i32 to index
      %swap3A_586 = arith.constant 32 : index
      %swap3A_587 = tpu.vector_load %arg24[%swap3A_585, %swap3A_586] {strides = array<i32>} : memref<40x128xf32, #tpu.memory_space<vmem>>, vector<1x16xf32>,
      %swap3A_588 = vector.shape_cast %swap3A_587 : vector<1x16xf32> to vector<16xf32>
      %swap3A_589 = vector.shape_cast %max3A_584 : vector<16xf32> to vector<1x16xf32>
      tpu.vector_store %arg24[%swap3A_585, %swap3A_586], %swap3A_589 {strides = array<i32>} : memref<40x128xf32, #tpu.memory_space<vmem>>, vector<1x16xf32>,
      %get3A_590 = arith.index_cast %scan3A_541 : i32 to index
      %get3A_591 = arith.constant 48 : index
      %get3A_592 = tpu.vector_load %arg18[%get3A_590, %get3A_591] {strides = array<i32>} : memref<40x128xf32, #tpu.memory_space<vmem>>, vector<1x16xf32>,
      %get3A_593 = vector.shape_cast %get3A_592 : vector<1x16xf32> to vector<16xf32>
      %get3A_594 = arith.index_cast %scan3A_541 : i32 to index
      %get3A_595 = arith.constant 48 : index
      %get3A_596 = tpu.vector_load %arg24[%get3A_594, %get3A_595] {strides = array<i32>} : memref<40x128xf32, #tpu.memory_space<vmem>>, vector<1x16xf32>,
      %get3A_597 = vector.shape_cast %get3A_596 : vector<1x16xf32> to vector<16xf32>
      %add3A_598 = arith.addf %get3A_593, %get3A_597 : vector<16xf32>
      %max3A_599 = arith.constant 0.000000e+00 : f32
      %max3A_600 = vector.broadcast %max3A_599 : f32 to vector<16xf32>
      %max3A_601 = arith.maximumf %add3A_598, %max3A_600 : vector<16xf32>
      %swap3A_602 = arith.index_cast %scan3A_541 : i32 to index
      %swap3A_603 = arith.constant 48 : index
      %swap3A_604 = tpu.vector_load %arg24[%swap3A_602, %swap3A_603] {strides = array<i32>} : memref<40x128xf32, #tpu.memory_space<vmem>>, vector<1x16xf32>,
      %swap3A_605 = vector.shape_cast %swap3A_604 : vector<1x16xf32> to vector<16xf32>
      %swap3A_606 = vector.shape_cast %max3A_601 : vector<16xf32> to vector<1x16xf32>
      tpu.vector_store %arg24[%swap3A_602, %swap3A_603], %swap3A_606 {strides = array<i32>} : memref<40x128xf32, #tpu.memory_space<vmem>>, vector<1x16xf32>,
      %get3A_607 = arith.index_cast %scan3A_541 : i32 to index
      %get3A_608 = arith.constant 64 : index
      %get3A_609 = tpu.vector_load %arg18[%get3A_607, %get3A_608] {strides = array<i32>} : memref<40x128xf32, #tpu.memory_space<vmem>>, vector<1x16xf32>,
      %get3A_610 = vector.shape_cast %get3A_609 : vector<1x16xf32> to vector<16xf32>
      %get3A_611 = arith.index_cast %scan3A_541 : i32 to index
      %get3A_612 = arith.constant 64 : index
      %get3A_613 = tpu.vector_load %arg24[%get3A_611, %get3A_612] {strides = array<i32>} : memref<40x128xf32, #tpu.memory_space<vmem>>, vector<1x16xf32>,
      %get3A_614 = vector.shape_cast %get3A_613 : vector<1x16xf32> to vector<16xf32>
      %add3A_615 = arith.addf %get3A_610, %get3A_614 : vector<16xf32>
      %max3A_616 = arith.constant 0.000000e+00 : f32
      %max3A_617 = vector.broadcast %max3A_616 : f32 to vector<16xf32>
      %max3A_618 = arith.maximumf %add3A_615, %max3A_617 : vector<16xf32>
      %swap3A_619 = arith.index_cast %scan3A_541 : i32 to index
      %swap3A_620 = arith.constant 64 : index
      %swap3A_621 = tpu.vector_load %arg24[%swap3A_619, %swap3A_620] {strides = array<i32>} : memref<40x128xf32, #tpu.memory_space<vmem>>, vector<1x16xf32>,
      %swap3A_622 = vector.shape_cast %swap3A_621 : vector<1x16xf32> to vector<16xf32>
      %swap3A_623 = vector.shape_cast %max3A_618 : vector<16xf32> to vector<1x16xf32>
      tpu.vector_store %arg24[%swap3A_619, %swap3A_620], %swap3A_623 {strides = array<i32>} : memref<40x128xf32, #tpu.memory_space<vmem>>, vector<1x16xf32>,
      %get3A_624 = arith.index_cast %scan3A_541 : i32 to index
      %get3A_625 = arith.constant 80 : index
      %get3A_626 = tpu.vector_load %arg18[%get3A_624, %get3A_625] {strides = array<i32>} : memref<40x128xf32, #tpu.memory_space<vmem>>, vector<1x16xf32>,
      %get3A_627 = vector.shape_cast %get3A_626 : vector<1x16xf32> to vector<16xf32>
      %get3A_628 = arith.index_cast %scan3A_541 : i32 to index
      %get3A_629 = arith.constant 80 : index
      %get3A_630 = tpu.vector_load %arg24[%get3A_628, %get3A_629] {strides = array<i32>} : memref<40x128xf32, #tpu.memory_space<vmem>>, vector<1x16xf32>,
      %get3A_631 = vector.shape_cast %get3A_630 : vector<1x16xf32> to vector<16xf32>
      %add3A_632 = arith.addf %get3A_627, %get3A_631 : vector<16xf32>
      %max3A_633 = arith.constant 0.000000e+00 : f32
      %max3A_634 = vector.broadcast %max3A_633 : f32 to vector<16xf32>
      %max3A_635 = arith.maximumf %add3A_632, %max3A_634 : vector<16xf32>
      %swap3A_636 = arith.index_cast %scan3A_541 : i32 to index
      %swap3A_637 = arith.constant 80 : index
      %swap3A_638 = tpu.vector_load %arg24[%swap3A_636, %swap3A_637] {strides = array<i32>} : memref<40x128xf32, #tpu.memory_space<vmem>>, vector<1x16xf32>,
      %swap3A_639 = vector.shape_cast %swap3A_638 : vector<1x16xf32> to vector<16xf32>
      %swap3A_640 = vector.shape_cast %max3A_635 : vector<16xf32> to vector<1x16xf32>
      tpu.vector_store %arg24[%swap3A_636, %swap3A_637], %swap3A_640 {strides = array<i32>} : memref<40x128xf32, #tpu.memory_space<vmem>>, vector<1x16xf32>,
      %get3A_641 = arith.index_cast %scan3A_541 : i32 to index
      %get3A_642 = arith.constant 96 : index
      %get3A_643 = tpu.vector_load %arg18[%get3A_641, %get3A_642] {strides = array<i32>} : memref<40x128xf32, #tpu.memory_space<vmem>>, vector<1x16xf32>,
      %get3A_644 = vector.shape_cast %get3A_643 : vector<1x16xf32> to vector<16xf32>
      %get3A_645 = arith.index_cast %scan3A_541 : i32 to index
      %get3A_646 = arith.constant 96 : index
      %get3A_647 = tpu.vector_load %arg24[%get3A_645, %get3A_646] {strides = array<i32>} : memref<40x128xf32, #tpu.memory_space<vmem>>, vector<1x16xf32>,
      %get3A_648 = vector.shape_cast %get3A_647 : vector<1x16xf32> to vector<16xf32>
      %add3A_649 = arith.addf %get3A_644, %get3A_648 : vector<16xf32>
      %max3A_650 = arith.constant 0.000000e+00 : f32
      %max3A_651 = vector.broadcast %max3A_650 : f32 to vector<16xf32>
      %max3A_652 = arith.maximumf %add3A_649, %max3A_651 : vector<16xf32>
      %swap3A_653 = arith.index_cast %scan3A_541 : i32 to index
      %swap3A_654 = arith.constant 96 : index
      %swap3A_655 = tpu.vector_load %arg24[%swap3A_653, %swap3A_654] {strides = array<i32>} : memref<40x128xf32, #tpu.memory_space<vmem>>, vector<1x16xf32>,
      %swap3A_656 = vector.shape_cast %swap3A_655 : vector<1x16xf32> to vector<16xf32>
      %swap3A_657 = vector.shape_cast %max3A_652 : vector<16xf32> to vector<1x16xf32>
      tpu.vector_store %arg24[%swap3A_653, %swap3A_654], %swap3A_657 {strides = array<i32>} : memref<40x128xf32, #tpu.memory_space<vmem>>, vector<1x16xf32>,
      %get3A_658 = arith.index_cast %scan3A_541 : i32 to index
      %get3A_659 = arith.constant 112 : index
      %get3A_660 = tpu.vector_load %arg18[%get3A_658, %get3A_659] {strides = array<i32>} : memref<40x128xf32, #tpu.memory_space<vmem>>, vector<1x16xf32>,
      %get3A_661 = vector.shape_cast %get3A_660 : vector<1x16xf32> to vector<16xf32>
      %get3A_662 = arith.index_cast %scan3A_541 : i32 to index
      %get3A_663 = arith.constant 112 : index
      %get3A_664 = tpu.vector_load %arg24[%get3A_662, %get3A_663] {strides = array<i32>} : memref<40x128xf32, #tpu.memory_space<vmem>>, vector<1x16xf32>,
      %get3A_665 = vector.shape_cast %get3A_664 : vector<1x16xf32> to vector<16xf32>
      %add3A_666 = arith.addf %get3A_661, %get3A_665 : vector<16xf32>
      %max3A_667 = arith.constant 0.000000e+00 : f32
      %max3A_668 = vector.broadcast %max3A_667 : f32 to vector<16xf32>
      %max3A_669 = arith.maximumf %add3A_666, %max3A_668 : vector<16xf32>
      %swap3A_670 = arith.index_cast %scan3A_541 : i32 to index
      %swap3A_671 = arith.constant 112 : index
      %swap3A_672 = tpu.vector_load %arg24[%swap3A_670, %swap3A_671] {strides = array<i32>} : memref<40x128xf32, #tpu.memory_space<vmem>>, vector<1x16xf32>,
      %swap3A_673 = vector.shape_cast %swap3A_672 : vector<1x16xf32> to vector<16xf32>
      %swap3A_674 = vector.shape_cast %max3A_669 : vector<16xf32> to vector<1x16xf32>
      tpu.vector_store %arg24[%swap3A_670, %swap3A_671], %swap3A_674 {strides = array<i32>} : memref<40x128xf32, #tpu.memory_space<vmem>>, vector<1x16xf32>,
    }
    %scan3A_523 = arith.constant 40 : i32
    %dma_start3A_524 = arith.constant 0 : i32
    %dma_start3A_525 = arith.constant 0 : i32
    %dma_start3A_526 = tpu.memref_slice %arg54[%dma_start3A_524, %dma_start3A_525] : memref<10240x128xf32, #tpu.memory_space<vmem_shared>> -> memref<10240x128xf32, #tpu.memory_space<vmem_shared>>
    tpu.enqueue_indirect_dma source(%arg24 : memref<40x128xf32, #tpu.memory_space<vmem>>) target(%dma_start3A_526 : memref<10240x128xf32, #tpu.memory_space<vmem_shared>>) offsets(%arg15 : memref<40xi32, #tpu.memory_space<vmem>>) semaphore(%arg51 : memref<!tpu.dma_semaphore, #tpu.memory_space<semaphore_mem>>) {add = true}
    %dma_wait3A_527 = arith.constant 0 : i32
    %dma_wait3A_528 = arith.constant 0 : i32
    %dma_wait3A_529 = tpu.memref_slice %arg54[%dma_wait3A_527, %dma_wait3A_528] : memref<10240x128xf32, #tpu.memory_space<vmem_shared>> -> memref<10240x128xf32, #tpu.memory_space<vmem_shared>>
    tpu.wait_indirect_dma semaphore(%arg49 : memref<!tpu.dma_semaphore, #tpu.memory_space<semaphore_mem>>) src(%arg22 : memref<40x128xf32, #tpu.memory_space<vmem>>) dst(%dma_wait3A_529 : memref<10240x128xf32, #tpu.memory_space<vmem_shared>>)
    %dma_wait3A_530 = arith.constant 0 : i32
    %dma_wait3A_531 = arith.constant 0 : i32
    %dma_wait3A_532 = tpu.memref_slice %arg54[%dma_wait3A_530, %dma_wait3A_531] : memref<10240x128xf32, #tpu.memory_space<vmem_shared>> -> memref<10240x128xf32, #tpu.memory_space<vmem_shared>>
    tpu.wait_indirect_dma semaphore(%arg50 : memref<!tpu.dma_semaphore, #tpu.memory_space<semaphore_mem>>) src(%arg23 : memref<40x128xf32, #tpu.memory_space<vmem>>) dst(%dma_wait3A_532 : memref<10240x128xf32, #tpu.memory_space<vmem_shared>>)
    %dma_wait3A_533 = arith.constant 0 : i32
    %dma_wait3A_534 = arith.constant 0 : i32
    %dma_wait3A_535 = tpu.memref_slice %arg54[%dma_wait3A_533, %dma_wait3A_534] : memref<10240x128xf32, #tpu.memory_space<vmem_shared>> -> memref<10240x128xf32, #tpu.memory_space<vmem_shared>>
    tpu.wait_indirect_dma semaphore(%arg51 : memref<!tpu.dma_semaphore, #tpu.memory_space<semaphore_mem>>) src(%arg24 : memref<40x128xf32, #tpu.memory_space<vmem>>) dst(%dma_wait3A_535 : memref<10240x128xf32, #tpu.memory_space<vmem_shared>>)
    %barrier3A_536 = arith.constant 0 : index
    tpu.barrier barrier_id(%barrier3A_536)
    %mul3A_537 = arith.constant 640 : i32
    %mul3A_538 = arith.muli %arg1, %mul3A_537 : i32
    %mul3A_539 = arith.constant 640 : i32
    %mul3A_540 = arith.muli %arg1, %mul3A_539 : i32
    "tpu.region"() ({
      %run_scoped3A = tpu.sem_alloc : memref<!tpu.dma_semaphore, #tpu.memory_space<semaphore_mem>>
      %dma_start3A_541 = arith.constant 0 : i32
      %dma_start3A_542 = tpu.memref_slice %arg5[%arg0, %mul3A_540, %dma_start3A_541] : memref<2x10240x128xf32, #tpu.memory_space<hbm>> -> memref<1x640x128xf32, #tpu.memory_space<hbm>>
      %dma_start3A_543 = tpu.memref_squeeze %dma_start3A_542 : memref<1x640x128xf32, #tpu.memory_space<hbm>> -> memref<640x128xf32, #tpu.memory_space<hbm>>
      %dma_start3A_544 = arith.constant 0 : i32
      %dma_start3A_545 = tpu.memref_slice %arg54[%mul3A_538, %dma_start3A_544] : memref<10240x128xf32, #tpu.memory_space<vmem_shared>> -> memref<640x128xf32, #tpu.memory_space<vmem_shared>>
      tpu.enqueue_dma source(%dma_start3A_545 : memref<640x128xf32, #tpu.memory_space<vmem_shared>>) target(%dma_start3A_543 : memref<640x128xf32, #tpu.memory_space<hbm>>) target_semaphore(%run_scoped3A : memref<!tpu.dma_semaphore, #tpu.memory_space<semaphore_mem>>)
      %dma_wait3A_546 = arith.constant 0 : i32
      %dma_wait3A_547 = tpu.memref_slice %arg5[%arg0, %mul3A_540, %dma_wait3A_546] : memref<2x10240x128xf32, #tpu.memory_space<hbm>> -> memref<1x640x128xf32, #tpu.memory_space<hbm>>
      %dma_wait3A_548 = tpu.memref_squeeze %dma_wait3A_547 : memref<1x640x128xf32, #tpu.memory_space<hbm>> -> memref<640x128xf32, #tpu.memory_space<hbm>>
      %dma_wait3A_549 = arith.constant 0 : i32
      %dma_wait3A_550 = tpu.memref_slice %arg54[%mul3A_538, %dma_wait3A_549] : memref<10240x128xf32, #tpu.memory_space<vmem_shared>> -> memref<640x128xf32, #tpu.memory_space<vmem_shared>>
      tpu.wait_dma2 semaphore(%run_scoped3A : memref<!tpu.dma_semaphore, #tpu.memory_space<semaphore_mem>>) src(%dma_wait3A_550 : memref<640x128xf32, #tpu.memory_space<vmem_shared>>) dst(%dma_wait3A_548 : memref<640x128xf32, #tpu.memory_space<hbm>>)
      tpu.yield
    }) : () -> ()
    return
  }
}

module attributes {stable_mosaic.version = 14 : i64} {
  func.func @_dense_body(%arg0: memref<10000x128xf32, #tpu.memory_space<vmem>>, %arg1: memref<2x10240x128xf32, #tpu.memory_space<vmem>>, %arg2: memref<128x128xf32, #tpu.memory_space<vmem>>, %arg3: memref<1x128xf32, #tpu.memory_space<vmem>>, %arg4: memref<128x128xf32, #tpu.memory_space<vmem>>, %arg5: memref<1x128xf32, #tpu.memory_space<vmem>>, %arg6: memref<10000x128xf32, #tpu.memory_space<vmem>>) attributes {dimension_semantics = [], scalar_prefetch = 0 : i64, scratch_operands = 0 : i64, tpu.core_type = #tpu.core_type<tc>} {
    %get3A = arith.constant 0 : index
    %get3A_0 = arith.constant 0 : index
    %get3A_1 = vector.load %arg0[%get3A, %get3A_0] : memref<10000x128xf32, #tpu.memory_space<vmem>>, vector<10000x128xf32>
    %get3A_2 = arith.constant 0 : index
    %get3A_3 = arith.constant 0 : index
    %get3A_4 = arith.constant 0 : index
    %get3A_5 = vector.load %arg1[%get3A_2, %get3A_3, %get3A_4] : memref<2x10240x128xf32, #tpu.memory_space<vmem>>, vector<1x10000x128xf32>
    %get3A_6 = vector.shape_cast %get3A_5 : vector<1x10000x128xf32> to vector<10000x128xf32>
    %add3A = arith.addf %get3A_1, %get3A_6 : vector<10000x128xf32>
    %get3A_7 = arith.constant 1 : index
    %get3A_8 = arith.constant 0 : index
    %get3A_9 = arith.constant 0 : index
    %get3A_10 = vector.load %arg1[%get3A_7, %get3A_8, %get3A_9] : memref<2x10240x128xf32, #tpu.memory_space<vmem>>, vector<1x10000x128xf32>
    %get3A_11 = vector.shape_cast %get3A_10 : vector<1x10000x128xf32> to vector<10000x128xf32>
    %add3A_12 = arith.addf %add3A, %get3A_11 : vector<10000x128xf32>
    %get3A_13 = arith.constant 0 : index
    %get3A_14 = arith.constant 0 : index
    %get3A_15 = vector.load %arg2[%get3A_13, %get3A_14] : memref<128x128xf32, #tpu.memory_space<vmem>>, vector<128x128xf32>
    %dot_general3A = arith.constant dense<0.000000e+00> : vector<10000x128xf32>
    %dot_general3A_16 = tpu.matmul %add3A_12, %get3A_15, %dot_general3A {dimension_numbers = #tpu.dot_dimension_numbers<[1], [0], [0], [1], [0, 0, 1, 1], [], []>, transpose_lhs_hint = false} : vector<10000x128xf32>, vector<128x128xf32>, vector<10000x128xf32> -> vector<10000x128xf32>
    %get3A_17 = arith.constant 0 : index
    %get3A_18 = arith.constant 0 : index
    %get3A_19 = vector.load %arg3[%get3A_17, %get3A_18] : memref<1x128xf32, #tpu.memory_space<vmem>>, vector<1x128xf32>
    %add3A_20 = vector.broadcast %get3A_19 : vector<1x128xf32> to vector<10000x128xf32>
    %add3A_21 = arith.addf %dot_general3A_16, %add3A_20 : vector<10000x128xf32>
    %max3A = arith.constant 0.000000e+00 : f32
    %max3A_22 = vector.broadcast %max3A : f32 to vector<10000x128xf32>
    %max3A_23 = arith.maximumf %add3A_21, %max3A_22 : vector<10000x128xf32>
    %get3A_24 = arith.constant 0 : index
    %get3A_25 = arith.constant 0 : index
    %get3A_26 = vector.load %arg4[%get3A_24, %get3A_25] : memref<128x128xf32, #tpu.memory_space<vmem>>, vector<128x128xf32>
    %dot_general3A_27 = arith.constant dense<0.000000e+00> : vector<10000x128xf32>
    %dot_general3A_28 = tpu.matmul %max3A_23, %get3A_26, %dot_general3A_27 {dimension_numbers = #tpu.dot_dimension_numbers<[1], [0], [0], [1], [0, 0, 1, 1], [], []>, transpose_lhs_hint = false} : vector<10000x128xf32>, vector<128x128xf32>, vector<10000x128xf32> -> vector<10000x128xf32>
    %get3A_29 = arith.constant 0 : index
    %get3A_30 = arith.constant 0 : index
    %get3A_31 = vector.load %arg5[%get3A_29, %get3A_30] : memref<1x128xf32, #tpu.memory_space<vmem>>, vector<1x128xf32>
    %add3A_32 = vector.broadcast %get3A_31 : vector<1x128xf32> to vector<10000x128xf32>
    %add3A_33 = arith.addf %dot_general3A_28, %add3A_32 : vector<10000x128xf32>
    %add3A_34 = arith.addf %get3A_1, %add3A_33 : vector<10000x128xf32>
    %reduce_sum3A = arith.constant dense<0.000000e+00> : vector<128xf32>
    %reduce_sum3A_35 = vector.multi_reduction <add>, %add3A_34, %reduce_sum3A [0] : vector<10000x128xf32> to vector<128xf32>
    %broadcast_in_dim3A = vector.shape_cast %reduce_sum3A_35 : vector<128xf32> to vector<1x128xf32>
    %div3A = arith.constant 1.000000e+04 : f32
    %div3A_36 = vector.broadcast %div3A : f32 to vector<1x128xf32>
    %div3A_37 = arith.divf %broadcast_in_dim3A, %div3A_36 : vector<1x128xf32>
    %sub3A = vector.broadcast %div3A_37 : vector<1x128xf32> to vector<10000x128xf32>
    %sub3A_38 = arith.subf %add3A_34, %sub3A : vector<10000x128xf32>
    %integer_pow3A = arith.mulf %sub3A_38, %sub3A_38 : vector<10000x128xf32>
    %reduce_sum3A_39 = arith.constant dense<0.000000e+00> : vector<128xf32>
    %reduce_sum3A_40 = vector.multi_reduction <add>, %integer_pow3A, %reduce_sum3A_39 [0] : vector<10000x128xf32> to vector<128xf32>
    %broadcast_in_dim3A_41 = vector.shape_cast %reduce_sum3A_40 : vector<128xf32> to vector<1x128xf32>
    %div3A_42 = arith.constant 1.000000e+04 : f32
    %div3A_43 = vector.broadcast %div3A_42 : f32 to vector<1x128xf32>
    %div3A_44 = arith.divf %broadcast_in_dim3A_41, %div3A_43 : vector<1x128xf32>
    %sub3A_45 = vector.broadcast %div3A_37 : vector<1x128xf32> to vector<10000x128xf32>
    %sub3A_46 = arith.subf %add3A_34, %sub3A_45 : vector<10000x128xf32>
    %add3A_47 = arith.constant 9.99999974E-6 : f32
    %add3A_48 = vector.broadcast %add3A_47 : f32 to vector<1x128xf32>
    %add3A_49 = arith.addf %div3A_44, %add3A_48 : vector<1x128xf32>
    %rsqrt3A = math.rsqrt %add3A_49 : vector<1x128xf32>
    %mul3A = vector.broadcast %rsqrt3A : vector<1x128xf32> to vector<10000x128xf32>
    %mul3A_50 = arith.mulf %sub3A_46, %mul3A : vector<10000x128xf32>
    %swap3A = arith.constant 0 : index
    %swap3A_51 = arith.constant 0 : index
    %swap3A_52 = vector.load %arg6[%swap3A, %swap3A_51] : memref<10000x128xf32, #tpu.memory_space<vmem>>, vector<10000x128xf32>
    tpu.vector_store %arg6[%swap3A, %swap3A_51], %mul3A_50 {strides = array<i32>} : memref<10000x128xf32, #tpu.memory_space<vmem>>, vector<10000x128xf32>,
    return
  }
}

</mosaic_0001>

<sc_bundles>
// kernel: kernel.4.cloned.1.call-start
scs
__scs_entry_jumppad:
0x0: {  	(pc) =	sbr.rel $0x88, $3  }
0x1: {  	(tag) =	ssettag $0x0;
	lr =	simm.s32 $0x1  }
0x2: {  	[smem:$0x3F9A] =	sst lr;
	_ =	strace $0xD0000000  }
0x3: {  	_ = 	snop  }
0x4: {  	_ = 	snop  }
0x5: {  	_ = 	snop  }
0x6: {  	_ = 	snop  }
0x7: {  	_ = 	snop  }
__scs_overlays_trampoline_lowered:
0x8: {  	[smem:$0x3FA9] =	sst s0  }
0x9: {  	[smem:$0x3FAA] =	sst s1  }
0xa: {  	[smem:$0x3FAB] =	sst s2  }
0xb: {  	[smem:$0x3FAC] =	sst s3  }
0xc: {  	[smem:$0x3FAD] =	sst s4  }
0xd: {  	[smem:$0x3FAE] =	sst s5  }
0xe: {  	[smem:$0x3FAF] =	sst s6  }
0xf: {  	[smem:$0x3FB0] =	sst s7  }
0x10: {  	[smem:$0x3FB1] =	sst s8  }
0x11: {  	[smem:$0x3FB2] =	sst s9;
	s0 =	simm.s32 @!p0 $0x0  }
0x12: {  	s1 =	sld [smem:$0x3F98];
	s0 =	simm.s32 @p0 $0x1  }
0x13: {  	[smem:$0x3FB3] =	sst s0;
	s0 =	simm.s32 @!p1 $0x0  }
0x14: {  	s2 =	sld [smem:$0x3F97];
	s0 =	simm.s32 @p1 $0x1  }
0x15: {  	[smem:$0x3FB4] =	sst s0;
	s0 =	simm.s32 @!p2 $0x0  }
0x16: {  	s3 =	sld [smem:$0x3FDB];
	s0 =	simm.s32 @p2 $0x1  }
0x17: {  	s4 =	simm.s32 $0x1BF5;
	[smem:$0x3FB6] =	sst s0  }
0x18: {  	s0 =	sld [smem:$0x3F99];
	_ =	swait.ge [sflag:s4], $0x0  }
0x19: {  	s7 =	sld [smem:$0x3F9A]  }
0x1a: {  	s8 =	sadd.s32 $0xFFFFE003, lr  }
0x1b: {  	s9 =	sadd.s32 $0xFFFFFEF7, lr;
	s5 =	simm.s32 $0xFFFFFFFF;
	p2 =	slt.u32 s8, $0xFFFFF086  }
0x1c: {  	p1 =	slt.u32 s9, $0xF7A;
	s5 =	simm.s32 @!p2 $0x0  }
0x1d: {  	s5 =	simm.s32 @p1 $0x1;
	p0 =	seq.s32 s7, s2  }
0x1e: {  	s7 =	smul.u32 @!p0 $0xF7A, s2;
	p2 =	seq.s32 @!p0 s5, $0x0  }
0x1f: {  	s9 =	smul.u32 $0xF7A, s1;
	s8 =	simm.s32 @!p0 $0x1BF5;
	p2 =	por !p2, p0  }
0x20: {  	[sflag:s8] =	ssyncset.s32 @!p0 $0xFFFFF086;
	s6 =	sadd.s32 @!p0 s3, s7;
	s7 =	simm.s32 @!p0 $0x108  }
0x21: {  	s3 =	sadd.s32 s3, s9;
	s6 =	sadd.s32 @!p0 $0x88, s6;
	s7 =	simm.s32 @p2 $0x1082  }
0x22: {  	[simem:s7], [sflag:s8] =	dma.local @!p0 [hbm:s6], $0xF7A  }
0x23: {  	s9 =	sor.u32 $0xD0000000, s2;
	s6 =	simm.s32 $0x108;
	_ =	swait.ge @!p0 [sflag:s8], $0x0  }
0x24: {  	s3 =	sadd.s32 $0x88, s3;
	s6 =	simm.s32 @!p1 $0x1082;
	[sflag:s4] =	ssyncset.s32 $0xFFFFF086  }
0x25: {  	[simem:s6], [sflag:s4] =	dma.local [hbm:s3], $0xF7A  }
0x26: {  	[smem:$0x3F9A] =	sst s1;
	(tag) =	ssettag s2;
	_ =	strace s9  }
0x27: {  	s1 =	sld [smem:$0x3FAA]  }
0x28: {  	s2 =	sld [smem:$0x3FAB]  }
0x29: {  	s4 =	sld [smem:$0x3FAD]  }
0x2a: {  	p0 =	seq.s32 s5, $0x0;
	s5 =	sld [smem:$0x3FAE]  }
0x2b: {  	s6 =	sld [smem:$0x3FAF]  }
0x2c: {  	s7 =	sld [smem:$0x3FB0]  }
0x2d: {  	s3 =	simm.s32 $0x108;
	s8 =	sld [smem:$0x3FB1]  }
0x2e: {  	s3 =	simm.s32 @!p0 $0x1082;
	s9 =	sld [smem:$0x3FB2]  }
0x2f: {  	lr =	sadd.s32 s0, s3;
	s0 =	sld [smem:$0x3FA9]  }
0x30: {  	s3 =	sld [smem:$0x3FAC]  }
0x31: {  	[smem:$0x3FB5] =	sst s10  }
0x32: {  	s10 =	sld [smem:$0x3FB3];
	_ =	sdelay $0x3  }
0x33: {  	p0 =	seq.s32 s10, $0x1;
	s10 =	sld [smem:$0x3FB5];
	_ =	sdelay $0x3  }
0x34: {  	[smem:$0x3FB5] =	sst s10  }
0x35: {  	s10 =	sld [smem:$0x3FB4];
	_ =	sdelay $0x3  }
0x36: {  	p1 =	seq.s32 s10, $0x1;
	s10 =	sld [smem:$0x3FB5];
	_ =	sdelay $0x3  }
0x37: {  	[smem:$0x3FB5] =	sst s10  }
0x38: {  	s10 =	sld [smem:$0x3FB6]  }
0x39: {  	_ = 	snop;
	(pc) =	sbr.ind lr, $3  }
0x3a: {  	_ = 	snop  }
0x3b: {  	_ = 	snop  }
0x3c: {  	p2 =	seq.s32 s10, $0x1;
	s10 =	sld [smem:$0x3FB5]  }
0x3d: {  	_ =	shalt  }
0x3e: {  	_ =	shalt  }
0x3f: {  	_ =	shalt  }
0x40: {  	_ =	shalt  }
0x41: {  	_ =	shalt  }
0x42: {  	_ =	shalt  }
0x43: {  	_ =	shalt  }
0x44: {  	_ =	shalt  }
0x45: {  	_ =	shalt  }
0x46: {  	_ =	shalt  }
0x47: {  	_ =	shalt  }
0x48: {  	_ =	shalt  }
0x49: {  	_ =	shalt  }
0x4a: {  	_ =	shalt  }
0x4b: {  	_ =	shalt  }
0x4c: {  	_ =	shalt  }
0x4d: {  	_ =	shalt  }
0x4e: {  	_ =	shalt  }
0x4f: {  	_ =	shalt  }
0x50: {  	_ =	shalt  }
0x51: {  	_ =	shalt  }
0x52: {  	_ =	shalt  }
0x53: {  	_ =	shalt  }
0x54: {  	_ =	shalt  }
0x55: {  	_ =	shalt  }
0x56: {  	_ =	shalt  }
0x57: {  	_ =	shalt  }
0x58: {  	_ =	shalt  }
0x59: {  	_ =	shalt  }
0x5a: {  	_ =	shalt  }
0x5b: {  	_ =	shalt  }
0x5c: {  	_ =	shalt  }
0x5d: {  	_ =	shalt  }
0x5e: {  	_ =	shalt  }
0x5f: {  	_ =	shalt  }
0x60: {  	_ =	shalt  }
0x61: {  	_ =	shalt  }
0x62: {  	_ =	shalt  }
0x63: {  	_ =	shalt  }
0x64: {  	_ =	shalt  }
0x65: {  	_ =	shalt  }
0x66: {  	_ =	shalt  }
0x67: {  	_ =	shalt  }
0x68: {  	_ =	shalt  }
0x69: {  	_ =	shalt  }
0x6a: {  	_ =	shalt  }
0x6b: {  	_ =	shalt  }
0x6c: {  	_ =	shalt  }
0x6d: {  	_ =	shalt  }
0x6e: {  	_ =	shalt  }
0x6f: {  	_ =	shalt  }
0x70: {  	_ =	shalt  }
0x71: {  	_ =	shalt  }
0x72: {  	_ =	shalt  }
0x73: {  	_ =	shalt  }
0x74: {  	_ =	shalt  }
0x75: {  	_ =	shalt  }
0x76: {  	_ =	shalt  }
0x77: {  	_ =	shalt  }
0x78: {  	_ =	shalt  }
0x79: {  	_ =	shalt  }
0x7a: {  	_ =	shalt  }
0x7b: {  	_ =	shalt  }
0x7c: {  	_ =	shalt  }
0x7d: {  	_ =	shalt  }
0x7e: {  	_ =	shalt  }
0x7f: {  	_ =	shalt  }
0x80: {  	_ =	shalt  }
0x81: {  	_ =	shalt  }
0x82: {  	_ =	shalt  }
0x83: {  	_ =	shalt  }
0x84: {  	_ =	shalt  }
0x85: {  	_ =	shalt  }
0x86: {  	_ =	shalt  }
0x87: {  	_ =	shalt  }
.Lfunc_end0:
.L_simem_size_0:
called_computation_lowered:
.L_overlay_start_0:
0x88: {  	s2 =	sld [smem:$0x3FD9]  }
0x89: {  	s3 =	sld [smem:$0x3FFE];
	_ =	sdelay $0x1  }
0x8a: {  	s1 =	srdreg.scid  }
0x8b: {  	s0 =	sand.u32 $0x1, s1  }
0x8c: {  	s17 =	sshll.u32 s0, $0xA;
	s2 =	sadd.s32 s3, s2  }
0x8d: {  	s2 =	sadd.s32 s2, s17  }
0x8e: {  	[smem:$0x3FC1] =	sst s2  }
0x8f: {  	_ = 	snop  }
0x90: {  	s2 =	sld [smem:$0x3FC9]  }
0x91: {  	s18 =	sld [smem:$0x3FC7]  }
0x92: {  	s4 =	sld [smem:$0x3FD0];
	(tm) =	ssettm $0x1  }
0x93: {  	s5 =	sld [smem:$0x3FFB];
	_ =	sdelay $0x3  }
0x94: {  	_ =	strace s5  }
0x95: {  	s5 =	sld [smem:$0x3FFC];
	_ =	sdelay $0x3  }
0x96: {  	_ =	strace s5  }
0x97: {  	s5 =	sld [smem:$0x3FFD];
	_ =	sdelay $0x3  }
0x98: {  	_ =	strace s5  }
0x99: {  	_ =	strace $0x8FFFFFFF  }
0x9a: {  	s19 =	sld [smem:$0x3FDB];
	_ =	sdelay $0x1  }
0x9b: {  	s6 =	simm.s32 $_scs_section_size  }
0x9c: {  	s7 =	simm.s32 $_size__tile_overlayer_lowered;
	s8 =	simm.s32 $_tile_overlayer_lowered  }
0x9d: {  	s22 =	simm.s32 $0x1BFF;
	s21 =	sshll.u32 s8, $0x1;
	s5 =	sadd.s32 s6, s19  }
0x9e: {  	s9 =	simm.s32 $0x0;
	s20 =	sshll.u32 s7, $0x1;
	s7 =	sadd.s32 s21, s5  }
0x9f: {  	[timem:s9], [sflag:s22] =	dma.local [hbm:s7], s20  }
0xa0: {  	_ =	swait.ge [sflag:s22], s20  }
0xa1: {  	s6 =	ssub.s32 $0x0, s20;
	[sflag:s22] =	ssyncset.done $0x0  }
0xa2: {  	[sflag:s22] =	ssyncadd.s32 s6;
	_ =	sdelay $0x1  }
0xa3: {  	s23 =	simm.s32 $0x1B8B  }
0xa4: {  	_ =	swait.ge [sflag:s23], $0x1  }
0xa5: {  	[sflag:s23] =	ssyncset.done $0x0  }
0xa6: {  	s25 =	simm.s32 $0x1B8E;
	s24 =	sld [smem:$0x3FFE];
	[sflag:s23] =	ssyncadd.s32 $0xFFFFFFFF  }
0xa7: {  	s26 =	simm.s32 $execute0_lowered;
	[smem:$0x3FD2] =	sst s25  }
0xa8: {  	s7 =	sshll.u32 s26, $0x1;
	_ =	strace $0x80000046;
	[dreg:$0x1] =	wrdreg $0xFFFFFFFF  }
0xa9: {  	s28 =	simm.s32 $_size_execute0_lowered;
	s5 =	sadd.s32 s5, s7;
	[dreg:$0x0] =	wrdreg $0x0  }
0xaa: {  	s7 =	sshll.u32 s28, $0x1;
	[dreg:$0x2] =	wrdreg s5  }
0xab: {  	[dreg:$0x3] =	wrdreg s7  }
0xac: {  	[dreg:$0x4] =	wrdreg $0xC0  }
0xad: {  	_ =	task [dreg:s9], $0x5FFFF  }
0xae: {  	[dreg:$0x1] =	wrdreg $0xFFFFFFFF  }
0xaf: {  	[dreg:$0x0] =	wrdreg $0x60  }
0xb0: {  	[dreg:$0x2] =	wrdreg s2  }
0xb1: {  	[dreg:$0x3] =	wrdreg s4  }
0xb2: {  	[dreg:$0x4] =	wrdreg s18  }
0xb3: {  	[dreg:$0x5] =	wrdreg s24  }
0xb4: {  	[dreg:$0x6] =	wrdreg $0xBA000  }
0xb5: {  	[dreg:$0x7] =	wrdreg $0x9  }
0xb6: {  	_ =	task.clear_ibuf [dreg:s9], $0x8FFFF;
	_ =	strace $0x90000046  }
0xb7: {  	s29 =	simm.s32 $0x9;
	_ =	strace $0x80000048  }
0xb8: {  	_ =	swait.ge [sflag:s29], $0x1  }
0xb9: {  	[sflag:s29] =	ssyncadd.s32 $0xFFFFFFFF  }
0xba: {  	_ =	strace $0x90000048  }
0xbb: {  	_ =	sfence  }
0xbc: {  	s30 =	sld [smem:$0x0];
	_ =	sdelay $0x2  }
0xbd: {  	s31 =	sshll.u32 s1, $0xD;
	s1 =	sshrl.u32 s1, $0x2  }
0xbe: {  	s3 =	sand.u32 $0x4000, s31;
	s1 =	sadd.s32 s1, s30  }
0xbf: {  	s0 =	sor.u32 s3, s0;
	s1 =	sshll.u32 s1, $0x11  }
0xc0: {  	s0 =	sor.u32 s1, s0  }
0xc1: {  	s0 =	sadd.s32 $0x8F2B, s0  }
0xc2: {  	[sflag:s0] =	ssyncadd.remote.s32 $0x1  }
0xc3: {  	_ =	sfence.sel $0xFFFF  }
0xc4: {  	[dreg:$0x0] =	wrdreg $0xFFFFFFFF;
	(pc) =	sbr.abs _section_cstart, $3  }
0xc5: {  	[dreg:$0x1] =	wrdreg $0xFFFFFFFF  }
0xc6: {  	_ =	task.clear_ibuf [dreg:s9], $0x2FFFF;
	_ =	strace $0x9FFFFFFF  }
0xc7: {  	(tm) =	ssettm $0x7FFFFFFF  }
tec
execute0_lowered:
.L_overlay_start_1:
0x0: {  	(tag) =	ssettag $0x1  }
0x1: {  	s1 =	rddreg [dreg:$0x0]  }
0x2: {  	s2 =	rddreg [dreg:$0x1]  }
0x3: {  	s3 =	rddreg [dreg:$0x2]  }
0x4: {  	s4 =	rddreg [dreg:$0x3]  }
0x5: {  	s5 =	rddreg [dreg:$0x4];
	s0 =	srdreg.scid  }
0x6: {  	s6 =	stileid.u32;
	s11 =	simm.s32 $0x0;
	s7 =	sand.u32 $0x1, s0  }
0x7: {  	s10 =	smul.u32 $0x14000, s6;
	[smem:$0x7FF] =	sst s11;
	s0 =	sshll.u32 s7, $0x4  }
0x8: {  	s9 =	smul.u32 $0x140000, s7;
	s7 =	ssub.s32 $0x2, s7;
	s8 =	sor.u32 s6, s0  }
0x9: {  	_ =	strace $0x80000047;
	s25 =	sshrl.u32 s7, $0x1;
	s0 =	smul.u32 $0x2710, s8  }
0xa: {  	s9 =	sadd.s32 s10, s9;
	s7 =	ssub.s32 s7, s25;
	s22 =	smul.u32 $0x27100, s8  }
0xb: {  	s8 =	smul.u32 $0x138800, s8;
	s9 =	sshrl.u32 s9, $0x3;
	s26 =	sshrl.u32 s0, $0x3  }
0xc: {  	s4 =	sadd.s32 s9, s4;
	s11 =	sadd.s32 $0x28, s0;
	s15 =	sadd.s32 $0x4E228, s0  }
0xd: {  	s17 =	sadd.s32 $0x50, s0;
	s20 =	sadd.s32 $0x78, s0;
	s21 =	sadd.s32 $0x4E278, s0  }
0xe: {  	s25 =	sadd.s32 s3, s22;
	s8 =	sshrl.u32 s8, $0x3;
	s16 =	sadd.s32 s2, s26  }
0xf: {  	s12 =	sshrl.u32 s11, $0x3;
	s10 =	sshrl.u32 s15, $0x3;
	s13 =	sshrl.u32 s17, $0x3  }
0x10: {  	s14 =	sshrl.u32 s20, $0x3;
	s15 =	smul.u32 $0x50000, s6;
	[dreg:$0xc] =	wrdreg s25  }
0x11: {  	s9 =	sshll.u32 s11, $0x4;
	s12 =	sadd.s32 s2, s12;
	[dreg:$0x6] =	wrdreg s16  }
0x12: {  	s11 =	sshll.u32 s17, $0x4;
	s10 =	sadd.s32 s2, s10;
	[dreg:$0x7] =	wrdreg s12  }
0x13: {  	s25 =	sadd.s32 $0xF0, s0;
	s19 =	sadd.s32 s2, s13;
	[dreg:$0x8] =	wrdreg s10  }
0x14: {  	s8 =	sadd.s32 s3, s8;
	s23 =	sadd.s32 s2, s14;
	[dreg:$0x9] =	wrdreg s19  }
0x15: {  	s26 =	sadd.s32 s3, s9;
	s13 =	sadd.s32 s3, s11;
	[dreg:$0xa] =	wrdreg s23  }
0x16: {  	s11 =	sadd.s32 $0x168, s0;
	s12 =	sshrl.u32 s21, $0x3;
	[dreg:$0xd] =	wrdreg s26  }
0x17: {  	s6 =	sshrl.u32 s15, $0x2;
	[dreg:$0xf] =	wrdreg s13;
	s15 =	sadd.s32 $0xC8, s0  }
0x18: {  	s19 =	sshll.u32 s20, $0x4;
	s23 =	sadd.s32 $0x4E2C8, s0;
	s10 =	sshrl.u32 s25, $0x3  }
0x19: {  	[dreg:$0x1c] =	wrdreg s11;
	s24 =	sadd.s32 s2, s12;
	s18 =	sadd.s32 s6, s5  }
0x1a: {  	s12 =	sadd.s32 $0xA0, s0;
	s21 =	sadd.s32 s3, s19;
	[dreg:$0xb] =	wrdreg s24  }
0x1b: {  	s20 =	sshrl.u32 s15, $0x3;
	s13 =	sadd.s32 s2, s10;
	[dreg:$0x11] =	wrdreg s21  }
0x1c: {  	s9 =	sshrl.u32 s23, $0x3;
	s23 =	sadd.s32 $0x140, s0;
	[dreg:$0x15] =	wrdreg s13  }
0x1d: {  	s14 =	sshrl.u32 s12, $0x3;
	s22 =	sadd.s32 s2, s20;
	[dreg:$0x18] =	wrdreg s23  }
0x1e: {  	s24 =	sshll.u32 s12, $0x4;
	s26 =	sadd.s32 s2, s9;
	[dreg:$0xe] =	wrdreg s18  }
0x1f: {  	s20 =	sadd.s32 $0x4E318, s0;
	s12 =	sadd.s32 $0x4E368, s0;
	[dreg:$0x12] =	wrdreg s22  }
0x20: {  	s17 =	sadd.s32 s2, s14;
	[dreg:$0x13] =	wrdreg s26;
	s9 =	sadd.s32 s3, s24  }
0x21: {  	s14 =	sshll.u32 s15, $0x4;
	s22 =	sshrl.u32 s20, $0x3;
	[dreg:$0x10] =	wrdreg s17  }
0x22: {  	s24 =	sshll.u32 s25, $0x4;
	s20 =	sadd.s32 $0x1E0, s0;
	[dreg:$0x14] =	wrdreg s9  }
0x23: {  	s25 =	sshrl.u32 s23, $0x3;
	s23 =	sadd.s32 $0x26C00, s8;
	[smem:$0x7E2] =	sst s20  }
0x24: {  	s13 =	sshrl.u32 s12, $0x3;
	s12 =	sadd.s32 $0x7800, s18;
	[smem:$0x7E6] =	sst s23  }
0x25: {  	s17 =	sadd.s32 s3, s14;
	[smem:$0x7F1] =	sst s12  }
0x26: {  	s15 =	sadd.s32 $0x118, s0;
	s9 =	sadd.s32 s2, s22;
	[dreg:$0x16] =	wrdreg s17  }
0x27: {  	s19 =	sshrl.u32 s15, $0x3;
	s26 =	sadd.s32 s3, s24;
	[dreg:$0x19] =	wrdreg s9  }
0x28: {  	s10 =	sshll.u32 s15, $0x4;
	s15 =	sadd.s32 s2, s13;
	[dreg:$0x1a] =	wrdreg s26  }
0x29: {  	s22 =	sadd.s32 $0x230, s0;
	[dreg:$0x1f] =	wrdreg s15  }
0x2a: {  	s24 =	sadd.s32 $0x26E80, s8;
	[smem:$0x7E4] =	sst s22  }
0x2b: {  	s8 =	sadd.s32 $0x2800, s18;
	[smem:$0x7E7] =	sst s24  }
0x2c: {  	s14 =	sshrl.u32 s11, $0x3;
	s11 =	sadd.s32 $0x6400, s18;
	[smem:$0x7ED] =	sst s8  }
0x2d: {  	s13 =	sadd.s32 $0x8C00, s18;
	[smem:$0x7F0] =	sst s11  }
0x2e: {  	s20 =	sadd.s32 $0xF000, s18;
	[smem:$0x7F2] =	sst s13  }
0x2f: {  	s23 =	sadd.s32 $0x12C00, s18;
	[smem:$0x7F7] =	sst s20  }
0x30: {  	s21 =	sadd.s32 s2, s19;
	[smem:$0x7FA] =	sst s23  }
0x31: {  	s9 =	sadd.s32 s2, s25;
	[dreg:$0x17] =	wrdreg s21  }
0x32: {  	s6 =	sadd.s32 s2, s14;
	[dreg:$0x1b] =	wrdreg s9  }
0x33: {  	s17 =	sadd.s32 $0x190, s0;
	[dreg:$0x1e] =	wrdreg s6  }
0x34: {  	s19 =	sadd.s32 $0x1B8, s0;
	[smem:$0x7E0] =	sst s17  }
0x35: {  	s25 =	sadd.s32 $0x1000, s4;
	[smem:$0x7E1] =	sst s19  }
0x36: {  	s26 =	smax.u32 s7, $0x1;
	[smem:$0x7E8] =	sst s25  }
0x37: {  	s29 =	simm.s32 $0x100;
	s4 =	sadd.s32 $0x9C40, s16;
	[smem:$0x7E9] =	sst s26  }
0x38: {  	s28 =	simm.s32 $0x480;
	s7 =	sadd.s32 $0x1400, s18;
	[smem:$0x7EA] =	sst s4  }
0x39: {  	s30 =	simm.s32 $0x3;
	s14 =	sadd.s32 $0xA000, s18;
	[smem:$0x7EC] =	sst s7  }
0x3a: {  	s31 =	simm.s32 $0x13;
	s15 =	sadd.s32 $0xB400, s18;
	[smem:$0x7F3] =	sst s14  }
0x3b: {  	s12 =	simm.s32 $0x4;
	s22 =	sadd.s32 $0x11800, s18;
	[smem:$0x7F4] =	sst s15  }
0x3c: {  	s24 =	sadd.s32 $0x9C54, s16;
	s20 =	simm.s32 $0x8;
	[smem:$0x7F9] =	sst s22  }
0x3d: {  	s8 =	simm.s32 $0x9;
	s9 =	sadd.s32 s3, s10;
	[smem:$0x7FB] =	sst s24  }
0x3e: {  	s13 =	simm.s32 $0xE;
	s21 =	sadd.s32 $0x208, s0;
	[dreg:$0x1d] =	wrdreg s9  }
0x3f: {  	s11 =	simm.s32 $0x11;
	s0 =	sadd.s32 $0x258, s0;
	[smem:$0x7E3] =	sst s21  }
0x40: {  	s23 =	simm.s32 $0xF;
	s6 =	sadd.s32 $0x9C4A, s16;
	[smem:$0x7E5] =	sst s0  }
0x41: {  	s10 =	sadd.s32 $0x5000, s18;
	s17 =	sadd.s32 $0xC800, s18;
	[smem:$0x7EB] =	sst s6  }
0x42: {  	s19 =	sadd.s32 $0xDC00, s18;
	s25 =	sadd.s32 $0x9C5E, s16;
	[smem:$0x7EF] =	sst s10  }
0x43: {  	s26 =	sadd.s32 $0x9C68, s16;
	s14 =	simm.s32 $0x7;
	[smem:$0x7F5] =	sst s17  }
0x44: {  	s16 =	simm.s32 $0x28;
	s15 =	simm.s32 $0xD;
	[smem:$0x7F6] =	sst s19  }
0x45: {  	s24 =	simm.s32 $0x12;
	s7 =	simm.s32 $0x19;
	[smem:$0x7FC] =	sst s25  }
0x46: {  	s9 =	sadd.s32 $0x3C00, s18;
	s21 =	sadd.s32 $0x10400, s18;
	[smem:$0x7FD] =	sst s26  }
0x47: {  	s19 =	simm.s32 $0x2;
	s25 =	simm.s32 $0x10;
	s26 =	simm.s32 $0x16  }
0x48: {  	s0 =	simm.s32 $0x17;
	s10 =	simm.s32 $0x18;
	[smem:$0x7EE] =	sst s9  }
0x49: {  	v0 =	vimm.f32 $0.0e+00;
	[smem:$0x7F8] =	sst s21;
	s21 =	simm.s32 $0xA;
	s9 =	simm.s32 $0x0  }
.LBB2_1:
0x4a: {  	s22 =	rddreg [dreg:$0x6]  }
0x4b: {  	s6 =	simm.s32 $0x0;
	s4 =	sld [smem:$0x7EA]  }
0x4c: {  	[tilespmem:s6], [sflag:$0x1] =	stream.linear.gather [hbm4b:s22+s6], $0x28, $0x38;
	[tilespmem:$0x1FA00] =	vst v63  }
0x4d: {  	s17 =	simm.s32 $0x300  }
0x4e: {  	[tilespmem:s17], [sflag:$0x7] =	stream.linear.gather [hbm4b:s4+s6], $0x28, $0x38;
	[tilespmem:$0x1FA00] =	vst v63  }
0x4f: {  	s22 =	rddreg [dreg:$0x7];
	s17 =	simm.s32 $0x80  }
0x50: {  	[tilespmem:s17], [sflag:$0x2] =	stream.linear.gather [hbm4b:s22+s6], $0x28, $0x38;
	[tilespmem:$0x1FA00] =	vst v63  }
0x51: {  	s4 =	rddreg [dreg:$0x8];
	s22 =	simm.s32 $0x380  }
0x52: {  	[tilespmem:s22], [sflag:$0x8] =	stream.linear.gather [hbm4b:s4+s6], $0x28, $0x38;
	[tilespmem:$0x1FA00] =	vst v63  }
0x53: {  	s4 =	rddreg [dreg:$0x9]  }
0x54: {  	s22 =	sld [smem:$0x7EB]  }
0x55: {  	[tilespmem:s29], [sflag:$0x3] =	stream.linear.gather [hbm4b:s4+s6], $0x28, $0x38;
	[tilespmem:$0x1FA00] =	vst v63  }
0x56: {  	s4 =	simm.s32 $0x400  }
0x57: {  	[tilespmem:s4], [sflag:$0x9] =	stream.linear.gather [hbm4b:s22+s6], $0x28, $0x38;
	[tilespmem:$0x1FA00] =	vst v63  }
0x58: {  	s22 =	rddreg [dreg:$0xa];
	s4 =	simm.s32 $0x180  }
0x59: {  	[tilespmem:s4], [sflag:$0x4] =	stream.linear.gather [hbm4b:s22+s6], $0x28, $0x38;
	[tilespmem:$0x1FA00] =	vst v63  }
0x5a: {  	s4 =	rddreg [dreg:$0xb]  }
0x5b: {  	[tilespmem:s28], [sflag:$0xA] =	stream.linear.gather [hbm4b:s4+s6], $0x28, $0x38;
	[tilespmem:$0x1FA00] =	vst v63  }
0x5c: {  	[smem:$0x7DF] =	sst s9;
	s4 =	simm.s32 $0x1  }
0x5d: {  	_ =	swait.ge [sflag:s4], $0x28  }
0x5e: {  	[sflag:s4] =	ssyncset.done $0x0  }
0x5f: {  	[sflag:s4] =	ssyncadd.s32 $0xFFFFFFD8  }
0x60: {  	_ =	swait.ge [sflag:s14], $0x28  }
0x61: {  	[sflag:s14] =	ssyncset.done $0x0  }
0x62: {  	s22 =	simm.s32 $0x600;
	[sflag:s14] =	ssyncadd.s32 $0xFFFFFFD8  }
0x63: {  	[tilespmem:s22], [sflag:$0xD] =	stream.indirect.gather [hbm4b:s1+s16], $0x80, s6, s16, $0xb8;
	[tilespmem:$0x1FA00] =	vst v63  }
0x64: {  	s4 =	rddreg [dreg:$0xc];
	s22 =	simm.s32 $0x4200  }
0x65: {  	[tilespmem:s22], [sflag:$0x10] =	stream.linear.gather [hbm4b:s4+s6], $0x1400, $0x38;
	[tilespmem:$0x1FA00] =	vst v63  }
0x66: {  	_ =	swait.ge [sflag:s19], $0x28  }
0x67: {  	[sflag:s19] =	ssyncset.done $0x0  }
0x68: {  	[sflag:s19] =	ssyncadd.s32 $0xFFFFFFD8  }
0x69: {  	_ =	swait.ge [sflag:s20], $0x28  }
0x6a: {  	[sflag:s20] =	ssyncset.done $0x0  }
0x6b: {  	s9 =	simm.s32 $0x1A00;
	[sflag:s20] =	ssyncadd.s32 $0xFFFFFFD8  }
0x6c: {  	[tilespmem:s9], [sflag:$0xE] =	stream.indirect.gather [hbm4b:s1+s16], $0x80, s17, s16, $0xb8;
	[tilespmem:$0x1FA00] =	vst v63  }
0x6d: {  	s22 =	simm.s32 $0x5600;
	s17 =	rddreg [dreg:$0xd]  }
0x6e: {  	[tilespmem:s22], [sflag:$0x11] =	stream.linear.gather [hbm4b:s17+s6], $0x1400, $0x38;
	[tilespmem:$0x1FA00] =	vst v63  }
0x6f: {  	s9 =	simm.s32 $0x0;
	s17 =	simm.s32 $0x200  }
.LBB2_2:
0x70: {  	p0 =	sne.s32 s17, $0x4E00;
	[tilespmem:s9+$0xA670] =	vst v0  }
0x71: {  	[tilespmem:s9+$0xA600] =	vst v0  }
0x72: {  	[tilespmem:s9+$0xA610] =	vst v0  }
.Ltmp0:
0x73: {  	[tilespmem:s9+$0xA620] =	vst v0;
	(pc) =	sbr.rel @p0 .LBB2_2-.Ltmp0, $4  }
0x74: {  	[tilespmem:s9+$0xA630] =	vst v0  }
0x75: {  	[tilespmem:s9+$0xA640] =	vst v0  }
0x76: {  	[tilespmem:s9+$0xA650] =	vst v0  }
0x77: {  	[tilespmem:s9+$0xA660] =	vst v0;
	s9 =	sshra.s32 s17, $0x2;
	s17 =	sadd.s32 $0x200, s17  }
0x78: {  	[tilespmem:s9+$0xA670] =	vst v0  }
0x79: {  	[tilespmem:s9+$0xA600] =	vst v0  }
0x7a: {  	[tilespmem:s9+$0xA610] =	vst v0  }
0x7b: {  	[tilespmem:s9+$0xA620] =	vst v0  }
0x7c: {  	[tilespmem:s9+$0xA630] =	vst v0  }
0x7d: {  	[tilespmem:s9+$0xA640] =	vst v0  }
0x7e: {  	[tilespmem:s9+$0xA650] =	vst v0  }
0x7f: {  	[tilespmem:s9+$0xA660] =	vst v0;
	s4 =	simm.s32 $0xA600;
	s9 =	simm.s32 $0x1C  }
0x80: {  	[spmem:s18] =	stream.linear.scatter [tilespmem:s4], [sflag:$0x1C], $0x1400, $0x38;
	[tilespmem:$0x1FA00] =	vst v63  }
0x81: {  	_ =	swait.ge [sflag:s9], $0x1400  }
0x82: {  	s6 =	sld [smem:$0x7EC]  }
0x83: {  	[sflag:s9] =	ssyncset.done $0x0  }
0x84: {  	[sflag:s9] =	ssyncadd.s32 $0xFFFFEC00  }
0x85: {  	[spmem:s6] =	stream.linear.scatter [tilespmem:s4], [sflag:$0x1C], $0x1400, $0x38;
	[tilespmem:$0x1FA00] =	vst v63  }
0x86: {  	_ =	swait.ge [sflag:s9], $0x1400  }
0x87: {  	s18 =	sld [smem:$0x7ED]  }
0x88: {  	[sflag:s9] =	ssyncset.done $0x0  }
0x89: {  	[sflag:s9] =	ssyncadd.s32 $0xFFFFEC00  }
0x8a: {  	[spmem:s18] =	stream.linear.scatter [tilespmem:s4], [sflag:$0x1C], $0x1400, $0x38;
	[tilespmem:$0x1FA00] =	vst v63  }
0x8b: {  	_ =	swait.ge [sflag:s9], $0x1400  }
0x8c: {  	s22 =	sld [smem:$0x7EE]  }
0x8d: {  	[sflag:s9] =	ssyncset.done $0x0  }
0x8e: {  	[sflag:s9] =	ssyncadd.s32 $0xFFFFEC00  }
0x8f: {  	[spmem:s22] =	stream.linear.scatter [tilespmem:s4], [sflag:$0x1C], $0x1400, $0x38;
	[tilespmem:$0x1FA00] =	vst v63  }
0x90: {  	_ =	swait.ge [sflag:s9], $0x1400  }
0x91: {  	s17 =	sld [smem:$0x7EF]  }
0x92: {  	[sflag:s9] =	ssyncset.done $0x0  }
0x93: {  	[sflag:s9] =	ssyncadd.s32 $0xFFFFEC00  }
0x94: {  	[spmem:s17] =	stream.linear.scatter [tilespmem:s4], [sflag:$0x1C], $0x1400, $0x38;
	[tilespmem:$0x1FA00] =	vst v63  }
0x95: {  	_ =	swait.ge [sflag:s9], $0x1400  }
0x96: {  	s18 =	sld [smem:$0x7F0]  }
0x97: {  	[sflag:s9] =	ssyncset.done $0x0  }
0x98: {  	[sflag:s9] =	ssyncadd.s32 $0xFFFFEC00  }
0x99: {  	[spmem:s18] =	stream.linear.scatter [tilespmem:s4], [sflag:$0x1C], $0x1400, $0x38;
	[tilespmem:$0x1FA00] =	vst v63  }
0x9a: {  	_ =	swait.ge [sflag:s9], $0x1400  }
0x9b: {  	s22 =	sld [smem:$0x7F1]  }
0x9c: {  	[sflag:s9] =	ssyncset.done $0x0  }
0x9d: {  	[sflag:s9] =	ssyncadd.s32 $0xFFFFEC00  }
0x9e: {  	[spmem:s22] =	stream.linear.scatter [tilespmem:s4], [sflag:$0x1C], $0x1400, $0x38;
	[tilespmem:$0x1FA00] =	vst v63  }
0x9f: {  	_ =	swait.ge [sflag:s9], $0x1400  }
0xa0: {  	s17 =	sld [smem:$0x7F2]  }
0xa1: {  	[sflag:s9] =	ssyncset.done $0x0  }
0xa2: {  	[sflag:s9] =	ssyncadd.s32 $0xFFFFEC00  }
0xa3: {  	[spmem:s17] =	stream.linear.scatter [tilespmem:s4], [sflag:$0x1C], $0x1400, $0x38;
	[tilespmem:$0x1FA00] =	vst v63  }
0xa4: {  	_ =	swait.ge [sflag:s9], $0x1400  }
0xa5: {  	s18 =	sld [smem:$0x7F3]  }
0xa6: {  	[sflag:s9] =	ssyncset.done $0x0  }
0xa7: {  	[sflag:s9] =	ssyncadd.s32 $0xFFFFEC00  }
0xa8: {  	[spmem:s18] =	stream.linear.scatter [tilespmem:s4], [sflag:$0x1C], $0x1400, $0x38;
	[tilespmem:$0x1FA00] =	vst v63  }
0xa9: {  	_ =	swait.ge [sflag:s9], $0x1400  }
0xaa: {  	s22 =	sld [smem:$0x7F4]  }
0xab: {  	[sflag:s9] =	ssyncset.done $0x0  }
0xac: {  	[sflag:s9] =	ssyncadd.s32 $0xFFFFEC00  }
0xad: {  	[spmem:s22] =	stream.linear.scatter [tilespmem:s4], [sflag:$0x1C], $0x1400, $0x38;
	[tilespmem:$0x1FA00] =	vst v63  }
0xae: {  	_ =	swait.ge [sflag:s9], $0x1400  }
0xaf: {  	s17 =	sld [smem:$0x7F5]  }
0xb0: {  	[sflag:s9] =	ssyncset.done $0x0  }
0xb1: {  	[sflag:s9] =	ssyncadd.s32 $0xFFFFEC00  }
0xb2: {  	[spmem:s17] =	stream.linear.scatter [tilespmem:s4], [sflag:$0x1C], $0x1400, $0x38;
	[tilespmem:$0x1FA00] =	vst v63  }
0xb3: {  	_ =	swait.ge [sflag:s9], $0x1400  }
0xb4: {  	s18 =	sld [smem:$0x7F6]  }
0xb5: {  	[sflag:s9] =	ssyncset.done $0x0  }
0xb6: {  	[sflag:s9] =	ssyncadd.s32 $0xFFFFEC00  }
0xb7: {  	[spmem:s18] =	stream.linear.scatter [tilespmem:s4], [sflag:$0x1C], $0x1400, $0x38;
	[tilespmem:$0x1FA00] =	vst v63  }
0xb8: {  	_ =	swait.ge [sflag:s9], $0x1400  }
0xb9: {  	s22 =	sld [smem:$0x7F7]  }
0xba: {  	[sflag:s9] =	ssyncset.done $0x0  }
0xbb: {  	[sflag:s9] =	ssyncadd.s32 $0xFFFFEC00  }
0xbc: {  	[spmem:s22] =	stream.linear.scatter [tilespmem:s4], [sflag:$0x1C], $0x1400, $0x38;
	[tilespmem:$0x1FA00] =	vst v63  }
0xbd: {  	_ =	swait.ge [sflag:s9], $0x1400  }
0xbe: {  	s17 =	sld [smem:$0x7F8]  }
0xbf: {  	[sflag:s9] =	ssyncset.done $0x0  }
0xc0: {  	[sflag:s9] =	ssyncadd.s32 $0xFFFFEC00  }
0xc1: {  	[spmem:s17] =	stream.linear.scatter [tilespmem:s4], [sflag:$0x1C], $0x1400, $0x38;
	[tilespmem:$0x1FA00] =	vst v63  }
0xc2: {  	_ =	swait.ge [sflag:s9], $0x1400  }
0xc3: {  	s18 =	sld [smem:$0x7F9]  }
0xc4: {  	[sflag:s9] =	ssyncset.done $0x0  }
0xc5: {  	[sflag:s9] =	ssyncadd.s32 $0xFFFFEC00  }
0xc6: {  	[spmem:s18] =	stream.linear.scatter [tilespmem:s4], [sflag:$0x1C], $0x1400, $0x38;
	[tilespmem:$0x1FA00] =	vst v63  }
0xc7: {  	_ =	swait.ge [sflag:s9], $0x1400  }
0xc8: {  	s22 =	sld [smem:$0x7FA]  }
0xc9: {  	[sflag:s9] =	ssyncset.done $0x0  }
0xca: {  	[sflag:s9] =	ssyncadd.s32 $0xFFFFEC00  }
0xcb: {  	[spmem:s22] =	stream.linear.scatter [tilespmem:s4], [sflag:$0x1C], $0x1400, $0x38;
	[tilespmem:$0x1FA00] =	vst v63  }
0xcc: {  	_ =	swait.ge [sflag:s9], $0x1400  }
0xcd: {  	[sflag:s9] =	ssyncset.done $0x0  }
0xce: {  	[sflag:s9] =	ssyncadd.s32 $0xFFFFEC00  }
0xcf: {  	[bflag:$0x0] =	sbarrier.arrive $0xFFFF  }
0xd0: {  	_ =	swait.ge [sflag:s15], $0x1400  }
0xd1: {  	[sflag:s15] =	ssyncset.done $0x0  }
0xd2: {  	[sflag:s15] =	ssyncadd.s32 $0xFFFFEC00  }
0xd3: {  	_ =	swait.ge [sflag:s25], $0x1400  }
0xd4: {  	[sflag:s25] =	ssyncset.done $0x0  }
0xd5: {  	s9 =	simm.s32 $0x0;
	[sflag:s25] =	ssyncadd.s32 $0xFFFFEC00  }
0xd6: {  	v7 =	vld [tilespmem:s9+$0x600]  }
0xd7: {  	v12 =	vld [tilespmem:s9+$0x610]  }
0xd8: {  	v6 =	vld [tilespmem:s9+$0x620]  }
0xd9: {  	v5 =	vld [tilespmem:s9+$0x630]  }
0xda: {  	v4 =	vld [tilespmem:s9+$0x640]  }
0xdb: {  	v3 =	vld [tilespmem:s9+$0x650]  }
0xdc: {  	v2 =	vld [tilespmem:s9+$0x660]  }
0xdd: {  	v1 =	vld [tilespmem:s9+$0x670]  }
0xde: {  	v13 =	vld [tilespmem:s9+$0x4200]  }
0xdf: {  	v14 =	vld [tilespmem:s9+$0x4210]  }
0xe0: {  	v11 =	vld [tilespmem:s9+$0x4220]  }
0xe1: {  	v10 =	vld [tilespmem:s9+$0x4230]  }
0xe2: {  	v9 =	vld [tilespmem:s9+$0x4240]  }
0xe3: {  	v8 =	vld [tilespmem:s9+$0x4250];
	v13 =	vadd.f32 v13, v7  }
0xe4: {  	s17 =	simm.s32 $0x200;
	v12 =	vadd.f32 v14, v12;
	v7 =	vld [tilespmem:s9+$0x4260]  }
.LBB2_4:
0xe5: {  	s18 =	sshra.s32 s17, $0x2;
	p0 =	sne.s32 s17, $0x4E00;
	v13 =	vmax.f32 v13, $0.0e+00;
	v6 =	vadd.f32 v11, v6;
	v11 =	vld [tilespmem:s9+$0x4270]  }
0xe6: {  	v14 =	vld [tilespmem:s18+$0x600];
	[tilespmem:s9+$0x4200] =	vst v13;
	v12 =	vmax.f32 v12, $0.0e+00;
	v5 =	vadd.f32 v10, v5  }
0xe7: {  	v15 =	vld [tilespmem:s18+$0x610];
	[tilespmem:s9+$0x4210] =	vst v12;
	v10 =	vmax.f32 v6, $0.0e+00;
	v4 =	vadd.f32 v9, v4  }
0xe8: {  	v6 =	vld [tilespmem:s18+$0x620];
	[tilespmem:s9+$0x4220] =	vst v10;
	v9 =	vmax.f32 v5, $0.0e+00;
	v3 =	vadd.f32 v8, v3  }
0xe9: {  	v5 =	vld [tilespmem:s18+$0x630];
	[tilespmem:s9+$0x4230] =	vst v9;
	v8 =	vmax.f32 v4, $0.0e+00;
	v2 =	vadd.f32 v7, v2  }
0xea: {  	v4 =	vld [tilespmem:s18+$0x640];
	[tilespmem:s9+$0x4240] =	vst v8;
	v7 =	vmax.f32 v3, $0.0e+00;
	v1 =	vadd.f32 v11, v1  }
0xeb: {  	v3 =	vld [tilespmem:s18+$0x650];
	[tilespmem:s9+$0x4250] =	vst v7;
	v7 =	vmax.f32 v2, $0.0e+00  }
0xec: {  	v2 =	vld [tilespmem:s18+$0x660];
	[tilespmem:s9+$0x4260] =	vst v7;
	v7 =	vmax.f32 v1, $0.0e+00  }
0xed: {  	v1 =	vld [tilespmem:s18+$0x670];
	[tilespmem:s9+$0x4270] =	vst v7;
	s9 =	smov.u32 s18  }
0xee: {  	v7 =	vld [tilespmem:s9+$0x4200]  }
0xef: {  	v12 =	vld [tilespmem:s9+$0x4210]  }
.Ltmp1:
0xf0: {  	v11 =	vld [tilespmem:s9+$0x4220];
	(pc) =	sbr.rel @p0 .LBB2_4-.Ltmp1, $4  }
0xf1: {  	v10 =	vld [tilespmem:s9+$0x4230]  }
0xf2: {  	v9 =	vld [tilespmem:s9+$0x4240]  }
0xf3: {  	v13 =	vadd.f32 v7, v14;
	v8 =	vld [tilespmem:s9+$0x4250]  }
0xf4: {  	s17 =	sadd.s32 $0x200, s17;
	v12 =	vadd.f32 v12, v15;
	v7 =	vld [tilespmem:s9+$0x4260]  }
0xf5: {  	v13 =	vmax.f32 v13, $0.0e+00;
	v6 =	vadd.f32 v11, v6;
	v11 =	vld [tilespmem:s9+$0x4270]  }
0xf6: {  	[tilespmem:s9+$0x4200] =	vst v13;
	v12 =	vmax.f32 v12, $0.0e+00;
	v5 =	vadd.f32 v10, v5  }
0xf7: {  	[tilespmem:s9+$0x4210] =	vst v12;
	v6 =	vmax.f32 v6, $0.0e+00;
	v4 =	vadd.f32 v9, v4  }
0xf8: {  	[tilespmem:s9+$0x4220] =	vst v6;
	v5 =	vmax.f32 v5, $0.0e+00;
	v3 =	vadd.f32 v8, v3  }
0xf9: {  	[tilespmem:s9+$0x4230] =	vst v5;
	v4 =	vmax.f32 v4, $0.0e+00;
	v2 =	vadd.f32 v7, v2  }
0xfa: {  	[tilespmem:s9+$0x4240] =	vst v4;
	v3 =	vmax.f32 v3, $0.0e+00;
	v1 =	vadd.f32 v11, v1  }
0xfb: {  	[tilespmem:s9+$0x4250] =	vst v3;
	v2 =	vmax.f32 v2, $0.0e+00  }
0xfc: {  	[tilespmem:s9+$0x4260] =	vst v2;
	v1 =	vmax.f32 v1, $0.0e+00  }
0xfd: {  	s6 =	simm.s32 $0x300;
	s4 =	simm.s32 $0x4200;
	[tilespmem:s9+$0x4270] =	vst v1  }
0xfe: {  	[spmem:s5] =	stream.indirect.scatter.add.f32 [tilespmem:s4], [sflag:$0x16], $0x80, s6, s16, $0xb8;
	[tilespmem:$0x1FA00] =	vst v63  }
0xff: {  	_ =	swait.ge [sflag:s30], $0x28  }
0x100: {  	[sflag:s30] =	ssyncset.done $0x0  }
0x101: {  	[sflag:s30] =	ssyncadd.s32 $0xFFFFFFD8  }
0x102: {  	_ =	swait.ge [sflag:s8], $0x28  }
0x103: {  	[sflag:s8] =	ssyncset.done $0x0  }
0x104: {  	s17 =	simm.s32 $0x2E00;
	s18 =	rddreg [dreg:$0xf];
	[sflag:s8] =	ssyncadd.s32 $0xFFFFFFD8  }
0x105: {  	[tilespmem:s17], [sflag:$0xF] =	stream.indirect.gather [hbm4b:s1+s16], $0x80, s29, s16, $0xb8;
	[tilespmem:$0x1FA00] =	vst v63  }
0x106: {  	s22 =	simm.s32 $0x6A00;
	s9 =	simm.s32 $0x0;
	s4 =	rddreg [dreg:$0x10]  }
0x107: {  	[tilespmem:s22], [sflag:$0x12] =	stream.linear.gather [hbm4b:s18+s9], $0x1400, $0x38;
	[tilespmem:$0x1FA00] =	vst v63  }
0x108: {  	s17 =	simm.s32 $0x200;
	s18 =	sld [smem:$0x7FB]  }
0x109: {  	[tilespmem:s17], [sflag:$0x5] =	stream.linear.gather [hbm4b:s4+s9], $0x28, $0x38;
	[tilespmem:$0x1FA00] =	vst v63  }
0x10a: {  	s22 =	simm.s32 $0x500  }
0x10b: {  	[tilespmem:s22], [sflag:$0xB] =	stream.linear.gather [hbm4b:s18+s9], $0x28, $0x38;
	[tilespmem:$0x1FA00] =	vst v63  }
0x10c: {  	_ =	swait.ge [sflag:s13], $0x1400  }
0x10d: {  	[sflag:s13] =	ssyncset.done $0x0  }
0x10e: {  	[sflag:s13] =	ssyncadd.s32 $0xFFFFEC00  }
0x10f: {  	_ =	swait.ge [sflag:s11], $0x1400  }
0x110: {  	[sflag:s11] =	ssyncset.done $0x0  }
0x111: {  	s9 =	simm.s32 $0x0;
	[sflag:s11] =	ssyncadd.s32 $0xFFFFEC00  }
0x112: {  	v7 =	vld [tilespmem:s9+$0x1A00]  }
0x113: {  	v12 =	vld [tilespmem:s9+$0x1A10]  }
0x114: {  	v6 =	vld [tilespmem:s9+$0x1A20]  }
0x115: {  	v5 =	vld [tilespmem:s9+$0x1A30]  }
0x116: {  	v4 =	vld [tilespmem:s9+$0x1A40]  }
0x117: {  	v3 =	vld [tilespmem:s9+$0x1A50]  }
0x118: {  	v2 =	vld [tilespmem:s9+$0x1A60]  }
0x119: {  	v1 =	vld [tilespmem:s9+$0x1A70]  }
0x11a: {  	v13 =	vld [tilespmem:s9+$0x5600]  }
0x11b: {  	v14 =	vld [tilespmem:s9+$0x5610]  }
0x11c: {  	v11 =	vld [tilespmem:s9+$0x5620]  }
0x11d: {  	v10 =	vld [tilespmem:s9+$0x5630]  }
0x11e: {  	v9 =	vld [tilespmem:s9+$0x5640]  }
0x11f: {  	v8 =	vld [tilespmem:s9+$0x5650];
	v13 =	vadd.f32 v13, v7  }
0x120: {  	s17 =	simm.s32 $0x200;
	v12 =	vadd.f32 v14, v12;
	v7 =	vld [tilespmem:s9+$0x5660]  }
.LBB2_6:
0x121: {  	s18 =	sshra.s32 s17, $0x2;
	p0 =	sne.s32 s17, $0x4E00;
	v13 =	vmax.f32 v13, $0.0e+00;
	v6 =	vadd.f32 v11, v6;
	v11 =	vld [tilespmem:s9+$0x5670]  }
0x122: {  	v14 =	vld [tilespmem:s18+$0x1A00];
	[tilespmem:s9+$0x5600] =	vst v13;
	v12 =	vmax.f32 v12, $0.0e+00;
	v5 =	vadd.f32 v10, v5  }
0x123: {  	v15 =	vld [tilespmem:s18+$0x1A10];
	[tilespmem:s9+$0x5610] =	vst v12;
	v10 =	vmax.f32 v6, $0.0e+00;
	v4 =	vadd.f32 v9, v4  }
0x124: {  	v6 =	vld [tilespmem:s18+$0x1A20];
	[tilespmem:s9+$0x5620] =	vst v10;
	v9 =	vmax.f32 v5, $0.0e+00;
	v3 =	vadd.f32 v8, v3  }
0x125: {  	v5 =	vld [tilespmem:s18+$0x1A30];
	[tilespmem:s9+$0x5630] =	vst v9;
	v8 =	vmax.f32 v4, $0.0e+00;
	v2 =	vadd.f32 v7, v2  }
0x126: {  	v4 =	vld [tilespmem:s18+$0x1A40];
	[tilespmem:s9+$0x5640] =	vst v8;
	v7 =	vmax.f32 v3, $0.0e+00;
	v1 =	vadd.f32 v11, v1  }
0x127: {  	v3 =	vld [tilespmem:s18+$0x1A50];
	[tilespmem:s9+$0x5650] =	vst v7;
	v7 =	vmax.f32 v2, $0.0e+00  }
0x128: {  	v2 =	vld [tilespmem:s18+$0x1A60];
	[tilespmem:s9+$0x5660] =	vst v7;
	v7 =	vmax.f32 v1, $0.0e+00  }
0x129: {  	v1 =	vld [tilespmem:s18+$0x1A70];
	[tilespmem:s9+$0x5670] =	vst v7;
	s9 =	smov.u32 s18  }
0x12a: {  	v7 =	vld [tilespmem:s9+$0x5600]  }
0x12b: {  	v12 =	vld [tilespmem:s9+$0x5610]  }
.Ltmp2:
0x12c: {  	v11 =	vld [tilespmem:s9+$0x5620];
	(pc) =	sbr.rel @p0 .LBB2_6-.Ltmp2, $4  }
0x12d: {  	v10 =	vld [tilespmem:s9+$0x5630]  }
0x12e: {  	v9 =	vld [tilespmem:s9+$0x5640]  }
0x12f: {  	v13 =	vadd.f32 v7, v14;
	v8 =	vld [tilespmem:s9+$0x5650]  }
0x130: {  	s17 =	sadd.s32 $0x200, s17;
	v12 =	vadd.f32 v12, v15;
	v7 =	vld [tilespmem:s9+$0x5660]  }
0x131: {  	v13 =	vmax.f32 v13, $0.0e+00;
	v6 =	vadd.f32 v11, v6;
	v11 =	vld [tilespmem:s9+$0x5670]  }
0x132: {  	[tilespmem:s9+$0x5600] =	vst v13;
	v12 =	vmax.f32 v12, $0.0e+00;
	v5 =	vadd.f32 v10, v5  }
0x133: {  	[tilespmem:s9+$0x5610] =	vst v12;
	v6 =	vmax.f32 v6, $0.0e+00;
	v4 =	vadd.f32 v9, v4  }
0x134: {  	[tilespmem:s9+$0x5620] =	vst v6;
	v5 =	vmax.f32 v5, $0.0e+00;
	v3 =	vadd.f32 v8, v3  }
0x135: {  	[tilespmem:s9+$0x5630] =	vst v5;
	v4 =	vmax.f32 v4, $0.0e+00;
	v2 =	vadd.f32 v7, v2  }
0x136: {  	[tilespmem:s9+$0x5640] =	vst v4;
	v3 =	vmax.f32 v3, $0.0e+00;
	v1 =	vadd.f32 v11, v1  }
0x137: {  	[tilespmem:s9+$0x5650] =	vst v3;
	v2 =	vmax.f32 v2, $0.0e+00  }
0x138: {  	[tilespmem:s9+$0x5660] =	vst v2;
	v1 =	vmax.f32 v1, $0.0e+00  }
0x139: {  	s6 =	simm.s32 $0x380;
	s4 =	simm.s32 $0x5600;
	[tilespmem:s9+$0x5670] =	vst v1  }
0x13a: {  	[spmem:s5] =	stream.indirect.scatter.add.f32 [tilespmem:s4], [sflag:$0x17], $0x80, s6, s16, $0xb8;
	[tilespmem:$0x1FA00] =	vst v63  }
0x13b: {  	_ =	swait.ge [sflag:s12], $0x28  }
0x13c: {  	[sflag:s12] =	ssyncset.done $0x0  }
0x13d: {  	[sflag:s12] =	ssyncadd.s32 $0xFFFFFFD8  }
0x13e: {  	_ =	swait.ge [sflag:s21], $0x28  }
0x13f: {  	[sflag:s21] =	ssyncset.done $0x0  }
0x140: {  	s17 =	simm.s32 $0x600;
	s9 =	simm.s32 $0x180;
	[sflag:s21] =	ssyncadd.s32 $0xFFFFFFD8  }
0x141: {  	[tilespmem:s17], [sflag:$0xD] =	stream.indirect.gather [hbm4b:s1+s16], $0x80, s9, s16, $0xb8;
	[tilespmem:$0x1FA00] =	vst v63  }
0x142: {  	s22 =	simm.s32 $0x7E00;
	s18 =	rddreg [dreg:$0x11];
	s9 =	simm.s32 $0x0  }
0x143: {  	[tilespmem:s22], [sflag:$0x13] =	stream.linear.gather [hbm4b:s18+s9], $0x1400, $0x38;
	[tilespmem:$0x1FA00] =	vst v63  }
0x144: {  	s4 =	rddreg [dreg:$0x12];
	s17 =	simm.s32 $0x280  }
0x145: {  	[tilespmem:s17], [sflag:$0x6] =	stream.linear.gather [hbm4b:s4+s9], $0x28, $0x38;
	[tilespmem:$0x1FA00] =	vst v63  }
0x146: {  	s18 =	rddreg [dreg:$0x13];
	s22 =	simm.s32 $0x580  }
0x147: {  	[tilespmem:s22], [sflag:$0xC] =	stream.linear.gather [hbm4b:s18+s9], $0x28, $0x38;
	[tilespmem:$0x1FA00] =	vst v63  }
0x148: {  	_ =	swait.ge [sflag:s23], $0x1400  }
0x149: {  	[sflag:s23] =	ssyncset.done $0x0  }
0x14a: {  	[sflag:s23] =	ssyncadd.s32 $0xFFFFEC00  }
0x14b: {  	_ =	swait.ge [sflag:s24], $0x1400  }
0x14c: {  	[sflag:s24] =	ssyncset.done $0x0  }
0x14d: {  	s9 =	simm.s32 $0x0;
	[sflag:s24] =	ssyncadd.s32 $0xFFFFEC00  }
0x14e: {  	v7 =	vld [tilespmem:s9+$0x2E00]  }
0x14f: {  	v12 =	vld [tilespmem:s9+$0x2E10]  }
0x150: {  	v6 =	vld [tilespmem:s9+$0x2E20]  }
0x151: {  	v5 =	vld [tilespmem:s9+$0x2E30]  }
0x152: {  	v4 =	vld [tilespmem:s9+$0x2E40]  }
0x153: {  	v3 =	vld [tilespmem:s9+$0x2E50]  }
0x154: {  	v2 =	vld [tilespmem:s9+$0x2E60]  }
0x155: {  	v1 =	vld [tilespmem:s9+$0x2E70]  }
0x156: {  	v13 =	vld [tilespmem:s9+$0x6A00]  }
0x157: {  	v14 =	vld [tilespmem:s9+$0x6A10]  }
0x158: {  	v11 =	vld [tilespmem:s9+$0x6A20]  }
0x159: {  	v10 =	vld [tilespmem:s9+$0x6A30]  }
0x15a: {  	v9 =	vld [tilespmem:s9+$0x6A40]  }
0x15b: {  	v8 =	vld [tilespmem:s9+$0x6A50];
	v13 =	vadd.f32 v13, v7  }
0x15c: {  	s17 =	simm.s32 $0x200;
	v12 =	vadd.f32 v14, v12;
	v7 =	vld [tilespmem:s9+$0x6A60]  }
.LBB2_8:
0x15d: {  	s18 =	sshra.s32 s17, $0x2;
	p0 =	sne.s32 s17, $0x4E00;
	v13 =	vmax.f32 v13, $0.0e+00;
	v6 =	vadd.f32 v11, v6;
	v11 =	vld [tilespmem:s9+$0x6A70]  }
0x15e: {  	v14 =	vld [tilespmem:s18+$0x2E00];
	[tilespmem:s9+$0x6A00] =	vst v13;
	v12 =	vmax.f32 v12, $0.0e+00;
	v5 =	vadd.f32 v10, v5  }
0x15f: {  	v15 =	vld [tilespmem:s18+$0x2E10];
	[tilespmem:s9+$0x6A10] =	vst v12;
	v10 =	vmax.f32 v6, $0.0e+00;
	v4 =	vadd.f32 v9, v4  }
0x160: {  	v6 =	vld [tilespmem:s18+$0x2E20];
	[tilespmem:s9+$0x6A20] =	vst v10;
	v9 =	vmax.f32 v5, $0.0e+00;
	v3 =	vadd.f32 v8, v3  }
0x161: {  	v5 =	vld [tilespmem:s18+$0x2E30];
	[tilespmem:s9+$0x6A30] =	vst v9;
	v8 =	vmax.f32 v4, $0.0e+00;
	v2 =	vadd.f32 v7, v2  }
0x162: {  	v4 =	vld [tilespmem:s18+$0x2E40];
	[tilespmem:s9+$0x6A40] =	vst v8;
	v7 =	vmax.f32 v3, $0.0e+00;
	v1 =	vadd.f32 v11, v1  }
0x163: {  	v3 =	vld [tilespmem:s18+$0x2E50];
	[tilespmem:s9+$0x6A50] =	vst v7;
	v7 =	vmax.f32 v2, $0.0e+00  }
0x164: {  	v2 =	vld [tilespmem:s18+$0x2E60];
	[tilespmem:s9+$0x6A60] =	vst v7;
	v7 =	vmax.f32 v1, $0.0e+00  }
0x165: {  	v1 =	vld [tilespmem:s18+$0x2E70];
	[tilespmem:s9+$0x6A70] =	vst v7;
	s9 =	smov.u32 s18  }
0x166: {  	v7 =	vld [tilespmem:s9+$0x6A00]  }
0x167: {  	v12 =	vld [tilespmem:s9+$0x6A10]  }
.Ltmp3:
0x168: {  	v11 =	vld [tilespmem:s9+$0x6A20];
	(pc) =	sbr.rel @p0 .LBB2_8-.Ltmp3, $4  }
0x169: {  	v10 =	vld [tilespmem:s9+$0x6A30]  }
0x16a: {  	v9 =	vld [tilespmem:s9+$0x6A40]  }
0x16b: {  	v13 =	vadd.f32 v7, v14;
	v8 =	vld [tilespmem:s9+$0x6A50]  }
0x16c: {  	s17 =	sadd.s32 $0x200, s17;
	v12 =	vadd.f32 v12, v15;
	v7 =	vld [tilespmem:s9+$0x6A60]  }
0x16d: {  	v13 =	vmax.f32 v13, $0.0e+00;
	v6 =	vadd.f32 v11, v6;
	v11 =	vld [tilespmem:s9+$0x6A70]  }
0x16e: {  	[tilespmem:s9+$0x6A00] =	vst v13;
	v12 =	vmax.f32 v12, $0.0e+00;
	v5 =	vadd.f32 v10, v5  }
0x16f: {  	[tilespmem:s9+$0x6A10] =	vst v12;
	v6 =	vmax.f32 v6, $0.0e+00;
	v4 =	vadd.f32 v9, v4  }
0x170: {  	[tilespmem:s9+$0x6A20] =	vst v6;
	v5 =	vmax.f32 v5, $0.0e+00;
	v3 =	vadd.f32 v8, v3  }
0x171: {  	[tilespmem:s9+$0x6A30] =	vst v5;
	v4 =	vmax.f32 v4, $0.0e+00;
	v2 =	vadd.f32 v7, v2  }
0x172: {  	[tilespmem:s9+$0x6A40] =	vst v4;
	v3 =	vmax.f32 v3, $0.0e+00;
	v1 =	vadd.f32 v11, v1  }
0x173: {  	[tilespmem:s9+$0x6A50] =	vst v3;
	v2 =	vmax.f32 v2, $0.0e+00  }
0x174: {  	[tilespmem:s9+$0x6A60] =	vst v2;
	v1 =	vmax.f32 v1, $0.0e+00  }
0x175: {  	s6 =	simm.s32 $0x400;
	s4 =	simm.s32 $0x6A00;
	[tilespmem:s9+$0x6A70] =	vst v1  }
0x176: {  	[spmem:s5] =	stream.indirect.scatter.add.f32 [tilespmem:s4], [sflag:$0x18], $0x80, s6, s16, $0xb8;
	[tilespmem:$0x1FA00] =	vst v63  }
0x177: {  	_ =	swait.ge [sflag:s26], $0x1400  }
0x178: {  	[sflag:s26] =	ssyncset.done $0x0  }
0x179: {  	s9 =	simm.s32 $0x5;
	[sflag:s26] =	ssyncadd.s32 $0xFFFFEC00  }
0x17a: {  	_ =	swait.ge [sflag:s9], $0x28  }
0x17b: {  	[sflag:s9] =	ssyncset.done $0x0  }
0x17c: {  	s17 =	simm.s32 $0xB;
	[sflag:s9] =	ssyncadd.s32 $0xFFFFFFD8  }
0x17d: {  	_ =	swait.ge [sflag:s17], $0x28  }
0x17e: {  	s18 =	simm.s32 $0x1A00;
	[sflag:s17] =	ssyncset.done $0x0  }
0x17f: {  	s22 =	simm.s32 $0x200;
	s4 =	rddreg [dreg:$0x14];
	[sflag:s17] =	ssyncadd.s32 $0xFFFFFFD8  }
0x180: {  	[tilespmem:s18], [sflag:$0xE] =	stream.indirect.gather [hbm4b:s1+s16], $0x80, s22, s16, $0xb8;
	[tilespmem:$0x1FA00] =	vst v63  }
0x181: {  	s9 =	simm.s32 $0x0;
	s17 =	simm.s32 $0x9200;
	s18 =	rddreg [dreg:$0x15]  }
0x182: {  	[tilespmem:s17], [sflag:$0x14] =	stream.linear.gather [hbm4b:s4+s9], $0x1400, $0x38;
	[tilespmem:$0x1FA00] =	vst v63  }
0x183: {  	s22 =	sld [smem:$0x7FC]  }
0x184: {  	[tilespmem:s9], [sflag:$0x1] =	stream.linear.gather [hbm4b:s18+s9], $0x28, $0x38;
	[tilespmem:$0x1FA00] =	vst v63  }
0x185: {  	s17 =	simm.s32 $0x300  }
0x186: {  	[tilespmem:s17], [sflag:$0x7] =	stream.linear.gather [hbm4b:s22+s9], $0x28, $0x38;
	[tilespmem:$0x1FA00] =	vst v63  }
0x187: {  	_ =	swait.ge [sflag:s15], $0x1400  }
0x188: {  	[sflag:s15] =	ssyncset.done $0x0  }
0x189: {  	[sflag:s15] =	ssyncadd.s32 $0xFFFFEC00  }
0x18a: {  	_ =	swait.ge [sflag:s31], $0x1400  }
0x18b: {  	[sflag:s31] =	ssyncset.done $0x0  }
0x18c: {  	s9 =	simm.s32 $0x0;
	[sflag:s31] =	ssyncadd.s32 $0xFFFFEC00  }
0x18d: {  	v7 =	vld [tilespmem:s9+$0x600]  }
0x18e: {  	v12 =	vld [tilespmem:s9+$0x610]  }
0x18f: {  	v6 =	vld [tilespmem:s9+$0x620]  }
0x190: {  	v5 =	vld [tilespmem:s9+$0x630]  }
0x191: {  	v4 =	vld [tilespmem:s9+$0x640]  }
0x192: {  	v3 =	vld [tilespmem:s9+$0x650]  }
0x193: {  	v2 =	vld [tilespmem:s9+$0x660]  }
0x194: {  	v1 =	vld [tilespmem:s9+$0x670]  }
0x195: {  	v13 =	vld [tilespmem:s9+$0x7E00]  }
0x196: {  	v14 =	vld [tilespmem:s9+$0x7E10]  }
0x197: {  	v11 =	vld [tilespmem:s9+$0x7E20]  }
0x198: {  	v10 =	vld [tilespmem:s9+$0x7E30]  }
0x199: {  	v9 =	vld [tilespmem:s9+$0x7E40]  }
0x19a: {  	v8 =	vld [tilespmem:s9+$0x7E50];
	v13 =	vadd.f32 v13, v7  }
0x19b: {  	s17 =	simm.s32 $0x200;
	v12 =	vadd.f32 v14, v12;
	v7 =	vld [tilespmem:s9+$0x7E60]  }
.LBB2_10:
0x19c: {  	s18 =	sshra.s32 s17, $0x2;
	p0 =	sne.s32 s17, $0x4E00;
	v13 =	vmax.f32 v13, $0.0e+00;
	v6 =	vadd.f32 v11, v6;
	v11 =	vld [tilespmem:s9+$0x7E70]  }
0x19d: {  	v14 =	vld [tilespmem:s18+$0x600];
	[tilespmem:s9+$0x7E00] =	vst v13;
	v12 =	vmax.f32 v12, $0.0e+00;
	v5 =	vadd.f32 v10, v5  }
0x19e: {  	v15 =	vld [tilespmem:s18+$0x610];
	[tilespmem:s9+$0x7E10] =	vst v12;
	v10 =	vmax.f32 v6, $0.0e+00;
	v4 =	vadd.f32 v9, v4  }
0x19f: {  	v6 =	vld [tilespmem:s18+$0x620];
	[tilespmem:s9+$0x7E20] =	vst v10;
	v9 =	vmax.f32 v5, $0.0e+00;
	v3 =	vadd.f32 v8, v3  }
0x1a0: {  	v5 =	vld [tilespmem:s18+$0x630];
	[tilespmem:s9+$0x7E30] =	vst v9;
	v8 =	vmax.f32 v4, $0.0e+00;
	v2 =	vadd.f32 v7, v2  }
0x1a1: {  	v4 =	vld [tilespmem:s18+$0x640];
	[tilespmem:s9+$0x7E40] =	vst v8;
	v7 =	vmax.f32 v3, $0.0e+00;
	v1 =	vadd.f32 v11, v1  }
0x1a2: {  	v3 =	vld [tilespmem:s18+$0x650];
	[tilespmem:s9+$0x7E50] =	vst v7;
	v7 =	vmax.f32 v2, $0.0e+00  }
0x1a3: {  	v2 =	vld [tilespmem:s18+$0x660];
	[tilespmem:s9+$0x7E60] =	vst v7;
	v7 =	vmax.f32 v1, $0.0e+00  }
0x1a4: {  	v1 =	vld [tilespmem:s18+$0x670];
	[tilespmem:s9+$0x7E70] =	vst v7;
	s9 =	smov.u32 s18  }
0x1a5: {  	v7 =	vld [tilespmem:s9+$0x7E00]  }
0x1a6: {  	v12 =	vld [tilespmem:s9+$0x7E10]  }
.Ltmp4:
0x1a7: {  	v11 =	vld [tilespmem:s9+$0x7E20];
	(pc) =	sbr.rel @p0 .LBB2_10-.Ltmp4, $4  }
0x1a8: {  	v10 =	vld [tilespmem:s9+$0x7E30]  }
0x1a9: {  	v9 =	vld [tilespmem:s9+$0x7E40]  }
0x1aa: {  	v13 =	vadd.f32 v7, v14;
	v8 =	vld [tilespmem:s9+$0x7E50]  }
0x1ab: {  	s17 =	sadd.s32 $0x200, s17;
	v12 =	vadd.f32 v12, v15;
	v7 =	vld [tilespmem:s9+$0x7E60]  }
0x1ac: {  	v13 =	vmax.f32 v13, $0.0e+00;
	v6 =	vadd.f32 v11, v6;
	v11 =	vld [tilespmem:s9+$0x7E70]  }
0x1ad: {  	[tilespmem:s9+$0x7E00] =	vst v13;
	v12 =	vmax.f32 v12, $0.0e+00;
	v5 =	vadd.f32 v10, v5  }
0x1ae: {  	[tilespmem:s9+$0x7E10] =	vst v12;
	v6 =	vmax.f32 v6, $0.0e+00;
	v4 =	vadd.f32 v9, v4  }
0x1af: {  	[tilespmem:s9+$0x7E20] =	vst v6;
	v5 =	vmax.f32 v5, $0.0e+00;
	v3 =	vadd.f32 v8, v3  }
0x1b0: {  	[tilespmem:s9+$0x7E30] =	vst v5;
	v4 =	vmax.f32 v4, $0.0e+00;
	v2 =	vadd.f32 v7, v2  }
0x1b1: {  	[tilespmem:s9+$0x7E40] =	vst v4;
	v3 =	vmax.f32 v3, $0.0e+00;
	v1 =	vadd.f32 v11, v1  }
0x1b2: {  	[tilespmem:s9+$0x7E50] =	vst v3;
	v2 =	vmax.f32 v2, $0.0e+00  }
0x1b3: {  	[tilespmem:s9+$0x7E60] =	vst v2;
	v1 =	vmax.f32 v1, $0.0e+00  }
0x1b4: {  	s4 =	simm.s32 $0x7E00;
	[tilespmem:s9+$0x7E70] =	vst v1  }
0x1b5: {  	[spmem:s5] =	stream.indirect.scatter.add.f32 [tilespmem:s4], [sflag:$0x19], $0x80, s28, s16, $0xb8;
	[tilespmem:$0x1FA00] =	vst v63  }
0x1b6: {  	_ =	swait.ge [sflag:s0], $0x1400  }
0x1b7: {  	[sflag:s0] =	ssyncset.done $0x0  }
0x1b8: {  	s6 =	simm.s32 $0x6;
	[sflag:s0] =	ssyncadd.s32 $0xFFFFEC00  }
0x1b9: {  	_ =	swait.ge [sflag:s6], $0x28  }
0x1ba: {  	[sflag:s6] =	ssyncset.done $0x0  }
0x1bb: {  	s9 =	simm.s32 $0xC;
	[sflag:s6] =	ssyncadd.s32 $0xFFFFFFD8  }
0x1bc: {  	_ =	swait.ge [sflag:s9], $0x28  }
0x1bd: {  	[sflag:s9] =	ssyncset.done $0x0  }
0x1be: {  	s17 =	simm.s32 $0x2E00;
	s6 =	simm.s32 $0x280;
	[sflag:s9] =	ssyncadd.s32 $0xFFFFFFD8  }
0x1bf: {  	[tilespmem:s17], [sflag:$0xF] =	stream.indirect.gather [hbm4b:s1+s16], $0x80, s6, s16, $0xb8;
	[tilespmem:$0x1FA00] =	vst v63  }
0x1c0: {  	s22 =	simm.s32 $0xA600;
	s18 =	rddreg [dreg:$0x16];
	s9 =	simm.s32 $0x0  }
0x1c1: {  	[tilespmem:s22], [sflag:$0x15] =	stream.linear.gather [hbm4b:s18+s9], $0x1400, $0x38;
	[tilespmem:$0x1FA00] =	vst v63  }
0x1c2: {  	s4 =	rddreg [dreg:$0x17];
	s17 =	simm.s32 $0x80  }
0x1c3: {  	[tilespmem:s17], [sflag:$0x2] =	stream.linear.gather [hbm4b:s4+s9], $0x28, $0x38;
	[tilespmem:$0x1FA00] =	vst v63  }
0x1c4: {  	s18 =	simm.s32 $0x380;
	s17 =	rddreg [dreg:$0x19]  }
0x1c5: {  	[tilespmem:s18], [sflag:$0x8] =	stream.linear.gather [hbm4b:s17+s9], $0x28, $0x38;
	[tilespmem:$0x1FA00] =	vst v63  }
0x1c6: {  	_ =	swait.ge [sflag:s13], $0x1400  }
0x1c7: {  	[sflag:s13] =	ssyncset.done $0x0  }
0x1c8: {  	s22 =	simm.s32 $0x14;
	[sflag:s13] =	ssyncadd.s32 $0xFFFFEC00  }
0x1c9: {  	_ =	swait.ge [sflag:s22], $0x1400  }
0x1ca: {  	[sflag:s22] =	ssyncset.done $0x0  }
0x1cb: {  	s9 =	simm.s32 $0x0;
	[sflag:s22] =	ssyncadd.s32 $0xFFFFEC00  }
0x1cc: {  	v7 =	vld [tilespmem:s9+$0x1A00]  }
0x1cd: {  	v12 =	vld [tilespmem:s9+$0x1A10]  }
0x1ce: {  	v6 =	vld [tilespmem:s9+$0x1A20]  }
0x1cf: {  	v5 =	vld [tilespmem:s9+$0x1A30]  }
0x1d0: {  	v4 =	vld [tilespmem:s9+$0x1A40]  }
0x1d1: {  	v3 =	vld [tilespmem:s9+$0x1A50]  }
0x1d2: {  	v2 =	vld [tilespmem:s9+$0x1A60]  }
0x1d3: {  	v1 =	vld [tilespmem:s9+$0x1A70]  }
0x1d4: {  	v13 =	vld [tilespmem:s9+$0x9200]  }
0x1d5: {  	v14 =	vld [tilespmem:s9+$0x9210]  }
0x1d6: {  	v11 =	vld [tilespmem:s9+$0x9220]  }
0x1d7: {  	v10 =	vld [tilespmem:s9+$0x9230]  }
0x1d8: {  	v9 =	vld [tilespmem:s9+$0x9240]  }
0x1d9: {  	v8 =	vld [tilespmem:s9+$0x9250];
	v13 =	vadd.f32 v13, v7  }
0x1da: {  	s17 =	simm.s32 $0x200;
	v12 =	vadd.f32 v14, v12;
	v7 =	vld [tilespmem:s9+$0x9260]  }
.LBB2_12:
0x1db: {  	s18 =	sshra.s32 s17, $0x2;
	p0 =	sne.s32 s17, $0x4E00;
	v13 =	vmax.f32 v13, $0.0e+00;
	v6 =	vadd.f32 v11, v6;
	v11 =	vld [tilespmem:s9+$0x9270]  }
0x1dc: {  	v14 =	vld [tilespmem:s18+$0x1A00];
	[tilespmem:s9+$0x9200] =	vst v13;
	v12 =	vmax.f32 v12, $0.0e+00;
	v5 =	vadd.f32 v10, v5  }
0x1dd: {  	v15 =	vld [tilespmem:s18+$0x1A10];
	[tilespmem:s9+$0x9210] =	vst v12;
	v10 =	vmax.f32 v6, $0.0e+00;
	v4 =	vadd.f32 v9, v4  }
0x1de: {  	v6 =	vld [tilespmem:s18+$0x1A20];
	[tilespmem:s9+$0x9220] =	vst v10;
	v9 =	vmax.f32 v5, $0.0e+00;
	v3 =	vadd.f32 v8, v3  }
0x1df: {  	v5 =	vld [tilespmem:s18+$0x1A30];
	[tilespmem:s9+$0x9230] =	vst v9;
	v8 =	vmax.f32 v4, $0.0e+00;
	v2 =	vadd.f32 v7, v2  }
0x1e0: {  	v4 =	vld [tilespmem:s18+$0x1A40];
	[tilespmem:s9+$0x9240] =	vst v8;
	v7 =	vmax.f32 v3, $0.0e+00;
	v1 =	vadd.f32 v11, v1  }
0x1e1: {  	v3 =	vld [tilespmem:s18+$0x1A50];
	[tilespmem:s9+$0x9250] =	vst v7;
	v7 =	vmax.f32 v2, $0.0e+00  }
0x1e2: {  	v2 =	vld [tilespmem:s18+$0x1A60];
	[tilespmem:s9+$0x9260] =	vst v7;
	v7 =	vmax.f32 v1, $0.0e+00  }
0x1e3: {  	v1 =	vld [tilespmem:s18+$0x1A70];
	[tilespmem:s9+$0x9270] =	vst v7;
	s9 =	smov.u32 s18  }
0x1e4: {  	v7 =	vld [tilespmem:s9+$0x9200]  }
0x1e5: {  	v12 =	vld [tilespmem:s9+$0x9210]  }
.Ltmp5:
0x1e6: {  	v11 =	vld [tilespmem:s9+$0x9220];
	(pc) =	sbr.rel @p0 .LBB2_12-.Ltmp5, $4  }
0x1e7: {  	v10 =	vld [tilespmem:s9+$0x9230]  }
0x1e8: {  	v9 =	vld [tilespmem:s9+$0x9240]  }
0x1e9: {  	v13 =	vadd.f32 v7, v14;
	v8 =	vld [tilespmem:s9+$0x9250]  }
0x1ea: {  	s17 =	sadd.s32 $0x200, s17;
	v12 =	vadd.f32 v12, v15;
	v7 =	vld [tilespmem:s9+$0x9260]  }
0x1eb: {  	v13 =	vmax.f32 v13, $0.0e+00;
	v6 =	vadd.f32 v11, v6;
	v11 =	vld [tilespmem:s9+$0x9270]  }
0x1ec: {  	[tilespmem:s9+$0x9200] =	vst v13;
	v12 =	vmax.f32 v12, $0.0e+00;
	v5 =	vadd.f32 v10, v5  }
0x1ed: {  	[tilespmem:s9+$0x9210] =	vst v12;
	v6 =	vmax.f32 v6, $0.0e+00;
	v4 =	vadd.f32 v9, v4  }
0x1ee: {  	[tilespmem:s9+$0x9220] =	vst v6;
	v5 =	vmax.f32 v5, $0.0e+00;
	v3 =	vadd.f32 v8, v3  }
0x1ef: {  	[tilespmem:s9+$0x9230] =	vst v5;
	v4 =	vmax.f32 v4, $0.0e+00;
	v2 =	vadd.f32 v7, v2  }
0x1f0: {  	[tilespmem:s9+$0x9240] =	vst v4;
	v3 =	vmax.f32 v3, $0.0e+00;
	v1 =	vadd.f32 v11, v1  }
0x1f1: {  	[tilespmem:s9+$0x9250] =	vst v3;
	v2 =	vmax.f32 v2, $0.0e+00  }
0x1f2: {  	[tilespmem:s9+$0x9260] =	vst v2;
	v1 =	vmax.f32 v1, $0.0e+00  }
0x1f3: {  	s4 =	simm.s32 $0x500;
	s6 =	simm.s32 $0x9200;
	[tilespmem:s9+$0x9270] =	vst v1  }
0x1f4: {  	[spmem:s5] =	stream.indirect.scatter.add.f32 [tilespmem:s6], [sflag:$0x1A], $0x80, s4, s16, $0xb8;
	[tilespmem:$0x1FA00] =	vst v63  }
0x1f5: {  	_ =	swait.ge [sflag:s10], $0x1400  }
0x1f6: {  	[sflag:s10] =	ssyncset.done $0x0  }
0x1f7: {  	s9 =	simm.s32 $0x1;
	[sflag:s10] =	ssyncadd.s32 $0xFFFFEC00  }
0x1f8: {  	_ =	swait.ge [sflag:s9], $0x28  }
0x1f9: {  	[sflag:s9] =	ssyncset.done $0x0  }
0x1fa: {  	[sflag:s9] =	ssyncadd.s32 $0xFFFFFFD8  }
0x1fb: {  	_ =	swait.ge [sflag:s14], $0x28  }
0x1fc: {  	s17 =	simm.s32 $0x600;
	[sflag:s14] =	ssyncset.done $0x0  }
0x1fd: {  	s9 =	simm.s32 $0x0;
	s18 =	rddreg [dreg:$0x1a];
	[sflag:s14] =	ssyncadd.s32 $0xFFFFFFD8  }
0x1fe: {  	[tilespmem:s17], [sflag:$0xD] =	stream.indirect.gather [hbm4b:s1+s16], $0x80, s9, s16, $0xb8;
	[tilespmem:$0x1FA00] =	vst v63  }
0x1ff: {  	s22 =	simm.s32 $0x4200;
	s17 =	rddreg [dreg:$0x1b]  }
0x200: {  	[tilespmem:s22], [sflag:$0x10] =	stream.linear.gather [hbm4b:s18+s9], $0x1400, $0x38;
	[tilespmem:$0x1FA00] =	vst v63  }
0x201: {  	s18 =	sld [smem:$0x7FD]  }
0x202: {  	[tilespmem:s29], [sflag:$0x3] =	stream.linear.gather [hbm4b:s17+s9], $0x28, $0x38;
	[tilespmem:$0x1FA00] =	vst v63  }
0x203: {  	s17 =	simm.s32 $0x400  }
0x204: {  	[tilespmem:s17], [sflag:$0x9] =	stream.linear.gather [hbm4b:s18+s9], $0x28, $0x38;
	[tilespmem:$0x1FA00] =	vst v63  }
0x205: {  	_ =	swait.ge [sflag:s23], $0x1400  }
0x206: {  	[sflag:s23] =	ssyncset.done $0x0  }
0x207: {  	s22 =	simm.s32 $0x15;
	[sflag:s23] =	ssyncadd.s32 $0xFFFFEC00  }
0x208: {  	_ =	swait.ge [sflag:s22], $0x1400  }
0x209: {  	[sflag:s22] =	ssyncset.done $0x0  }
0x20a: {  	s9 =	simm.s32 $0x0;
	[sflag:s22] =	ssyncadd.s32 $0xFFFFEC00  }
0x20b: {  	v7 =	vld [tilespmem:s9+$0x2E00]  }
0x20c: {  	v12 =	vld [tilespmem:s9+$0x2E10]  }
0x20d: {  	v6 =	vld [tilespmem:s9+$0x2E20]  }
0x20e: {  	v5 =	vld [tilespmem:s9+$0x2E30]  }
0x20f: {  	v4 =	vld [tilespmem:s9+$0x2E40]  }
0x210: {  	v3 =	vld [tilespmem:s9+$0x2E50]  }
0x211: {  	v2 =	vld [tilespmem:s9+$0x2E60]  }
0x212: {  	v1 =	vld [tilespmem:s9+$0x2E70]  }
0x213: {  	v13 =	vld [tilespmem:s9+$0xA600]  }
0x214: {  	v14 =	vld [tilespmem:s9+$0xA610]  }
0x215: {  	v11 =	vld [tilespmem:s9+$0xA620]  }
0x216: {  	v10 =	vld [tilespmem:s9+$0xA630]  }
0x217: {  	v9 =	vld [tilespmem:s9+$0xA640]  }
0x218: {  	v8 =	vld [tilespmem:s9+$0xA650];
	v13 =	vadd.f32 v13, v7  }
0x219: {  	s17 =	simm.s32 $0x200;
	v12 =	vadd.f32 v14, v12;
	v7 =	vld [tilespmem:s9+$0xA660]  }
.LBB2_14:
0x21a: {  	s18 =	sshra.s32 s17, $0x2;
	p0 =	sne.s32 s17, $0x4E00;
	v13 =	vmax.f32 v13, $0.0e+00;
	v6 =	vadd.f32 v11, v6;
	v11 =	vld [tilespmem:s9+$0xA670]  }
0x21b: {  	v14 =	vld [tilespmem:s18+$0x2E00];
	[tilespmem:s9+$0xA600] =	vst v13;
	v12 =	vmax.f32 v12, $0.0e+00;
	v5 =	vadd.f32 v10, v5  }
0x21c: {  	v15 =	vld [tilespmem:s18+$0x2E10];
	[tilespmem:s9+$0xA610] =	vst v12;
	v10 =	vmax.f32 v6, $0.0e+00;
	v4 =	vadd.f32 v9, v4  }
0x21d: {  	v6 =	vld [tilespmem:s18+$0x2E20];
	[tilespmem:s9+$0xA620] =	vst v10;
	v9 =	vmax.f32 v5, $0.0e+00;
	v3 =	vadd.f32 v8, v3  }
0x21e: {  	v5 =	vld [tilespmem:s18+$0x2E30];
	[tilespmem:s9+$0xA630] =	vst v9;
	v8 =	vmax.f32 v4, $0.0e+00;
	v2 =	vadd.f32 v7, v2  }
0x21f: {  	v4 =	vld [tilespmem:s18+$0x2E40];
	[tilespmem:s9+$0xA640] =	vst v8;
	v7 =	vmax.f32 v3, $0.0e+00;
	v1 =	vadd.f32 v11, v1  }
0x220: {  	v3 =	vld [tilespmem:s18+$0x2E50];
	[tilespmem:s9+$0xA650] =	vst v7;
	v7 =	vmax.f32 v2, $0.0e+00  }
0x221: {  	v2 =	vld [tilespmem:s18+$0x2E60];
	[tilespmem:s9+$0xA660] =	vst v7;
	v7 =	vmax.f32 v1, $0.0e+00  }
0x222: {  	v1 =	vld [tilespmem:s18+$0x2E70];
	[tilespmem:s9+$0xA670] =	vst v7;
	s9 =	smov.u32 s18  }
0x223: {  	v7 =	vld [tilespmem:s9+$0xA600]  }
0x224: {  	v12 =	vld [tilespmem:s9+$0xA610]  }
.Ltmp6:
0x225: {  	v11 =	vld [tilespmem:s9+$0xA620];
	(pc) =	sbr.rel @p0 .LBB2_14-.Ltmp6, $4  }
0x226: {  	v10 =	vld [tilespmem:s9+$0xA630]  }
0x227: {  	v9 =	vld [tilespmem:s9+$0xA640]  }
0x228: {  	v13 =	vadd.f32 v7, v14;
	v8 =	vld [tilespmem:s9+$0xA650]  }
0x229: {  	s17 =	sadd.s32 $0x200, s17;
	v12 =	vadd.f32 v12, v15;
	v7 =	vld [tilespmem:s9+$0xA660]  }
0x22a: {  	v13 =	vmax.f32 v13, $0.0e+00;
	v6 =	vadd.f32 v11, v6;
	v63 =	vld [tilespmem:s9+$0xA670]  }
0x22b: {  	[tilespmem:s9+$0xA600] =	vst v13;
	v12 =	vmax.f32 v12, $0.0e+00;
	v5 =	vadd.f32 v10, v5  }
0x22c: {  	[tilespmem:s9+$0xA610] =	vst v12;
	v6 =	vmax.f32 v6, $0.0e+00;
	v4 =	vadd.f32 v9, v4  }
0x22d: {  	[tilespmem:s9+$0xA620] =	vst v6;
	v5 =	vmax.f32 v5, $0.0e+00;
	v3 =	vadd.f32 v8, v3  }
0x22e: {  	[tilespmem:s9+$0xA630] =	vst v5;
	v4 =	vmax.f32 v4, $0.0e+00;
	v2 =	vadd.f32 v7, v2  }
0x22f: {  	[tilespmem:s9+$0xA640] =	vst v4;
	v3 =	vmax.f32 v3, $0.0e+00;
	v1 =	vadd.f32 v63, v1  }
0x230: {  	[tilespmem:s9+$0xA650] =	vst v3;
	v2 =	vmax.f32 v2, $0.0e+00  }
0x231: {  	[tilespmem:s9+$0xA660] =	vst v2;
	v1 =	vmax.f32 v1, $0.0e+00  }
0x232: {  	s4 =	simm.s32 $0xA600;
	s6 =	simm.s32 $0x580;
	[tilespmem:s9+$0xA670] =	vst v1  }
0x233: {  	[spmem:s5] =	stream.indirect.scatter.add.f32 [tilespmem:s4], [sflag:$0x1B], $0x80, s6, s16, $0xb8;
	[tilespmem:$0x1FA00] =	vst v63  }
0x234: {  	_ =	swait.ge [sflag:s7], $0x1400  }
0x235: {  	[sflag:s7] =	ssyncset.done $0x0  }
0x236: {  	[sflag:s7] =	ssyncadd.s32 $0xFFFFEC00  }
0x237: {  	_ =	swait.ge [sflag:s19], $0x28  }
0x238: {  	[sflag:s19] =	ssyncset.done $0x0  }
0x239: {  	[sflag:s19] =	ssyncadd.s32 $0xFFFFFFD8  }
0x23a: {  	_ =	swait.ge [sflag:s20], $0x28  }
0x23b: {  	[sflag:s20] =	ssyncset.done $0x0  }
0x23c: {  	s17 =	simm.s32 $0x1A00;
	s9 =	simm.s32 $0x80;
	[sflag:s20] =	ssyncadd.s32 $0xFFFFFFD8  }
0x23d: {  	[tilespmem:s17], [sflag:$0xE] =	stream.indirect.gather [hbm4b:s1+s16], $0x80, s9, s16, $0xb8;
	[tilespmem:$0x1FA00] =	vst v63  }
0x23e: {  	s22 =	simm.s32 $0x5600;
	s18 =	rddreg [dreg:$0x1d];
	s17 =	simm.s32 $0x0  }
0x23f: {  	[tilespmem:s22], [sflag:$0x11] =	stream.linear.gather [hbm4b:s18+s17], $0x1400, $0x38;
	[tilespmem:$0x1FA00] =	vst v63  }
0x240: {  	s9 =	rddreg [dreg:$0x1e];
	s18 =	simm.s32 $0x180  }
0x241: {  	[tilespmem:s18], [sflag:$0x4] =	stream.linear.gather [hbm4b:s9+s17], $0x28, $0x38;
	[tilespmem:$0x1FA00] =	vst v63  }
0x242: {  	s22 =	rddreg [dreg:$0x1f]  }
0x243: {  	[tilespmem:s28], [sflag:$0xA] =	stream.linear.gather [hbm4b:s22+s17], $0x28, $0x38;
	[tilespmem:$0x1FA00] =	vst v63  }
.LBB2_16:
0x244: {  	_ =	swait.ge [sflag:s15], $0x1400  }
0x245: {  	[sflag:s15] =	ssyncset.done $0x0  }
0x246: {  	[sflag:s15] =	ssyncadd.s32 $0xFFFFEC00  }
0x247: {  	_ =	swait.ge [sflag:s25], $0x1400  }
0x248: {  	[sflag:s25] =	ssyncset.done $0x0  }
0x249: {  	s9 =	simm.s32 $0x0;
	[sflag:s25] =	ssyncadd.s32 $0xFFFFEC00  }
0x24a: {  	v7 =	vld [tilespmem:s9+$0x600]  }
0x24b: {  	v12 =	vld [tilespmem:s9+$0x610]  }
0x24c: {  	v6 =	vld [tilespmem:s9+$0x620]  }
0x24d: {  	v5 =	vld [tilespmem:s9+$0x630]  }
0x24e: {  	v4 =	vld [tilespmem:s9+$0x640]  }
0x24f: {  	v3 =	vld [tilespmem:s9+$0x650]  }
0x250: {  	v2 =	vld [tilespmem:s9+$0x660]  }
0x251: {  	v1 =	vld [tilespmem:s9+$0x670]  }
0x252: {  	v13 =	vld [tilespmem:s9+$0x4200]  }
0x253: {  	v14 =	vld [tilespmem:s9+$0x4210]  }
0x254: {  	v11 =	vld [tilespmem:s9+$0x4220]  }
0x255: {  	v10 =	vld [tilespmem:s9+$0x4230]  }
0x256: {  	v9 =	vld [tilespmem:s9+$0x4240]  }
0x257: {  	v8 =	vld [tilespmem:s9+$0x4250];
	v13 =	vadd.f32 v13, v7  }
0x258: {  	s4 =	simm.s32 $0x480;
	s18 =	simm.s32 $0x200;
	v12 =	vadd.f32 v14, v12;
	v7 =	vld [tilespmem:s9+$0x4260]  }
.LBB2_17:
0x259: {  	s22 =	sshra.s32 s18, $0x2;
	p0 =	sne.s32 s18, $0x4E00;
	v13 =	vmax.f32 v13, $0.0e+00;
	v6 =	vadd.f32 v11, v6;
	v11 =	vld [tilespmem:s9+$0x4270]  }
0x25a: {  	v14 =	vld [tilespmem:s22+$0x600];
	[tilespmem:s9+$0x4200] =	vst v13;
	v12 =	vmax.f32 v12, $0.0e+00;
	v5 =	vadd.f32 v10, v5  }
0x25b: {  	v15 =	vld [tilespmem:s22+$0x610];
	[tilespmem:s9+$0x4210] =	vst v12;
	v10 =	vmax.f32 v6, $0.0e+00;
	v4 =	vadd.f32 v9, v4  }
0x25c: {  	v6 =	vld [tilespmem:s22+$0x620];
	[tilespmem:s9+$0x4220] =	vst v10;
	v9 =	vmax.f32 v5, $0.0e+00;
	v3 =	vadd.f32 v8, v3  }
0x25d: {  	v5 =	vld [tilespmem:s22+$0x630];
	[tilespmem:s9+$0x4230] =	vst v9;
	v8 =	vmax.f32 v4, $0.0e+00;
	v2 =	vadd.f32 v7, v2  }
0x25e: {  	v4 =	vld [tilespmem:s22+$0x640];
	[tilespmem:s9+$0x4240] =	vst v8;
	v7 =	vmax.f32 v3, $0.0e+00;
	v1 =	vadd.f32 v11, v1  }
0x25f: {  	v3 =	vld [tilespmem:s22+$0x650];
	[tilespmem:s9+$0x4250] =	vst v7;
	v7 =	vmax.f32 v2, $0.0e+00  }
0x260: {  	v2 =	vld [tilespmem:s22+$0x660];
	[tilespmem:s9+$0x4260] =	vst v7;
	v7 =	vmax.f32 v1, $0.0e+00  }
0x261: {  	v1 =	vld [tilespmem:s22+$0x670];
	[tilespmem:s9+$0x4270] =	vst v7;
	s9 =	smov.u32 s22  }
0x262: {  	v7 =	vld [tilespmem:s9+$0x4200]  }
0x263: {  	v12 =	vld [tilespmem:s9+$0x4210]  }
.Ltmp7:
0x264: {  	v11 =	vld [tilespmem:s9+$0x4220];
	(pc) =	sbr.rel @p0 .LBB2_17-.Ltmp7, $4  }
0x265: {  	v10 =	vld [tilespmem:s9+$0x4230]  }
0x266: {  	v9 =	vld [tilespmem:s9+$0x4240]  }
0x267: {  	v13 =	vadd.f32 v7, v14;
	v8 =	vld [tilespmem:s9+$0x4250]  }
0x268: {  	s18 =	sadd.s32 $0x200, s18;
	v12 =	vadd.f32 v12, v15;
	v7 =	vld [tilespmem:s9+$0x4260]  }
0x269: {  	v13 =	vmax.f32 v13, $0.0e+00;
	v6 =	vadd.f32 v11, v6;
	v11 =	vld [tilespmem:s9+$0x4270]  }
0x26a: {  	[tilespmem:s9+$0x4200] =	vst v13;
	v12 =	vmax.f32 v12, $0.0e+00;
	v5 =	vadd.f32 v10, v5  }
0x26b: {  	[tilespmem:s9+$0x4210] =	vst v12;
	v6 =	vmax.f32 v6, $0.0e+00;
	v4 =	vadd.f32 v9, v4  }
0x26c: {  	[tilespmem:s9+$0x4220] =	vst v6;
	v5 =	vmax.f32 v5, $0.0e+00;
	v3 =	vadd.f32 v8, v3  }
0x26d: {  	[tilespmem:s9+$0x4230] =	vst v5;
	v4 =	vmax.f32 v4, $0.0e+00;
	v2 =	vadd.f32 v7, v2  }
0x26e: {  	[tilespmem:s9+$0x4240] =	vst v4;
	v3 =	vmax.f32 v3, $0.0e+00;
	v1 =	vadd.f32 v11, v1  }
0x26f: {  	[tilespmem:s9+$0x4250] =	vst v3;
	v2 =	vmax.f32 v2, $0.0e+00  }
0x270: {  	[tilespmem:s9+$0x4260] =	vst v2;
	v1 =	vmax.f32 v1, $0.0e+00  }
0x271: {  	s6 =	simm.s32 $0x300;
	s22 =	simm.s32 $0x4200;
	s18 =	simm.s32 $0x1A;
	[tilespmem:s9+$0x4270] =	vst v1  }
0x272: {  	[spmem:s5] =	stream.indirect.scatter.add.f32 [tilespmem:s22], [sflag:$0x16], $0x80, s6, s16, $0xb8;
	[tilespmem:$0x1FA00] =	vst v63  }
0x273: {  	_ =	swait.ge [sflag:s18], $0x1400  }
0x274: {  	[sflag:s18] =	ssyncset.done $0x0  }
0x275: {  	[sflag:s18] =	ssyncadd.s32 $0xFFFFEC00  }
0x276: {  	_ =	swait.ge [sflag:s30], $0x28  }
0x277: {  	[sflag:s30] =	ssyncset.done $0x0  }
0x278: {  	[sflag:s30] =	ssyncadd.s32 $0xFFFFFFD8  }
0x279: {  	_ =	swait.ge [sflag:s8], $0x28  }
0x27a: {  	[sflag:s8] =	ssyncset.done $0x0  }
0x27b: {  	s22 =	simm.s32 $0x2E00;
	s18 =	smul.u32 $0xF0, s17;
	[sflag:s8] =	ssyncadd.s32 $0xFFFFFFD8  }
0x27c: {  	[tilespmem:s22], [sflag:$0xF] =	stream.indirect.gather [hbm4b:s1+s16], $0x80, s29, s16, $0xb8;
	[tilespmem:$0x1FA00] =	vst v63  }
0x27d: {  	s29 =	rddreg [dreg:$0x18]  }
0x27e: {  	s6 =	sadd.s32 s18, s29  }
0x27f: {  	s29 =	sld [smem:$0x7E0];
	s9 =	sshll.u32 s6, $0x4  }
0x280: {  	s28 =	simm.s32 $0x0;
	s22 =	simm.s32 $0x6A00;
	s9 =	sadd.s32 s3, s9  }
0x281: {  	[tilespmem:s22], [sflag:$0x12] =	stream.linear.gather [hbm4b:s9+s28], $0x1400, $0x38;
	[tilespmem:$0x1FA00] =	vst v63  }
0x282: {  	s22 =	sadd.s32 s18, s29  }
0x283: {  	s6 =	sshrl.u32 s22, $0x3  }
0x284: {  	s29 =	simm.s32 $0x200;
	s9 =	sadd.s32 s2, s6  }
0x285: {  	[tilespmem:s29], [sflag:$0x5] =	stream.linear.gather [hbm4b:s9+s28], $0x28, $0x38;
	[tilespmem:$0x1FA00] =	vst v63  }
0x286: {  	s9 =	sadd.s32 $0x9C40, s9;
	s29 =	simm.s32 $0x500  }
0x287: {  	[tilespmem:s29], [sflag:$0xB] =	stream.linear.gather [hbm4b:s9+s28], $0x28, $0x38;
	[tilespmem:$0x1FA00] =	vst v63  }
0x288: {  	_ =	swait.ge [sflag:s13], $0x1400  }
0x289: {  	[sflag:s13] =	ssyncset.done $0x0  }
0x28a: {  	[sflag:s13] =	ssyncadd.s32 $0xFFFFEC00  }
0x28b: {  	_ =	swait.ge [sflag:s11], $0x1400  }
0x28c: {  	[sflag:s11] =	ssyncset.done $0x0  }
0x28d: {  	s9 =	simm.s32 $0x0;
	[sflag:s11] =	ssyncadd.s32 $0xFFFFEC00  }
0x28e: {  	v7 =	vld [tilespmem:s9+$0x1A00]  }
0x28f: {  	v12 =	vld [tilespmem:s9+$0x1A10]  }
0x290: {  	v6 =	vld [tilespmem:s9+$0x1A20]  }
0x291: {  	v5 =	vld [tilespmem:s9+$0x1A30]  }
0x292: {  	v4 =	vld [tilespmem:s9+$0x1A40]  }
0x293: {  	v3 =	vld [tilespmem:s9+$0x1A50]  }
0x294: {  	v2 =	vld [tilespmem:s9+$0x1A60]  }
0x295: {  	v1 =	vld [tilespmem:s9+$0x1A70]  }
0x296: {  	v13 =	vld [tilespmem:s9+$0x5600]  }
0x297: {  	v14 =	vld [tilespmem:s9+$0x5610]  }
0x298: {  	v11 =	vld [tilespmem:s9+$0x5620]  }
0x299: {  	v10 =	vld [tilespmem:s9+$0x5630]  }
0x29a: {  	v9 =	vld [tilespmem:s9+$0x5640]  }
0x29b: {  	v8 =	vld [tilespmem:s9+$0x5650];
	v13 =	vadd.f32 v13, v7  }
0x29c: {  	s28 =	simm.s32 $0x200;
	v12 =	vadd.f32 v14, v12;
	v7 =	vld [tilespmem:s9+$0x5660]  }
.LBB2_19:
0x29d: {  	s29 =	sshra.s32 s28, $0x2;
	p0 =	sne.s32 s28, $0x4E00;
	v13 =	vmax.f32 v13, $0.0e+00;
	v6 =	vadd.f32 v11, v6;
	v11 =	vld [tilespmem:s9+$0x5670]  }
0x29e: {  	v14 =	vld [tilespmem:s29+$0x1A00];
	[tilespmem:s9+$0x5600] =	vst v13;
	v12 =	vmax.f32 v12, $0.0e+00;
	v5 =	vadd.f32 v10, v5  }
0x29f: {  	v15 =	vld [tilespmem:s29+$0x1A10];
	[tilespmem:s9+$0x5610] =	vst v12;
	v10 =	vmax.f32 v6, $0.0e+00;
	v4 =	vadd.f32 v9, v4  }
0x2a0: {  	v6 =	vld [tilespmem:s29+$0x1A20];
	[tilespmem:s9+$0x5620] =	vst v10;
	v9 =	vmax.f32 v5, $0.0e+00;
	v3 =	vadd.f32 v8, v3  }
0x2a1: {  	v5 =	vld [tilespmem:s29+$0x1A30];
	[tilespmem:s9+$0x5630] =	vst v9;
	v8 =	vmax.f32 v4, $0.0e+00;
	v2 =	vadd.f32 v7, v2  }
0x2a2: {  	v4 =	vld [tilespmem:s29+$0x1A40];
	[tilespmem:s9+$0x5640] =	vst v8;
	v7 =	vmax.f32 v3, $0.0e+00;
	v1 =	vadd.f32 v11, v1  }
0x2a3: {  	v3 =	vld [tilespmem:s29+$0x1A50];
	[tilespmem:s9+$0x5650] =	vst v7;
	v7 =	vmax.f32 v2, $0.0e+00  }
0x2a4: {  	v2 =	vld [tilespmem:s29+$0x1A60];
	[tilespmem:s9+$0x5660] =	vst v7;
	v7 =	vmax.f32 v1, $0.0e+00  }
0x2a5: {  	v1 =	vld [tilespmem:s29+$0x1A70];
	[tilespmem:s9+$0x5670] =	vst v7;
	s9 =	smov.u32 s29  }
0x2a6: {  	v7 =	vld [tilespmem:s9+$0x5600]  }
0x2a7: {  	v12 =	vld [tilespmem:s9+$0x5610]  }
.Ltmp8:
0x2a8: {  	v11 =	vld [tilespmem:s9+$0x5620];
	(pc) =	sbr.rel @p0 .LBB2_19-.Ltmp8, $4  }
0x2a9: {  	v10 =	vld [tilespmem:s9+$0x5630]  }
0x2aa: {  	v9 =	vld [tilespmem:s9+$0x5640]  }
0x2ab: {  	v13 =	vadd.f32 v7, v14;
	v8 =	vld [tilespmem:s9+$0x5650]  }
0x2ac: {  	s28 =	sadd.s32 $0x200, s28;
	v12 =	vadd.f32 v12, v15;
	v7 =	vld [tilespmem:s9+$0x5660]  }
0x2ad: {  	v13 =	vmax.f32 v13, $0.0e+00;
	v6 =	vadd.f32 v11, v6;
	v11 =	vld [tilespmem:s9+$0x5670]  }
0x2ae: {  	[tilespmem:s9+$0x5600] =	vst v13;
	v12 =	vmax.f32 v12, $0.0e+00;
	v5 =	vadd.f32 v10, v5  }
0x2af: {  	[tilespmem:s9+$0x5610] =	vst v12;
	v6 =	vmax.f32 v6, $0.0e+00;
	v4 =	vadd.f32 v9, v4  }
0x2b0: {  	[tilespmem:s9+$0x5620] =	vst v6;
	v5 =	vmax.f32 v5, $0.0e+00;
	v3 =	vadd.f32 v8, v3  }
0x2b1: {  	[tilespmem:s9+$0x5630] =	vst v5;
	v4 =	vmax.f32 v4, $0.0e+00;
	v2 =	vadd.f32 v7, v2  }
0x2b2: {  	[tilespmem:s9+$0x5640] =	vst v4;
	v3 =	vmax.f32 v3, $0.0e+00;
	v1 =	vadd.f32 v11, v1  }
0x2b3: {  	[tilespmem:s9+$0x5650] =	vst v3;
	v2 =	vmax.f32 v2, $0.0e+00  }
0x2b4: {  	[tilespmem:s9+$0x5660] =	vst v2;
	v1 =	vmax.f32 v1, $0.0e+00  }
0x2b5: {  	s6 =	simm.s32 $0x380;
	[tilespmem:s9+$0x5670] =	vst v1;
	s9 =	simm.s32 $0x5600  }
0x2b6: {  	[spmem:s5] =	stream.indirect.scatter.add.f32 [tilespmem:s9], [sflag:$0x17], $0x80, s6, s16, $0xb8;
	[tilespmem:$0x1FA00] =	vst v63  }
0x2b7: {  	s9 =	simm.s32 $0x1B  }
0x2b8: {  	_ =	swait.ge [sflag:s9], $0x1400  }
0x2b9: {  	[sflag:s9] =	ssyncset.done $0x0  }
0x2ba: {  	[sflag:s9] =	ssyncadd.s32 $0xFFFFEC00  }
0x2bb: {  	_ =	swait.ge [sflag:s12], $0x28  }
0x2bc: {  	[sflag:s12] =	ssyncset.done $0x0  }
0x2bd: {  	[sflag:s12] =	ssyncadd.s32 $0xFFFFFFD8  }
0x2be: {  	_ =	swait.ge [sflag:s21], $0x28  }
0x2bf: {  	[sflag:s21] =	ssyncset.done $0x0  }
0x2c0: {  	s6 =	simm.s32 $0x180;
	s9 =	simm.s32 $0x600;
	[sflag:s21] =	ssyncadd.s32 $0xFFFFFFD8  }
0x2c1: {  	[tilespmem:s9], [sflag:$0xD] =	stream.indirect.gather [hbm4b:s1+s16], $0x80, s6, s16, $0xb8;
	[tilespmem:$0x1FA00] =	vst v63  }
0x2c2: {  	s9 =	rddreg [dreg:$0x1c]  }
0x2c3: {  	s6 =	sadd.s32 s18, s9  }
0x2c4: {  	s9 =	sshll.u32 s6, $0x4  }
0x2c5: {  	s28 =	simm.s32 $0x0;
	s6 =	simm.s32 $0x7E00;
	s9 =	sadd.s32 s3, s9  }
0x2c6: {  	[tilespmem:s6], [sflag:$0x13] =	stream.linear.gather [hbm4b:s9+s28], $0x1400, $0x38;
	[tilespmem:$0x1FA00] =	vst v63  }
0x2c7: {  	s9 =	sld [smem:$0x7E1];
	_ =	sdelay $0x2  }
0x2c8: {  	s9 =	sadd.s32 s18, s9  }
0x2c9: {  	s29 =	sshrl.u32 s9, $0x3  }
0x2ca: {  	s6 =	simm.s32 $0x280;
	s29 =	sadd.s32 s2, s29  }
0x2cb: {  	[tilespmem:s6], [sflag:$0x6] =	stream.linear.gather [hbm4b:s29+s28], $0x28, $0x38;
	[tilespmem:$0x1FA00] =	vst v63  }
0x2cc: {  	s29 =	sadd.s32 $0x9C40, s29;
	s6 =	simm.s32 $0x580  }
0x2cd: {  	[tilespmem:s6], [sflag:$0xC] =	stream.linear.gather [hbm4b:s29+s28], $0x28, $0x38;
	[tilespmem:$0x1FA00] =	vst v63  }
0x2ce: {  	_ =	swait.ge [sflag:s23], $0x1400  }
0x2cf: {  	[sflag:s23] =	ssyncset.done $0x0  }
0x2d0: {  	[sflag:s23] =	ssyncadd.s32 $0xFFFFEC00  }
0x2d1: {  	_ =	swait.ge [sflag:s24], $0x1400  }
0x2d2: {  	[sflag:s24] =	ssyncset.done $0x0  }
0x2d3: {  	s28 =	simm.s32 $0x0;
	[sflag:s24] =	ssyncadd.s32 $0xFFFFEC00  }
0x2d4: {  	v7 =	vld [tilespmem:s28+$0x2E00]  }
0x2d5: {  	v12 =	vld [tilespmem:s28+$0x2E10]  }
0x2d6: {  	v6 =	vld [tilespmem:s28+$0x2E20]  }
0x2d7: {  	v5 =	vld [tilespmem:s28+$0x2E30]  }
0x2d8: {  	v4 =	vld [tilespmem:s28+$0x2E40]  }
0x2d9: {  	v3 =	vld [tilespmem:s28+$0x2E50]  }
0x2da: {  	v2 =	vld [tilespmem:s28+$0x2E60]  }
0x2db: {  	v1 =	vld [tilespmem:s28+$0x2E70]  }
0x2dc: {  	v13 =	vld [tilespmem:s28+$0x6A00]  }
0x2dd: {  	v14 =	vld [tilespmem:s28+$0x6A10]  }
0x2de: {  	v11 =	vld [tilespmem:s28+$0x6A20]  }
0x2df: {  	v10 =	vld [tilespmem:s28+$0x6A30]  }
0x2e0: {  	v9 =	vld [tilespmem:s28+$0x6A40]  }
0x2e1: {  	v8 =	vld [tilespmem:s28+$0x6A50];
	v13 =	vadd.f32 v13, v7  }
0x2e2: {  	s29 =	simm.s32 $0x200;
	v12 =	vadd.f32 v14, v12;
	v7 =	vld [tilespmem:s28+$0x6A60]  }
.LBB2_21:
0x2e3: {  	s6 =	sshra.s32 s29, $0x2;
	p0 =	sne.s32 s29, $0x4E00;
	v13 =	vmax.f32 v13, $0.0e+00;
	v6 =	vadd.f32 v11, v6;
	v11 =	vld [tilespmem:s28+$0x6A70]  }
0x2e4: {  	v14 =	vld [tilespmem:s6+$0x2E00];
	[tilespmem:s28+$0x6A00] =	vst v13;
	v12 =	vmax.f32 v12, $0.0e+00;
	v5 =	vadd.f32 v10, v5  }
0x2e5: {  	v15 =	vld [tilespmem:s6+$0x2E10];
	[tilespmem:s28+$0x6A10] =	vst v12;
	v10 =	vmax.f32 v6, $0.0e+00;
	v4 =	vadd.f32 v9, v4  }
0x2e6: {  	v6 =	vld [tilespmem:s6+$0x2E20];
	[tilespmem:s28+$0x6A20] =	vst v10;
	v9 =	vmax.f32 v5, $0.0e+00;
	v3 =	vadd.f32 v8, v3  }
0x2e7: {  	v5 =	vld [tilespmem:s6+$0x2E30];
	[tilespmem:s28+$0x6A30] =	vst v9;
	v8 =	vmax.f32 v4, $0.0e+00;
	v2 =	vadd.f32 v7, v2  }
0x2e8: {  	v4 =	vld [tilespmem:s6+$0x2E40];
	[tilespmem:s28+$0x6A40] =	vst v8;
	v7 =	vmax.f32 v3, $0.0e+00;
	v1 =	vadd.f32 v11, v1  }
0x2e9: {  	v3 =	vld [tilespmem:s6+$0x2E50];
	[tilespmem:s28+$0x6A50] =	vst v7;
	v7 =	vmax.f32 v2, $0.0e+00  }
0x2ea: {  	v2 =	vld [tilespmem:s6+$0x2E60];
	[tilespmem:s28+$0x6A60] =	vst v7;
	v7 =	vmax.f32 v1, $0.0e+00  }
0x2eb: {  	v1 =	vld [tilespmem:s6+$0x2E70];
	[tilespmem:s28+$0x6A70] =	vst v7;
	s28 =	smov.u32 s6  }
0x2ec: {  	v7 =	vld [tilespmem:s28+$0x6A00]  }
0x2ed: {  	v12 =	vld [tilespmem:s28+$0x6A10]  }
.Ltmp9:
0x2ee: {  	v11 =	vld [tilespmem:s28+$0x6A20];
	(pc) =	sbr.rel @p0 .LBB2_21-.Ltmp9, $4  }
0x2ef: {  	v10 =	vld [tilespmem:s28+$0x6A30]  }
0x2f0: {  	v9 =	vld [tilespmem:s28+$0x6A40]  }
0x2f1: {  	v13 =	vadd.f32 v7, v14;
	v8 =	vld [tilespmem:s28+$0x6A50]  }
0x2f2: {  	s29 =	sadd.s32 $0x200, s29;
	v12 =	vadd.f32 v12, v15;
	v7 =	vld [tilespmem:s28+$0x6A60]  }
0x2f3: {  	v13 =	vmax.f32 v13, $0.0e+00;
	v6 =	vadd.f32 v11, v6;
	v11 =	vld [tilespmem:s28+$0x6A70]  }
0x2f4: {  	[tilespmem:s28+$0x6A00] =	vst v13;
	v12 =	vmax.f32 v12, $0.0e+00;
	v5 =	vadd.f32 v10, v5  }
0x2f5: {  	[tilespmem:s28+$0x6A10] =	vst v12;
	v6 =	vmax.f32 v6, $0.0e+00;
	v4 =	vadd.f32 v9, v4  }
0x2f6: {  	[tilespmem:s28+$0x6A20] =	vst v6;
	v5 =	vmax.f32 v5, $0.0e+00;
	v3 =	vadd.f32 v8, v3  }
0x2f7: {  	[tilespmem:s28+$0x6A30] =	vst v5;
	v4 =	vmax.f32 v4, $0.0e+00;
	v2 =	vadd.f32 v7, v2  }
0x2f8: {  	[tilespmem:s28+$0x6A40] =	vst v4;
	v3 =	vmax.f32 v3, $0.0e+00;
	v1 =	vadd.f32 v11, v1  }
0x2f9: {  	[tilespmem:s28+$0x6A50] =	vst v3;
	v2 =	vmax.f32 v2, $0.0e+00  }
0x2fa: {  	[tilespmem:s28+$0x6A60] =	vst v2;
	v1 =	vmax.f32 v1, $0.0e+00  }
0x2fb: {  	s6 =	simm.s32 $0x400;
	[tilespmem:s28+$0x6A70] =	vst v1;
	s28 =	simm.s32 $0x6A00  }
0x2fc: {  	[spmem:s5] =	stream.indirect.scatter.add.f32 [tilespmem:s28], [sflag:$0x18], $0x80, s6, s16, $0xb8;
	[tilespmem:$0x1FA00] =	vst v63  }
0x2fd: {  	_ =	swait.ge [sflag:s26], $0x1400  }
0x2fe: {  	[sflag:s26] =	ssyncset.done $0x0  }
0x2ff: {  	s6 =	simm.s32 $0x5;
	[sflag:s26] =	ssyncadd.s32 $0xFFFFEC00  }
0x300: {  	_ =	swait.ge [sflag:s6], $0x28  }
0x301: {  	[sflag:s6] =	ssyncset.done $0x0  }
0x302: {  	[sflag:s6] =	ssyncadd.s32 $0xFFFFFFD8;
	s6 =	simm.s32 $0xB  }
0x303: {  	_ =	swait.ge [sflag:s6], $0x28  }
0x304: {  	s22 =	sshll.u32 s22, $0x4;
	[sflag:s6] =	ssyncset.done $0x0  }
0x305: {  	s28 =	simm.s32 $0x200;
	[sflag:s6] =	ssyncadd.s32 $0xFFFFFFD8;
	s6 =	simm.s32 $0x1A00  }
0x306: {  	[tilespmem:s6], [sflag:$0xE] =	stream.indirect.gather [hbm4b:s1+s16], $0x80, s28, s16, $0xb8;
	[tilespmem:$0x1FA00] =	vst v63  }
0x307: {  	s6 =	sadd.s32 s3, s22;
	s28 =	simm.s32 $0x0;
	s22 =	simm.s32 $0x9200  }
0x308: {  	[tilespmem:s22], [sflag:$0x14] =	stream.linear.gather [hbm4b:s6+s28], $0x1400, $0x38;
	[tilespmem:$0x1FA00] =	vst v63  }
0x309: {  	s22 =	sld [smem:$0x7E2];
	_ =	sdelay $0x2  }
0x30a: {  	s22 =	sadd.s32 s18, s22  }
0x30b: {  	s6 =	sshrl.u32 s22, $0x3  }
0x30c: {  	s6 =	sadd.s32 s2, s6  }
0x30d: {  	[tilespmem:s28], [sflag:$0x1] =	stream.linear.gather [hbm4b:s6+s28], $0x28, $0x38;
	[tilespmem:$0x1FA00] =	vst v63  }
0x30e: {  	s29 =	simm.s32 $0x300;
	s6 =	sadd.s32 $0x9C40, s6  }
0x30f: {  	[tilespmem:s29], [sflag:$0x7] =	stream.linear.gather [hbm4b:s6+s28], $0x28, $0x38;
	[tilespmem:$0x1FA00] =	vst v63  }
0x310: {  	_ =	swait.ge [sflag:s15], $0x1400  }
0x311: {  	[sflag:s15] =	ssyncset.done $0x0  }
0x312: {  	[sflag:s15] =	ssyncadd.s32 $0xFFFFEC00  }
0x313: {  	_ =	swait.ge [sflag:s31], $0x1400  }
0x314: {  	[sflag:s31] =	ssyncset.done $0x0  }
0x315: {  	s28 =	simm.s32 $0x0;
	[sflag:s31] =	ssyncadd.s32 $0xFFFFEC00  }
0x316: {  	v7 =	vld [tilespmem:s28+$0x600]  }
0x317: {  	v12 =	vld [tilespmem:s28+$0x610]  }
0x318: {  	v6 =	vld [tilespmem:s28+$0x620]  }
0x319: {  	v5 =	vld [tilespmem:s28+$0x630]  }
0x31a: {  	v4 =	vld [tilespmem:s28+$0x640]  }
0x31b: {  	v3 =	vld [tilespmem:s28+$0x650]  }
0x31c: {  	v2 =	vld [tilespmem:s28+$0x660]  }
0x31d: {  	v1 =	vld [tilespmem:s28+$0x670]  }
0x31e: {  	v13 =	vld [tilespmem:s28+$0x7E00]  }
0x31f: {  	v14 =	vld [tilespmem:s28+$0x7E10]  }
0x320: {  	v11 =	vld [tilespmem:s28+$0x7E20]  }
0x321: {  	v10 =	vld [tilespmem:s28+$0x7E30]  }
0x322: {  	v9 =	vld [tilespmem:s28+$0x7E40]  }
0x323: {  	v8 =	vld [tilespmem:s28+$0x7E50];
	v13 =	vadd.f32 v13, v7  }
0x324: {  	s29 =	simm.s32 $0x200;
	v12 =	vadd.f32 v14, v12;
	v7 =	vld [tilespmem:s28+$0x7E60]  }
.LBB2_23:
0x325: {  	s6 =	sshra.s32 s29, $0x2;
	p0 =	sne.s32 s29, $0x4E00;
	v13 =	vmax.f32 v13, $0.0e+00;
	v6 =	vadd.f32 v11, v6;
	v11 =	vld [tilespmem:s28+$0x7E70]  }
0x326: {  	v14 =	vld [tilespmem:s6+$0x600];
	[tilespmem:s28+$0x7E00] =	vst v13;
	v12 =	vmax.f32 v12, $0.0e+00;
	v5 =	vadd.f32 v10, v5  }
0x327: {  	v15 =	vld [tilespmem:s6+$0x610];
	[tilespmem:s28+$0x7E10] =	vst v12;
	v10 =	vmax.f32 v6, $0.0e+00;
	v4 =	vadd.f32 v9, v4  }
0x328: {  	v6 =	vld [tilespmem:s6+$0x620];
	[tilespmem:s28+$0x7E20] =	vst v10;
	v9 =	vmax.f32 v5, $0.0e+00;
	v3 =	vadd.f32 v8, v3  }
0x329: {  	v5 =	vld [tilespmem:s6+$0x630];
	[tilespmem:s28+$0x7E30] =	vst v9;
	v8 =	vmax.f32 v4, $0.0e+00;
	v2 =	vadd.f32 v7, v2  }
0x32a: {  	v4 =	vld [tilespmem:s6+$0x640];
	[tilespmem:s28+$0x7E40] =	vst v8;
	v7 =	vmax.f32 v3, $0.0e+00;
	v1 =	vadd.f32 v11, v1  }
0x32b: {  	v3 =	vld [tilespmem:s6+$0x650];
	[tilespmem:s28+$0x7E50] =	vst v7;
	v7 =	vmax.f32 v2, $0.0e+00  }
0x32c: {  	v2 =	vld [tilespmem:s6+$0x660];
	[tilespmem:s28+$0x7E60] =	vst v7;
	v7 =	vmax.f32 v1, $0.0e+00  }
0x32d: {  	v1 =	vld [tilespmem:s6+$0x670];
	[tilespmem:s28+$0x7E70] =	vst v7;
	s28 =	smov.u32 s6  }
0x32e: {  	v7 =	vld [tilespmem:s28+$0x7E00]  }
0x32f: {  	v12 =	vld [tilespmem:s28+$0x7E10]  }
.Ltmp10:
0x330: {  	v11 =	vld [tilespmem:s28+$0x7E20];
	(pc) =	sbr.rel @p0 .LBB2_23-.Ltmp10, $4  }
0x331: {  	v10 =	vld [tilespmem:s28+$0x7E30]  }
0x332: {  	v9 =	vld [tilespmem:s28+$0x7E40]  }
0x333: {  	v13 =	vadd.f32 v7, v14;
	v8 =	vld [tilespmem:s28+$0x7E50]  }
0x334: {  	s29 =	sadd.s32 $0x200, s29;
	v12 =	vadd.f32 v12, v15;
	v7 =	vld [tilespmem:s28+$0x7E60]  }
0x335: {  	v13 =	vmax.f32 v13, $0.0e+00;
	v6 =	vadd.f32 v11, v6;
	v11 =	vld [tilespmem:s28+$0x7E70]  }
0x336: {  	[tilespmem:s28+$0x7E00] =	vst v13;
	v12 =	vmax.f32 v12, $0.0e+00;
	v5 =	vadd.f32 v10, v5  }
0x337: {  	[tilespmem:s28+$0x7E10] =	vst v12;
	v6 =	vmax.f32 v6, $0.0e+00;
	v4 =	vadd.f32 v9, v4  }
0x338: {  	[tilespmem:s28+$0x7E20] =	vst v6;
	v5 =	vmax.f32 v5, $0.0e+00;
	v3 =	vadd.f32 v8, v3  }
0x339: {  	[tilespmem:s28+$0x7E30] =	vst v5;
	v4 =	vmax.f32 v4, $0.0e+00;
	v2 =	vadd.f32 v7, v2  }
0x33a: {  	[tilespmem:s28+$0x7E40] =	vst v4;
	v3 =	vmax.f32 v3, $0.0e+00;
	v1 =	vadd.f32 v11, v1  }
0x33b: {  	[tilespmem:s28+$0x7E50] =	vst v3;
	v2 =	vmax.f32 v2, $0.0e+00  }
0x33c: {  	[tilespmem:s28+$0x7E60] =	vst v2;
	v1 =	vmax.f32 v1, $0.0e+00  }
0x33d: {  	s6 =	simm.s32 $0x7E00;
	[tilespmem:s28+$0x7E70] =	vst v1  }
0x33e: {  	[spmem:s5] =	stream.indirect.scatter.add.f32 [tilespmem:s6], [sflag:$0x19], $0x80, s4, s16, $0xb8;
	[tilespmem:$0x1FA00] =	vst v63  }
0x33f: {  	_ =	swait.ge [sflag:s0], $0x1400  }
0x340: {  	[sflag:s0] =	ssyncset.done $0x0  }
0x341: {  	s6 =	simm.s32 $0x6;
	[sflag:s0] =	ssyncadd.s32 $0xFFFFEC00  }
0x342: {  	_ =	swait.ge [sflag:s6], $0x28  }
0x343: {  	[sflag:s6] =	ssyncset.done $0x0  }
0x344: {  	[sflag:s6] =	ssyncadd.s32 $0xFFFFFFD8;
	s6 =	simm.s32 $0xC  }
0x345: {  	_ =	swait.ge [sflag:s6], $0x28  }
0x346: {  	[sflag:s6] =	ssyncset.done $0x0  }
0x347: {  	s4 =	simm.s32 $0x2E00;
	[sflag:s6] =	ssyncadd.s32 $0xFFFFFFD8;
	s6 =	simm.s32 $0x280  }
0x348: {  	[tilespmem:s4], [sflag:$0xF] =	stream.indirect.gather [hbm4b:s1+s16], $0x80, s6, s16, $0xb8;
	[tilespmem:$0x1FA00] =	vst v63  }
0x349: {  	s4 =	sshll.u32 s9, $0x4  }
0x34a: {  	s6 =	sadd.s32 s3, s4;
	s4 =	sld [smem:$0x7E3]  }
0x34b: {  	s28 =	simm.s32 $0x0;
	s9 =	simm.s32 $0xA600  }
0x34c: {  	[tilespmem:s9], [sflag:$0x15] =	stream.linear.gather [hbm4b:s6+s28], $0x1400, $0x38;
	[tilespmem:$0x1FA00] =	vst v63  }
0x34d: {  	s9 =	sadd.s32 s18, s4  }
0x34e: {  	s6 =	sshrl.u32 s9, $0x3  }
0x34f: {  	s29 =	simm.s32 $0x80;
	s6 =	sadd.s32 s2, s6  }
0x350: {  	[tilespmem:s29], [sflag:$0x2] =	stream.linear.gather [hbm4b:s6+s28], $0x28, $0x38;
	[tilespmem:$0x1FA00] =	vst v63  }
0x351: {  	s6 =	sadd.s32 $0x9C40, s6;
	s29 =	simm.s32 $0x380  }
0x352: {  	[tilespmem:s29], [sflag:$0x8] =	stream.linear.gather [hbm4b:s6+s28], $0x28, $0x38;
	[tilespmem:$0x1FA00] =	vst v63  }
0x353: {  	_ =	swait.ge [sflag:s13], $0x1400  }
0x354: {  	[sflag:s13] =	ssyncset.done $0x0  }
0x355: {  	s6 =	simm.s32 $0x14;
	[sflag:s13] =	ssyncadd.s32 $0xFFFFEC00  }
0x356: {  	_ =	swait.ge [sflag:s6], $0x1400  }
0x357: {  	[sflag:s6] =	ssyncset.done $0x0  }
0x358: {  	s28 =	simm.s32 $0x0;
	[sflag:s6] =	ssyncadd.s32 $0xFFFFEC00  }
0x359: {  	v7 =	vld [tilespmem:s28+$0x1A00]  }
0x35a: {  	v12 =	vld [tilespmem:s28+$0x1A10]  }
0x35b: {  	v6 =	vld [tilespmem:s28+$0x1A20]  }
0x35c: {  	v5 =	vld [tilespmem:s28+$0x1A30]  }
0x35d: {  	v4 =	vld [tilespmem:s28+$0x1A40]  }
0x35e: {  	v3 =	vld [tilespmem:s28+$0x1A50]  }
0x35f: {  	v2 =	vld [tilespmem:s28+$0x1A60]  }
0x360: {  	v1 =	vld [tilespmem:s28+$0x1A70]  }
0x361: {  	v13 =	vld [tilespmem:s28+$0x9200]  }
0x362: {  	v14 =	vld [tilespmem:s28+$0x9210]  }
0x363: {  	v11 =	vld [tilespmem:s28+$0x9220]  }
0x364: {  	v10 =	vld [tilespmem:s28+$0x9230]  }
0x365: {  	v9 =	vld [tilespmem:s28+$0x9240]  }
0x366: {  	v8 =	vld [tilespmem:s28+$0x9250];
	v13 =	vadd.f32 v13, v7  }
0x367: {  	s29 =	simm.s32 $0x200;
	v12 =	vadd.f32 v14, v12;
	v7 =	vld [tilespmem:s28+$0x9260]  }
.LBB2_25:
0x368: {  	s6 =	sshra.s32 s29, $0x2;
	p0 =	sne.s32 s29, $0x4E00;
	v13 =	vmax.f32 v13, $0.0e+00;
	v6 =	vadd.f32 v11, v6;
	v11 =	vld [tilespmem:s28+$0x9270]  }
0x369: {  	v14 =	vld [tilespmem:s6+$0x1A00];
	[tilespmem:s28+$0x9200] =	vst v13;
	v12 =	vmax.f32 v12, $0.0e+00;
	v5 =	vadd.f32 v10, v5  }
0x36a: {  	v15 =	vld [tilespmem:s6+$0x1A10];
	[tilespmem:s28+$0x9210] =	vst v12;
	v10 =	vmax.f32 v6, $0.0e+00;
	v4 =	vadd.f32 v9, v4  }
0x36b: {  	v6 =	vld [tilespmem:s6+$0x1A20];
	[tilespmem:s28+$0x9220] =	vst v10;
	v9 =	vmax.f32 v5, $0.0e+00;
	v3 =	vadd.f32 v8, v3  }
0x36c: {  	v5 =	vld [tilespmem:s6+$0x1A30];
	[tilespmem:s28+$0x9230] =	vst v9;
	v8 =	vmax.f32 v4, $0.0e+00;
	v2 =	vadd.f32 v7, v2  }
0x36d: {  	v4 =	vld [tilespmem:s6+$0x1A40];
	[tilespmem:s28+$0x9240] =	vst v8;
	v7 =	vmax.f32 v3, $0.0e+00;
	v1 =	vadd.f32 v11, v1  }
0x36e: {  	v3 =	vld [tilespmem:s6+$0x1A50];
	[tilespmem:s28+$0x9250] =	vst v7;
	v7 =	vmax.f32 v2, $0.0e+00  }
0x36f: {  	v2 =	vld [tilespmem:s6+$0x1A60];
	[tilespmem:s28+$0x9260] =	vst v7;
	v7 =	vmax.f32 v1, $0.0e+00  }
0x370: {  	v1 =	vld [tilespmem:s6+$0x1A70];
	[tilespmem:s28+$0x9270] =	vst v7;
	s28 =	smov.u32 s6  }
0x371: {  	v7 =	vld [tilespmem:s28+$0x9200]  }
0x372: {  	v12 =	vld [tilespmem:s28+$0x9210]  }
.Ltmp11:
0x373: {  	v11 =	vld [tilespmem:s28+$0x9220];
	(pc) =	sbr.rel @p0 .LBB2_25-.Ltmp11, $4  }
0x374: {  	v10 =	vld [tilespmem:s28+$0x9230]  }
0x375: {  	v9 =	vld [tilespmem:s28+$0x9240]  }
0x376: {  	v13 =	vadd.f32 v7, v14;
	v8 =	vld [tilespmem:s28+$0x9250]  }
0x377: {  	s29 =	sadd.s32 $0x200, s29;
	v12 =	vadd.f32 v12, v15;
	v7 =	vld [tilespmem:s28+$0x9260]  }
0x378: {  	v13 =	vmax.f32 v13, $0.0e+00;
	v6 =	vadd.f32 v11, v6;
	v11 =	vld [tilespmem:s28+$0x9270]  }
0x379: {  	[tilespmem:s28+$0x9200] =	vst v13;
	v12 =	vmax.f32 v12, $0.0e+00;
	v5 =	vadd.f32 v10, v5  }
0x37a: {  	[tilespmem:s28+$0x9210] =	vst v12;
	v6 =	vmax.f32 v6, $0.0e+00;
	v4 =	vadd.f32 v9, v4  }
0x37b: {  	[tilespmem:s28+$0x9220] =	vst v6;
	v5 =	vmax.f32 v5, $0.0e+00;
	v3 =	vadd.f32 v8, v3  }
0x37c: {  	[tilespmem:s28+$0x9230] =	vst v5;
	v4 =	vmax.f32 v4, $0.0e+00;
	v2 =	vadd.f32 v7, v2  }
0x37d: {  	[tilespmem:s28+$0x9240] =	vst v4;
	v3 =	vmax.f32 v3, $0.0e+00;
	v1 =	vadd.f32 v11, v1  }
0x37e: {  	[tilespmem:s28+$0x9250] =	vst v3;
	v2 =	vmax.f32 v2, $0.0e+00  }
0x37f: {  	[tilespmem:s28+$0x9260] =	vst v2;
	v1 =	vmax.f32 v1, $0.0e+00  }
0x380: {  	s4 =	simm.s32 $0x500;
	s6 =	simm.s32 $0x9200;
	[tilespmem:s28+$0x9270] =	vst v1  }
0x381: {  	[spmem:s5] =	stream.indirect.scatter.add.f32 [tilespmem:s6], [sflag:$0x1A], $0x80, s4, s16, $0xb8;
	[tilespmem:$0x1FA00] =	vst v63  }
0x382: {  	_ =	swait.ge [sflag:s10], $0x1400  }
0x383: {  	[sflag:s10] =	ssyncset.done $0x0  }
0x384: {  	s6 =	simm.s32 $0x1;
	[sflag:s10] =	ssyncadd.s32 $0xFFFFEC00  }
0x385: {  	_ =	swait.ge [sflag:s6], $0x28  }
0x386: {  	[sflag:s6] =	ssyncset.done $0x0  }
0x387: {  	[sflag:s6] =	ssyncadd.s32 $0xFFFFFFD8  }
0x388: {  	_ =	swait.ge [sflag:s14], $0x28  }
0x389: {  	s22 =	sshll.u32 s22, $0x4;
	[sflag:s14] =	ssyncset.done $0x0  }
0x38a: {  	s4 =	simm.s32 $0x600;
	s6 =	simm.s32 $0x0;
	[sflag:s14] =	ssyncadd.s32 $0xFFFFFFD8  }
0x38b: {  	[tilespmem:s4], [sflag:$0xD] =	stream.indirect.gather [hbm4b:s1+s16], $0x80, s6, s16, $0xb8;
	[tilespmem:$0x1FA00] =	vst v63  }
0x38c: {  	s22 =	sadd.s32 s3, s22;
	s4 =	simm.s32 $0x4200  }
0x38d: {  	[tilespmem:s4], [sflag:$0x10] =	stream.linear.gather [hbm4b:s22+s6], $0x1400, $0x38;
	[tilespmem:$0x1FA00] =	vst v63  }
0x38e: {  	s4 =	sld [smem:$0x7E4];
	_ =	sdelay $0x2  }
0x38f: {  	s22 =	sadd.s32 s18, s4  }
0x390: {  	s22 =	sshrl.u32 s22, $0x3  }
0x391: {  	s29 =	simm.s32 $0x100;
	s22 =	sadd.s32 s2, s22  }
0x392: {  	[tilespmem:s29], [sflag:$0x3] =	stream.linear.gather [hbm4b:s22+s6], $0x28, $0x38;
	[tilespmem:$0x1FA00] =	vst v63  }
0x393: {  	s28 =	simm.s32 $0x400;
	s22 =	sadd.s32 $0x9C40, s22  }
0x394: {  	[tilespmem:s28], [sflag:$0x9] =	stream.linear.gather [hbm4b:s22+s6], $0x28, $0x38;
	[tilespmem:$0x1FA00] =	vst v63  }
0x395: {  	_ =	swait.ge [sflag:s23], $0x1400  }
0x396: {  	[sflag:s23] =	ssyncset.done $0x0  }
0x397: {  	s22 =	simm.s32 $0x15;
	[sflag:s23] =	ssyncadd.s32 $0xFFFFEC00  }
0x398: {  	_ =	swait.ge [sflag:s22], $0x1400  }
0x399: {  	[sflag:s22] =	ssyncset.done $0x0  }
0x39a: {  	[sflag:s22] =	ssyncadd.s32 $0xFFFFEC00;
	s22 =	simm.s32 $0x0  }
0x39b: {  	v7 =	vld [tilespmem:s22+$0x2E00]  }
0x39c: {  	v12 =	vld [tilespmem:s22+$0x2E10]  }
0x39d: {  	v6 =	vld [tilespmem:s22+$0x2E20]  }
0x39e: {  	v5 =	vld [tilespmem:s22+$0x2E30]  }
0x39f: {  	v4 =	vld [tilespmem:s22+$0x2E40]  }
0x3a0: {  	v3 =	vld [tilespmem:s22+$0x2E50]  }
0x3a1: {  	v2 =	vld [tilespmem:s22+$0x2E60]  }
0x3a2: {  	v1 =	vld [tilespmem:s22+$0x2E70]  }
0x3a3: {  	v13 =	vld [tilespmem:s22+$0xA600]  }
0x3a4: {  	v14 =	vld [tilespmem:s22+$0xA610]  }
0x3a5: {  	v11 =	vld [tilespmem:s22+$0xA620]  }
0x3a6: {  	v10 =	vld [tilespmem:s22+$0xA630]  }
0x3a7: {  	v9 =	vld [tilespmem:s22+$0xA640]  }
0x3a8: {  	v8 =	vld [tilespmem:s22+$0xA650];
	v13 =	vadd.f32 v13, v7  }
0x3a9: {  	s28 =	simm.s32 $0x200;
	v12 =	vadd.f32 v14, v12;
	v7 =	vld [tilespmem:s22+$0xA660]  }
.LBB2_27:
0x3aa: {  	s6 =	sshra.s32 s28, $0x2;
	p0 =	sne.s32 s28, $0x4E00;
	v13 =	vmax.f32 v13, $0.0e+00;
	v6 =	vadd.f32 v11, v6;
	v11 =	vld [tilespmem:s22+$0xA670]  }
0x3ab: {  	v14 =	vld [tilespmem:s6+$0x2E00];
	[tilespmem:s22+$0xA600] =	vst v13;
	v12 =	vmax.f32 v12, $0.0e+00;
	v5 =	vadd.f32 v10, v5  }
0x3ac: {  	v15 =	vld [tilespmem:s6+$0x2E10];
	[tilespmem:s22+$0xA610] =	vst v12;
	v10 =	vmax.f32 v6, $0.0e+00;
	v4 =	vadd.f32 v9, v4  }
0x3ad: {  	v6 =	vld [tilespmem:s6+$0x2E20];
	[tilespmem:s22+$0xA620] =	vst v10;
	v9 =	vmax.f32 v5, $0.0e+00;
	v3 =	vadd.f32 v8, v3  }
0x3ae: {  	v5 =	vld [tilespmem:s6+$0x2E30];
	[tilespmem:s22+$0xA630] =	vst v9;
	v8 =	vmax.f32 v4, $0.0e+00;
	v2 =	vadd.f32 v7, v2  }
0x3af: {  	v4 =	vld [tilespmem:s6+$0x2E40];
	[tilespmem:s22+$0xA640] =	vst v8;
	v7 =	vmax.f32 v3, $0.0e+00;
	v1 =	vadd.f32 v11, v1  }
0x3b0: {  	v3 =	vld [tilespmem:s6+$0x2E50];
	[tilespmem:s22+$0xA650] =	vst v7;
	v7 =	vmax.f32 v2, $0.0e+00  }
0x3b1: {  	v2 =	vld [tilespmem:s6+$0x2E60];
	[tilespmem:s22+$0xA660] =	vst v7;
	v7 =	vmax.f32 v1, $0.0e+00  }
0x3b2: {  	v1 =	vld [tilespmem:s6+$0x2E70];
	[tilespmem:s22+$0xA670] =	vst v7;
	s22 =	smov.u32 s6  }
0x3b3: {  	v7 =	vld [tilespmem:s22+$0xA600]  }
0x3b4: {  	v12 =	vld [tilespmem:s22+$0xA610]  }
.Ltmp12:
0x3b5: {  	v11 =	vld [tilespmem:s22+$0xA620];
	(pc) =	sbr.rel @p0 .LBB2_27-.Ltmp12, $4  }
0x3b6: {  	v10 =	vld [tilespmem:s22+$0xA630]  }
0x3b7: {  	v9 =	vld [tilespmem:s22+$0xA640]  }
0x3b8: {  	v13 =	vadd.f32 v7, v14;
	v8 =	vld [tilespmem:s22+$0xA650]  }
0x3b9: {  	s28 =	sadd.s32 $0x200, s28;
	v12 =	vadd.f32 v12, v15;
	v7 =	vld [tilespmem:s22+$0xA660]  }
0x3ba: {  	v13 =	vmax.f32 v13, $0.0e+00;
	v6 =	vadd.f32 v11, v6;
	v63 =	vld [tilespmem:s22+$0xA670]  }
0x3bb: {  	[tilespmem:s22+$0xA600] =	vst v13;
	v12 =	vmax.f32 v12, $0.0e+00;
	v5 =	vadd.f32 v10, v5  }
0x3bc: {  	[tilespmem:s22+$0xA610] =	vst v12;
	v6 =	vmax.f32 v6, $0.0e+00;
	v4 =	vadd.f32 v9, v4  }
0x3bd: {  	[tilespmem:s22+$0xA620] =	vst v6;
	v5 =	vmax.f32 v5, $0.0e+00;
	v3 =	vadd.f32 v8, v3  }
0x3be: {  	[tilespmem:s22+$0xA630] =	vst v5;
	v4 =	vmax.f32 v4, $0.0e+00;
	v2 =	vadd.f32 v7, v2  }
0x3bf: {  	[tilespmem:s22+$0xA640] =	vst v4;
	v3 =	vmax.f32 v3, $0.0e+00;
	v1 =	vadd.f32 v63, v1  }
0x3c0: {  	[tilespmem:s22+$0xA650] =	vst v3;
	v2 =	vmax.f32 v2, $0.0e+00  }
0x3c1: {  	[tilespmem:s22+$0xA660] =	vst v2;
	v1 =	vmax.f32 v1, $0.0e+00  }
0x3c2: {  	s4 =	simm.s32 $0xA600;
	s6 =	simm.s32 $0x580;
	[tilespmem:s22+$0xA670] =	vst v1  }
0x3c3: {  	[spmem:s5] =	stream.indirect.scatter.add.f32 [tilespmem:s4], [sflag:$0x1B], $0x80, s6, s16, $0xb8;
	[tilespmem:$0x1FA00] =	vst v63  }
0x3c4: {  	_ =	swait.ge [sflag:s7], $0x1400  }
0x3c5: {  	[sflag:s7] =	ssyncset.done $0x0  }
0x3c6: {  	[sflag:s7] =	ssyncadd.s32 $0xFFFFEC00  }
0x3c7: {  	_ =	swait.ge [sflag:s19], $0x28  }
0x3c8: {  	[sflag:s19] =	ssyncset.done $0x0  }
0x3c9: {  	[sflag:s19] =	ssyncadd.s32 $0xFFFFFFD8  }
0x3ca: {  	_ =	swait.ge [sflag:s20], $0x28  }
0x3cb: {  	[sflag:s20] =	ssyncset.done $0x0  }
0x3cc: {  	s22 =	simm.s32 $0x1A00;
	s4 =	simm.s32 $0x80;
	[sflag:s20] =	ssyncadd.s32 $0xFFFFFFD8  }
0x3cd: {  	[tilespmem:s22], [sflag:$0xE] =	stream.indirect.gather [hbm4b:s1+s16], $0x80, s4, s16, $0xb8;
	[tilespmem:$0x1FA00] =	vst v63  }
0x3ce: {  	s9 =	sshll.u32 s9, $0x4;
	s17 =	sadd.s32 $0x1, s17;
	s4 =	sld [smem:$0x7E5]  }
0x3cf: {  	s6 =	sadd.s32 s3, s9;
	s9 =	simm.s32 $0x0;
	s22 =	simm.s32 $0x5600  }
0x3d0: {  	[tilespmem:s22], [sflag:$0x11] =	stream.linear.gather [hbm4b:s6+s9], $0x1400, $0x38;
	[tilespmem:$0x1FA00] =	vst v63  }
0x3d1: {  	p0 =	sne.s32 s17, $0x28;
	s6 =	sadd.s32 s18, s4  }
.Ltmp13:
0x3d2: {  	s6 =	sshrl.u32 s6, $0x3;
	(pc) =	sbr.rel @p0 .LBB2_16-.Ltmp13, $4  }
0x3d3: {  	s22 =	simm.s32 $0x180;
	s6 =	sadd.s32 s2, s6  }
0x3d4: {  	[tilespmem:s22], [sflag:$0x4] =	stream.linear.gather [hbm4b:s6+s9], $0x28, $0x38;
	[tilespmem:$0x1FA00] =	vst v63  }
0x3d5: {  	s28 =	simm.s32 $0x480;
	s6 =	sadd.s32 $0x9C40, s6  }
0x3d6: {  	[tilespmem:s28], [sflag:$0xA] =	stream.linear.gather [hbm4b:s6+s9], $0x28, $0x38;
	[tilespmem:$0x1FA00] =	vst v63  }
0x3d7: {  	_ =	swait.ge [sflag:s15], $0x1400  }
0x3d8: {  	[sflag:s15] =	ssyncset.done $0x0  }
0x3d9: {  	[sflag:s15] =	ssyncadd.s32 $0xFFFFEC00  }
0x3da: {  	_ =	swait.ge [sflag:s25], $0x1400  }
0x3db: {  	[sflag:s25] =	ssyncset.done $0x0  }
0x3dc: {  	s9 =	simm.s32 $0x0;
	[sflag:s25] =	ssyncadd.s32 $0xFFFFEC00  }
0x3dd: {  	v7 =	vld [tilespmem:s9+$0x600]  }
0x3de: {  	v12 =	vld [tilespmem:s9+$0x610]  }
0x3df: {  	v6 =	vld [tilespmem:s9+$0x620]  }
0x3e0: {  	v5 =	vld [tilespmem:s9+$0x630]  }
0x3e1: {  	v4 =	vld [tilespmem:s9+$0x640]  }
0x3e2: {  	v3 =	vld [tilespmem:s9+$0x650]  }
0x3e3: {  	v2 =	vld [tilespmem:s9+$0x660]  }
0x3e4: {  	v1 =	vld [tilespmem:s9+$0x670]  }
0x3e5: {  	v13 =	vld [tilespmem:s9+$0x4200]  }
0x3e6: {  	v14 =	vld [tilespmem:s9+$0x4210]  }
0x3e7: {  	v11 =	vld [tilespmem:s9+$0x4220]  }
0x3e8: {  	v10 =	vld [tilespmem:s9+$0x4230]  }
0x3e9: {  	v9 =	vld [tilespmem:s9+$0x4240]  }
0x3ea: {  	v8 =	vld [tilespmem:s9+$0x4250];
	v13 =	vadd.f32 v13, v7  }
0x3eb: {  	s17 =	simm.s32 $0x200;
	v12 =	vadd.f32 v14, v12;
	v7 =	vld [tilespmem:s9+$0x4260]  }
.LBB2_30:
0x3ec: {  	s6 =	sshra.s32 s17, $0x2;
	p0 =	sne.s32 s17, $0x4E00;
	v13 =	vmax.f32 v13, $0.0e+00;
	v6 =	vadd.f32 v11, v6;
	v11 =	vld [tilespmem:s9+$0x4270]  }
0x3ed: {  	v14 =	vld [tilespmem:s6+$0x600];
	[tilespmem:s9+$0x4200] =	vst v13;
	v12 =	vmax.f32 v12, $0.0e+00;
	v5 =	vadd.f32 v10, v5  }
0x3ee: {  	v15 =	vld [tilespmem:s6+$0x610];
	[tilespmem:s9+$0x4210] =	vst v12;
	v10 =	vmax.f32 v6, $0.0e+00;
	v4 =	vadd.f32 v9, v4  }
0x3ef: {  	v6 =	vld [tilespmem:s6+$0x620];
	[tilespmem:s9+$0x4220] =	vst v10;
	v9 =	vmax.f32 v5, $0.0e+00;
	v3 =	vadd.f32 v8, v3  }
0x3f0: {  	v5 =	vld [tilespmem:s6+$0x630];
	[tilespmem:s9+$0x4230] =	vst v9;
	v8 =	vmax.f32 v4, $0.0e+00;
	v2 =	vadd.f32 v7, v2  }
0x3f1: {  	v4 =	vld [tilespmem:s6+$0x640];
	[tilespmem:s9+$0x4240] =	vst v8;
	v7 =	vmax.f32 v3, $0.0e+00;
	v1 =	vadd.f32 v11, v1  }
0x3f2: {  	v3 =	vld [tilespmem:s6+$0x650];
	[tilespmem:s9+$0x4250] =	vst v7;
	v7 =	vmax.f32 v2, $0.0e+00  }
0x3f3: {  	v2 =	vld [tilespmem:s6+$0x660];
	[tilespmem:s9+$0x4260] =	vst v7;
	v7 =	vmax.f32 v1, $0.0e+00  }
0x3f4: {  	v1 =	vld [tilespmem:s6+$0x670];
	[tilespmem:s9+$0x4270] =	vst v7;
	s9 =	smov.u32 s6  }
0x3f5: {  	v7 =	vld [tilespmem:s9+$0x4200]  }
0x3f6: {  	v12 =	vld [tilespmem:s9+$0x4210]  }
.Ltmp14:
0x3f7: {  	v11 =	vld [tilespmem:s9+$0x4220];
	(pc) =	sbr.rel @p0 .LBB2_30-.Ltmp14, $4  }
0x3f8: {  	v10 =	vld [tilespmem:s9+$0x4230]  }
0x3f9: {  	v9 =	vld [tilespmem:s9+$0x4240]  }
0x3fa: {  	v13 =	vadd.f32 v7, v14;
	v8 =	vld [tilespmem:s9+$0x4250]  }
0x3fb: {  	s17 =	sadd.s32 $0x200, s17;
	v12 =	vadd.f32 v12, v15;
	v7 =	vld [tilespmem:s9+$0x4260]  }
0x3fc: {  	v13 =	vmax.f32 v13, $0.0e+00;
	v6 =	vadd.f32 v11, v6;
	v11 =	vld [tilespmem:s9+$0x4270]  }
0x3fd: {  	[tilespmem:s9+$0x4200] =	vst v13;
	v12 =	vmax.f32 v12, $0.0e+00;
	v5 =	vadd.f32 v10, v5  }
0x3fe: {  	[tilespmem:s9+$0x4210] =	vst v12;
	v6 =	vmax.f32 v6, $0.0e+00;
	v4 =	vadd.f32 v9, v4  }
0x3ff: {  	[tilespmem:s9+$0x4220] =	vst v6;
	v5 =	vmax.f32 v5, $0.0e+00;
	v3 =	vadd.f32 v8, v3  }
0x400: {  	[tilespmem:s9+$0x4230] =	vst v5;
	v4 =	vmax.f32 v4, $0.0e+00;
	v2 =	vadd.f32 v7, v2  }
0x401: {  	[tilespmem:s9+$0x4240] =	vst v4;
	v3 =	vmax.f32 v3, $0.0e+00;
	v1 =	vadd.f32 v11, v1  }
0x402: {  	[tilespmem:s9+$0x4250] =	vst v3;
	v2 =	vmax.f32 v2, $0.0e+00  }
0x403: {  	[tilespmem:s9+$0x4260] =	vst v2;
	v1 =	vmax.f32 v1, $0.0e+00  }
0x404: {  	s6 =	simm.s32 $0x300;
	s4 =	simm.s32 $0x4200;
	[tilespmem:s9+$0x4270] =	vst v1  }
0x405: {  	[spmem:s5] =	stream.indirect.scatter.add.f32 [tilespmem:s4], [sflag:$0x16], $0x80, s6, s16, $0xb8;
	[tilespmem:$0x1FA00] =	vst v63  }
0x406: {  	s6 =	simm.s32 $0x1A  }
0x407: {  	_ =	swait.ge [sflag:s6], $0x1400  }
0x408: {  	[sflag:s6] =	ssyncset.done $0x0  }
0x409: {  	[sflag:s6] =	ssyncadd.s32 $0xFFFFEC00  }
0x40a: {  	_ =	swait.ge [sflag:s30], $0x28  }
0x40b: {  	[sflag:s30] =	ssyncset.done $0x0  }
0x40c: {  	[sflag:s30] =	ssyncadd.s32 $0xFFFFFFD8  }
0x40d: {  	_ =	swait.ge [sflag:s8], $0x28  }
0x40e: {  	[sflag:s8] =	ssyncset.done $0x0  }
0x40f: {  	s9 =	simm.s32 $0x2E00;
	s18 =	sld [smem:$0x7E6];
	[sflag:s8] =	ssyncadd.s32 $0xFFFFFFD8  }
0x410: {  	[tilespmem:s9], [sflag:$0xF] =	stream.indirect.gather [hbm4b:s1+s16], $0x80, s29, s16, $0xb8;
	[tilespmem:$0x1FA00] =	vst v63  }
0x411: {  	s17 =	simm.s32 $0x0;
	s22 =	simm.s32 $0x6A00  }
0x412: {  	[tilespmem:s22], [sflag:$0x12] =	stream.linear.gather [hbm4b:s18+s17], $0x1400, $0x38;
	[tilespmem:$0x1FA00] =	vst v63  }
0x413: {  	_ =	swait.ge [sflag:s13], $0x1400  }
0x414: {  	[sflag:s13] =	ssyncset.done $0x0  }
0x415: {  	[sflag:s13] =	ssyncadd.s32 $0xFFFFEC00  }
0x416: {  	_ =	swait.ge [sflag:s11], $0x1400  }
0x417: {  	[sflag:s11] =	ssyncset.done $0x0  }
0x418: {  	s9 =	simm.s32 $0x0;
	[sflag:s11] =	ssyncadd.s32 $0xFFFFEC00  }
0x419: {  	v7 =	vld [tilespmem:s9+$0x1A00]  }
0x41a: {  	v12 =	vld [tilespmem:s9+$0x1A10]  }
0x41b: {  	v6 =	vld [tilespmem:s9+$0x1A20]  }
0x41c: {  	v5 =	vld [tilespmem:s9+$0x1A30]  }
0x41d: {  	v4 =	vld [tilespmem:s9+$0x1A40]  }
0x41e: {  	v3 =	vld [tilespmem:s9+$0x1A50]  }
0x41f: {  	v2 =	vld [tilespmem:s9+$0x1A60]  }
0x420: {  	v1 =	vld [tilespmem:s9+$0x1A70]  }
0x421: {  	v13 =	vld [tilespmem:s9+$0x5600]  }
0x422: {  	v14 =	vld [tilespmem:s9+$0x5610]  }
0x423: {  	v11 =	vld [tilespmem:s9+$0x5620]  }
0x424: {  	v10 =	vld [tilespmem:s9+$0x5630]  }
0x425: {  	v9 =	vld [tilespmem:s9+$0x5640]  }
0x426: {  	v8 =	vld [tilespmem:s9+$0x5650];
	v13 =	vadd.f32 v13, v7  }
0x427: {  	s17 =	simm.s32 $0x200;
	s18 =	rddreg [dreg:$0xe];
	v12 =	vadd.f32 v14, v12;
	v7 =	vld [tilespmem:s9+$0x5660]  }
.LBB2_32:
0x428: {  	s6 =	sshra.s32 s17, $0x2;
	p0 =	sne.s32 s17, $0x4E00;
	v13 =	vmax.f32 v13, $0.0e+00;
	v6 =	vadd.f32 v11, v6;
	v11 =	vld [tilespmem:s9+$0x5670]  }
0x429: {  	v14 =	vld [tilespmem:s6+$0x1A00];
	[tilespmem:s9+$0x5600] =	vst v13;
	v12 =	vmax.f32 v12, $0.0e+00;
	v5 =	vadd.f32 v10, v5  }
0x42a: {  	v15 =	vld [tilespmem:s6+$0x1A10];
	[tilespmem:s9+$0x5610] =	vst v12;
	v10 =	vmax.f32 v6, $0.0e+00;
	v4 =	vadd.f32 v9, v4  }
0x42b: {  	v6 =	vld [tilespmem:s6+$0x1A20];
	[tilespmem:s9+$0x5620] =	vst v10;
	v9 =	vmax.f32 v5, $0.0e+00;
	v3 =	vadd.f32 v8, v3  }
0x42c: {  	v5 =	vld [tilespmem:s6+$0x1A30];
	[tilespmem:s9+$0x5630] =	vst v9;
	v8 =	vmax.f32 v4, $0.0e+00;
	v2 =	vadd.f32 v7, v2  }
0x42d: {  	v4 =	vld [tilespmem:s6+$0x1A40];
	[tilespmem:s9+$0x5640] =	vst v8;
	v7 =	vmax.f32 v3, $0.0e+00;
	v1 =	vadd.f32 v11, v1  }
0x42e: {  	v3 =	vld [tilespmem:s6+$0x1A50];
	[tilespmem:s9+$0x5650] =	vst v7;
	v7 =	vmax.f32 v2, $0.0e+00  }
0x42f: {  	v2 =	vld [tilespmem:s6+$0x1A60];
	[tilespmem:s9+$0x5660] =	vst v7;
	v7 =	vmax.f32 v1, $0.0e+00  }
0x430: {  	v1 =	vld [tilespmem:s6+$0x1A70];
	[tilespmem:s9+$0x5670] =	vst v7;
	s9 =	smov.u32 s6  }
0x431: {  	v7 =	vld [tilespmem:s9+$0x5600]  }
0x432: {  	v12 =	vld [tilespmem:s9+$0x5610]  }
.Ltmp15:
0x433: {  	v11 =	vld [tilespmem:s9+$0x5620];
	(pc) =	sbr.rel @p0 .LBB2_32-.Ltmp15, $4  }
0x434: {  	v10 =	vld [tilespmem:s9+$0x5630]  }
0x435: {  	v9 =	vld [tilespmem:s9+$0x5640]  }
0x436: {  	v13 =	vadd.f32 v7, v14;
	v8 =	vld [tilespmem:s9+$0x5650]  }
0x437: {  	s17 =	sadd.s32 $0x200, s17;
	v12 =	vadd.f32 v12, v15;
	v7 =	vld [tilespmem:s9+$0x5660]  }
0x438: {  	v13 =	vmax.f32 v13, $0.0e+00;
	v6 =	vadd.f32 v11, v6;
	v11 =	vld [tilespmem:s9+$0x5670]  }
0x439: {  	[tilespmem:s9+$0x5600] =	vst v13;
	v12 =	vmax.f32 v12, $0.0e+00;
	v5 =	vadd.f32 v10, v5  }
0x43a: {  	[tilespmem:s9+$0x5610] =	vst v12;
	v6 =	vmax.f32 v6, $0.0e+00;
	v4 =	vadd.f32 v9, v4  }
0x43b: {  	[tilespmem:s9+$0x5620] =	vst v6;
	v5 =	vmax.f32 v5, $0.0e+00;
	v3 =	vadd.f32 v8, v3  }
0x43c: {  	[tilespmem:s9+$0x5630] =	vst v5;
	v4 =	vmax.f32 v4, $0.0e+00;
	v2 =	vadd.f32 v7, v2  }
0x43d: {  	[tilespmem:s9+$0x5640] =	vst v4;
	v3 =	vmax.f32 v3, $0.0e+00;
	v1 =	vadd.f32 v11, v1  }
0x43e: {  	[tilespmem:s9+$0x5650] =	vst v3;
	v2 =	vmax.f32 v2, $0.0e+00  }
0x43f: {  	[tilespmem:s9+$0x5660] =	vst v2;
	v1 =	vmax.f32 v1, $0.0e+00  }
0x440: {  	s6 =	simm.s32 $0x380;
	s4 =	simm.s32 $0x5600;
	[tilespmem:s9+$0x5670] =	vst v1;
	s9 =	simm.s32 $0x1B  }
0x441: {  	[spmem:s5] =	stream.indirect.scatter.add.f32 [tilespmem:s4], [sflag:$0x17], $0x80, s6, s16, $0xb8;
	[tilespmem:$0x1FA00] =	vst v63  }
0x442: {  	_ =	swait.ge [sflag:s9], $0x1400  }
0x443: {  	[sflag:s9] =	ssyncset.done $0x0  }
0x444: {  	[sflag:s9] =	ssyncadd.s32 $0xFFFFEC00  }
0x445: {  	_ =	swait.ge [sflag:s12], $0x28  }
0x446: {  	[sflag:s12] =	ssyncset.done $0x0  }
0x447: {  	[sflag:s12] =	ssyncadd.s32 $0xFFFFFFD8  }
0x448: {  	_ =	swait.ge [sflag:s21], $0x28  }
0x449: {  	[sflag:s21] =	ssyncset.done $0x0  }
0x44a: {  	s17 =	simm.s32 $0x180;
	s22 =	simm.s32 $0x600;
	[sflag:s21] =	ssyncadd.s32 $0xFFFFFFD8  }
0x44b: {  	[tilespmem:s22], [sflag:$0xD] =	stream.indirect.gather [hbm4b:s1+s16], $0x80, s17, s16, $0xb8;
	[tilespmem:$0x1FA00] =	vst v63  }
0x44c: {  	s17 =	sld [smem:$0x7E7];
	_ =	sdelay $0x1  }
0x44d: {  	s9 =	simm.s32 $0x0;
	s22 =	simm.s32 $0x7E00  }
0x44e: {  	[tilespmem:s22], [sflag:$0x13] =	stream.linear.gather [hbm4b:s17+s9], $0x1400, $0x38;
	[tilespmem:$0x1FA00] =	vst v63  }
0x44f: {  	_ =	swait.ge [sflag:s23], $0x1400  }
0x450: {  	[sflag:s23] =	ssyncset.done $0x0  }
0x451: {  	[sflag:s23] =	ssyncadd.s32 $0xFFFFEC00  }
0x452: {  	_ =	swait.ge [sflag:s24], $0x1400  }
0x453: {  	[sflag:s24] =	ssyncset.done $0x0  }
0x454: {  	s9 =	simm.s32 $0x0;
	[sflag:s24] =	ssyncadd.s32 $0xFFFFEC00  }
0x455: {  	v7 =	vld [tilespmem:s9+$0x2E00]  }
0x456: {  	v12 =	vld [tilespmem:s9+$0x2E10]  }
0x457: {  	v6 =	vld [tilespmem:s9+$0x2E20]  }
0x458: {  	v5 =	vld [tilespmem:s9+$0x2E30]  }
0x459: {  	v4 =	vld [tilespmem:s9+$0x2E40]  }
0x45a: {  	v3 =	vld [tilespmem:s9+$0x2E50]  }
0x45b: {  	v2 =	vld [tilespmem:s9+$0x2E60]  }
0x45c: {  	v1 =	vld [tilespmem:s9+$0x2E70]  }
0x45d: {  	v13 =	vld [tilespmem:s9+$0x6A00]  }
0x45e: {  	v14 =	vld [tilespmem:s9+$0x6A10]  }
0x45f: {  	v11 =	vld [tilespmem:s9+$0x6A20]  }
0x460: {  	v10 =	vld [tilespmem:s9+$0x6A30]  }
0x461: {  	v9 =	vld [tilespmem:s9+$0x6A40]  }
0x462: {  	v8 =	vld [tilespmem:s9+$0x6A50];
	v13 =	vadd.f32 v13, v7  }
0x463: {  	s17 =	simm.s32 $0x200;
	v12 =	vadd.f32 v14, v12;
	v7 =	vld [tilespmem:s9+$0x6A60]  }
.LBB2_34:
0x464: {  	s6 =	sshra.s32 s17, $0x2;
	p0 =	sne.s32 s17, $0x4E00;
	v13 =	vmax.f32 v13, $0.0e+00;
	v6 =	vadd.f32 v11, v6;
	v11 =	vld [tilespmem:s9+$0x6A70]  }
0x465: {  	v14 =	vld [tilespmem:s6+$0x2E00];
	[tilespmem:s9+$0x6A00] =	vst v13;
	v12 =	vmax.f32 v12, $0.0e+00;
	v5 =	vadd.f32 v10, v5  }
0x466: {  	v15 =	vld [tilespmem:s6+$0x2E10];
	[tilespmem:s9+$0x6A10] =	vst v12;
	v10 =	vmax.f32 v6, $0.0e+00;
	v4 =	vadd.f32 v9, v4  }
0x467: {  	v6 =	vld [tilespmem:s6+$0x2E20];
	[tilespmem:s9+$0x6A20] =	vst v10;
	v9 =	vmax.f32 v5, $0.0e+00;
	v3 =	vadd.f32 v8, v3  }
0x468: {  	v5 =	vld [tilespmem:s6+$0x2E30];
	[tilespmem:s9+$0x6A30] =	vst v9;
	v8 =	vmax.f32 v4, $0.0e+00;
	v2 =	vadd.f32 v7, v2  }
0x469: {  	v4 =	vld [tilespmem:s6+$0x2E40];
	[tilespmem:s9+$0x6A40] =	vst v8;
	v7 =	vmax.f32 v3, $0.0e+00;
	v1 =	vadd.f32 v11, v1  }
0x46a: {  	v3 =	vld [tilespmem:s6+$0x2E50];
	[tilespmem:s9+$0x6A50] =	vst v7;
	v7 =	vmax.f32 v2, $0.0e+00  }
0x46b: {  	v2 =	vld [tilespmem:s6+$0x2E60];
	[tilespmem:s9+$0x6A60] =	vst v7;
	v7 =	vmax.f32 v1, $0.0e+00  }
0x46c: {  	v1 =	vld [tilespmem:s6+$0x2E70];
	[tilespmem:s9+$0x6A70] =	vst v7;
	s9 =	smov.u32 s6  }
0x46d: {  	v7 =	vld [tilespmem:s9+$0x6A00]  }
0x46e: {  	v12 =	vld [tilespmem:s9+$0x6A10]  }
.Ltmp16:
0x46f: {  	v11 =	vld [tilespmem:s9+$0x6A20];
	(pc) =	sbr.rel @p0 .LBB2_34-.Ltmp16, $4  }
0x470: {  	v10 =	vld [tilespmem:s9+$0x6A30]  }
0x471: {  	v9 =	vld [tilespmem:s9+$0x6A40]  }
0x472: {  	v13 =	vadd.f32 v7, v14;
	v8 =	vld [tilespmem:s9+$0x6A50]  }
0x473: {  	s17 =	sadd.s32 $0x200, s17;
	v12 =	vadd.f32 v12, v15;
	v7 =	vld [tilespmem:s9+$0x6A60]  }
0x474: {  	v13 =	vmax.f32 v13, $0.0e+00;
	v6 =	vadd.f32 v11, v6;
	v11 =	vld [tilespmem:s9+$0x6A70]  }
0x475: {  	[tilespmem:s9+$0x6A00] =	vst v13;
	v12 =	vmax.f32 v12, $0.0e+00;
	v5 =	vadd.f32 v10, v5  }
0x476: {  	[tilespmem:s9+$0x6A10] =	vst v12;
	v6 =	vmax.f32 v6, $0.0e+00;
	v4 =	vadd.f32 v9, v4  }
0x477: {  	[tilespmem:s9+$0x6A20] =	vst v6;
	v5 =	vmax.f32 v5, $0.0e+00;
	v3 =	vadd.f32 v8, v3  }
0x478: {  	[tilespmem:s9+$0x6A30] =	vst v5;
	v4 =	vmax.f32 v4, $0.0e+00;
	v2 =	vadd.f32 v7, v2  }
0x479: {  	[tilespmem:s9+$0x6A40] =	vst v4;
	v3 =	vmax.f32 v3, $0.0e+00;
	v1 =	vadd.f32 v11, v1  }
0x47a: {  	[tilespmem:s9+$0x6A50] =	vst v3;
	v2 =	vmax.f32 v2, $0.0e+00  }
0x47b: {  	[tilespmem:s9+$0x6A60] =	vst v2;
	v1 =	vmax.f32 v1, $0.0e+00  }
0x47c: {  	s6 =	simm.s32 $0x400;
	s4 =	simm.s32 $0x6A00;
	[tilespmem:s9+$0x6A70] =	vst v1  }
0x47d: {  	[spmem:s5] =	stream.indirect.scatter.add.f32 [tilespmem:s4], [sflag:$0x18], $0x80, s6, s16, $0xb8;
	[tilespmem:$0x1FA00] =	vst v63  }
0x47e: {  	_ =	swait.ge [sflag:s26], $0x1400  }
0x47f: {  	[sflag:s26] =	ssyncset.done $0x0  }
0x480: {  	[sflag:s26] =	ssyncadd.s32 $0xFFFFEC00  }
0x481: {  	_ =	swait.ge [sflag:s15], $0x1400  }
0x482: {  	[sflag:s15] =	ssyncset.done $0x0  }
0x483: {  	[sflag:s15] =	ssyncadd.s32 $0xFFFFEC00  }
0x484: {  	_ =	swait.ge [sflag:s31], $0x1400  }
0x485: {  	[sflag:s31] =	ssyncset.done $0x0  }
0x486: {  	s9 =	simm.s32 $0x0;
	[sflag:s31] =	ssyncadd.s32 $0xFFFFEC00  }
0x487: {  	v7 =	vld [tilespmem:s9+$0x600]  }
0x488: {  	v12 =	vld [tilespmem:s9+$0x610]  }
0x489: {  	v6 =	vld [tilespmem:s9+$0x620]  }
0x48a: {  	v5 =	vld [tilespmem:s9+$0x630]  }
0x48b: {  	v4 =	vld [tilespmem:s9+$0x640]  }
0x48c: {  	v3 =	vld [tilespmem:s9+$0x650]  }
0x48d: {  	v2 =	vld [tilespmem:s9+$0x660]  }
0x48e: {  	v1 =	vld [tilespmem:s9+$0x670]  }
0x48f: {  	v13 =	vld [tilespmem:s9+$0x7E00]  }
0x490: {  	v14 =	vld [tilespmem:s9+$0x7E10]  }
0x491: {  	v11 =	vld [tilespmem:s9+$0x7E20]  }
0x492: {  	v10 =	vld [tilespmem:s9+$0x7E30]  }
0x493: {  	v9 =	vld [tilespmem:s9+$0x7E40]  }
0x494: {  	v8 =	vld [tilespmem:s9+$0x7E50];
	v13 =	vadd.f32 v13, v7  }
0x495: {  	s17 =	simm.s32 $0x200;
	v12 =	vadd.f32 v14, v12;
	v7 =	vld [tilespmem:s9+$0x7E60]  }
.LBB2_36:
0x496: {  	s6 =	sshra.s32 s17, $0x2;
	p0 =	sne.s32 s17, $0x4E00;
	v13 =	vmax.f32 v13, $0.0e+00;
	v6 =	vadd.f32 v11, v6;
	v11 =	vld [tilespmem:s9+$0x7E70]  }
0x497: {  	v14 =	vld [tilespmem:s6+$0x600];
	[tilespmem:s9+$0x7E00] =	vst v13;
	v12 =	vmax.f32 v12, $0.0e+00;
	v5 =	vadd.f32 v10, v5  }
0x498: {  	v15 =	vld [tilespmem:s6+$0x610];
	[tilespmem:s9+$0x7E10] =	vst v12;
	v10 =	vmax.f32 v6, $0.0e+00;
	v4 =	vadd.f32 v9, v4  }
0x499: {  	v6 =	vld [tilespmem:s6+$0x620];
	[tilespmem:s9+$0x7E20] =	vst v10;
	v9 =	vmax.f32 v5, $0.0e+00;
	v3 =	vadd.f32 v8, v3  }
0x49a: {  	v5 =	vld [tilespmem:s6+$0x630];
	[tilespmem:s9+$0x7E30] =	vst v9;
	v8 =	vmax.f32 v4, $0.0e+00;
	v2 =	vadd.f32 v7, v2  }
0x49b: {  	v4 =	vld [tilespmem:s6+$0x640];
	[tilespmem:s9+$0x7E40] =	vst v8;
	v7 =	vmax.f32 v3, $0.0e+00;
	v1 =	vadd.f32 v11, v1  }
0x49c: {  	v3 =	vld [tilespmem:s6+$0x650];
	[tilespmem:s9+$0x7E50] =	vst v7;
	v7 =	vmax.f32 v2, $0.0e+00  }
0x49d: {  	v2 =	vld [tilespmem:s6+$0x660];
	[tilespmem:s9+$0x7E60] =	vst v7;
	v7 =	vmax.f32 v1, $0.0e+00  }
0x49e: {  	v1 =	vld [tilespmem:s6+$0x670];
	[tilespmem:s9+$0x7E70] =	vst v7;
	s9 =	smov.u32 s6  }
0x49f: {  	v7 =	vld [tilespmem:s9+$0x7E00]  }
0x4a0: {  	v12 =	vld [tilespmem:s9+$0x7E10]  }
.Ltmp17:
0x4a1: {  	v11 =	vld [tilespmem:s9+$0x7E20];
	(pc) =	sbr.rel @p0 .LBB2_36-.Ltmp17, $4  }
0x4a2: {  	v10 =	vld [tilespmem:s9+$0x7E30]  }
0x4a3: {  	v9 =	vld [tilespmem:s9+$0x7E40]  }
0x4a4: {  	v13 =	vadd.f32 v7, v14;
	v8 =	vld [tilespmem:s9+$0x7E50]  }
0x4a5: {  	s17 =	sadd.s32 $0x200, s17;
	v12 =	vadd.f32 v12, v15;
	v7 =	vld [tilespmem:s9+$0x7E60]  }
0x4a6: {  	v13 =	vmax.f32 v13, $0.0e+00;
	v6 =	vadd.f32 v11, v6;
	v63 =	vld [tilespmem:s9+$0x7E70]  }
0x4a7: {  	[tilespmem:s9+$0x7E00] =	vst v13;
	v12 =	vmax.f32 v12, $0.0e+00;
	v5 =	vadd.f32 v10, v5  }
0x4a8: {  	[tilespmem:s9+$0x7E10] =	vst v12;
	v6 =	vmax.f32 v6, $0.0e+00;
	v4 =	vadd.f32 v9, v4  }
0x4a9: {  	[tilespmem:s9+$0x7E20] =	vst v6;
	v5 =	vmax.f32 v5, $0.0e+00;
	v3 =	vadd.f32 v8, v3  }
0x4aa: {  	[tilespmem:s9+$0x7E30] =	vst v5;
	v4 =	vmax.f32 v4, $0.0e+00;
	v2 =	vadd.f32 v7, v2  }
0x4ab: {  	[tilespmem:s9+$0x7E40] =	vst v4;
	v3 =	vmax.f32 v3, $0.0e+00;
	v1 =	vadd.f32 v63, v1  }
0x4ac: {  	[tilespmem:s9+$0x7E50] =	vst v3;
	v2 =	vmax.f32 v2, $0.0e+00  }
0x4ad: {  	[tilespmem:s9+$0x7E60] =	vst v2;
	v1 =	vmax.f32 v1, $0.0e+00  }
0x4ae: {  	s4 =	simm.s32 $0x7E00;
	[tilespmem:s9+$0x7E70] =	vst v1  }
0x4af: {  	[spmem:s5] =	stream.indirect.scatter.add.f32 [tilespmem:s4], [sflag:$0x19], $0x80, s28, s16, $0xb8;
	[tilespmem:$0x1FA00] =	vst v63  }
0x4b0: {  	_ =	swait.ge [sflag:s0], $0x1400  }
0x4b1: {  	[sflag:s0] =	ssyncset.done $0x0  }
0x4b2: {  	[sflag:s0] =	ssyncadd.s32 $0xFFFFEC00  }
0x4b3: {  	_ =	swait.ge [sflag:s10], $0x1400  }
0x4b4: {  	[sflag:s10] =	ssyncset.done $0x0  }
0x4b5: {  	[sflag:s10] =	ssyncadd.s32 $0xFFFFEC00  }
0x4b6: {  	_ =	swait.ge [sflag:s7], $0x1400  }
0x4b7: {  	[sflag:s7] =	ssyncset.done $0x0  }
0x4b8: {  	[sflag:s7] =	ssyncadd.s32 $0xFFFFEC00  }
0x4b9: {  	[bflag:$0x0] =	sbarrier.arrive $0xFFFF  }
0x4ba: {  	s6 =	stileid.u32;
	s17 =	sld [smem:$0x7E8]  }
0x4bb: {  	s6 =	sshll.u32 s6, $0x6  }
0x4bc: {  	s6 =	sor.u32 $0x1C1C, s6;
	s4 =	sshrl.u32 s18, $0x3  }
0x4bd: {  	[hbm:s17], [sflag:s6] =	dma.local [spmem:s4], $0x2800  }
0x4be: {  	s4 =	simm.s32 $0x1C  }
0x4bf: {  	_ =	swait.ge [sflag:s4], $0x2800  }
0x4c0: {  	s17 =	sld [smem:$0x7DF]  }
0x4c1: {  	s22 =	sld [smem:$0x7E9];
	_ =	sdelay $0x1  }
0x4c2: {  	s9 =	sadd.s32 $0x1, s17  }
0x4c3: {  	p0 =	sne.s32 s9, s22  }
.Ltmp18:
0x4c4: {  	_ = 	snop;
	(pc) =	sbr.rel @p0 .LBB2_1-.Ltmp18, $3  }
0x4c5: {  	_ =	sdelay $0x1  }
0x4c6: {  	[sflag:s4] =	ssyncset.done $0x0  }
0x4c7: {  	[sflag:s4] =	ssyncadd.s32 $0xFFFFD800  }
0x4c8: {  	_ =	sfence.sel $0x180000  }
0x4c9: {  	[bflag:$0x0] =	sbarrier.arrive $0xFFFF  }
0x4ca: {  	_ =	strace $0x90000047  }
0x4cb: {  	s0 =	stileid.u32;
	[bflag:$0x2] =	sbarrier.arrive $0xFFFF  }
0x4cc: {  	p0 =	sne.s32 s0, $0x0;
	s0 =	rddreg [dreg:$0x5]  }
0x4cd: {  	s0 =	sadd.s32 @!p0 $0x100000, s0  }
0x4ce: {  	[sflag:s0] =	ssyncadd.tile.s32 @!p0 $0x1;
	_ =	shalt  }
.Lfunc_end2:
_tile_overlayer_lowered:
.L_overlay_start_2:
0x4cf: {  	(tag) =	ssettag $0x2  }
0x4d0: {  	s0 =	rddreg [dreg:$0x0];
	s2 =	stileid.u32  }
0x4d1: {  	s1 =	rddreg [dreg:$0x1];
	p0 =	sne.s32 s2, $0x0  }
0x4d2: {  	s3 =	rddreg [dreg:$0x2];
	[bflag:$0x3] =	sbarrier.arrive $0xFFFF;
	s2 =	simm.s32 @!p0 $0x1C1C  }
0x4d3: {  	[timem:s3], [sflag:s2] =	dma.local @!p0 [hbm:s0], s1  }
0x4d4: {  	s0 =	simm.s32 @!p0 $0x1C  }
0x4d5: {  	_ =	swait.ge @!p0 [sflag:s0], s1  }
0x4d6: {  	s1 =	ssub.s32 @!p0 $0x0, s1;
	[sflag:s0] =	ssyncset.done @!p0 $0x0  }
0x4d7: {  	[sflag:s0] =	ssyncadd.s32 @!p0 s1  }
0x4d8: {  	[bflag:$0x3] =	sbarrier.arrive $0xFFFF  }
0x4d9: {  	_ =	shalt  }

</sc_bundles>
